<compile_context>
chip_gen: v7x
topology: tpu7x:2x2x1
jax: 0.10.2.dev20260603
libtpu: 0.0.44.dev20260713+nightly
codegen_flags: <defaults>
</compile_context>

<pallas_src>
import functools

import jax
import jax.numpy as jnp
from jax import lax
from jax.experimental import pallas as pl
from jax.experimental.pallas import tpu as pltpu
from jax.experimental.pallas import tpu_sc as plsc

_CS = 16
_NB = 5
_AHEAD = 3


def kernel(x, embed_weight):
    B, S, D = x.shape
    info = plsc.get_sparse_core_info()
    NC, NS, L = info.num_cores, info.num_subcores, info.num_lanes
    NW = NC * NS
    s_per_w = S // NW
    n_chunks = s_per_w // _CS
    T = n_chunks * B

    mesh = plsc.VectorSubcoreMesh(core_axis_name="c", subcore_axis_name="s")

    @functools.partial(
        pl.kernel,
        mesh=mesh,
        out_type=jax.ShapeDtypeStruct((B, S, D), jnp.float32),
        scratch_types=(
            [pltpu.VMEM((_CS, D), jnp.float32) for _ in range(2 + _NB)]
            + [pltpu.SemaphoreType.DMA for _ in range(2 + 2 * _NB)]
        ),
    )
    def k(x_hbm, w_hbm, out_hbm, *bufs_and_sems):
        wbufs = list(bufs_and_sems[0:2])
        xbufs = list(bufs_and_sems[2:2 + _NB])
        sems = bufs_and_sems[2 + _NB:]
        wsems = list(sems[0:2])
        xisems = list(sems[2:2 + _NB])
        xosems = list(sems[2 + _NB:2 + 2 * _NB])

        wid = lax.axis_index("s") * NC + lax.axis_index("c")
        s0 = wid * s_per_w

        def s_lo(c):
            return s0 + c * _CS

        d_shift = D.bit_length() - 1

        def add_tile(xb, wb):
            @plsc.parallel_loop(0, _CS * D, step=L, unroll=8)
            def _(i):
                r = i >> d_shift
                o = pl.multiple_of(i & (D - 1), L)
                plsc.addupdate(xb.at[r, pl.ds(o, L)], wb[r, pl.ds(o, L)])

        def start_in(t):
            c, b = divmod(t, B)
            return pltpu.async_copy(
                x_hbm.at[b, pl.ds(s_lo(c), _CS)], xbufs[t % _NB],
                xisems[t % _NB])

        w_h = [None, None]
        xi_h = [None] * _NB
        xo_h = [None] * _NB

        w_h[0] = pltpu.async_copy(
            w_hbm.at[pl.ds(s_lo(0), _CS)], wbufs[0], wsems[0])
        for t in range(min(_AHEAD, T)):
            xi_h[t % _NB] = start_in(t)

        for t in range(T):
            p = t % _NB
            c, b = divmod(t, B)
            if t + _AHEAD < T:
                q = (t + _AHEAD) % _NB
                if xo_h[q] is not None:
                    xo_h[q].wait()
                    xo_h[q] = None
                xi_h[q] = start_in(t + _AHEAD)
            if b == 0:
                w_h[c % 2].wait()
                if c + 1 < n_chunks:
                    w_h[(c + 1) % 2] = pltpu.async_copy(
                        w_hbm.at[pl.ds(s_lo(c + 1), _CS)],
                        wbufs[(c + 1) % 2], wsems[(c + 1) % 2])
            xi_h[p].wait()
            add_tile(xbufs[p], wbufs[c % 2])
            xo_h[p] = pltpu.async_copy(
                xbufs[p], out_hbm.at[b, pl.ds(s_lo(c), _CS)], xosems[p])

        for p in range(_NB):
            if xo_h[p] is not None:
                xo_h[p].wait()

    return k(x, embed_weight)

# --- scband reference (transcript-rebuilt; emitter-appended) ---
"""Pipeline reference for scband-positional-encoding-learn-56633438765419 (READ-ONLY COPY).

The authoritative reference and input builder live on the scoring server;
editing this copy changes nothing except your own understanding.
"""

import jax, jax.numpy as jnp
import numpy as np

D_MODEL = 1024
MAX_LEN = 8192
BATCH = 4
SEQ = 4096

def setup_inputs(seed: int = 0) -> dict:
    key = jax.random.key(seed)
    kx, kw = jax.random.split(key)
    x = jax.random.normal(kx, (BATCH, SEQ, D_MODEL), dtype=jnp.float32)
    # nn.init.uniform_ -> U[0, 1)
    embed_weight = jax.random.uniform(kw, (MAX_LEN, D_MODEL), dtype=jnp.float32)
    return {"x": x, "embed_weight": embed_weight}

def reference(x, embed_weight):
    seq_len = x.shape[1]
    r = jnp.arange(seq_len)
    embed = jnp.take(embed_weight, r, axis=0)  # [S, d_model]
    # torch .repeat(B, 1, 1) on a 2D tensor -> [B, S, d_model]
    embed_b = jnp.broadcast_to(embed[None, :, :], (x.shape[0], seq_len, x.shape[2]))
    return x + embed_b

if __name__ == "__main__":
    import jax
    _d = setup_inputs()
    print(jax.jit(kernel)(*tuple(_d.values())))

</pallas_src>

<mosaic_0001>
#map = affine_map<(d0, d1) -> (0, 0, 0)>
#map1 = affine_map<(d0, d1) -> (0, 0)>
module attributes {stable_mosaic.version = 14 : i64} {
  func.func @k(%arg0: i32, %arg1: i32, %arg2: memref<4x4096x1024xf32, #tpu.memory_space<hbm>>, %arg3: memref<8192x1024xf32, #tpu.memory_space<hbm>>, %arg4: memref<4x4096x1024xf32, #tpu.memory_space<hbm>>, %arg5: memref<16x1024xf32, #tpu.memory_space<vmem>>, %arg6: memref<16x1024xf32, #tpu.memory_space<vmem>>, %arg7: memref<16x1024xf32, #tpu.memory_space<vmem>>, %arg8: memref<16x1024xf32, #tpu.memory_space<vmem>>, %arg9: memref<16x1024xf32, #tpu.memory_space<vmem>>, %arg10: memref<16x1024xf32, #tpu.memory_space<vmem>>, %arg11: memref<16x1024xf32, #tpu.memory_space<vmem>>, %arg12: memref<!tpu.dma_semaphore, #tpu.memory_space<semaphore_mem>>, %arg13: memref<!tpu.dma_semaphore, #tpu.memory_space<semaphore_mem>>, %arg14: memref<!tpu.dma_semaphore, #tpu.memory_space<semaphore_mem>>, %arg15: memref<!tpu.dma_semaphore, #tpu.memory_space<semaphore_mem>>, %arg16: memref<!tpu.dma_semaphore, #tpu.memory_space<semaphore_mem>>, %arg17: memref<!tpu.dma_semaphore, #tpu.memory_space<semaphore_mem>>, %arg18: memref<!tpu.dma_semaphore, #tpu.memory_space<semaphore_mem>>, %arg19: memref<!tpu.dma_semaphore, #tpu.memory_space<semaphore_mem>>, %arg20: memref<!tpu.dma_semaphore, #tpu.memory_space<semaphore_mem>>, %arg21: memref<!tpu.dma_semaphore, #tpu.memory_space<semaphore_mem>>, %arg22: memref<!tpu.dma_semaphore, #tpu.memory_space<semaphore_mem>>, %arg23: memref<!tpu.dma_semaphore, #tpu.memory_space<semaphore_mem>>) attributes {dimension_semantics = [#tpu.dimension_semantics<core_parallel>, #tpu.dimension_semantics<subcore_parallel>], iteration_bounds = array<i64: 2, 16>, scalar_prefetch = 0 : i64, scratch_operands = 19 : i64, tpu.core_type = #tpu.core_type<sc_vector_subcore>, window_params = [{transform_indices = #map}, {transform_indices = #map1}, {transform_indices = #map}]} {
    %mul3A = arith.constant 2 : i32
    %mul3A_0 = arith.muli %arg1, %mul3A : i32
    %add3A = arith.addi %mul3A_0, %arg0 : i32
    %mul3A_1 = arith.constant 128 : i32
    %mul3A_2 = arith.muli %add3A, %mul3A_1 : i32
    %add3A_3 = arith.constant 0 : i32
    %add3A_4 = arith.addi %mul3A_2, %add3A_3 : i32
    %dma_start3A = arith.constant 0 : i32
    %dma_start3A_5 = tpu.memref_slice %arg3[%add3A_4, %dma_start3A] : memref<8192x1024xf32, #tpu.memory_space<hbm>> -> memref<16x1024xf32, #tpu.memory_space<hbm>>
    %dma_start3A_6 = arith.constant 0 : i32
    %dma_start3A_7 = tpu.memref_slice %arg3[%add3A_4, %dma_start3A_6] : memref<8192x1024xf32, #tpu.memory_space<hbm>> -> memref<16x1024xf32, #tpu.memory_space<hbm>>
    tpu.enqueue_dma source(%dma_start3A_7 : memref<16x1024xf32, #tpu.memory_space<hbm>>) target(%arg5 : memref<16x1024xf32, #tpu.memory_space<vmem>>) target_semaphore(%arg12 : memref<!tpu.dma_semaphore, #tpu.memory_space<semaphore_mem>>)
    %add3A_8 = arith.constant 0 : i32
    %add3A_9 = arith.addi %mul3A_2, %add3A_8 : i32
    %dma_start3A_10 = arith.constant 0 : i32
    %dma_start3A_11 = arith.constant 0 : i32
    %dma_start3A_12 = tpu.memref_slice %arg2[%dma_start3A_10, %add3A_9, %dma_start3A_11] : memref<4x4096x1024xf32, #tpu.memory_space<hbm>> -> memref<1x16x1024xf32, #tpu.memory_space<hbm>>
    %dma_start3A_13 = tpu.memref_squeeze %dma_start3A_12 : memref<1x16x1024xf32, #tpu.memory_space<hbm>> -> memref<16x1024xf32, #tpu.memory_space<hbm>>
    %dma_start3A_14 = arith.constant 0 : i32
    %dma_start3A_15 = tpu.memref_slice %arg2[%dma_start3A_10, %add3A_9, %dma_start3A_14] : memref<4x4096x1024xf32, #tpu.memory_space<hbm>> -> memref<1x16x1024xf32, #tpu.memory_space<hbm>>
    %dma_start3A_16 = tpu.memref_squeeze %dma_start3A_15 : memref<1x16x1024xf32, #tpu.memory_space<hbm>> -> memref<16x1024xf32, #tpu.memory_space<hbm>>
    tpu.enqueue_dma source(%dma_start3A_16 : memref<16x1024xf32, #tpu.memory_space<hbm>>) target(%arg7 : memref<16x1024xf32, #tpu.memory_space<vmem>>) target_semaphore(%arg14 : memref<!tpu.dma_semaphore, #tpu.memory_space<semaphore_mem>>)
    %add3A_17 = arith.constant 0 : i32
    %add3A_18 = arith.addi %mul3A_2, %add3A_17 : i32
    %dma_start3A_19 = arith.constant 1 : i32
    %dma_start3A_20 = arith.constant 0 : i32
    %dma_start3A_21 = tpu.memref_slice %arg2[%dma_start3A_19, %add3A_18, %dma_start3A_20] : memref<4x4096x1024xf32, #tpu.memory_space<hbm>> -> memref<1x16x1024xf32, #tpu.memory_space<hbm>>
    %dma_start3A_22 = tpu.memref_squeeze %dma_start3A_21 : memref<1x16x1024xf32, #tpu.memory_space<hbm>> -> memref<16x1024xf32, #tpu.memory_space<hbm>>
    %dma_start3A_23 = arith.constant 0 : i32
    %dma_start3A_24 = tpu.memref_slice %arg2[%dma_start3A_19, %add3A_18, %dma_start3A_23] : memref<4x4096x1024xf32, #tpu.memory_space<hbm>> -> memref<1x16x1024xf32, #tpu.memory_space<hbm>>
    %dma_start3A_25 = tpu.memref_squeeze %dma_start3A_24 : memref<1x16x1024xf32, #tpu.memory_space<hbm>> -> memref<16x1024xf32, #tpu.memory_space<hbm>>
    tpu.enqueue_dma source(%dma_start3A_25 : memref<16x1024xf32, #tpu.memory_space<hbm>>) target(%arg8 : memref<16x1024xf32, #tpu.memory_space<vmem>>) target_semaphore(%arg15 : memref<!tpu.dma_semaphore, #tpu.memory_space<semaphore_mem>>)
    %add3A_26 = arith.constant 0 : i32
    %add3A_27 = arith.addi %mul3A_2, %add3A_26 : i32
    %dma_start3A_28 = arith.constant 2 : i32
    %dma_start3A_29 = arith.constant 0 : i32
    %dma_start3A_30 = tpu.memref_slice %arg2[%dma_start3A_28, %add3A_27, %dma_start3A_29] : memref<4x4096x1024xf32, #tpu.memory_space<hbm>> -> memref<1x16x1024xf32, #tpu.memory_space<hbm>>
    %dma_start3A_31 = tpu.memref_squeeze %dma_start3A_30 : memref<1x16x1024xf32, #tpu.memory_space<hbm>> -> memref<16x1024xf32, #tpu.memory_space<hbm>>
    %dma_start3A_32 = arith.constant 0 : i32
    %dma_start3A_33 = tpu.memref_slice %arg2[%dma_start3A_28, %add3A_27, %dma_start3A_32] : memref<4x4096x1024xf32, #tpu.memory_space<hbm>> -> memref<1x16x1024xf32, #tpu.memory_space<hbm>>
    %dma_start3A_34 = tpu.memref_squeeze %dma_start3A_33 : memref<1x16x1024xf32, #tpu.memory_space<hbm>> -> memref<16x1024xf32, #tpu.memory_space<hbm>>
    tpu.enqueue_dma source(%dma_start3A_34 : memref<16x1024xf32, #tpu.memory_space<hbm>>) target(%arg9 : memref<16x1024xf32, #tpu.memory_space<vmem>>) target_semaphore(%arg16 : memref<!tpu.dma_semaphore, #tpu.memory_space<semaphore_mem>>)
    %add3A_35 = arith.constant 0 : i32
    %add3A_36 = arith.addi %mul3A_2, %add3A_35 : i32
    %dma_start3A_37 = arith.constant 3 : i32
    %dma_start3A_38 = arith.constant 0 : i32
    %dma_start3A_39 = tpu.memref_slice %arg2[%dma_start3A_37, %add3A_36, %dma_start3A_38] : memref<4x4096x1024xf32, #tpu.memory_space<hbm>> -> memref<1x16x1024xf32, #tpu.memory_space<hbm>>
    %dma_start3A_40 = tpu.memref_squeeze %dma_start3A_39 : memref<1x16x1024xf32, #tpu.memory_space<hbm>> -> memref<16x1024xf32, #tpu.memory_space<hbm>>
    %dma_start3A_41 = arith.constant 0 : i32
    %dma_start3A_42 = tpu.memref_slice %arg2[%dma_start3A_37, %add3A_36, %dma_start3A_41] : memref<4x4096x1024xf32, #tpu.memory_space<hbm>> -> memref<1x16x1024xf32, #tpu.memory_space<hbm>>
    %dma_start3A_43 = tpu.memref_squeeze %dma_start3A_42 : memref<1x16x1024xf32, #tpu.memory_space<hbm>> -> memref<16x1024xf32, #tpu.memory_space<hbm>>
    tpu.enqueue_dma source(%dma_start3A_43 : memref<16x1024xf32, #tpu.memory_space<hbm>>) target(%arg10 : memref<16x1024xf32, #tpu.memory_space<vmem>>) target_semaphore(%arg17 : memref<!tpu.dma_semaphore, #tpu.memory_space<semaphore_mem>>)
    %dma_wait3A = arith.constant 0 : i32
    %dma_wait3A_44 = tpu.memref_slice %arg3[%add3A_4, %dma_wait3A] : memref<8192x1024xf32, #tpu.memory_space<hbm>> -> memref<16x1024xf32, #tpu.memory_space<hbm>>
    %dma_wait3A_45 = arith.constant 0 : i32
    %dma_wait3A_46 = tpu.memref_slice %arg3[%add3A_4, %dma_wait3A_45] : memref<8192x1024xf32, #tpu.memory_space<hbm>> -> memref<16x1024xf32, #tpu.memory_space<hbm>>
    tpu.wait_dma2 semaphore(%arg12 : memref<!tpu.dma_semaphore, #tpu.memory_space<semaphore_mem>>) src(%dma_wait3A_46 : memref<16x1024xf32, #tpu.memory_space<hbm>>) dst(%arg5 : memref<16x1024xf32, #tpu.memory_space<vmem>>)
    %add3A_47 = arith.constant 16 : i32
    %add3A_48 = arith.addi %mul3A_2, %add3A_47 : i32
    %dma_start3A_49 = arith.constant 0 : i32
    %dma_start3A_50 = tpu.memref_slice %arg3[%add3A_48, %dma_start3A_49] : memref<8192x1024xf32, #tpu.memory_space<hbm>> -> memref<16x1024xf32, #tpu.memory_space<hbm>>
    %dma_start3A_51 = arith.constant 0 : i32
    %dma_start3A_52 = tpu.memref_slice %arg3[%add3A_48, %dma_start3A_51] : memref<8192x1024xf32, #tpu.memory_space<hbm>> -> memref<16x1024xf32, #tpu.memory_space<hbm>>
    tpu.enqueue_dma source(%dma_start3A_52 : memref<16x1024xf32, #tpu.memory_space<hbm>>) target(%arg6 : memref<16x1024xf32, #tpu.memory_space<vmem>>) target_semaphore(%arg13 : memref<!tpu.dma_semaphore, #tpu.memory_space<semaphore_mem>>)
    %dma_wait3A_53 = arith.constant 0 : i32
    %dma_wait3A_54 = arith.constant 0 : i32
    %dma_wait3A_55 = tpu.memref_slice %arg2[%dma_wait3A_53, %add3A_9, %dma_wait3A_54] : memref<4x4096x1024xf32, #tpu.memory_space<hbm>> -> memref<1x16x1024xf32, #tpu.memory_space<hbm>>
    %dma_wait3A_56 = tpu.memref_squeeze %dma_wait3A_55 : memref<1x16x1024xf32, #tpu.memory_space<hbm>> -> memref<16x1024xf32, #tpu.memory_space<hbm>>
    %dma_wait3A_57 = arith.constant 0 : i32
    %dma_wait3A_58 = tpu.memref_slice %arg2[%dma_wait3A_53, %add3A_9, %dma_wait3A_57] : memref<4x4096x1024xf32, #tpu.memory_space<hbm>> -> memref<1x16x1024xf32, #tpu.memory_space<hbm>>
    %dma_wait3A_59 = tpu.memref_squeeze %dma_wait3A_58 : memref<1x16x1024xf32, #tpu.memory_space<hbm>> -> memref<16x1024xf32, #tpu.memory_space<hbm>>
    tpu.wait_dma2 semaphore(%arg14 : memref<!tpu.dma_semaphore, #tpu.memory_space<semaphore_mem>>) src(%dma_wait3A_59 : memref<16x1024xf32, #tpu.memory_space<hbm>>) dst(%arg7 : memref<16x1024xf32, #tpu.memory_space<vmem>>)
    %parallel_loop3A = arith.constant 0 : i32
    %parallel_loop3A_60 = arith.constant 16384 : i32
    %parallel_loop3A_61 = arith.constant 16 : i32
    scf.for %parallel_loop3A_1200 = %parallel_loop3A to %parallel_loop3A_60 step %parallel_loop3A_61  : i32 {
      %parallel_loop3A_1201 = arith.constant 10 : i32
      %parallel_loop3A_1202 = arith.shrsi %parallel_loop3A_1200, %parallel_loop3A_1201 : i32
      %parallel_loop3A_1203 = arith.constant 1023 : i32
      %parallel_loop3A_1204 = arith.andi %parallel_loop3A_1200, %parallel_loop3A_1203 : i32
      %parallel_loop3A_1205 = tpu.assume_multiple %parallel_loop3A_1204, 16 : i32
      %parallel_loop3A_1206 = arith.index_cast %parallel_loop3A_1202 : i32 to index
      %parallel_loop3A_1207 = arith.index_cast %parallel_loop3A_1205 : i32 to index
      %parallel_loop3A_1208 = tpu.vector_load %arg5[%parallel_loop3A_1206, %parallel_loop3A_1207] {strides = array<i32>} : memref<16x1024xf32, #tpu.memory_space<vmem>>, vector<1x16xf32>,
      %parallel_loop3A_1209 = vector.shape_cast %parallel_loop3A_1208 : vector<1x16xf32> to vector<16xf32>
      %parallel_loop3A_1210 = arith.index_cast %parallel_loop3A_1202 : i32 to index
      %parallel_loop3A_1211 = arith.index_cast %parallel_loop3A_1205 : i32 to index
      %parallel_loop3A_1212 = tpu.vector_load %arg7[%parallel_loop3A_1210, %parallel_loop3A_1211] {strides = array<i32>} : memref<16x1024xf32, #tpu.memory_space<vmem>>, vector<1x16xf32>,
      %parallel_loop3A_1213 = vector.shape_cast %parallel_loop3A_1212 : vector<1x16xf32> to vector<16xf32>
      %parallel_loop3A_1214 = vector.shape_cast %parallel_loop3A_1209 : vector<16xf32> to vector<1x16xf32>
      tpu.vector_store %arg7[%parallel_loop3A_1210, %parallel_loop3A_1211], %parallel_loop3A_1214 {add = true, strides = array<i32>} : memref<16x1024xf32, #tpu.memory_space<vmem>>, vector<1x16xf32>,
    } {sc.loop_unroll_factor = 8 : i64, sc.parallel_access}
    %add3A_62 = arith.constant 0 : i32
    %add3A_63 = arith.addi %mul3A_2, %add3A_62 : i32
    %dma_start3A_64 = arith.constant 0 : i32
    %dma_start3A_65 = arith.constant 0 : i32
    %dma_start3A_66 = tpu.memref_slice %arg4[%dma_start3A_64, %add3A_63, %dma_start3A_65] : memref<4x4096x1024xf32, #tpu.memory_space<hbm>> -> memref<1x16x1024xf32, #tpu.memory_space<hbm>>
    %dma_start3A_67 = tpu.memref_squeeze %dma_start3A_66 : memref<1x16x1024xf32, #tpu.memory_space<hbm>> -> memref<16x1024xf32, #tpu.memory_space<hbm>>
    %dma_start3A_68 = arith.constant 0 : i32
    %dma_start3A_69 = tpu.memref_slice %arg4[%dma_start3A_64, %add3A_63, %dma_start3A_68] : memref<4x4096x1024xf32, #tpu.memory_space<hbm>> -> memref<1x16x1024xf32, #tpu.memory_space<hbm>>
    %dma_start3A_70 = tpu.memref_squeeze %dma_start3A_69 : memref<1x16x1024xf32, #tpu.memory_space<hbm>> -> memref<16x1024xf32, #tpu.memory_space<hbm>>
    tpu.enqueue_dma source(%arg7 : memref<16x1024xf32, #tpu.memory_space<vmem>>) target(%dma_start3A_70 : memref<16x1024xf32, #tpu.memory_space<hbm>>) target_semaphore(%arg19 : memref<!tpu.dma_semaphore, #tpu.memory_space<semaphore_mem>>)
    %add3A_71 = arith.constant 16 : i32
    %add3A_72 = arith.addi %mul3A_2, %add3A_71 : i32
    %dma_start3A_73 = arith.constant 0 : i32
    %dma_start3A_74 = arith.constant 0 : i32
    %dma_start3A_75 = tpu.memref_slice %arg2[%dma_start3A_73, %add3A_72, %dma_start3A_74] : memref<4x4096x1024xf32, #tpu.memory_space<hbm>> -> memref<1x16x1024xf32, #tpu.memory_space<hbm>>
    %dma_start3A_76 = tpu.memref_squeeze %dma_start3A_75 : memref<1x16x1024xf32, #tpu.memory_space<hbm>> -> memref<16x1024xf32, #tpu.memory_space<hbm>>
    %dma_start3A_77 = arith.constant 0 : i32
    %dma_start3A_78 = tpu.memref_slice %arg2[%dma_start3A_73, %add3A_72, %dma_start3A_77] : memref<4x4096x1024xf32, #tpu.memory_space<hbm>> -> memref<1x16x1024xf32, #tpu.memory_space<hbm>>
    %dma_start3A_79 = tpu.memref_squeeze %dma_start3A_78 : memref<1x16x1024xf32, #tpu.memory_space<hbm>> -> memref<16x1024xf32, #tpu.memory_space<hbm>>
    tpu.enqueue_dma source(%dma_start3A_79 : memref<16x1024xf32, #tpu.memory_space<hbm>>) target(%arg11 : memref<16x1024xf32, #tpu.memory_space<vmem>>) target_semaphore(%arg18 : memref<!tpu.dma_semaphore, #tpu.memory_space<semaphore_mem>>)
    %dma_wait3A_80 = arith.constant 1 : i32
    %dma_wait3A_81 = arith.constant 0 : i32
    %dma_wait3A_82 = tpu.memref_slice %arg2[%dma_wait3A_80, %add3A_18, %dma_wait3A_81] : memref<4x4096x1024xf32, #tpu.memory_space<hbm>> -> memref<1x16x1024xf32, #tpu.memory_space<hbm>>
    %dma_wait3A_83 = tpu.memref_squeeze %dma_wait3A_82 : memref<1x16x1024xf32, #tpu.memory_space<hbm>> -> memref<16x1024xf32, #tpu.memory_space<hbm>>
    %dma_wait3A_84 = arith.constant 0 : i32
    %dma_wait3A_85 = tpu.memref_slice %arg2[%dma_wait3A_80, %add3A_18, %dma_wait3A_84] : memref<4x4096x1024xf32, #tpu.memory_space<hbm>> -> memref<1x16x1024xf32, #tpu.memory_space<hbm>>
    %dma_wait3A_86 = tpu.memref_squeeze %dma_wait3A_85 : memref<1x16x1024xf32, #tpu.memory_space<hbm>> -> memref<16x1024xf32, #tpu.memory_space<hbm>>
    tpu.wait_dma2 semaphore(%arg15 : memref<!tpu.dma_semaphore, #tpu.memory_space<semaphore_mem>>) src(%dma_wait3A_86 : memref<16x1024xf32, #tpu.memory_space<hbm>>) dst(%arg8 : memref<16x1024xf32, #tpu.memory_space<vmem>>)
    %parallel_loop3A_87 = arith.constant 0 : i32
    %parallel_loop3A_88 = arith.constant 16384 : i32
    %parallel_loop3A_89 = arith.constant 16 : i32
    scf.for %parallel_loop3A_1200 = %parallel_loop3A_87 to %parallel_loop3A_88 step %parallel_loop3A_89  : i32 {
      %parallel_loop3A_1201 = arith.constant 10 : i32
      %parallel_loop3A_1202 = arith.shrsi %parallel_loop3A_1200, %parallel_loop3A_1201 : i32
      %parallel_loop3A_1203 = arith.constant 1023 : i32
      %parallel_loop3A_1204 = arith.andi %parallel_loop3A_1200, %parallel_loop3A_1203 : i32
      %parallel_loop3A_1205 = tpu.assume_multiple %parallel_loop3A_1204, 16 : i32
      %parallel_loop3A_1206 = arith.index_cast %parallel_loop3A_1202 : i32 to index
      %parallel_loop3A_1207 = arith.index_cast %parallel_loop3A_1205 : i32 to index
      %parallel_loop3A_1208 = tpu.vector_load %arg5[%parallel_loop3A_1206, %parallel_loop3A_1207] {strides = array<i32>} : memref<16x1024xf32, #tpu.memory_space<vmem>>, vector<1x16xf32>,
      %parallel_loop3A_1209 = vector.shape_cast %parallel_loop3A_1208 : vector<1x16xf32> to vector<16xf32>
      %parallel_loop3A_1210 = arith.index_cast %parallel_loop3A_1202 : i32 to index
      %parallel_loop3A_1211 = arith.index_cast %parallel_loop3A_1205 : i32 to index
      %parallel_loop3A_1212 = tpu.vector_load %arg8[%parallel_loop3A_1210, %parallel_loop3A_1211] {strides = array<i32>} : memref<16x1024xf32, #tpu.memory_space<vmem>>, vector<1x16xf32>,
      %parallel_loop3A_1213 = vector.shape_cast %parallel_loop3A_1212 : vector<1x16xf32> to vector<16xf32>
      %parallel_loop3A_1214 = vector.shape_cast %parallel_loop3A_1209 : vector<16xf32> to vector<1x16xf32>
      tpu.vector_store %arg8[%parallel_loop3A_1210, %parallel_loop3A_1211], %parallel_loop3A_1214 {add = true, strides = array<i32>} : memref<16x1024xf32, #tpu.memory_space<vmem>>, vector<1x16xf32>,
    } {sc.loop_unroll_factor = 8 : i64, sc.parallel_access}
    %add3A_90 = arith.constant 0 : i32
    %add3A_91 = arith.addi %mul3A_2, %add3A_90 : i32
    %dma_start3A_92 = arith.constant 1 : i32
    %dma_start3A_93 = arith.constant 0 : i32
    %dma_start3A_94 = tpu.memref_slice %arg4[%dma_start3A_92, %add3A_91, %dma_start3A_93] : memref<4x4096x1024xf32, #tpu.memory_space<hbm>> -> memref<1x16x1024xf32, #tpu.memory_space<hbm>>
    %dma_start3A_95 = tpu.memref_squeeze %dma_start3A_94 : memref<1x16x1024xf32, #tpu.memory_space<hbm>> -> memref<16x1024xf32, #tpu.memory_space<hbm>>
    %dma_start3A_96 = arith.constant 0 : i32
    %dma_start3A_97 = tpu.memref_slice %arg4[%dma_start3A_92, %add3A_91, %dma_start3A_96] : memref<4x4096x1024xf32, #tpu.memory_space<hbm>> -> memref<1x16x1024xf32, #tpu.memory_space<hbm>>
    %dma_start3A_98 = tpu.memref_squeeze %dma_start3A_97 : memref<1x16x1024xf32, #tpu.memory_space<hbm>> -> memref<16x1024xf32, #tpu.memory_space<hbm>>
    tpu.enqueue_dma source(%arg8 : memref<16x1024xf32, #tpu.memory_space<vmem>>) target(%dma_start3A_98 : memref<16x1024xf32, #tpu.memory_space<hbm>>) target_semaphore(%arg20 : memref<!tpu.dma_semaphore, #tpu.memory_space<semaphore_mem>>)
    %dma_wait3A_99 = arith.constant 0 : i32
    %dma_wait3A_100 = arith.constant 0 : i32
    %dma_wait3A_101 = tpu.memref_slice %arg4[%dma_wait3A_99, %add3A_63, %dma_wait3A_100] : memref<4x4096x1024xf32, #tpu.memory_space<hbm>> -> memref<1x16x1024xf32, #tpu.memory_space<hbm>>
    %dma_wait3A_102 = tpu.memref_squeeze %dma_wait3A_101 : memref<1x16x1024xf32, #tpu.memory_space<hbm>> -> memref<16x1024xf32, #tpu.memory_space<hbm>>
    %dma_wait3A_103 = arith.constant 0 : i32
    %dma_wait3A_104 = tpu.memref_slice %arg4[%dma_wait3A_99, %add3A_63, %dma_wait3A_103] : memref<4x4096x1024xf32, #tpu.memory_space<hbm>> -> memref<1x16x1024xf32, #tpu.memory_space<hbm>>
    %dma_wait3A_105 = tpu.memref_squeeze %dma_wait3A_104 : memref<1x16x1024xf32, #tpu.memory_space<hbm>> -> memref<16x1024xf32, #tpu.memory_space<hbm>>
    tpu.wait_dma2 semaphore(%arg19 : memref<!tpu.dma_semaphore, #tpu.memory_space<semaphore_mem>>) src(%arg7 : memref<16x1024xf32, #tpu.memory_space<vmem>>) dst(%dma_wait3A_105 : memref<16x1024xf32, #tpu.memory_space<hbm>>)
    %add3A_106 = arith.constant 16 : i32
    %add3A_107 = arith.addi %mul3A_2, %add3A_106 : i32
    %dma_start3A_108 = arith.constant 1 : i32
    %dma_start3A_109 = arith.constant 0 : i32
    %dma_start3A_110 = tpu.memref_slice %arg2[%dma_start3A_108, %add3A_107, %dma_start3A_109] : memref<4x4096x1024xf32, #tpu.memory_space<hbm>> -> memref<1x16x1024xf32, #tpu.memory_space<hbm>>
    %dma_start3A_111 = tpu.memref_squeeze %dma_start3A_110 : memref<1x16x1024xf32, #tpu.memory_space<hbm>> -> memref<16x1024xf32, #tpu.memory_space<hbm>>
    %dma_start3A_112 = arith.constant 0 : i32
    %dma_start3A_113 = tpu.memref_slice %arg2[%dma_start3A_108, %add3A_107, %dma_start3A_112] : memref<4x4096x1024xf32, #tpu.memory_space<hbm>> -> memref<1x16x1024xf32, #tpu.memory_space<hbm>>
    %dma_start3A_114 = tpu.memref_squeeze %dma_start3A_113 : memref<1x16x1024xf32, #tpu.memory_space<hbm>> -> memref<16x1024xf32, #tpu.memory_space<hbm>>
    tpu.enqueue_dma source(%dma_start3A_114 : memref<16x1024xf32, #tpu.memory_space<hbm>>) target(%arg7 : memref<16x1024xf32, #tpu.memory_space<vmem>>) target_semaphore(%arg14 : memref<!tpu.dma_semaphore, #tpu.memory_space<semaphore_mem>>)
    %dma_wait3A_115 = arith.constant 2 : i32
    %dma_wait3A_116 = arith.constant 0 : i32
    %dma_wait3A_117 = tpu.memref_slice %arg2[%dma_wait3A_115, %add3A_27, %dma_wait3A_116] : memref<4x4096x1024xf32, #tpu.memory_space<hbm>> -> memref<1x16x1024xf32, #tpu.memory_space<hbm>>
    %dma_wait3A_118 = tpu.memref_squeeze %dma_wait3A_117 : memref<1x16x1024xf32, #tpu.memory_space<hbm>> -> memref<16x1024xf32, #tpu.memory_space<hbm>>
    %dma_wait3A_119 = arith.constant 0 : i32
    %dma_wait3A_120 = tpu.memref_slice %arg2[%dma_wait3A_115, %add3A_27, %dma_wait3A_119] : memref<4x4096x1024xf32, #tpu.memory_space<hbm>> -> memref<1x16x1024xf32, #tpu.memory_space<hbm>>
    %dma_wait3A_121 = tpu.memref_squeeze %dma_wait3A_120 : memref<1x16x1024xf32, #tpu.memory_space<hbm>> -> memref<16x1024xf32, #tpu.memory_space<hbm>>
    tpu.wait_dma2 semaphore(%arg16 : memref<!tpu.dma_semaphore, #tpu.memory_space<semaphore_mem>>) src(%dma_wait3A_121 : memref<16x1024xf32, #tpu.memory_space<hbm>>) dst(%arg9 : memref<16x1024xf32, #tpu.memory_space<vmem>>)
    %parallel_loop3A_122 = arith.constant 0 : i32
    %parallel_loop3A_123 = arith.constant 16384 : i32
    %parallel_loop3A_124 = arith.constant 16 : i32
    scf.for %parallel_loop3A_1200 = %parallel_loop3A_122 to %parallel_loop3A_123 step %parallel_loop3A_124  : i32 {
      %parallel_loop3A_1201 = arith.constant 10 : i32
      %parallel_loop3A_1202 = arith.shrsi %parallel_loop3A_1200, %parallel_loop3A_1201 : i32
      %parallel_loop3A_1203 = arith.constant 1023 : i32
      %parallel_loop3A_1204 = arith.andi %parallel_loop3A_1200, %parallel_loop3A_1203 : i32
      %parallel_loop3A_1205 = tpu.assume_multiple %parallel_loop3A_1204, 16 : i32
      %parallel_loop3A_1206 = arith.index_cast %parallel_loop3A_1202 : i32 to index
      %parallel_loop3A_1207 = arith.index_cast %parallel_loop3A_1205 : i32 to index
      %parallel_loop3A_1208 = tpu.vector_load %arg5[%parallel_loop3A_1206, %parallel_loop3A_1207] {strides = array<i32>} : memref<16x1024xf32, #tpu.memory_space<vmem>>, vector<1x16xf32>,
      %parallel_loop3A_1209 = vector.shape_cast %parallel_loop3A_1208 : vector<1x16xf32> to vector<16xf32>
      %parallel_loop3A_1210 = arith.index_cast %parallel_loop3A_1202 : i32 to index
      %parallel_loop3A_1211 = arith.index_cast %parallel_loop3A_1205 : i32 to index
      %parallel_loop3A_1212 = tpu.vector_load %arg9[%parallel_loop3A_1210, %parallel_loop3A_1211] {strides = array<i32>} : memref<16x1024xf32, #tpu.memory_space<vmem>>, vector<1x16xf32>,
      %parallel_loop3A_1213 = vector.shape_cast %parallel_loop3A_1212 : vector<1x16xf32> to vector<16xf32>
      %parallel_loop3A_1214 = vector.shape_cast %parallel_loop3A_1209 : vector<16xf32> to vector<1x16xf32>
      tpu.vector_store %arg9[%parallel_loop3A_1210, %parallel_loop3A_1211], %parallel_loop3A_1214 {add = true, strides = array<i32>} : memref<16x1024xf32, #tpu.memory_space<vmem>>, vector<1x16xf32>,
    } {sc.loop_unroll_factor = 8 : i64, sc.parallel_access}
    %add3A_125 = arith.constant 0 : i32
    %add3A_126 = arith.addi %mul3A_2, %add3A_125 : i32
    %dma_start3A_127 = arith.constant 2 : i32
    %dma_start3A_128 = arith.constant 0 : i32
    %dma_start3A_129 = tpu.memref_slice %arg4[%dma_start3A_127, %add3A_126, %dma_start3A_128] : memref<4x4096x1024xf32, #tpu.memory_space<hbm>> -> memref<1x16x1024xf32, #tpu.memory_space<hbm>>
    %dma_start3A_130 = tpu.memref_squeeze %dma_start3A_129 : memref<1x16x1024xf32, #tpu.memory_space<hbm>> -> memref<16x1024xf32, #tpu.memory_space<hbm>>
    %dma_start3A_131 = arith.constant 0 : i32
    %dma_start3A_132 = tpu.memref_slice %arg4[%dma_start3A_127, %add3A_126, %dma_start3A_131] : memref<4x4096x1024xf32, #tpu.memory_space<hbm>> -> memref<1x16x1024xf32, #tpu.memory_space<hbm>>
    %dma_start3A_133 = tpu.memref_squeeze %dma_start3A_132 : memref<1x16x1024xf32, #tpu.memory_space<hbm>> -> memref<16x1024xf32, #tpu.memory_space<hbm>>
    tpu.enqueue_dma source(%arg9 : memref<16x1024xf32, #tpu.memory_space<vmem>>) target(%dma_start3A_133 : memref<16x1024xf32, #tpu.memory_space<hbm>>) target_semaphore(%arg21 : memref<!tpu.dma_semaphore, #tpu.memory_space<semaphore_mem>>)
    %dma_wait3A_134 = arith.constant 1 : i32
    %dma_wait3A_135 = arith.constant 0 : i32
    %dma_wait3A_136 = tpu.memref_slice %arg4[%dma_wait3A_134, %add3A_91, %dma_wait3A_135] : memref<4x4096x1024xf32, #tpu.memory_space<hbm>> -> memref<1x16x1024xf32, #tpu.memory_space<hbm>>
    %dma_wait3A_137 = tpu.memref_squeeze %dma_wait3A_136 : memref<1x16x1024xf32, #tpu.memory_space<hbm>> -> memref<16x1024xf32, #tpu.memory_space<hbm>>
    %dma_wait3A_138 = arith.constant 0 : i32
    %dma_wait3A_139 = tpu.memref_slice %arg4[%dma_wait3A_134, %add3A_91, %dma_wait3A_138] : memref<4x4096x1024xf32, #tpu.memory_space<hbm>> -> memref<1x16x1024xf32, #tpu.memory_space<hbm>>
    %dma_wait3A_140 = tpu.memref_squeeze %dma_wait3A_139 : memref<1x16x1024xf32, #tpu.memory_space<hbm>> -> memref<16x1024xf32, #tpu.memory_space<hbm>>
    tpu.wait_dma2 semaphore(%arg20 : memref<!tpu.dma_semaphore, #tpu.memory_space<semaphore_mem>>) src(%arg8 : memref<16x1024xf32, #tpu.memory_space<vmem>>) dst(%dma_wait3A_140 : memref<16x1024xf32, #tpu.memory_space<hbm>>)
    %add3A_141 = arith.constant 16 : i32
    %add3A_142 = arith.addi %mul3A_2, %add3A_141 : i32
    %dma_start3A_143 = arith.constant 2 : i32
    %dma_start3A_144 = arith.constant 0 : i32
    %dma_start3A_145 = tpu.memref_slice %arg2[%dma_start3A_143, %add3A_142, %dma_start3A_144] : memref<4x4096x1024xf32, #tpu.memory_space<hbm>> -> memref<1x16x1024xf32, #tpu.memory_space<hbm>>
    %dma_start3A_146 = tpu.memref_squeeze %dma_start3A_145 : memref<1x16x1024xf32, #tpu.memory_space<hbm>> -> memref<16x1024xf32, #tpu.memory_space<hbm>>
    %dma_start3A_147 = arith.constant 0 : i32
    %dma_start3A_148 = tpu.memref_slice %arg2[%dma_start3A_143, %add3A_142, %dma_start3A_147] : memref<4x4096x1024xf32, #tpu.memory_space<hbm>> -> memref<1x16x1024xf32, #tpu.memory_space<hbm>>
    %dma_start3A_149 = tpu.memref_squeeze %dma_start3A_148 : memref<1x16x1024xf32, #tpu.memory_space<hbm>> -> memref<16x1024xf32, #tpu.memory_space<hbm>>
    tpu.enqueue_dma source(%dma_start3A_149 : memref<16x1024xf32, #tpu.memory_space<hbm>>) target(%arg8 : memref<16x1024xf32, #tpu.memory_space<vmem>>) target_semaphore(%arg15 : memref<!tpu.dma_semaphore, #tpu.memory_space<semaphore_mem>>)
    %dma_wait3A_150 = arith.constant 3 : i32
    %dma_wait3A_151 = arith.constant 0 : i32
    %dma_wait3A_152 = tpu.memref_slice %arg2[%dma_wait3A_150, %add3A_36, %dma_wait3A_151] : memref<4x4096x1024xf32, #tpu.memory_space<hbm>> -> memref<1x16x1024xf32, #tpu.memory_space<hbm>>
    %dma_wait3A_153 = tpu.memref_squeeze %dma_wait3A_152 : memref<1x16x1024xf32, #tpu.memory_space<hbm>> -> memref<16x1024xf32, #tpu.memory_space<hbm>>
    %dma_wait3A_154 = arith.constant 0 : i32
    %dma_wait3A_155 = tpu.memref_slice %arg2[%dma_wait3A_150, %add3A_36, %dma_wait3A_154] : memref<4x4096x1024xf32, #tpu.memory_space<hbm>> -> memref<1x16x1024xf32, #tpu.memory_space<hbm>>
    %dma_wait3A_156 = tpu.memref_squeeze %dma_wait3A_155 : memref<1x16x1024xf32, #tpu.memory_space<hbm>> -> memref<16x1024xf32, #tpu.memory_space<hbm>>
    tpu.wait_dma2 semaphore(%arg17 : memref<!tpu.dma_semaphore, #tpu.memory_space<semaphore_mem>>) src(%dma_wait3A_156 : memref<16x1024xf32, #tpu.memory_space<hbm>>) dst(%arg10 : memref<16x1024xf32, #tpu.memory_space<vmem>>)
    %parallel_loop3A_157 = arith.constant 0 : i32
    %parallel_loop3A_158 = arith.constant 16384 : i32
    %parallel_loop3A_159 = arith.constant 16 : i32
    scf.for %parallel_loop3A_1200 = %parallel_loop3A_157 to %parallel_loop3A_158 step %parallel_loop3A_159  : i32 {
      %parallel_loop3A_1201 = arith.constant 10 : i32
      %parallel_loop3A_1202 = arith.shrsi %parallel_loop3A_1200, %parallel_loop3A_1201 : i32
      %parallel_loop3A_1203 = arith.constant 1023 : i32
      %parallel_loop3A_1204 = arith.andi %parallel_loop3A_1200, %parallel_loop3A_1203 : i32
      %parallel_loop3A_1205 = tpu.assume_multiple %parallel_loop3A_1204, 16 : i32
      %parallel_loop3A_1206 = arith.index_cast %parallel_loop3A_1202 : i32 to index
      %parallel_loop3A_1207 = arith.index_cast %parallel_loop3A_1205 : i32 to index
      %parallel_loop3A_1208 = tpu.vector_load %arg5[%parallel_loop3A_1206, %parallel_loop3A_1207] {strides = array<i32>} : memref<16x1024xf32, #tpu.memory_space<vmem>>, vector<1x16xf32>,
      %parallel_loop3A_1209 = vector.shape_cast %parallel_loop3A_1208 : vector<1x16xf32> to vector<16xf32>
      %parallel_loop3A_1210 = arith.index_cast %parallel_loop3A_1202 : i32 to index
      %parallel_loop3A_1211 = arith.index_cast %parallel_loop3A_1205 : i32 to index
      %parallel_loop3A_1212 = tpu.vector_load %arg10[%parallel_loop3A_1210, %parallel_loop3A_1211] {strides = array<i32>} : memref<16x1024xf32, #tpu.memory_space<vmem>>, vector<1x16xf32>,
      %parallel_loop3A_1213 = vector.shape_cast %parallel_loop3A_1212 : vector<1x16xf32> to vector<16xf32>
      %parallel_loop3A_1214 = vector.shape_cast %parallel_loop3A_1209 : vector<16xf32> to vector<1x16xf32>
      tpu.vector_store %arg10[%parallel_loop3A_1210, %parallel_loop3A_1211], %parallel_loop3A_1214 {add = true, strides = array<i32>} : memref<16x1024xf32, #tpu.memory_space<vmem>>, vector<1x16xf32>,
    } {sc.loop_unroll_factor = 8 : i64, sc.parallel_access}
    %add3A_160 = arith.constant 0 : i32
    %add3A_161 = arith.addi %mul3A_2, %add3A_160 : i32
    %dma_start3A_162 = arith.constant 3 : i32
    %dma_start3A_163 = arith.constant 0 : i32
    %dma_start3A_164 = tpu.memref_slice %arg4[%dma_start3A_162, %add3A_161, %dma_start3A_163] : memref<4x4096x1024xf32, #tpu.memory_space<hbm>> -> memref<1x16x1024xf32, #tpu.memory_space<hbm>>
    %dma_start3A_165 = tpu.memref_squeeze %dma_start3A_164 : memref<1x16x1024xf32, #tpu.memory_space<hbm>> -> memref<16x1024xf32, #tpu.memory_space<hbm>>
    %dma_start3A_166 = arith.constant 0 : i32
    %dma_start3A_167 = tpu.memref_slice %arg4[%dma_start3A_162, %add3A_161, %dma_start3A_166] : memref<4x4096x1024xf32, #tpu.memory_space<hbm>> -> memref<1x16x1024xf32, #tpu.memory_space<hbm>>
    %dma_start3A_168 = tpu.memref_squeeze %dma_start3A_167 : memref<1x16x1024xf32, #tpu.memory_space<hbm>> -> memref<16x1024xf32, #tpu.memory_space<hbm>>
    tpu.enqueue_dma source(%arg10 : memref<16x1024xf32, #tpu.memory_space<vmem>>) target(%dma_start3A_168 : memref<16x1024xf32, #tpu.memory_space<hbm>>) target_semaphore(%arg22 : memref<!tpu.dma_semaphore, #tpu.memory_space<semaphore_mem>>)
    %dma_wait3A_169 = arith.constant 2 : i32
    %dma_wait3A_170 = arith.constant 0 : i32
    %dma_wait3A_171 = tpu.memref_slice %arg4[%dma_wait3A_169, %add3A_126, %dma_wait3A_170] : memref<4x4096x1024xf32, #tpu.memory_space<hbm>> -> memref<1x16x1024xf32, #tpu.memory_space<hbm>>
    %dma_wait3A_172 = tpu.memref_squeeze %dma_wait3A_171 : memref<1x16x1024xf32, #tpu.memory_space<hbm>> -> memref<16x1024xf32, #tpu.memory_space<hbm>>
    %dma_wait3A_173 = arith.constant 0 : i32
    %dma_wait3A_174 = tpu.memref_slice %arg4[%dma_wait3A_169, %add3A_126, %dma_wait3A_173] : memref<4x4096x1024xf32, #tpu.memory_space<hbm>> -> memref<1x16x1024xf32, #tpu.memory_space<hbm>>
    %dma_wait3A_175 = tpu.memref_squeeze %dma_wait3A_174 : memref<1x16x1024xf32, #tpu.memory_space<hbm>> -> memref<16x1024xf32, #tpu.memory_space<hbm>>
    tpu.wait_dma2 semaphore(%arg21 : memref<!tpu.dma_semaphore, #tpu.memory_space<semaphore_mem>>) src(%arg9 : memref<16x1024xf32, #tpu.memory_space<vmem>>) dst(%dma_wait3A_175 : memref<16x1024xf32, #tpu.memory_space<hbm>>)
    %add3A_176 = arith.constant 16 : i32
    %add3A_177 = arith.addi %mul3A_2, %add3A_176 : i32
    %dma_start3A_178 = arith.constant 3 : i32
    %dma_start3A_179 = arith.constant 0 : i32
    %dma_start3A_180 = tpu.memref_slice %arg2[%dma_start3A_178, %add3A_177, %dma_start3A_179] : memref<4x4096x1024xf32, #tpu.memory_space<hbm>> -> memref<1x16x1024xf32, #tpu.memory_space<hbm>>
    %dma_start3A_181 = tpu.memref_squeeze %dma_start3A_180 : memref<1x16x1024xf32, #tpu.memory_space<hbm>> -> memref<16x1024xf32, #tpu.memory_space<hbm>>
    %dma_start3A_182 = arith.constant 0 : i32
    %dma_start3A_183 = tpu.memref_slice %arg2[%dma_start3A_178, %add3A_177, %dma_start3A_182] : memref<4x4096x1024xf32, #tpu.memory_space<hbm>> -> memref<1x16x1024xf32, #tpu.memory_space<hbm>>
    %dma_start3A_184 = tpu.memref_squeeze %dma_start3A_183 : memref<1x16x1024xf32, #tpu.memory_space<hbm>> -> memref<16x1024xf32, #tpu.memory_space<hbm>>
    tpu.enqueue_dma source(%dma_start3A_184 : memref<16x1024xf32, #tpu.memory_space<hbm>>) target(%arg9 : memref<16x1024xf32, #tpu.memory_space<vmem>>) target_semaphore(%arg16 : memref<!tpu.dma_semaphore, #tpu.memory_space<semaphore_mem>>)
    %dma_wait3A_185 = arith.constant 0 : i32
    %dma_wait3A_186 = tpu.memref_slice %arg3[%add3A_48, %dma_wait3A_185] : memref<8192x1024xf32, #tpu.memory_space<hbm>> -> memref<16x1024xf32, #tpu.memory_space<hbm>>
    %dma_wait3A_187 = arith.constant 0 : i32
    %dma_wait3A_188 = tpu.memref_slice %arg3[%add3A_48, %dma_wait3A_187] : memref<8192x1024xf32, #tpu.memory_space<hbm>> -> memref<16x1024xf32, #tpu.memory_space<hbm>>
    tpu.wait_dma2 semaphore(%arg13 : memref<!tpu.dma_semaphore, #tpu.memory_space<semaphore_mem>>) src(%dma_wait3A_188 : memref<16x1024xf32, #tpu.memory_space<hbm>>) dst(%arg6 : memref<16x1024xf32, #tpu.memory_space<vmem>>)
    %add3A_189 = arith.constant 32 : i32
    %add3A_190 = arith.addi %mul3A_2, %add3A_189 : i32
    %dma_start3A_191 = arith.constant 0 : i32
    %dma_start3A_192 = tpu.memref_slice %arg3[%add3A_190, %dma_start3A_191] : memref<8192x1024xf32, #tpu.memory_space<hbm>> -> memref<16x1024xf32, #tpu.memory_space<hbm>>
    %dma_start3A_193 = arith.constant 0 : i32
    %dma_start3A_194 = tpu.memref_slice %arg3[%add3A_190, %dma_start3A_193] : memref<8192x1024xf32, #tpu.memory_space<hbm>> -> memref<16x1024xf32, #tpu.memory_space<hbm>>
    tpu.enqueue_dma source(%dma_start3A_194 : memref<16x1024xf32, #tpu.memory_space<hbm>>) target(%arg5 : memref<16x1024xf32, #tpu.memory_space<vmem>>) target_semaphore(%arg12 : memref<!tpu.dma_semaphore, #tpu.memory_space<semaphore_mem>>)
    %dma_wait3A_195 = arith.constant 0 : i32
    %dma_wait3A_196 = arith.constant 0 : i32
    %dma_wait3A_197 = tpu.memref_slice %arg2[%dma_wait3A_195, %add3A_72, %dma_wait3A_196] : memref<4x4096x1024xf32, #tpu.memory_space<hbm>> -> memref<1x16x1024xf32, #tpu.memory_space<hbm>>
    %dma_wait3A_198 = tpu.memref_squeeze %dma_wait3A_197 : memref<1x16x1024xf32, #tpu.memory_space<hbm>> -> memref<16x1024xf32, #tpu.memory_space<hbm>>
    %dma_wait3A_199 = arith.constant 0 : i32
    %dma_wait3A_200 = tpu.memref_slice %arg2[%dma_wait3A_195, %add3A_72, %dma_wait3A_199] : memref<4x4096x1024xf32, #tpu.memory_space<hbm>> -> memref<1x16x1024xf32, #tpu.memory_space<hbm>>
    %dma_wait3A_201 = tpu.memref_squeeze %dma_wait3A_200 : memref<1x16x1024xf32, #tpu.memory_space<hbm>> -> memref<16x1024xf32, #tpu.memory_space<hbm>>
    tpu.wait_dma2 semaphore(%arg18 : memref<!tpu.dma_semaphore, #tpu.memory_space<semaphore_mem>>) src(%dma_wait3A_201 : memref<16x1024xf32, #tpu.memory_space<hbm>>) dst(%arg11 : memref<16x1024xf32, #tpu.memory_space<vmem>>)
    %parallel_loop3A_202 = arith.constant 0 : i32
    %parallel_loop3A_203 = arith.constant 16384 : i32
    %parallel_loop3A_204 = arith.constant 16 : i32
    scf.for %parallel_loop3A_1200 = %parallel_loop3A_202 to %parallel_loop3A_203 step %parallel_loop3A_204  : i32 {
      %parallel_loop3A_1201 = arith.constant 10 : i32
      %parallel_loop3A_1202 = arith.shrsi %parallel_loop3A_1200, %parallel_loop3A_1201 : i32
      %parallel_loop3A_1203 = arith.constant 1023 : i32
      %parallel_loop3A_1204 = arith.andi %parallel_loop3A_1200, %parallel_loop3A_1203 : i32
      %parallel_loop3A_1205 = tpu.assume_multiple %parallel_loop3A_1204, 16 : i32
      %parallel_loop3A_1206 = arith.index_cast %parallel_loop3A_1202 : i32 to index
      %parallel_loop3A_1207 = arith.index_cast %parallel_loop3A_1205 : i32 to index
      %parallel_loop3A_1208 = tpu.vector_load %arg6[%parallel_loop3A_1206, %parallel_loop3A_1207] {strides = array<i32>} : memref<16x1024xf32, #tpu.memory_space<vmem>>, vector<1x16xf32>,
      %parallel_loop3A_1209 = vector.shape_cast %parallel_loop3A_1208 : vector<1x16xf32> to vector<16xf32>
      %parallel_loop3A_1210 = arith.index_cast %parallel_loop3A_1202 : i32 to index
      %parallel_loop3A_1211 = arith.index_cast %parallel_loop3A_1205 : i32 to index
      %parallel_loop3A_1212 = tpu.vector_load %arg11[%parallel_loop3A_1210, %parallel_loop3A_1211] {strides = array<i32>} : memref<16x1024xf32, #tpu.memory_space<vmem>>, vector<1x16xf32>,
      %parallel_loop3A_1213 = vector.shape_cast %parallel_loop3A_1212 : vector<1x16xf32> to vector<16xf32>
      %parallel_loop3A_1214 = vector.shape_cast %parallel_loop3A_1209 : vector<16xf32> to vector<1x16xf32>
      tpu.vector_store %arg11[%parallel_loop3A_1210, %parallel_loop3A_1211], %parallel_loop3A_1214 {add = true, strides = array<i32>} : memref<16x1024xf32, #tpu.memory_space<vmem>>, vector<1x16xf32>,
    } {sc.loop_unroll_factor = 8 : i64, sc.parallel_access}
    %add3A_205 = arith.constant 16 : i32
    %add3A_206 = arith.addi %mul3A_2, %add3A_205 : i32
    %dma_start3A_207 = arith.constant 0 : i32
    %dma_start3A_208 = arith.constant 0 : i32
    %dma_start3A_209 = tpu.memref_slice %arg4[%dma_start3A_207, %add3A_206, %dma_start3A_208] : memref<4x4096x1024xf32, #tpu.memory_space<hbm>> -> memref<1x16x1024xf32, #tpu.memory_space<hbm>>
    %dma_start3A_210 = tpu.memref_squeeze %dma_start3A_209 : memref<1x16x1024xf32, #tpu.memory_space<hbm>> -> memref<16x1024xf32, #tpu.memory_space<hbm>>
    %dma_start3A_211 = arith.constant 0 : i32
    %dma_start3A_212 = tpu.memref_slice %arg4[%dma_start3A_207, %add3A_206, %dma_start3A_211] : memref<4x4096x1024xf32, #tpu.memory_space<hbm>> -> memref<1x16x1024xf32, #tpu.memory_space<hbm>>
    %dma_start3A_213 = tpu.memref_squeeze %dma_start3A_212 : memref<1x16x1024xf32, #tpu.memory_space<hbm>> -> memref<16x1024xf32, #tpu.memory_space<hbm>>
    tpu.enqueue_dma source(%arg11 : memref<16x1024xf32, #tpu.memory_space<vmem>>) target(%dma_start3A_213 : memref<16x1024xf32, #tpu.memory_space<hbm>>) target_semaphore(%arg23 : memref<!tpu.dma_semaphore, #tpu.memory_space<semaphore_mem>>)
    %dma_wait3A_214 = arith.constant 3 : i32
    %dma_wait3A_215 = arith.constant 0 : i32
    %dma_wait3A_216 = tpu.memref_slice %arg4[%dma_wait3A_214, %add3A_161, %dma_wait3A_215] : memref<4x4096x1024xf32, #tpu.memory_space<hbm>> -> memref<1x16x1024xf32, #tpu.memory_space<hbm>>
    %dma_wait3A_217 = tpu.memref_squeeze %dma_wait3A_216 : memref<1x16x1024xf32, #tpu.memory_space<hbm>> -> memref<16x1024xf32, #tpu.memory_space<hbm>>
    %dma_wait3A_218 = arith.constant 0 : i32
    %dma_wait3A_219 = tpu.memref_slice %arg4[%dma_wait3A_214, %add3A_161, %dma_wait3A_218] : memref<4x4096x1024xf32, #tpu.memory_space<hbm>> -> memref<1x16x1024xf32, #tpu.memory_space<hbm>>
    %dma_wait3A_220 = tpu.memref_squeeze %dma_wait3A_219 : memref<1x16x1024xf32, #tpu.memory_space<hbm>> -> memref<16x1024xf32, #tpu.memory_space<hbm>>
    tpu.wait_dma2 semaphore(%arg22 : memref<!tpu.dma_semaphore, #tpu.memory_space<semaphore_mem>>) src(%arg10 : memref<16x1024xf32, #tpu.memory_space<vmem>>) dst(%dma_wait3A_220 : memref<16x1024xf32, #tpu.memory_space<hbm>>)
    %add3A_221 = arith.constant 32 : i32
    %add3A_222 = arith.addi %mul3A_2, %add3A_221 : i32
    %dma_start3A_223 = arith.constant 0 : i32
    %dma_start3A_224 = arith.constant 0 : i32
    %dma_start3A_225 = tpu.memref_slice %arg2[%dma_start3A_223, %add3A_222, %dma_start3A_224] : memref<4x4096x1024xf32, #tpu.memory_space<hbm>> -> memref<1x16x1024xf32, #tpu.memory_space<hbm>>
    %dma_start3A_226 = tpu.memref_squeeze %dma_start3A_225 : memref<1x16x1024xf32, #tpu.memory_space<hbm>> -> memref<16x1024xf32, #tpu.memory_space<hbm>>
    %dma_start3A_227 = arith.constant 0 : i32
    %dma_start3A_228 = tpu.memref_slice %arg2[%dma_start3A_223, %add3A_222, %dma_start3A_227] : memref<4x4096x1024xf32, #tpu.memory_space<hbm>> -> memref<1x16x1024xf32, #tpu.memory_space<hbm>>
    %dma_start3A_229 = tpu.memref_squeeze %dma_start3A_228 : memref<1x16x1024xf32, #tpu.memory_space<hbm>> -> memref<16x1024xf32, #tpu.memory_space<hbm>>
    tpu.enqueue_dma source(%dma_start3A_229 : memref<16x1024xf32, #tpu.memory_space<hbm>>) target(%arg10 : memref<16x1024xf32, #tpu.memory_space<vmem>>) target_semaphore(%arg17 : memref<!tpu.dma_semaphore, #tpu.memory_space<semaphore_mem>>)
    %dma_wait3A_230 = arith.constant 1 : i32
    %dma_wait3A_231 = arith.constant 0 : i32
    %dma_wait3A_232 = tpu.memref_slice %arg2[%dma_wait3A_230, %add3A_107, %dma_wait3A_231] : memref<4x4096x1024xf32, #tpu.memory_space<hbm>> -> memref<1x16x1024xf32, #tpu.memory_space<hbm>>
    %dma_wait3A_233 = tpu.memref_squeeze %dma_wait3A_232 : memref<1x16x1024xf32, #tpu.memory_space<hbm>> -> memref<16x1024xf32, #tpu.memory_space<hbm>>
    %dma_wait3A_234 = arith.constant 0 : i32
    %dma_wait3A_235 = tpu.memref_slice %arg2[%dma_wait3A_230, %add3A_107, %dma_wait3A_234] : memref<4x4096x1024xf32, #tpu.memory_space<hbm>> -> memref<1x16x1024xf32, #tpu.memory_space<hbm>>
    %dma_wait3A_236 = tpu.memref_squeeze %dma_wait3A_235 : memref<1x16x1024xf32, #tpu.memory_space<hbm>> -> memref<16x1024xf32, #tpu.memory_space<hbm>>
    tpu.wait_dma2 semaphore(%arg14 : memref<!tpu.dma_semaphore, #tpu.memory_space<semaphore_mem>>) src(%dma_wait3A_236 : memref<16x1024xf32, #tpu.memory_space<hbm>>) dst(%arg7 : memref<16x1024xf32, #tpu.memory_space<vmem>>)
    %parallel_loop3A_237 = arith.constant 0 : i32
    %parallel_loop3A_238 = arith.constant 16384 : i32
    %parallel_loop3A_239 = arith.constant 16 : i32
    scf.for %parallel_loop3A_1200 = %parallel_loop3A_237 to %parallel_loop3A_238 step %parallel_loop3A_239  : i32 {
      %parallel_loop3A_1201 = arith.constant 10 : i32
      %parallel_loop3A_1202 = arith.shrsi %parallel_loop3A_1200, %parallel_loop3A_1201 : i32
      %parallel_loop3A_1203 = arith.constant 1023 : i32
      %parallel_loop3A_1204 = arith.andi %parallel_loop3A_1200, %parallel_loop3A_1203 : i32
      %parallel_loop3A_1205 = tpu.assume_multiple %parallel_loop3A_1204, 16 : i32
      %parallel_loop3A_1206 = arith.index_cast %parallel_loop3A_1202 : i32 to index
      %parallel_loop3A_1207 = arith.index_cast %parallel_loop3A_1205 : i32 to index
      %parallel_loop3A_1208 = tpu.vector_load %arg6[%parallel_loop3A_1206, %parallel_loop3A_1207] {strides = array<i32>} : memref<16x1024xf32, #tpu.memory_space<vmem>>, vector<1x16xf32>,
      %parallel_loop3A_1209 = vector.shape_cast %parallel_loop3A_1208 : vector<1x16xf32> to vector<16xf32>
      %parallel_loop3A_1210 = arith.index_cast %parallel_loop3A_1202 : i32 to index
      %parallel_loop3A_1211 = arith.index_cast %parallel_loop3A_1205 : i32 to index
      %parallel_loop3A_1212 = tpu.vector_load %arg7[%parallel_loop3A_1210, %parallel_loop3A_1211] {strides = array<i32>} : memref<16x1024xf32, #tpu.memory_space<vmem>>, vector<1x16xf32>,
      %parallel_loop3A_1213 = vector.shape_cast %parallel_loop3A_1212 : vector<1x16xf32> to vector<16xf32>
      %parallel_loop3A_1214 = vector.shape_cast %parallel_loop3A_1209 : vector<16xf32> to vector<1x16xf32>
      tpu.vector_store %arg7[%parallel_loop3A_1210, %parallel_loop3A_1211], %parallel_loop3A_1214 {add = true, strides = array<i32>} : memref<16x1024xf32, #tpu.memory_space<vmem>>, vector<1x16xf32>,
    } {sc.loop_unroll_factor = 8 : i64, sc.parallel_access}
    %add3A_240 = arith.constant 16 : i32
    %add3A_241 = arith.addi %mul3A_2, %add3A_240 : i32
    %dma_start3A_242 = arith.constant 1 : i32
    %dma_start3A_243 = arith.constant 0 : i32
    %dma_start3A_244 = tpu.memref_slice %arg4[%dma_start3A_242, %add3A_241, %dma_start3A_243] : memref<4x4096x1024xf32, #tpu.memory_space<hbm>> -> memref<1x16x1024xf32, #tpu.memory_space<hbm>>
    %dma_start3A_245 = tpu.memref_squeeze %dma_start3A_244 : memref<1x16x1024xf32, #tpu.memory_space<hbm>> -> memref<16x1024xf32, #tpu.memory_space<hbm>>
    %dma_start3A_246 = arith.constant 0 : i32
    %dma_start3A_247 = tpu.memref_slice %arg4[%dma_start3A_242, %add3A_241, %dma_start3A_246] : memref<4x4096x1024xf32, #tpu.memory_space<hbm>> -> memref<1x16x1024xf32, #tpu.memory_space<hbm>>
    %dma_start3A_248 = tpu.memref_squeeze %dma_start3A_247 : memref<1x16x1024xf32, #tpu.memory_space<hbm>> -> memref<16x1024xf32, #tpu.memory_space<hbm>>
    tpu.enqueue_dma source(%arg7 : memref<16x1024xf32, #tpu.memory_space<vmem>>) target(%dma_start3A_248 : memref<16x1024xf32, #tpu.memory_space<hbm>>) target_semaphore(%arg19 : memref<!tpu.dma_semaphore, #tpu.memory_space<semaphore_mem>>)
    %dma_wait3A_249 = arith.constant 0 : i32
    %dma_wait3A_250 = arith.constant 0 : i32
    %dma_wait3A_251 = tpu.memref_slice %arg4[%dma_wait3A_249, %add3A_206, %dma_wait3A_250] : memref<4x4096x1024xf32, #tpu.memory_space<hbm>> -> memref<1x16x1024xf32, #tpu.memory_space<hbm>>
    %dma_wait3A_252 = tpu.memref_squeeze %dma_wait3A_251 : memref<1x16x1024xf32, #tpu.memory_space<hbm>> -> memref<16x1024xf32, #tpu.memory_space<hbm>>
    %dma_wait3A_253 = arith.constant 0 : i32
    %dma_wait3A_254 = tpu.memref_slice %arg4[%dma_wait3A_249, %add3A_206, %dma_wait3A_253] : memref<4x4096x1024xf32, #tpu.memory_space<hbm>> -> memref<1x16x1024xf32, #tpu.memory_space<hbm>>
    %dma_wait3A_255 = tpu.memref_squeeze %dma_wait3A_254 : memref<1x16x1024xf32, #tpu.memory_space<hbm>> -> memref<16x1024xf32, #tpu.memory_space<hbm>>
    tpu.wait_dma2 semaphore(%arg23 : memref<!tpu.dma_semaphore, #tpu.memory_space<semaphore_mem>>) src(%arg11 : memref<16x1024xf32, #tpu.memory_space<vmem>>) dst(%dma_wait3A_255 : memref<16x1024xf32, #tpu.memory_space<hbm>>)
    %add3A_256 = arith.constant 32 : i32
    %add3A_257 = arith.addi %mul3A_2, %add3A_256 : i32
    %dma_start3A_258 = arith.constant 1 : i32
    %dma_start3A_259 = arith.constant 0 : i32
    %dma_start3A_260 = tpu.memref_slice %arg2[%dma_start3A_258, %add3A_257, %dma_start3A_259] : memref<4x4096x1024xf32, #tpu.memory_space<hbm>> -> memref<1x16x1024xf32, #tpu.memory_space<hbm>>
    %dma_start3A_261 = tpu.memref_squeeze %dma_start3A_260 : memref<1x16x1024xf32, #tpu.memory_space<hbm>> -> memref<16x1024xf32, #tpu.memory_space<hbm>>
    %dma_start3A_262 = arith.constant 0 : i32
    %dma_start3A_263 = tpu.memref_slice %arg2[%dma_start3A_258, %add3A_257, %dma_start3A_262] : memref<4x4096x1024xf32, #tpu.memory_space<hbm>> -> memref<1x16x1024xf32, #tpu.memory_space<hbm>>
    %dma_start3A_264 = tpu.memref_squeeze %dma_start3A_263 : memref<1x16x1024xf32, #tpu.memory_space<hbm>> -> memref<16x1024xf32, #tpu.memory_space<hbm>>
    tpu.enqueue_dma source(%dma_start3A_264 : memref<16x1024xf32, #tpu.memory_space<hbm>>) target(%arg11 : memref<16x1024xf32, #tpu.memory_space<vmem>>) target_semaphore(%arg18 : memref<!tpu.dma_semaphore, #tpu.memory_space<semaphore_mem>>)
    %dma_wait3A_265 = arith.constant 2 : i32
    %dma_wait3A_266 = arith.constant 0 : i32
    %dma_wait3A_267 = tpu.memref_slice %arg2[%dma_wait3A_265, %add3A_142, %dma_wait3A_266] : memref<4x4096x1024xf32, #tpu.memory_space<hbm>> -> memref<1x16x1024xf32, #tpu.memory_space<hbm>>
    %dma_wait3A_268 = tpu.memref_squeeze %dma_wait3A_267 : memref<1x16x1024xf32, #tpu.memory_space<hbm>> -> memref<16x1024xf32, #tpu.memory_space<hbm>>
    %dma_wait3A_269 = arith.constant 0 : i32
    %dma_wait3A_270 = tpu.memref_slice %arg2[%dma_wait3A_265, %add3A_142, %dma_wait3A_269] : memref<4x4096x1024xf32, #tpu.memory_space<hbm>> -> memref<1x16x1024xf32, #tpu.memory_space<hbm>>
    %dma_wait3A_271 = tpu.memref_squeeze %dma_wait3A_270 : memref<1x16x1024xf32, #tpu.memory_space<hbm>> -> memref<16x1024xf32, #tpu.memory_space<hbm>>
    tpu.wait_dma2 semaphore(%arg15 : memref<!tpu.dma_semaphore, #tpu.memory_space<semaphore_mem>>) src(%dma_wait3A_271 : memref<16x1024xf32, #tpu.memory_space<hbm>>) dst(%arg8 : memref<16x1024xf32, #tpu.memory_space<vmem>>)
    %parallel_loop3A_272 = arith.constant 0 : i32
    %parallel_loop3A_273 = arith.constant 16384 : i32
    %parallel_loop3A_274 = arith.constant 16 : i32
    scf.for %parallel_loop3A_1200 = %parallel_loop3A_272 to %parallel_loop3A_273 step %parallel_loop3A_274  : i32 {
      %parallel_loop3A_1201 = arith.constant 10 : i32
      %parallel_loop3A_1202 = arith.shrsi %parallel_loop3A_1200, %parallel_loop3A_1201 : i32
      %parallel_loop3A_1203 = arith.constant 1023 : i32
      %parallel_loop3A_1204 = arith.andi %parallel_loop3A_1200, %parallel_loop3A_1203 : i32
      %parallel_loop3A_1205 = tpu.assume_multiple %parallel_loop3A_1204, 16 : i32
      %parallel_loop3A_1206 = arith.index_cast %parallel_loop3A_1202 : i32 to index
      %parallel_loop3A_1207 = arith.index_cast %parallel_loop3A_1205 : i32 to index
      %parallel_loop3A_1208 = tpu.vector_load %arg6[%parallel_loop3A_1206, %parallel_loop3A_1207] {strides = array<i32>} : memref<16x1024xf32, #tpu.memory_space<vmem>>, vector<1x16xf32>,
      %parallel_loop3A_1209 = vector.shape_cast %parallel_loop3A_1208 : vector<1x16xf32> to vector<16xf32>
      %parallel_loop3A_1210 = arith.index_cast %parallel_loop3A_1202 : i32 to index
      %parallel_loop3A_1211 = arith.index_cast %parallel_loop3A_1205 : i32 to index
      %parallel_loop3A_1212 = tpu.vector_load %arg8[%parallel_loop3A_1210, %parallel_loop3A_1211] {strides = array<i32>} : memref<16x1024xf32, #tpu.memory_space<vmem>>, vector<1x16xf32>,
      %parallel_loop3A_1213 = vector.shape_cast %parallel_loop3A_1212 : vector<1x16xf32> to vector<16xf32>
      %parallel_loop3A_1214 = vector.shape_cast %parallel_loop3A_1209 : vector<16xf32> to vector<1x16xf32>
      tpu.vector_store %arg8[%parallel_loop3A_1210, %parallel_loop3A_1211], %parallel_loop3A_1214 {add = true, strides = array<i32>} : memref<16x1024xf32, #tpu.memory_space<vmem>>, vector<1x16xf32>,
    } {sc.loop_unroll_factor = 8 : i64, sc.parallel_access}
    %add3A_275 = arith.constant 16 : i32
    %add3A_276 = arith.addi %mul3A_2, %add3A_275 : i32
    %dma_start3A_277 = arith.constant 2 : i32
    %dma_start3A_278 = arith.constant 0 : i32
    %dma_start3A_279 = tpu.memref_slice %arg4[%dma_start3A_277, %add3A_276, %dma_start3A_278] : memref<4x4096x1024xf32, #tpu.memory_space<hbm>> -> memref<1x16x1024xf32, #tpu.memory_space<hbm>>
    %dma_start3A_280 = tpu.memref_squeeze %dma_start3A_279 : memref<1x16x1024xf32, #tpu.memory_space<hbm>> -> memref<16x1024xf32, #tpu.memory_space<hbm>>
    %dma_start3A_281 = arith.constant 0 : i32
    %dma_start3A_282 = tpu.memref_slice %arg4[%dma_start3A_277, %add3A_276, %dma_start3A_281] : memref<4x4096x1024xf32, #tpu.memory_space<hbm>> -> memref<1x16x1024xf32, #tpu.memory_space<hbm>>
    %dma_start3A_283 = tpu.memref_squeeze %dma_start3A_282 : memref<1x16x1024xf32, #tpu.memory_space<hbm>> -> memref<16x1024xf32, #tpu.memory_space<hbm>>
    tpu.enqueue_dma source(%arg8 : memref<16x1024xf32, #tpu.memory_space<vmem>>) target(%dma_start3A_283 : memref<16x1024xf32, #tpu.memory_space<hbm>>) target_semaphore(%arg20 : memref<!tpu.dma_semaphore, #tpu.memory_space<semaphore_mem>>)
    %dma_wait3A_284 = arith.constant 1 : i32
    %dma_wait3A_285 = arith.constant 0 : i32
    %dma_wait3A_286 = tpu.memref_slice %arg4[%dma_wait3A_284, %add3A_241, %dma_wait3A_285] : memref<4x4096x1024xf32, #tpu.memory_space<hbm>> -> memref<1x16x1024xf32, #tpu.memory_space<hbm>>
    %dma_wait3A_287 = tpu.memref_squeeze %dma_wait3A_286 : memref<1x16x1024xf32, #tpu.memory_space<hbm>> -> memref<16x1024xf32, #tpu.memory_space<hbm>>
    %dma_wait3A_288 = arith.constant 0 : i32
    %dma_wait3A_289 = tpu.memref_slice %arg4[%dma_wait3A_284, %add3A_241, %dma_wait3A_288] : memref<4x4096x1024xf32, #tpu.memory_space<hbm>> -> memref<1x16x1024xf32, #tpu.memory_space<hbm>>
    %dma_wait3A_290 = tpu.memref_squeeze %dma_wait3A_289 : memref<1x16x1024xf32, #tpu.memory_space<hbm>> -> memref<16x1024xf32, #tpu.memory_space<hbm>>
    tpu.wait_dma2 semaphore(%arg19 : memref<!tpu.dma_semaphore, #tpu.memory_space<semaphore_mem>>) src(%arg7 : memref<16x1024xf32, #tpu.memory_space<vmem>>) dst(%dma_wait3A_290 : memref<16x1024xf32, #tpu.memory_space<hbm>>)
    %add3A_291 = arith.constant 32 : i32
    %add3A_292 = arith.addi %mul3A_2, %add3A_291 : i32
    %dma_start3A_293 = arith.constant 2 : i32
    %dma_start3A_294 = arith.constant 0 : i32
    %dma_start3A_295 = tpu.memref_slice %arg2[%dma_start3A_293, %add3A_292, %dma_start3A_294] : memref<4x4096x1024xf32, #tpu.memory_space<hbm>> -> memref<1x16x1024xf32, #tpu.memory_space<hbm>>
    %dma_start3A_296 = tpu.memref_squeeze %dma_start3A_295 : memref<1x16x1024xf32, #tpu.memory_space<hbm>> -> memref<16x1024xf32, #tpu.memory_space<hbm>>
    %dma_start3A_297 = arith.constant 0 : i32
    %dma_start3A_298 = tpu.memref_slice %arg2[%dma_start3A_293, %add3A_292, %dma_start3A_297] : memref<4x4096x1024xf32, #tpu.memory_space<hbm>> -> memref<1x16x1024xf32, #tpu.memory_space<hbm>>
    %dma_start3A_299 = tpu.memref_squeeze %dma_start3A_298 : memref<1x16x1024xf32, #tpu.memory_space<hbm>> -> memref<16x1024xf32, #tpu.memory_space<hbm>>
    tpu.enqueue_dma source(%dma_start3A_299 : memref<16x1024xf32, #tpu.memory_space<hbm>>) target(%arg7 : memref<16x1024xf32, #tpu.memory_space<vmem>>) target_semaphore(%arg14 : memref<!tpu.dma_semaphore, #tpu.memory_space<semaphore_mem>>)
    %dma_wait3A_300 = arith.constant 3 : i32
    %dma_wait3A_301 = arith.constant 0 : i32
    %dma_wait3A_302 = tpu.memref_slice %arg2[%dma_wait3A_300, %add3A_177, %dma_wait3A_301] : memref<4x4096x1024xf32, #tpu.memory_space<hbm>> -> memref<1x16x1024xf32, #tpu.memory_space<hbm>>
    %dma_wait3A_303 = tpu.memref_squeeze %dma_wait3A_302 : memref<1x16x1024xf32, #tpu.memory_space<hbm>> -> memref<16x1024xf32, #tpu.memory_space<hbm>>
    %dma_wait3A_304 = arith.constant 0 : i32
    %dma_wait3A_305 = tpu.memref_slice %arg2[%dma_wait3A_300, %add3A_177, %dma_wait3A_304] : memref<4x4096x1024xf32, #tpu.memory_space<hbm>> -> memref<1x16x1024xf32, #tpu.memory_space<hbm>>
    %dma_wait3A_306 = tpu.memref_squeeze %dma_wait3A_305 : memref<1x16x1024xf32, #tpu.memory_space<hbm>> -> memref<16x1024xf32, #tpu.memory_space<hbm>>
    tpu.wait_dma2 semaphore(%arg16 : memref<!tpu.dma_semaphore, #tpu.memory_space<semaphore_mem>>) src(%dma_wait3A_306 : memref<16x1024xf32, #tpu.memory_space<hbm>>) dst(%arg9 : memref<16x1024xf32, #tpu.memory_space<vmem>>)
    %parallel_loop3A_307 = arith.constant 0 : i32
    %parallel_loop3A_308 = arith.constant 16384 : i32
    %parallel_loop3A_309 = arith.constant 16 : i32
    scf.for %parallel_loop3A_1200 = %parallel_loop3A_307 to %parallel_loop3A_308 step %parallel_loop3A_309  : i32 {
      %parallel_loop3A_1201 = arith.constant 10 : i32
      %parallel_loop3A_1202 = arith.shrsi %parallel_loop3A_1200, %parallel_loop3A_1201 : i32
      %parallel_loop3A_1203 = arith.constant 1023 : i32
      %parallel_loop3A_1204 = arith.andi %parallel_loop3A_1200, %parallel_loop3A_1203 : i32
      %parallel_loop3A_1205 = tpu.assume_multiple %parallel_loop3A_1204, 16 : i32
      %parallel_loop3A_1206 = arith.index_cast %parallel_loop3A_1202 : i32 to index
      %parallel_loop3A_1207 = arith.index_cast %parallel_loop3A_1205 : i32 to index
      %parallel_loop3A_1208 = tpu.vector_load %arg6[%parallel_loop3A_1206, %parallel_loop3A_1207] {strides = array<i32>} : memref<16x1024xf32, #tpu.memory_space<vmem>>, vector<1x16xf32>,
      %parallel_loop3A_1209 = vector.shape_cast %parallel_loop3A_1208 : vector<1x16xf32> to vector<16xf32>
      %parallel_loop3A_1210 = arith.index_cast %parallel_loop3A_1202 : i32 to index
      %parallel_loop3A_1211 = arith.index_cast %parallel_loop3A_1205 : i32 to index
      %parallel_loop3A_1212 = tpu.vector_load %arg9[%parallel_loop3A_1210, %parallel_loop3A_1211] {strides = array<i32>} : memref<16x1024xf32, #tpu.memory_space<vmem>>, vector<1x16xf32>,
      %parallel_loop3A_1213 = vector.shape_cast %parallel_loop3A_1212 : vector<1x16xf32> to vector<16xf32>
      %parallel_loop3A_1214 = vector.shape_cast %parallel_loop3A_1209 : vector<16xf32> to vector<1x16xf32>
      tpu.vector_store %arg9[%parallel_loop3A_1210, %parallel_loop3A_1211], %parallel_loop3A_1214 {add = true, strides = array<i32>} : memref<16x1024xf32, #tpu.memory_space<vmem>>, vector<1x16xf32>,
    } {sc.loop_unroll_factor = 8 : i64, sc.parallel_access}
    %add3A_310 = arith.constant 16 : i32
    %add3A_311 = arith.addi %mul3A_2, %add3A_310 : i32
    %dma_start3A_312 = arith.constant 3 : i32
    %dma_start3A_313 = arith.constant 0 : i32
    %dma_start3A_314 = tpu.memref_slice %arg4[%dma_start3A_312, %add3A_311, %dma_start3A_313] : memref<4x4096x1024xf32, #tpu.memory_space<hbm>> -> memref<1x16x1024xf32, #tpu.memory_space<hbm>>
    %dma_start3A_315 = tpu.memref_squeeze %dma_start3A_314 : memref<1x16x1024xf32, #tpu.memory_space<hbm>> -> memref<16x1024xf32, #tpu.memory_space<hbm>>
    %dma_start3A_316 = arith.constant 0 : i32
    %dma_start3A_317 = tpu.memref_slice %arg4[%dma_start3A_312, %add3A_311, %dma_start3A_316] : memref<4x4096x1024xf32, #tpu.memory_space<hbm>> -> memref<1x16x1024xf32, #tpu.memory_space<hbm>>
    %dma_start3A_318 = tpu.memref_squeeze %dma_start3A_317 : memref<1x16x1024xf32, #tpu.memory_space<hbm>> -> memref<16x1024xf32, #tpu.memory_space<hbm>>
    tpu.enqueue_dma source(%arg9 : memref<16x1024xf32, #tpu.memory_space<vmem>>) target(%dma_start3A_318 : memref<16x1024xf32, #tpu.memory_space<hbm>>) target_semaphore(%arg21 : memref<!tpu.dma_semaphore, #tpu.memory_space<semaphore_mem>>)
    %dma_wait3A_319 = arith.constant 2 : i32
    %dma_wait3A_320 = arith.constant 0 : i32
    %dma_wait3A_321 = tpu.memref_slice %arg4[%dma_wait3A_319, %add3A_276, %dma_wait3A_320] : memref<4x4096x1024xf32, #tpu.memory_space<hbm>> -> memref<1x16x1024xf32, #tpu.memory_space<hbm>>
    %dma_wait3A_322 = tpu.memref_squeeze %dma_wait3A_321 : memref<1x16x1024xf32, #tpu.memory_space<hbm>> -> memref<16x1024xf32, #tpu.memory_space<hbm>>
    %dma_wait3A_323 = arith.constant 0 : i32
    %dma_wait3A_324 = tpu.memref_slice %arg4[%dma_wait3A_319, %add3A_276, %dma_wait3A_323] : memref<4x4096x1024xf32, #tpu.memory_space<hbm>> -> memref<1x16x1024xf32, #tpu.memory_space<hbm>>
    %dma_wait3A_325 = tpu.memref_squeeze %dma_wait3A_324 : memref<1x16x1024xf32, #tpu.memory_space<hbm>> -> memref<16x1024xf32, #tpu.memory_space<hbm>>
    tpu.wait_dma2 semaphore(%arg20 : memref<!tpu.dma_semaphore, #tpu.memory_space<semaphore_mem>>) src(%arg8 : memref<16x1024xf32, #tpu.memory_space<vmem>>) dst(%dma_wait3A_325 : memref<16x1024xf32, #tpu.memory_space<hbm>>)
    %add3A_326 = arith.constant 32 : i32
    %add3A_327 = arith.addi %mul3A_2, %add3A_326 : i32
    %dma_start3A_328 = arith.constant 3 : i32
    %dma_start3A_329 = arith.constant 0 : i32
    %dma_start3A_330 = tpu.memref_slice %arg2[%dma_start3A_328, %add3A_327, %dma_start3A_329] : memref<4x4096x1024xf32, #tpu.memory_space<hbm>> -> memref<1x16x1024xf32, #tpu.memory_space<hbm>>
    %dma_start3A_331 = tpu.memref_squeeze %dma_start3A_330 : memref<1x16x1024xf32, #tpu.memory_space<hbm>> -> memref<16x1024xf32, #tpu.memory_space<hbm>>
    %dma_start3A_332 = arith.constant 0 : i32
    %dma_start3A_333 = tpu.memref_slice %arg2[%dma_start3A_328, %add3A_327, %dma_start3A_332] : memref<4x4096x1024xf32, #tpu.memory_space<hbm>> -> memref<1x16x1024xf32, #tpu.memory_space<hbm>>
    %dma_start3A_334 = tpu.memref_squeeze %dma_start3A_333 : memref<1x16x1024xf32, #tpu.memory_space<hbm>> -> memref<16x1024xf32, #tpu.memory_space<hbm>>
    tpu.enqueue_dma source(%dma_start3A_334 : memref<16x1024xf32, #tpu.memory_space<hbm>>) target(%arg8 : memref<16x1024xf32, #tpu.memory_space<vmem>>) target_semaphore(%arg15 : memref<!tpu.dma_semaphore, #tpu.memory_space<semaphore_mem>>)
    %dma_wait3A_335 = arith.constant 0 : i32
    %dma_wait3A_336 = tpu.memref_slice %arg3[%add3A_190, %dma_wait3A_335] : memref<8192x1024xf32, #tpu.memory_space<hbm>> -> memref<16x1024xf32, #tpu.memory_space<hbm>>
    %dma_wait3A_337 = arith.constant 0 : i32
    %dma_wait3A_338 = tpu.memref_slice %arg3[%add3A_190, %dma_wait3A_337] : memref<8192x1024xf32, #tpu.memory_space<hbm>> -> memref<16x1024xf32, #tpu.memory_space<hbm>>
    tpu.wait_dma2 semaphore(%arg12 : memref<!tpu.dma_semaphore, #tpu.memory_space<semaphore_mem>>) src(%dma_wait3A_338 : memref<16x1024xf32, #tpu.memory_space<hbm>>) dst(%arg5 : memref<16x1024xf32, #tpu.memory_space<vmem>>)
    %add3A_339 = arith.constant 48 : i32
    %add3A_340 = arith.addi %mul3A_2, %add3A_339 : i32
    %dma_start3A_341 = arith.constant 0 : i32
    %dma_start3A_342 = tpu.memref_slice %arg3[%add3A_340, %dma_start3A_341] : memref<8192x1024xf32, #tpu.memory_space<hbm>> -> memref<16x1024xf32, #tpu.memory_space<hbm>>
    %dma_start3A_343 = arith.constant 0 : i32
    %dma_start3A_344 = tpu.memref_slice %arg3[%add3A_340, %dma_start3A_343] : memref<8192x1024xf32, #tpu.memory_space<hbm>> -> memref<16x1024xf32, #tpu.memory_space<hbm>>
    tpu.enqueue_dma source(%dma_start3A_344 : memref<16x1024xf32, #tpu.memory_space<hbm>>) target(%arg6 : memref<16x1024xf32, #tpu.memory_space<vmem>>) target_semaphore(%arg13 : memref<!tpu.dma_semaphore, #tpu.memory_space<semaphore_mem>>)
    %dma_wait3A_345 = arith.constant 0 : i32
    %dma_wait3A_346 = arith.constant 0 : i32
    %dma_wait3A_347 = tpu.memref_slice %arg2[%dma_wait3A_345, %add3A_222, %dma_wait3A_346] : memref<4x4096x1024xf32, #tpu.memory_space<hbm>> -> memref<1x16x1024xf32, #tpu.memory_space<hbm>>
    %dma_wait3A_348 = tpu.memref_squeeze %dma_wait3A_347 : memref<1x16x1024xf32, #tpu.memory_space<hbm>> -> memref<16x1024xf32, #tpu.memory_space<hbm>>
    %dma_wait3A_349 = arith.constant 0 : i32
    %dma_wait3A_350 = tpu.memref_slice %arg2[%dma_wait3A_345, %add3A_222, %dma_wait3A_349] : memref<4x4096x1024xf32, #tpu.memory_space<hbm>> -> memref<1x16x1024xf32, #tpu.memory_space<hbm>>
    %dma_wait3A_351 = tpu.memref_squeeze %dma_wait3A_350 : memref<1x16x1024xf32, #tpu.memory_space<hbm>> -> memref<16x1024xf32, #tpu.memory_space<hbm>>
    tpu.wait_dma2 semaphore(%arg17 : memref<!tpu.dma_semaphore, #tpu.memory_space<semaphore_mem>>) src(%dma_wait3A_351 : memref<16x1024xf32, #tpu.memory_space<hbm>>) dst(%arg10 : memref<16x1024xf32, #tpu.memory_space<vmem>>)
    %parallel_loop3A_352 = arith.constant 0 : i32
    %parallel_loop3A_353 = arith.constant 16384 : i32
    %parallel_loop3A_354 = arith.constant 16 : i32
    scf.for %parallel_loop3A_1200 = %parallel_loop3A_352 to %parallel_loop3A_353 step %parallel_loop3A_354  : i32 {
      %parallel_loop3A_1201 = arith.constant 10 : i32
      %parallel_loop3A_1202 = arith.shrsi %parallel_loop3A_1200, %parallel_loop3A_1201 : i32
      %parallel_loop3A_1203 = arith.constant 1023 : i32
      %parallel_loop3A_1204 = arith.andi %parallel_loop3A_1200, %parallel_loop3A_1203 : i32
      %parallel_loop3A_1205 = tpu.assume_multiple %parallel_loop3A_1204, 16 : i32
      %parallel_loop3A_1206 = arith.index_cast %parallel_loop3A_1202 : i32 to index
      %parallel_loop3A_1207 = arith.index_cast %parallel_loop3A_1205 : i32 to index
      %parallel_loop3A_1208 = tpu.vector_load %arg5[%parallel_loop3A_1206, %parallel_loop3A_1207] {strides = array<i32>} : memref<16x1024xf32, #tpu.memory_space<vmem>>, vector<1x16xf32>,
      %parallel_loop3A_1209 = vector.shape_cast %parallel_loop3A_1208 : vector<1x16xf32> to vector<16xf32>
      %parallel_loop3A_1210 = arith.index_cast %parallel_loop3A_1202 : i32 to index
      %parallel_loop3A_1211 = arith.index_cast %parallel_loop3A_1205 : i32 to index
      %parallel_loop3A_1212 = tpu.vector_load %arg10[%parallel_loop3A_1210, %parallel_loop3A_1211] {strides = array<i32>} : memref<16x1024xf32, #tpu.memory_space<vmem>>, vector<1x16xf32>,
      %parallel_loop3A_1213 = vector.shape_cast %parallel_loop3A_1212 : vector<1x16xf32> to vector<16xf32>
      %parallel_loop3A_1214 = vector.shape_cast %parallel_loop3A_1209 : vector<16xf32> to vector<1x16xf32>
      tpu.vector_store %arg10[%parallel_loop3A_1210, %parallel_loop3A_1211], %parallel_loop3A_1214 {add = true, strides = array<i32>} : memref<16x1024xf32, #tpu.memory_space<vmem>>, vector<1x16xf32>,
    } {sc.loop_unroll_factor = 8 : i64, sc.parallel_access}
    %add3A_355 = arith.constant 32 : i32
    %add3A_356 = arith.addi %mul3A_2, %add3A_355 : i32
    %dma_start3A_357 = arith.constant 0 : i32
    %dma_start3A_358 = arith.constant 0 : i32
    %dma_start3A_359 = tpu.memref_slice %arg4[%dma_start3A_357, %add3A_356, %dma_start3A_358] : memref<4x4096x1024xf32, #tpu.memory_space<hbm>> -> memref<1x16x1024xf32, #tpu.memory_space<hbm>>
    %dma_start3A_360 = tpu.memref_squeeze %dma_start3A_359 : memref<1x16x1024xf32, #tpu.memory_space<hbm>> -> memref<16x1024xf32, #tpu.memory_space<hbm>>
    %dma_start3A_361 = arith.constant 0 : i32
    %dma_start3A_362 = tpu.memref_slice %arg4[%dma_start3A_357, %add3A_356, %dma_start3A_361] : memref<4x4096x1024xf32, #tpu.memory_space<hbm>> -> memref<1x16x1024xf32, #tpu.memory_space<hbm>>
    %dma_start3A_363 = tpu.memref_squeeze %dma_start3A_362 : memref<1x16x1024xf32, #tpu.memory_space<hbm>> -> memref<16x1024xf32, #tpu.memory_space<hbm>>
    tpu.enqueue_dma source(%arg10 : memref<16x1024xf32, #tpu.memory_space<vmem>>) target(%dma_start3A_363 : memref<16x1024xf32, #tpu.memory_space<hbm>>) target_semaphore(%arg22 : memref<!tpu.dma_semaphore, #tpu.memory_space<semaphore_mem>>)
    %dma_wait3A_364 = arith.constant 3 : i32
    %dma_wait3A_365 = arith.constant 0 : i32
    %dma_wait3A_366 = tpu.memref_slice %arg4[%dma_wait3A_364, %add3A_311, %dma_wait3A_365] : memref<4x4096x1024xf32, #tpu.memory_space<hbm>> -> memref<1x16x1024xf32, #tpu.memory_space<hbm>>
    %dma_wait3A_367 = tpu.memref_squeeze %dma_wait3A_366 : memref<1x16x1024xf32, #tpu.memory_space<hbm>> -> memref<16x1024xf32, #tpu.memory_space<hbm>>
    %dma_wait3A_368 = arith.constant 0 : i32
    %dma_wait3A_369 = tpu.memref_slice %arg4[%dma_wait3A_364, %add3A_311, %dma_wait3A_368] : memref<4x4096x1024xf32, #tpu.memory_space<hbm>> -> memref<1x16x1024xf32, #tpu.memory_space<hbm>>
    %dma_wait3A_370 = tpu.memref_squeeze %dma_wait3A_369 : memref<1x16x1024xf32, #tpu.memory_space<hbm>> -> memref<16x1024xf32, #tpu.memory_space<hbm>>
    tpu.wait_dma2 semaphore(%arg21 : memref<!tpu.dma_semaphore, #tpu.memory_space<semaphore_mem>>) src(%arg9 : memref<16x1024xf32, #tpu.memory_space<vmem>>) dst(%dma_wait3A_370 : memref<16x1024xf32, #tpu.memory_space<hbm>>)
    %add3A_371 = arith.constant 48 : i32
    %add3A_372 = arith.addi %mul3A_2, %add3A_371 : i32
    %dma_start3A_373 = arith.constant 0 : i32
    %dma_start3A_374 = arith.constant 0 : i32
    %dma_start3A_375 = tpu.memref_slice %arg2[%dma_start3A_373, %add3A_372, %dma_start3A_374] : memref<4x4096x1024xf32, #tpu.memory_space<hbm>> -> memref<1x16x1024xf32, #tpu.memory_space<hbm>>
    %dma_start3A_376 = tpu.memref_squeeze %dma_start3A_375 : memref<1x16x1024xf32, #tpu.memory_space<hbm>> -> memref<16x1024xf32, #tpu.memory_space<hbm>>
    %dma_start3A_377 = arith.constant 0 : i32
    %dma_start3A_378 = tpu.memref_slice %arg2[%dma_start3A_373, %add3A_372, %dma_start3A_377] : memref<4x4096x1024xf32, #tpu.memory_space<hbm>> -> memref<1x16x1024xf32, #tpu.memory_space<hbm>>
    %dma_start3A_379 = tpu.memref_squeeze %dma_start3A_378 : memref<1x16x1024xf32, #tpu.memory_space<hbm>> -> memref<16x1024xf32, #tpu.memory_space<hbm>>
    tpu.enqueue_dma source(%dma_start3A_379 : memref<16x1024xf32, #tpu.memory_space<hbm>>) target(%arg9 : memref<16x1024xf32, #tpu.memory_space<vmem>>) target_semaphore(%arg16 : memref<!tpu.dma_semaphore, #tpu.memory_space<semaphore_mem>>)
    %dma_wait3A_380 = arith.constant 1 : i32
    %dma_wait3A_381 = arith.constant 0 : i32
    %dma_wait3A_382 = tpu.memref_slice %arg2[%dma_wait3A_380, %add3A_257, %dma_wait3A_381] : memref<4x4096x1024xf32, #tpu.memory_space<hbm>> -> memref<1x16x1024xf32, #tpu.memory_space<hbm>>
    %dma_wait3A_383 = tpu.memref_squeeze %dma_wait3A_382 : memref<1x16x1024xf32, #tpu.memory_space<hbm>> -> memref<16x1024xf32, #tpu.memory_space<hbm>>
    %dma_wait3A_384 = arith.constant 0 : i32
    %dma_wait3A_385 = tpu.memref_slice %arg2[%dma_wait3A_380, %add3A_257, %dma_wait3A_384] : memref<4x4096x1024xf32, #tpu.memory_space<hbm>> -> memref<1x16x1024xf32, #tpu.memory_space<hbm>>
    %dma_wait3A_386 = tpu.memref_squeeze %dma_wait3A_385 : memref<1x16x1024xf32, #tpu.memory_space<hbm>> -> memref<16x1024xf32, #tpu.memory_space<hbm>>
    tpu.wait_dma2 semaphore(%arg18 : memref<!tpu.dma_semaphore, #tpu.memory_space<semaphore_mem>>) src(%dma_wait3A_386 : memref<16x1024xf32, #tpu.memory_space<hbm>>) dst(%arg11 : memref<16x1024xf32, #tpu.memory_space<vmem>>)
    %parallel_loop3A_387 = arith.constant 0 : i32
    %parallel_loop3A_388 = arith.constant 16384 : i32
    %parallel_loop3A_389 = arith.constant 16 : i32
    scf.for %parallel_loop3A_1200 = %parallel_loop3A_387 to %parallel_loop3A_388 step %parallel_loop3A_389  : i32 {
      %parallel_loop3A_1201 = arith.constant 10 : i32
      %parallel_loop3A_1202 = arith.shrsi %parallel_loop3A_1200, %parallel_loop3A_1201 : i32
      %parallel_loop3A_1203 = arith.constant 1023 : i32
      %parallel_loop3A_1204 = arith.andi %parallel_loop3A_1200, %parallel_loop3A_1203 : i32
      %parallel_loop3A_1205 = tpu.assume_multiple %parallel_loop3A_1204, 16 : i32
      %parallel_loop3A_1206 = arith.index_cast %parallel_loop3A_1202 : i32 to index
      %parallel_loop3A_1207 = arith.index_cast %parallel_loop3A_1205 : i32 to index
      %parallel_loop3A_1208 = tpu.vector_load %arg5[%parallel_loop3A_1206, %parallel_loop3A_1207] {strides = array<i32>} : memref<16x1024xf32, #tpu.memory_space<vmem>>, vector<1x16xf32>,
      %parallel_loop3A_1209 = vector.shape_cast %parallel_loop3A_1208 : vector<1x16xf32> to vector<16xf32>
      %parallel_loop3A_1210 = arith.index_cast %parallel_loop3A_1202 : i32 to index
      %parallel_loop3A_1211 = arith.index_cast %parallel_loop3A_1205 : i32 to index
      %parallel_loop3A_1212 = tpu.vector_load %arg11[%parallel_loop3A_1210, %parallel_loop3A_1211] {strides = array<i32>} : memref<16x1024xf32, #tpu.memory_space<vmem>>, vector<1x16xf32>,
      %parallel_loop3A_1213 = vector.shape_cast %parallel_loop3A_1212 : vector<1x16xf32> to vector<16xf32>
      %parallel_loop3A_1214 = vector.shape_cast %parallel_loop3A_1209 : vector<16xf32> to vector<1x16xf32>
      tpu.vector_store %arg11[%parallel_loop3A_1210, %parallel_loop3A_1211], %parallel_loop3A_1214 {add = true, strides = array<i32>} : memref<16x1024xf32, #tpu.memory_space<vmem>>, vector<1x16xf32>,
    } {sc.loop_unroll_factor = 8 : i64, sc.parallel_access}
    %add3A_390 = arith.constant 32 : i32
    %add3A_391 = arith.addi %mul3A_2, %add3A_390 : i32
    %dma_start3A_392 = arith.constant 1 : i32
    %dma_start3A_393 = arith.constant 0 : i32
    %dma_start3A_394 = tpu.memref_slice %arg4[%dma_start3A_392, %add3A_391, %dma_start3A_393] : memref<4x4096x1024xf32, #tpu.memory_space<hbm>> -> memref<1x16x1024xf32, #tpu.memory_space<hbm>>
    %dma_start3A_395 = tpu.memref_squeeze %dma_start3A_394 : memref<1x16x1024xf32, #tpu.memory_space<hbm>> -> memref<16x1024xf32, #tpu.memory_space<hbm>>
    %dma_start3A_396 = arith.constant 0 : i32
    %dma_start3A_397 = tpu.memref_slice %arg4[%dma_start3A_392, %add3A_391, %dma_start3A_396] : memref<4x4096x1024xf32, #tpu.memory_space<hbm>> -> memref<1x16x1024xf32, #tpu.memory_space<hbm>>
    %dma_start3A_398 = tpu.memref_squeeze %dma_start3A_397 : memref<1x16x1024xf32, #tpu.memory_space<hbm>> -> memref<16x1024xf32, #tpu.memory_space<hbm>>
    tpu.enqueue_dma source(%arg11 : memref<16x1024xf32, #tpu.memory_space<vmem>>) target(%dma_start3A_398 : memref<16x1024xf32, #tpu.memory_space<hbm>>) target_semaphore(%arg23 : memref<!tpu.dma_semaphore, #tpu.memory_space<semaphore_mem>>)
    %dma_wait3A_399 = arith.constant 0 : i32
    %dma_wait3A_400 = arith.constant 0 : i32
    %dma_wait3A_401 = tpu.memref_slice %arg4[%dma_wait3A_399, %add3A_356, %dma_wait3A_400] : memref<4x4096x1024xf32, #tpu.memory_space<hbm>> -> memref<1x16x1024xf32, #tpu.memory_space<hbm>>
    %dma_wait3A_402 = tpu.memref_squeeze %dma_wait3A_401 : memref<1x16x1024xf32, #tpu.memory_space<hbm>> -> memref<16x1024xf32, #tpu.memory_space<hbm>>
    %dma_wait3A_403 = arith.constant 0 : i32
    %dma_wait3A_404 = tpu.memref_slice %arg4[%dma_wait3A_399, %add3A_356, %dma_wait3A_403] : memref<4x4096x1024xf32, #tpu.memory_space<hbm>> -> memref<1x16x1024xf32, #tpu.memory_space<hbm>>
    %dma_wait3A_405 = tpu.memref_squeeze %dma_wait3A_404 : memref<1x16x1024xf32, #tpu.memory_space<hbm>> -> memref<16x1024xf32, #tpu.memory_space<hbm>>
    tpu.wait_dma2 semaphore(%arg22 : memref<!tpu.dma_semaphore, #tpu.memory_space<semaphore_mem>>) src(%arg10 : memref<16x1024xf32, #tpu.memory_space<vmem>>) dst(%dma_wait3A_405 : memref<16x1024xf32, #tpu.memory_space<hbm>>)
    %add3A_406 = arith.constant 48 : i32
    %add3A_407 = arith.addi %mul3A_2, %add3A_406 : i32
    %dma_start3A_408 = arith.constant 1 : i32
    %dma_start3A_409 = arith.constant 0 : i32
    %dma_start3A_410 = tpu.memref_slice %arg2[%dma_start3A_408, %add3A_407, %dma_start3A_409] : memref<4x4096x1024xf32, #tpu.memory_space<hbm>> -> memref<1x16x1024xf32, #tpu.memory_space<hbm>>
    %dma_start3A_411 = tpu.memref_squeeze %dma_start3A_410 : memref<1x16x1024xf32, #tpu.memory_space<hbm>> -> memref<16x1024xf32, #tpu.memory_space<hbm>>
    %dma_start3A_412 = arith.constant 0 : i32
    %dma_start3A_413 = tpu.memref_slice %arg2[%dma_start3A_408, %add3A_407, %dma_start3A_412] : memref<4x4096x1024xf32, #tpu.memory_space<hbm>> -> memref<1x16x1024xf32, #tpu.memory_space<hbm>>
    %dma_start3A_414 = tpu.memref_squeeze %dma_start3A_413 : memref<1x16x1024xf32, #tpu.memory_space<hbm>> -> memref<16x1024xf32, #tpu.memory_space<hbm>>
    tpu.enqueue_dma source(%dma_start3A_414 : memref<16x1024xf32, #tpu.memory_space<hbm>>) target(%arg10 : memref<16x1024xf32, #tpu.memory_space<vmem>>) target_semaphore(%arg17 : memref<!tpu.dma_semaphore, #tpu.memory_space<semaphore_mem>>)
    %dma_wait3A_415 = arith.constant 2 : i32
    %dma_wait3A_416 = arith.constant 0 : i32
    %dma_wait3A_417 = tpu.memref_slice %arg2[%dma_wait3A_415, %add3A_292, %dma_wait3A_416] : memref<4x4096x1024xf32, #tpu.memory_space<hbm>> -> memref<1x16x1024xf32, #tpu.memory_space<hbm>>
    %dma_wait3A_418 = tpu.memref_squeeze %dma_wait3A_417 : memref<1x16x1024xf32, #tpu.memory_space<hbm>> -> memref<16x1024xf32, #tpu.memory_space<hbm>>
    %dma_wait3A_419 = arith.constant 0 : i32
    %dma_wait3A_420 = tpu.memref_slice %arg2[%dma_wait3A_415, %add3A_292, %dma_wait3A_419] : memref<4x4096x1024xf32, #tpu.memory_space<hbm>> -> memref<1x16x1024xf32, #tpu.memory_space<hbm>>
    %dma_wait3A_421 = tpu.memref_squeeze %dma_wait3A_420 : memref<1x16x1024xf32, #tpu.memory_space<hbm>> -> memref<16x1024xf32, #tpu.memory_space<hbm>>
    tpu.wait_dma2 semaphore(%arg14 : memref<!tpu.dma_semaphore, #tpu.memory_space<semaphore_mem>>) src(%dma_wait3A_421 : memref<16x1024xf32, #tpu.memory_space<hbm>>) dst(%arg7 : memref<16x1024xf32, #tpu.memory_space<vmem>>)
    %parallel_loop3A_422 = arith.constant 0 : i32
    %parallel_loop3A_423 = arith.constant 16384 : i32
    %parallel_loop3A_424 = arith.constant 16 : i32
    scf.for %parallel_loop3A_1200 = %parallel_loop3A_422 to %parallel_loop3A_423 step %parallel_loop3A_424  : i32 {
      %parallel_loop3A_1201 = arith.constant 10 : i32
      %parallel_loop3A_1202 = arith.shrsi %parallel_loop3A_1200, %parallel_loop3A_1201 : i32
      %parallel_loop3A_1203 = arith.constant 1023 : i32
      %parallel_loop3A_1204 = arith.andi %parallel_loop3A_1200, %parallel_loop3A_1203 : i32
      %parallel_loop3A_1205 = tpu.assume_multiple %parallel_loop3A_1204, 16 : i32
      %parallel_loop3A_1206 = arith.index_cast %parallel_loop3A_1202 : i32 to index
      %parallel_loop3A_1207 = arith.index_cast %parallel_loop3A_1205 : i32 to index
      %parallel_loop3A_1208 = tpu.vector_load %arg5[%parallel_loop3A_1206, %parallel_loop3A_1207] {strides = array<i32>} : memref<16x1024xf32, #tpu.memory_space<vmem>>, vector<1x16xf32>,
      %parallel_loop3A_1209 = vector.shape_cast %parallel_loop3A_1208 : vector<1x16xf32> to vector<16xf32>
      %parallel_loop3A_1210 = arith.index_cast %parallel_loop3A_1202 : i32 to index
      %parallel_loop3A_1211 = arith.index_cast %parallel_loop3A_1205 : i32 to index
      %parallel_loop3A_1212 = tpu.vector_load %arg7[%parallel_loop3A_1210, %parallel_loop3A_1211] {strides = array<i32>} : memref<16x1024xf32, #tpu.memory_space<vmem>>, vector<1x16xf32>,
      %parallel_loop3A_1213 = vector.shape_cast %parallel_loop3A_1212 : vector<1x16xf32> to vector<16xf32>
      %parallel_loop3A_1214 = vector.shape_cast %parallel_loop3A_1209 : vector<16xf32> to vector<1x16xf32>
      tpu.vector_store %arg7[%parallel_loop3A_1210, %parallel_loop3A_1211], %parallel_loop3A_1214 {add = true, strides = array<i32>} : memref<16x1024xf32, #tpu.memory_space<vmem>>, vector<1x16xf32>,
    } {sc.loop_unroll_factor = 8 : i64, sc.parallel_access}
    %add3A_425 = arith.constant 32 : i32
    %add3A_426 = arith.addi %mul3A_2, %add3A_425 : i32
    %dma_start3A_427 = arith.constant 2 : i32
    %dma_start3A_428 = arith.constant 0 : i32
    %dma_start3A_429 = tpu.memref_slice %arg4[%dma_start3A_427, %add3A_426, %dma_start3A_428] : memref<4x4096x1024xf32, #tpu.memory_space<hbm>> -> memref<1x16x1024xf32, #tpu.memory_space<hbm>>
    %dma_start3A_430 = tpu.memref_squeeze %dma_start3A_429 : memref<1x16x1024xf32, #tpu.memory_space<hbm>> -> memref<16x1024xf32, #tpu.memory_space<hbm>>
    %dma_start3A_431 = arith.constant 0 : i32
    %dma_start3A_432 = tpu.memref_slice %arg4[%dma_start3A_427, %add3A_426, %dma_start3A_431] : memref<4x4096x1024xf32, #tpu.memory_space<hbm>> -> memref<1x16x1024xf32, #tpu.memory_space<hbm>>
    %dma_start3A_433 = tpu.memref_squeeze %dma_start3A_432 : memref<1x16x1024xf32, #tpu.memory_space<hbm>> -> memref<16x1024xf32, #tpu.memory_space<hbm>>
    tpu.enqueue_dma source(%arg7 : memref<16x1024xf32, #tpu.memory_space<vmem>>) target(%dma_start3A_433 : memref<16x1024xf32, #tpu.memory_space<hbm>>) target_semaphore(%arg19 : memref<!tpu.dma_semaphore, #tpu.memory_space<semaphore_mem>>)
    %dma_wait3A_434 = arith.constant 1 : i32
    %dma_wait3A_435 = arith.constant 0 : i32
    %dma_wait3A_436 = tpu.memref_slice %arg4[%dma_wait3A_434, %add3A_391, %dma_wait3A_435] : memref<4x4096x1024xf32, #tpu.memory_space<hbm>> -> memref<1x16x1024xf32, #tpu.memory_space<hbm>>
    %dma_wait3A_437 = tpu.memref_squeeze %dma_wait3A_436 : memref<1x16x1024xf32, #tpu.memory_space<hbm>> -> memref<16x1024xf32, #tpu.memory_space<hbm>>
    %dma_wait3A_438 = arith.constant 0 : i32
    %dma_wait3A_439 = tpu.memref_slice %arg4[%dma_wait3A_434, %add3A_391, %dma_wait3A_438] : memref<4x4096x1024xf32, #tpu.memory_space<hbm>> -> memref<1x16x1024xf32, #tpu.memory_space<hbm>>
    %dma_wait3A_440 = tpu.memref_squeeze %dma_wait3A_439 : memref<1x16x1024xf32, #tpu.memory_space<hbm>> -> memref<16x1024xf32, #tpu.memory_space<hbm>>
    tpu.wait_dma2 semaphore(%arg23 : memref<!tpu.dma_semaphore, #tpu.memory_space<semaphore_mem>>) src(%arg11 : memref<16x1024xf32, #tpu.memory_space<vmem>>) dst(%dma_wait3A_440 : memref<16x1024xf32, #tpu.memory_space<hbm>>)
    %add3A_441 = arith.constant 48 : i32
    %add3A_442 = arith.addi %mul3A_2, %add3A_441 : i32
    %dma_start3A_443 = arith.constant 2 : i32
    %dma_start3A_444 = arith.constant 0 : i32
    %dma_start3A_445 = tpu.memref_slice %arg2[%dma_start3A_443, %add3A_442, %dma_start3A_444] : memref<4x4096x1024xf32, #tpu.memory_space<hbm>> -> memref<1x16x1024xf32, #tpu.memory_space<hbm>>
    %dma_start3A_446 = tpu.memref_squeeze %dma_start3A_445 : memref<1x16x1024xf32, #tpu.memory_space<hbm>> -> memref<16x1024xf32, #tpu.memory_space<hbm>>
    %dma_start3A_447 = arith.constant 0 : i32
    %dma_start3A_448 = tpu.memref_slice %arg2[%dma_start3A_443, %add3A_442, %dma_start3A_447] : memref<4x4096x1024xf32, #tpu.memory_space<hbm>> -> memref<1x16x1024xf32, #tpu.memory_space<hbm>>
    %dma_start3A_449 = tpu.memref_squeeze %dma_start3A_448 : memref<1x16x1024xf32, #tpu.memory_space<hbm>> -> memref<16x1024xf32, #tpu.memory_space<hbm>>
    tpu.enqueue_dma source(%dma_start3A_449 : memref<16x1024xf32, #tpu.memory_space<hbm>>) target(%arg11 : memref<16x1024xf32, #tpu.memory_space<vmem>>) target_semaphore(%arg18 : memref<!tpu.dma_semaphore, #tpu.memory_space<semaphore_mem>>)
    %dma_wait3A_450 = arith.constant 3 : i32
    %dma_wait3A_451 = arith.constant 0 : i32
    %dma_wait3A_452 = tpu.memref_slice %arg2[%dma_wait3A_450, %add3A_327, %dma_wait3A_451] : memref<4x4096x1024xf32, #tpu.memory_space<hbm>> -> memref<1x16x1024xf32, #tpu.memory_space<hbm>>
    %dma_wait3A_453 = tpu.memref_squeeze %dma_wait3A_452 : memref<1x16x1024xf32, #tpu.memory_space<hbm>> -> memref<16x1024xf32, #tpu.memory_space<hbm>>
    %dma_wait3A_454 = arith.constant 0 : i32
    %dma_wait3A_455 = tpu.memref_slice %arg2[%dma_wait3A_450, %add3A_327, %dma_wait3A_454] : memref<4x4096x1024xf32, #tpu.memory_space<hbm>> -> memref<1x16x1024xf32, #tpu.memory_space<hbm>>
    %dma_wait3A_456 = tpu.memref_squeeze %dma_wait3A_455 : memref<1x16x1024xf32, #tpu.memory_space<hbm>> -> memref<16x1024xf32, #tpu.memory_space<hbm>>
    tpu.wait_dma2 semaphore(%arg15 : memref<!tpu.dma_semaphore, #tpu.memory_space<semaphore_mem>>) src(%dma_wait3A_456 : memref<16x1024xf32, #tpu.memory_space<hbm>>) dst(%arg8 : memref<16x1024xf32, #tpu.memory_space<vmem>>)
    %parallel_loop3A_457 = arith.constant 0 : i32
    %parallel_loop3A_458 = arith.constant 16384 : i32
    %parallel_loop3A_459 = arith.constant 16 : i32
    scf.for %parallel_loop3A_1200 = %parallel_loop3A_457 to %parallel_loop3A_458 step %parallel_loop3A_459  : i32 {
      %parallel_loop3A_1201 = arith.constant 10 : i32
      %parallel_loop3A_1202 = arith.shrsi %parallel_loop3A_1200, %parallel_loop3A_1201 : i32
      %parallel_loop3A_1203 = arith.constant 1023 : i32
      %parallel_loop3A_1204 = arith.andi %parallel_loop3A_1200, %parallel_loop3A_1203 : i32
      %parallel_loop3A_1205 = tpu.assume_multiple %parallel_loop3A_1204, 16 : i32
      %parallel_loop3A_1206 = arith.index_cast %parallel_loop3A_1202 : i32 to index
      %parallel_loop3A_1207 = arith.index_cast %parallel_loop3A_1205 : i32 to index
      %parallel_loop3A_1208 = tpu.vector_load %arg5[%parallel_loop3A_1206, %parallel_loop3A_1207] {strides = array<i32>} : memref<16x1024xf32, #tpu.memory_space<vmem>>, vector<1x16xf32>,
      %parallel_loop3A_1209 = vector.shape_cast %parallel_loop3A_1208 : vector<1x16xf32> to vector<16xf32>
      %parallel_loop3A_1210 = arith.index_cast %parallel_loop3A_1202 : i32 to index
      %parallel_loop3A_1211 = arith.index_cast %parallel_loop3A_1205 : i32 to index
      %parallel_loop3A_1212 = tpu.vector_load %arg8[%parallel_loop3A_1210, %parallel_loop3A_1211] {strides = array<i32>} : memref<16x1024xf32, #tpu.memory_space<vmem>>, vector<1x16xf32>,
      %parallel_loop3A_1213 = vector.shape_cast %parallel_loop3A_1212 : vector<1x16xf32> to vector<16xf32>
      %parallel_loop3A_1214 = vector.shape_cast %parallel_loop3A_1209 : vector<16xf32> to vector<1x16xf32>
      tpu.vector_store %arg8[%parallel_loop3A_1210, %parallel_loop3A_1211], %parallel_loop3A_1214 {add = true, strides = array<i32>} : memref<16x1024xf32, #tpu.memory_space<vmem>>, vector<1x16xf32>,
    } {sc.loop_unroll_factor = 8 : i64, sc.parallel_access}
    %add3A_460 = arith.constant 32 : i32
    %add3A_461 = arith.addi %mul3A_2, %add3A_460 : i32
    %dma_start3A_462 = arith.constant 3 : i32
    %dma_start3A_463 = arith.constant 0 : i32
    %dma_start3A_464 = tpu.memref_slice %arg4[%dma_start3A_462, %add3A_461, %dma_start3A_463] : memref<4x4096x1024xf32, #tpu.memory_space<hbm>> -> memref<1x16x1024xf32, #tpu.memory_space<hbm>>
    %dma_start3A_465 = tpu.memref_squeeze %dma_start3A_464 : memref<1x16x1024xf32, #tpu.memory_space<hbm>> -> memref<16x1024xf32, #tpu.memory_space<hbm>>
    %dma_start3A_466 = arith.constant 0 : i32
    %dma_start3A_467 = tpu.memref_slice %arg4[%dma_start3A_462, %add3A_461, %dma_start3A_466] : memref<4x4096x1024xf32, #tpu.memory_space<hbm>> -> memref<1x16x1024xf32, #tpu.memory_space<hbm>>
    %dma_start3A_468 = tpu.memref_squeeze %dma_start3A_467 : memref<1x16x1024xf32, #tpu.memory_space<hbm>> -> memref<16x1024xf32, #tpu.memory_space<hbm>>
    tpu.enqueue_dma source(%arg8 : memref<16x1024xf32, #tpu.memory_space<vmem>>) target(%dma_start3A_468 : memref<16x1024xf32, #tpu.memory_space<hbm>>) target_semaphore(%arg20 : memref<!tpu.dma_semaphore, #tpu.memory_space<semaphore_mem>>)
    %dma_wait3A_469 = arith.constant 2 : i32
    %dma_wait3A_470 = arith.constant 0 : i32
    %dma_wait3A_471 = tpu.memref_slice %arg4[%dma_wait3A_469, %add3A_426, %dma_wait3A_470] : memref<4x4096x1024xf32, #tpu.memory_space<hbm>> -> memref<1x16x1024xf32, #tpu.memory_space<hbm>>
    %dma_wait3A_472 = tpu.memref_squeeze %dma_wait3A_471 : memref<1x16x1024xf32, #tpu.memory_space<hbm>> -> memref<16x1024xf32, #tpu.memory_space<hbm>>
    %dma_wait3A_473 = arith.constant 0 : i32
    %dma_wait3A_474 = tpu.memref_slice %arg4[%dma_wait3A_469, %add3A_426, %dma_wait3A_473] : memref<4x4096x1024xf32, #tpu.memory_space<hbm>> -> memref<1x16x1024xf32, #tpu.memory_space<hbm>>
    %dma_wait3A_475 = tpu.memref_squeeze %dma_wait3A_474 : memref<1x16x1024xf32, #tpu.memory_space<hbm>> -> memref<16x1024xf32, #tpu.memory_space<hbm>>
    tpu.wait_dma2 semaphore(%arg19 : memref<!tpu.dma_semaphore, #tpu.memory_space<semaphore_mem>>) src(%arg7 : memref<16x1024xf32, #tpu.memory_space<vmem>>) dst(%dma_wait3A_475 : memref<16x1024xf32, #tpu.memory_space<hbm>>)
    %add3A_476 = arith.constant 48 : i32
    %add3A_477 = arith.addi %mul3A_2, %add3A_476 : i32
    %dma_start3A_478 = arith.constant 3 : i32
    %dma_start3A_479 = arith.constant 0 : i32
    %dma_start3A_480 = tpu.memref_slice %arg2[%dma_start3A_478, %add3A_477, %dma_start3A_479] : memref<4x4096x1024xf32, #tpu.memory_space<hbm>> -> memref<1x16x1024xf32, #tpu.memory_space<hbm>>
    %dma_start3A_481 = tpu.memref_squeeze %dma_start3A_480 : memref<1x16x1024xf32, #tpu.memory_space<hbm>> -> memref<16x1024xf32, #tpu.memory_space<hbm>>
    %dma_start3A_482 = arith.constant 0 : i32
    %dma_start3A_483 = tpu.memref_slice %arg2[%dma_start3A_478, %add3A_477, %dma_start3A_482] : memref<4x4096x1024xf32, #tpu.memory_space<hbm>> -> memref<1x16x1024xf32, #tpu.memory_space<hbm>>
    %dma_start3A_484 = tpu.memref_squeeze %dma_start3A_483 : memref<1x16x1024xf32, #tpu.memory_space<hbm>> -> memref<16x1024xf32, #tpu.memory_space<hbm>>
    tpu.enqueue_dma source(%dma_start3A_484 : memref<16x1024xf32, #tpu.memory_space<hbm>>) target(%arg7 : memref<16x1024xf32, #tpu.memory_space<vmem>>) target_semaphore(%arg14 : memref<!tpu.dma_semaphore, #tpu.memory_space<semaphore_mem>>)
    %dma_wait3A_485 = arith.constant 0 : i32
    %dma_wait3A_486 = tpu.memref_slice %arg3[%add3A_340, %dma_wait3A_485] : memref<8192x1024xf32, #tpu.memory_space<hbm>> -> memref<16x1024xf32, #tpu.memory_space<hbm>>
    %dma_wait3A_487 = arith.constant 0 : i32
    %dma_wait3A_488 = tpu.memref_slice %arg3[%add3A_340, %dma_wait3A_487] : memref<8192x1024xf32, #tpu.memory_space<hbm>> -> memref<16x1024xf32, #tpu.memory_space<hbm>>
    tpu.wait_dma2 semaphore(%arg13 : memref<!tpu.dma_semaphore, #tpu.memory_space<semaphore_mem>>) src(%dma_wait3A_488 : memref<16x1024xf32, #tpu.memory_space<hbm>>) dst(%arg6 : memref<16x1024xf32, #tpu.memory_space<vmem>>)
    %add3A_489 = arith.constant 64 : i32
    %add3A_490 = arith.addi %mul3A_2, %add3A_489 : i32
    %dma_start3A_491 = arith.constant 0 : i32
    %dma_start3A_492 = tpu.memref_slice %arg3[%add3A_490, %dma_start3A_491] : memref<8192x1024xf32, #tpu.memory_space<hbm>> -> memref<16x1024xf32, #tpu.memory_space<hbm>>
    %dma_start3A_493 = arith.constant 0 : i32
    %dma_start3A_494 = tpu.memref_slice %arg3[%add3A_490, %dma_start3A_493] : memref<8192x1024xf32, #tpu.memory_space<hbm>> -> memref<16x1024xf32, #tpu.memory_space<hbm>>
    tpu.enqueue_dma source(%dma_start3A_494 : memref<16x1024xf32, #tpu.memory_space<hbm>>) target(%arg5 : memref<16x1024xf32, #tpu.memory_space<vmem>>) target_semaphore(%arg12 : memref<!tpu.dma_semaphore, #tpu.memory_space<semaphore_mem>>)
    %dma_wait3A_495 = arith.constant 0 : i32
    %dma_wait3A_496 = arith.constant 0 : i32
    %dma_wait3A_497 = tpu.memref_slice %arg2[%dma_wait3A_495, %add3A_372, %dma_wait3A_496] : memref<4x4096x1024xf32, #tpu.memory_space<hbm>> -> memref<1x16x1024xf32, #tpu.memory_space<hbm>>
    %dma_wait3A_498 = tpu.memref_squeeze %dma_wait3A_497 : memref<1x16x1024xf32, #tpu.memory_space<hbm>> -> memref<16x1024xf32, #tpu.memory_space<hbm>>
    %dma_wait3A_499 = arith.constant 0 : i32
    %dma_wait3A_500 = tpu.memref_slice %arg2[%dma_wait3A_495, %add3A_372, %dma_wait3A_499] : memref<4x4096x1024xf32, #tpu.memory_space<hbm>> -> memref<1x16x1024xf32, #tpu.memory_space<hbm>>
    %dma_wait3A_501 = tpu.memref_squeeze %dma_wait3A_500 : memref<1x16x1024xf32, #tpu.memory_space<hbm>> -> memref<16x1024xf32, #tpu.memory_space<hbm>>
    tpu.wait_dma2 semaphore(%arg16 : memref<!tpu.dma_semaphore, #tpu.memory_space<semaphore_mem>>) src(%dma_wait3A_501 : memref<16x1024xf32, #tpu.memory_space<hbm>>) dst(%arg9 : memref<16x1024xf32, #tpu.memory_space<vmem>>)
    %parallel_loop3A_502 = arith.constant 0 : i32
    %parallel_loop3A_503 = arith.constant 16384 : i32
    %parallel_loop3A_504 = arith.constant 16 : i32
    scf.for %parallel_loop3A_1200 = %parallel_loop3A_502 to %parallel_loop3A_503 step %parallel_loop3A_504  : i32 {
      %parallel_loop3A_1201 = arith.constant 10 : i32
      %parallel_loop3A_1202 = arith.shrsi %parallel_loop3A_1200, %parallel_loop3A_1201 : i32
      %parallel_loop3A_1203 = arith.constant 1023 : i32
      %parallel_loop3A_1204 = arith.andi %parallel_loop3A_1200, %parallel_loop3A_1203 : i32
      %parallel_loop3A_1205 = tpu.assume_multiple %parallel_loop3A_1204, 16 : i32
      %parallel_loop3A_1206 = arith.index_cast %parallel_loop3A_1202 : i32 to index
      %parallel_loop3A_1207 = arith.index_cast %parallel_loop3A_1205 : i32 to index
      %parallel_loop3A_1208 = tpu.vector_load %arg6[%parallel_loop3A_1206, %parallel_loop3A_1207] {strides = array<i32>} : memref<16x1024xf32, #tpu.memory_space<vmem>>, vector<1x16xf32>,
      %parallel_loop3A_1209 = vector.shape_cast %parallel_loop3A_1208 : vector<1x16xf32> to vector<16xf32>
      %parallel_loop3A_1210 = arith.index_cast %parallel_loop3A_1202 : i32 to index
      %parallel_loop3A_1211 = arith.index_cast %parallel_loop3A_1205 : i32 to index
      %parallel_loop3A_1212 = tpu.vector_load %arg9[%parallel_loop3A_1210, %parallel_loop3A_1211] {strides = array<i32>} : memref<16x1024xf32, #tpu.memory_space<vmem>>, vector<1x16xf32>,
      %parallel_loop3A_1213 = vector.shape_cast %parallel_loop3A_1212 : vector<1x16xf32> to vector<16xf32>
      %parallel_loop3A_1214 = vector.shape_cast %parallel_loop3A_1209 : vector<16xf32> to vector<1x16xf32>
      tpu.vector_store %arg9[%parallel_loop3A_1210, %parallel_loop3A_1211], %parallel_loop3A_1214 {add = true, strides = array<i32>} : memref<16x1024xf32, #tpu.memory_space<vmem>>, vector<1x16xf32>,
    } {sc.loop_unroll_factor = 8 : i64, sc.parallel_access}
    %add3A_505 = arith.constant 48 : i32
    %add3A_506 = arith.addi %mul3A_2, %add3A_505 : i32
    %dma_start3A_507 = arith.constant 0 : i32
    %dma_start3A_508 = arith.constant 0 : i32
    %dma_start3A_509 = tpu.memref_slice %arg4[%dma_start3A_507, %add3A_506, %dma_start3A_508] : memref<4x4096x1024xf32, #tpu.memory_space<hbm>> -> memref<1x16x1024xf32, #tpu.memory_space<hbm>>
    %dma_start3A_510 = tpu.memref_squeeze %dma_start3A_509 : memref<1x16x1024xf32, #tpu.memory_space<hbm>> -> memref<16x1024xf32, #tpu.memory_space<hbm>>
    %dma_start3A_511 = arith.constant 0 : i32
    %dma_start3A_512 = tpu.memref_slice %arg4[%dma_start3A_507, %add3A_506, %dma_start3A_511] : memref<4x4096x1024xf32, #tpu.memory_space<hbm>> -> memref<1x16x1024xf32, #tpu.memory_space<hbm>>
    %dma_start3A_513 = tpu.memref_squeeze %dma_start3A_512 : memref<1x16x1024xf32, #tpu.memory_space<hbm>> -> memref<16x1024xf32, #tpu.memory_space<hbm>>
    tpu.enqueue_dma source(%arg9 : memref<16x1024xf32, #tpu.memory_space<vmem>>) target(%dma_start3A_513 : memref<16x1024xf32, #tpu.memory_space<hbm>>) target_semaphore(%arg21 : memref<!tpu.dma_semaphore, #tpu.memory_space<semaphore_mem>>)
    %dma_wait3A_514 = arith.constant 3 : i32
    %dma_wait3A_515 = arith.constant 0 : i32
    %dma_wait3A_516 = tpu.memref_slice %arg4[%dma_wait3A_514, %add3A_461, %dma_wait3A_515] : memref<4x4096x1024xf32, #tpu.memory_space<hbm>> -> memref<1x16x1024xf32, #tpu.memory_space<hbm>>
    %dma_wait3A_517 = tpu.memref_squeeze %dma_wait3A_516 : memref<1x16x1024xf32, #tpu.memory_space<hbm>> -> memref<16x1024xf32, #tpu.memory_space<hbm>>
    %dma_wait3A_518 = arith.constant 0 : i32
    %dma_wait3A_519 = tpu.memref_slice %arg4[%dma_wait3A_514, %add3A_461, %dma_wait3A_518] : memref<4x4096x1024xf32, #tpu.memory_space<hbm>> -> memref<1x16x1024xf32, #tpu.memory_space<hbm>>
    %dma_wait3A_520 = tpu.memref_squeeze %dma_wait3A_519 : memref<1x16x1024xf32, #tpu.memory_space<hbm>> -> memref<16x1024xf32, #tpu.memory_space<hbm>>
    tpu.wait_dma2 semaphore(%arg20 : memref<!tpu.dma_semaphore, #tpu.memory_space<semaphore_mem>>) src(%arg8 : memref<16x1024xf32, #tpu.memory_space<vmem>>) dst(%dma_wait3A_520 : memref<16x1024xf32, #tpu.memory_space<hbm>>)
    %add3A_521 = arith.constant 64 : i32
    %add3A_522 = arith.addi %mul3A_2, %add3A_521 : i32
    %dma_start3A_523 = arith.constant 0 : i32
    %dma_start3A_524 = arith.constant 0 : i32
    %dma_start3A_525 = tpu.memref_slice %arg2[%dma_start3A_523, %add3A_522, %dma_start3A_524] : memref<4x4096x1024xf32, #tpu.memory_space<hbm>> -> memref<1x16x1024xf32, #tpu.memory_space<hbm>>
    %dma_start3A_526 = tpu.memref_squeeze %dma_start3A_525 : memref<1x16x1024xf32, #tpu.memory_space<hbm>> -> memref<16x1024xf32, #tpu.memory_space<hbm>>
    %dma_start3A_527 = arith.constant 0 : i32
    %dma_start3A_528 = tpu.memref_slice %arg2[%dma_start3A_523, %add3A_522, %dma_start3A_527] : memref<4x4096x1024xf32, #tpu.memory_space<hbm>> -> memref<1x16x1024xf32, #tpu.memory_space<hbm>>
    %dma_start3A_529 = tpu.memref_squeeze %dma_start3A_528 : memref<1x16x1024xf32, #tpu.memory_space<hbm>> -> memref<16x1024xf32, #tpu.memory_space<hbm>>
    tpu.enqueue_dma source(%dma_start3A_529 : memref<16x1024xf32, #tpu.memory_space<hbm>>) target(%arg8 : memref<16x1024xf32, #tpu.memory_space<vmem>>) target_semaphore(%arg15 : memref<!tpu.dma_semaphore, #tpu.memory_space<semaphore_mem>>)
    %dma_wait3A_530 = arith.constant 1 : i32
    %dma_wait3A_531 = arith.constant 0 : i32
    %dma_wait3A_532 = tpu.memref_slice %arg2[%dma_wait3A_530, %add3A_407, %dma_wait3A_531] : memref<4x4096x1024xf32, #tpu.memory_space<hbm>> -> memref<1x16x1024xf32, #tpu.memory_space<hbm>>
    %dma_wait3A_533 = tpu.memref_squeeze %dma_wait3A_532 : memref<1x16x1024xf32, #tpu.memory_space<hbm>> -> memref<16x1024xf32, #tpu.memory_space<hbm>>
    %dma_wait3A_534 = arith.constant 0 : i32
    %dma_wait3A_535 = tpu.memref_slice %arg2[%dma_wait3A_530, %add3A_407, %dma_wait3A_534] : memref<4x4096x1024xf32, #tpu.memory_space<hbm>> -> memref<1x16x1024xf32, #tpu.memory_space<hbm>>
    %dma_wait3A_536 = tpu.memref_squeeze %dma_wait3A_535 : memref<1x16x1024xf32, #tpu.memory_space<hbm>> -> memref<16x1024xf32, #tpu.memory_space<hbm>>
    tpu.wait_dma2 semaphore(%arg17 : memref<!tpu.dma_semaphore, #tpu.memory_space<semaphore_mem>>) src(%dma_wait3A_536 : memref<16x1024xf32, #tpu.memory_space<hbm>>) dst(%arg10 : memref<16x1024xf32, #tpu.memory_space<vmem>>)
    %parallel_loop3A_537 = arith.constant 0 : i32
    %parallel_loop3A_538 = arith.constant 16384 : i32
    %parallel_loop3A_539 = arith.constant 16 : i32
    scf.for %parallel_loop3A_1200 = %parallel_loop3A_537 to %parallel_loop3A_538 step %parallel_loop3A_539  : i32 {
      %parallel_loop3A_1201 = arith.constant 10 : i32
      %parallel_loop3A_1202 = arith.shrsi %parallel_loop3A_1200, %parallel_loop3A_1201 : i32
      %parallel_loop3A_1203 = arith.constant 1023 : i32
      %parallel_loop3A_1204 = arith.andi %parallel_loop3A_1200, %parallel_loop3A_1203 : i32
      %parallel_loop3A_1205 = tpu.assume_multiple %parallel_loop3A_1204, 16 : i32
      %parallel_loop3A_1206 = arith.index_cast %parallel_loop3A_1202 : i32 to index
      %parallel_loop3A_1207 = arith.index_cast %parallel_loop3A_1205 : i32 to index
      %parallel_loop3A_1208 = tpu.vector_load %arg6[%parallel_loop3A_1206, %parallel_loop3A_1207] {strides = array<i32>} : memref<16x1024xf32, #tpu.memory_space<vmem>>, vector<1x16xf32>,
      %parallel_loop3A_1209 = vector.shape_cast %parallel_loop3A_1208 : vector<1x16xf32> to vector<16xf32>
      %parallel_loop3A_1210 = arith.index_cast %parallel_loop3A_1202 : i32 to index
      %parallel_loop3A_1211 = arith.index_cast %parallel_loop3A_1205 : i32 to index
      %parallel_loop3A_1212 = tpu.vector_load %arg10[%parallel_loop3A_1210, %parallel_loop3A_1211] {strides = array<i32>} : memref<16x1024xf32, #tpu.memory_space<vmem>>, vector<1x16xf32>,
      %parallel_loop3A_1213 = vector.shape_cast %parallel_loop3A_1212 : vector<1x16xf32> to vector<16xf32>
      %parallel_loop3A_1214 = vector.shape_cast %parallel_loop3A_1209 : vector<16xf32> to vector<1x16xf32>
      tpu.vector_store %arg10[%parallel_loop3A_1210, %parallel_loop3A_1211], %parallel_loop3A_1214 {add = true, strides = array<i32>} : memref<16x1024xf32, #tpu.memory_space<vmem>>, vector<1x16xf32>,
    } {sc.loop_unroll_factor = 8 : i64, sc.parallel_access}
    %add3A_540 = arith.constant 48 : i32
    %add3A_541 = arith.addi %mul3A_2, %add3A_540 : i32
    %dma_start3A_542 = arith.constant 1 : i32
    %dma_start3A_543 = arith.constant 0 : i32
    %dma_start3A_544 = tpu.memref_slice %arg4[%dma_start3A_542, %add3A_541, %dma_start3A_543] : memref<4x4096x1024xf32, #tpu.memory_space<hbm>> -> memref<1x16x1024xf32, #tpu.memory_space<hbm>>
    %dma_start3A_545 = tpu.memref_squeeze %dma_start3A_544 : memref<1x16x1024xf32, #tpu.memory_space<hbm>> -> memref<16x1024xf32, #tpu.memory_space<hbm>>
    %dma_start3A_546 = arith.constant 0 : i32
    %dma_start3A_547 = tpu.memref_slice %arg4[%dma_start3A_542, %add3A_541, %dma_start3A_546] : memref<4x4096x1024xf32, #tpu.memory_space<hbm>> -> memref<1x16x1024xf32, #tpu.memory_space<hbm>>
    %dma_start3A_548 = tpu.memref_squeeze %dma_start3A_547 : memref<1x16x1024xf32, #tpu.memory_space<hbm>> -> memref<16x1024xf32, #tpu.memory_space<hbm>>
    tpu.enqueue_dma source(%arg10 : memref<16x1024xf32, #tpu.memory_space<vmem>>) target(%dma_start3A_548 : memref<16x1024xf32, #tpu.memory_space<hbm>>) target_semaphore(%arg22 : memref<!tpu.dma_semaphore, #tpu.memory_space<semaphore_mem>>)
    %dma_wait3A_549 = arith.constant 0 : i32
    %dma_wait3A_550 = arith.constant 0 : i32
    %dma_wait3A_551 = tpu.memref_slice %arg4[%dma_wait3A_549, %add3A_506, %dma_wait3A_550] : memref<4x4096x1024xf32, #tpu.memory_space<hbm>> -> memref<1x16x1024xf32, #tpu.memory_space<hbm>>
    %dma_wait3A_552 = tpu.memref_squeeze %dma_wait3A_551 : memref<1x16x1024xf32, #tpu.memory_space<hbm>> -> memref<16x1024xf32, #tpu.memory_space<hbm>>
    %dma_wait3A_553 = arith.constant 0 : i32
    %dma_wait3A_554 = tpu.memref_slice %arg4[%dma_wait3A_549, %add3A_506, %dma_wait3A_553] : memref<4x4096x1024xf32, #tpu.memory_space<hbm>> -> memref<1x16x1024xf32, #tpu.memory_space<hbm>>
    %dma_wait3A_555 = tpu.memref_squeeze %dma_wait3A_554 : memref<1x16x1024xf32, #tpu.memory_space<hbm>> -> memref<16x1024xf32, #tpu.memory_space<hbm>>
    tpu.wait_dma2 semaphore(%arg21 : memref<!tpu.dma_semaphore, #tpu.memory_space<semaphore_mem>>) src(%arg9 : memref<16x1024xf32, #tpu.memory_space<vmem>>) dst(%dma_wait3A_555 : memref<16x1024xf32, #tpu.memory_space<hbm>>)
    %add3A_556 = arith.constant 64 : i32
    %add3A_557 = arith.addi %mul3A_2, %add3A_556 : i32
    %dma_start3A_558 = arith.constant 1 : i32
    %dma_start3A_559 = arith.constant 0 : i32
    %dma_start3A_560 = tpu.memref_slice %arg2[%dma_start3A_558, %add3A_557, %dma_start3A_559] : memref<4x4096x1024xf32, #tpu.memory_space<hbm>> -> memref<1x16x1024xf32, #tpu.memory_space<hbm>>
    %dma_start3A_561 = tpu.memref_squeeze %dma_start3A_560 : memref<1x16x1024xf32, #tpu.memory_space<hbm>> -> memref<16x1024xf32, #tpu.memory_space<hbm>>
    %dma_start3A_562 = arith.constant 0 : i32
    %dma_start3A_563 = tpu.memref_slice %arg2[%dma_start3A_558, %add3A_557, %dma_start3A_562] : memref<4x4096x1024xf32, #tpu.memory_space<hbm>> -> memref<1x16x1024xf32, #tpu.memory_space<hbm>>
    %dma_start3A_564 = tpu.memref_squeeze %dma_start3A_563 : memref<1x16x1024xf32, #tpu.memory_space<hbm>> -> memref<16x1024xf32, #tpu.memory_space<hbm>>
    tpu.enqueue_dma source(%dma_start3A_564 : memref<16x1024xf32, #tpu.memory_space<hbm>>) target(%arg9 : memref<16x1024xf32, #tpu.memory_space<vmem>>) target_semaphore(%arg16 : memref<!tpu.dma_semaphore, #tpu.memory_space<semaphore_mem>>)
    %dma_wait3A_565 = arith.constant 2 : i32
    %dma_wait3A_566 = arith.constant 0 : i32
    %dma_wait3A_567 = tpu.memref_slice %arg2[%dma_wait3A_565, %add3A_442, %dma_wait3A_566] : memref<4x4096x1024xf32, #tpu.memory_space<hbm>> -> memref<1x16x1024xf32, #tpu.memory_space<hbm>>
    %dma_wait3A_568 = tpu.memref_squeeze %dma_wait3A_567 : memref<1x16x1024xf32, #tpu.memory_space<hbm>> -> memref<16x1024xf32, #tpu.memory_space<hbm>>
    %dma_wait3A_569 = arith.constant 0 : i32
    %dma_wait3A_570 = tpu.memref_slice %arg2[%dma_wait3A_565, %add3A_442, %dma_wait3A_569] : memref<4x4096x1024xf32, #tpu.memory_space<hbm>> -> memref<1x16x1024xf32, #tpu.memory_space<hbm>>
    %dma_wait3A_571 = tpu.memref_squeeze %dma_wait3A_570 : memref<1x16x1024xf32, #tpu.memory_space<hbm>> -> memref<16x1024xf32, #tpu.memory_space<hbm>>
    tpu.wait_dma2 semaphore(%arg18 : memref<!tpu.dma_semaphore, #tpu.memory_space<semaphore_mem>>) src(%dma_wait3A_571 : memref<16x1024xf32, #tpu.memory_space<hbm>>) dst(%arg11 : memref<16x1024xf32, #tpu.memory_space<vmem>>)
    %parallel_loop3A_572 = arith.constant 0 : i32
    %parallel_loop3A_573 = arith.constant 16384 : i32
    %parallel_loop3A_574 = arith.constant 16 : i32
    scf.for %parallel_loop3A_1200 = %parallel_loop3A_572 to %parallel_loop3A_573 step %parallel_loop3A_574  : i32 {
      %parallel_loop3A_1201 = arith.constant 10 : i32
      %parallel_loop3A_1202 = arith.shrsi %parallel_loop3A_1200, %parallel_loop3A_1201 : i32
      %parallel_loop3A_1203 = arith.constant 1023 : i32
      %parallel_loop3A_1204 = arith.andi %parallel_loop3A_1200, %parallel_loop3A_1203 : i32
      %parallel_loop3A_1205 = tpu.assume_multiple %parallel_loop3A_1204, 16 : i32
      %parallel_loop3A_1206 = arith.index_cast %parallel_loop3A_1202 : i32 to index
      %parallel_loop3A_1207 = arith.index_cast %parallel_loop3A_1205 : i32 to index
      %parallel_loop3A_1208 = tpu.vector_load %arg6[%parallel_loop3A_1206, %parallel_loop3A_1207] {strides = array<i32>} : memref<16x1024xf32, #tpu.memory_space<vmem>>, vector<1x16xf32>,
      %parallel_loop3A_1209 = vector.shape_cast %parallel_loop3A_1208 : vector<1x16xf32> to vector<16xf32>
      %parallel_loop3A_1210 = arith.index_cast %parallel_loop3A_1202 : i32 to index
      %parallel_loop3A_1211 = arith.index_cast %parallel_loop3A_1205 : i32 to index
      %parallel_loop3A_1212 = tpu.vector_load %arg11[%parallel_loop3A_1210, %parallel_loop3A_1211] {strides = array<i32>} : memref<16x1024xf32, #tpu.memory_space<vmem>>, vector<1x16xf32>,
      %parallel_loop3A_1213 = vector.shape_cast %parallel_loop3A_1212 : vector<1x16xf32> to vector<16xf32>
      %parallel_loop3A_1214 = vector.shape_cast %parallel_loop3A_1209 : vector<16xf32> to vector<1x16xf32>
      tpu.vector_store %arg11[%parallel_loop3A_1210, %parallel_loop3A_1211], %parallel_loop3A_1214 {add = true, strides = array<i32>} : memref<16x1024xf32, #tpu.memory_space<vmem>>, vector<1x16xf32>,
    } {sc.loop_unroll_factor = 8 : i64, sc.parallel_access}
    %add3A_575 = arith.constant 48 : i32
    %add3A_576 = arith.addi %mul3A_2, %add3A_575 : i32
    %dma_start3A_577 = arith.constant 2 : i32
    %dma_start3A_578 = arith.constant 0 : i32
    %dma_start3A_579 = tpu.memref_slice %arg4[%dma_start3A_577, %add3A_576, %dma_start3A_578] : memref<4x4096x1024xf32, #tpu.memory_space<hbm>> -> memref<1x16x1024xf32, #tpu.memory_space<hbm>>
    %dma_start3A_580 = tpu.memref_squeeze %dma_start3A_579 : memref<1x16x1024xf32, #tpu.memory_space<hbm>> -> memref<16x1024xf32, #tpu.memory_space<hbm>>
    %dma_start3A_581 = arith.constant 0 : i32
    %dma_start3A_582 = tpu.memref_slice %arg4[%dma_start3A_577, %add3A_576, %dma_start3A_581] : memref<4x4096x1024xf32, #tpu.memory_space<hbm>> -> memref<1x16x1024xf32, #tpu.memory_space<hbm>>
    %dma_start3A_583 = tpu.memref_squeeze %dma_start3A_582 : memref<1x16x1024xf32, #tpu.memory_space<hbm>> -> memref<16x1024xf32, #tpu.memory_space<hbm>>
    tpu.enqueue_dma source(%arg11 : memref<16x1024xf32, #tpu.memory_space<vmem>>) target(%dma_start3A_583 : memref<16x1024xf32, #tpu.memory_space<hbm>>) target_semaphore(%arg23 : memref<!tpu.dma_semaphore, #tpu.memory_space<semaphore_mem>>)
    %dma_wait3A_584 = arith.constant 1 : i32
    %dma_wait3A_585 = arith.constant 0 : i32
    %dma_wait3A_586 = tpu.memref_slice %arg4[%dma_wait3A_584, %add3A_541, %dma_wait3A_585] : memref<4x4096x1024xf32, #tpu.memory_space<hbm>> -> memref<1x16x1024xf32, #tpu.memory_space<hbm>>
    %dma_wait3A_587 = tpu.memref_squeeze %dma_wait3A_586 : memref<1x16x1024xf32, #tpu.memory_space<hbm>> -> memref<16x1024xf32, #tpu.memory_space<hbm>>
    %dma_wait3A_588 = arith.constant 0 : i32
    %dma_wait3A_589 = tpu.memref_slice %arg4[%dma_wait3A_584, %add3A_541, %dma_wait3A_588] : memref<4x4096x1024xf32, #tpu.memory_space<hbm>> -> memref<1x16x1024xf32, #tpu.memory_space<hbm>>
    %dma_wait3A_590 = tpu.memref_squeeze %dma_wait3A_589 : memref<1x16x1024xf32, #tpu.memory_space<hbm>> -> memref<16x1024xf32, #tpu.memory_space<hbm>>
    tpu.wait_dma2 semaphore(%arg22 : memref<!tpu.dma_semaphore, #tpu.memory_space<semaphore_mem>>) src(%arg10 : memref<16x1024xf32, #tpu.memory_space<vmem>>) dst(%dma_wait3A_590 : memref<16x1024xf32, #tpu.memory_space<hbm>>)
    %add3A_591 = arith.constant 64 : i32
    %add3A_592 = arith.addi %mul3A_2, %add3A_591 : i32
    %dma_start3A_593 = arith.constant 2 : i32
    %dma_start3A_594 = arith.constant 0 : i32
    %dma_start3A_595 = tpu.memref_slice %arg2[%dma_start3A_593, %add3A_592, %dma_start3A_594] : memref<4x4096x1024xf32, #tpu.memory_space<hbm>> -> memref<1x16x1024xf32, #tpu.memory_space<hbm>>
    %dma_start3A_596 = tpu.memref_squeeze %dma_start3A_595 : memref<1x16x1024xf32, #tpu.memory_space<hbm>> -> memref<16x1024xf32, #tpu.memory_space<hbm>>
    %dma_start3A_597 = arith.constant 0 : i32
    %dma_start3A_598 = tpu.memref_slice %arg2[%dma_start3A_593, %add3A_592, %dma_start3A_597] : memref<4x4096x1024xf32, #tpu.memory_space<hbm>> -> memref<1x16x1024xf32, #tpu.memory_space<hbm>>
    %dma_start3A_599 = tpu.memref_squeeze %dma_start3A_598 : memref<1x16x1024xf32, #tpu.memory_space<hbm>> -> memref<16x1024xf32, #tpu.memory_space<hbm>>
    tpu.enqueue_dma source(%dma_start3A_599 : memref<16x1024xf32, #tpu.memory_space<hbm>>) target(%arg10 : memref<16x1024xf32, #tpu.memory_space<vmem>>) target_semaphore(%arg17 : memref<!tpu.dma_semaphore, #tpu.memory_space<semaphore_mem>>)
    %dma_wait3A_600 = arith.constant 3 : i32
    %dma_wait3A_601 = arith.constant 0 : i32
    %dma_wait3A_602 = tpu.memref_slice %arg2[%dma_wait3A_600, %add3A_477, %dma_wait3A_601] : memref<4x4096x1024xf32, #tpu.memory_space<hbm>> -> memref<1x16x1024xf32, #tpu.memory_space<hbm>>
    %dma_wait3A_603 = tpu.memref_squeeze %dma_wait3A_602 : memref<1x16x1024xf32, #tpu.memory_space<hbm>> -> memref<16x1024xf32, #tpu.memory_space<hbm>>
    %dma_wait3A_604 = arith.constant 0 : i32
    %dma_wait3A_605 = tpu.memref_slice %arg2[%dma_wait3A_600, %add3A_477, %dma_wait3A_604] : memref<4x4096x1024xf32, #tpu.memory_space<hbm>> -> memref<1x16x1024xf32, #tpu.memory_space<hbm>>
    %dma_wait3A_606 = tpu.memref_squeeze %dma_wait3A_605 : memref<1x16x1024xf32, #tpu.memory_space<hbm>> -> memref<16x1024xf32, #tpu.memory_space<hbm>>
    tpu.wait_dma2 semaphore(%arg14 : memref<!tpu.dma_semaphore, #tpu.memory_space<semaphore_mem>>) src(%dma_wait3A_606 : memref<16x1024xf32, #tpu.memory_space<hbm>>) dst(%arg7 : memref<16x1024xf32, #tpu.memory_space<vmem>>)
    %parallel_loop3A_607 = arith.constant 0 : i32
    %parallel_loop3A_608 = arith.constant 16384 : i32
    %parallel_loop3A_609 = arith.constant 16 : i32
    scf.for %parallel_loop3A_1200 = %parallel_loop3A_607 to %parallel_loop3A_608 step %parallel_loop3A_609  : i32 {
      %parallel_loop3A_1201 = arith.constant 10 : i32
      %parallel_loop3A_1202 = arith.shrsi %parallel_loop3A_1200, %parallel_loop3A_1201 : i32
      %parallel_loop3A_1203 = arith.constant 1023 : i32
      %parallel_loop3A_1204 = arith.andi %parallel_loop3A_1200, %parallel_loop3A_1203 : i32
      %parallel_loop3A_1205 = tpu.assume_multiple %parallel_loop3A_1204, 16 : i32
      %parallel_loop3A_1206 = arith.index_cast %parallel_loop3A_1202 : i32 to index
      %parallel_loop3A_1207 = arith.index_cast %parallel_loop3A_1205 : i32 to index
      %parallel_loop3A_1208 = tpu.vector_load %arg6[%parallel_loop3A_1206, %parallel_loop3A_1207] {strides = array<i32>} : memref<16x1024xf32, #tpu.memory_space<vmem>>, vector<1x16xf32>,
      %parallel_loop3A_1209 = vector.shape_cast %parallel_loop3A_1208 : vector<1x16xf32> to vector<16xf32>
      %parallel_loop3A_1210 = arith.index_cast %parallel_loop3A_1202 : i32 to index
      %parallel_loop3A_1211 = arith.index_cast %parallel_loop3A_1205 : i32 to index
      %parallel_loop3A_1212 = tpu.vector_load %arg7[%parallel_loop3A_1210, %parallel_loop3A_1211] {strides = array<i32>} : memref<16x1024xf32, #tpu.memory_space<vmem>>, vector<1x16xf32>,
      %parallel_loop3A_1213 = vector.shape_cast %parallel_loop3A_1212 : vector<1x16xf32> to vector<16xf32>
      %parallel_loop3A_1214 = vector.shape_cast %parallel_loop3A_1209 : vector<16xf32> to vector<1x16xf32>
      tpu.vector_store %arg7[%parallel_loop3A_1210, %parallel_loop3A_1211], %parallel_loop3A_1214 {add = true, strides = array<i32>} : memref<16x1024xf32, #tpu.memory_space<vmem>>, vector<1x16xf32>,
    } {sc.loop_unroll_factor = 8 : i64, sc.parallel_access}
    %add3A_610 = arith.constant 48 : i32
    %add3A_611 = arith.addi %mul3A_2, %add3A_610 : i32
    %dma_start3A_612 = arith.constant 3 : i32
    %dma_start3A_613 = arith.constant 0 : i32
    %dma_start3A_614 = tpu.memref_slice %arg4[%dma_start3A_612, %add3A_611, %dma_start3A_613] : memref<4x4096x1024xf32, #tpu.memory_space<hbm>> -> memref<1x16x1024xf32, #tpu.memory_space<hbm>>
    %dma_start3A_615 = tpu.memref_squeeze %dma_start3A_614 : memref<1x16x1024xf32, #tpu.memory_space<hbm>> -> memref<16x1024xf32, #tpu.memory_space<hbm>>
    %dma_start3A_616 = arith.constant 0 : i32
    %dma_start3A_617 = tpu.memref_slice %arg4[%dma_start3A_612, %add3A_611, %dma_start3A_616] : memref<4x4096x1024xf32, #tpu.memory_space<hbm>> -> memref<1x16x1024xf32, #tpu.memory_space<hbm>>
    %dma_start3A_618 = tpu.memref_squeeze %dma_start3A_617 : memref<1x16x1024xf32, #tpu.memory_space<hbm>> -> memref<16x1024xf32, #tpu.memory_space<hbm>>
    tpu.enqueue_dma source(%arg7 : memref<16x1024xf32, #tpu.memory_space<vmem>>) target(%dma_start3A_618 : memref<16x1024xf32, #tpu.memory_space<hbm>>) target_semaphore(%arg19 : memref<!tpu.dma_semaphore, #tpu.memory_space<semaphore_mem>>)
    %dma_wait3A_619 = arith.constant 2 : i32
    %dma_wait3A_620 = arith.constant 0 : i32
    %dma_wait3A_621 = tpu.memref_slice %arg4[%dma_wait3A_619, %add3A_576, %dma_wait3A_620] : memref<4x4096x1024xf32, #tpu.memory_space<hbm>> -> memref<1x16x1024xf32, #tpu.memory_space<hbm>>
    %dma_wait3A_622 = tpu.memref_squeeze %dma_wait3A_621 : memref<1x16x1024xf32, #tpu.memory_space<hbm>> -> memref<16x1024xf32, #tpu.memory_space<hbm>>
    %dma_wait3A_623 = arith.constant 0 : i32
    %dma_wait3A_624 = tpu.memref_slice %arg4[%dma_wait3A_619, %add3A_576, %dma_wait3A_623] : memref<4x4096x1024xf32, #tpu.memory_space<hbm>> -> memref<1x16x1024xf32, #tpu.memory_space<hbm>>
    %dma_wait3A_625 = tpu.memref_squeeze %dma_wait3A_624 : memref<1x16x1024xf32, #tpu.memory_space<hbm>> -> memref<16x1024xf32, #tpu.memory_space<hbm>>
    tpu.wait_dma2 semaphore(%arg23 : memref<!tpu.dma_semaphore, #tpu.memory_space<semaphore_mem>>) src(%arg11 : memref<16x1024xf32, #tpu.memory_space<vmem>>) dst(%dma_wait3A_625 : memref<16x1024xf32, #tpu.memory_space<hbm>>)
    %add3A_626 = arith.constant 64 : i32
    %add3A_627 = arith.addi %mul3A_2, %add3A_626 : i32
    %dma_start3A_628 = arith.constant 3 : i32
    %dma_start3A_629 = arith.constant 0 : i32
    %dma_start3A_630 = tpu.memref_slice %arg2[%dma_start3A_628, %add3A_627, %dma_start3A_629] : memref<4x4096x1024xf32, #tpu.memory_space<hbm>> -> memref<1x16x1024xf32, #tpu.memory_space<hbm>>
    %dma_start3A_631 = tpu.memref_squeeze %dma_start3A_630 : memref<1x16x1024xf32, #tpu.memory_space<hbm>> -> memref<16x1024xf32, #tpu.memory_space<hbm>>
    %dma_start3A_632 = arith.constant 0 : i32
    %dma_start3A_633 = tpu.memref_slice %arg2[%dma_start3A_628, %add3A_627, %dma_start3A_632] : memref<4x4096x1024xf32, #tpu.memory_space<hbm>> -> memref<1x16x1024xf32, #tpu.memory_space<hbm>>
    %dma_start3A_634 = tpu.memref_squeeze %dma_start3A_633 : memref<1x16x1024xf32, #tpu.memory_space<hbm>> -> memref<16x1024xf32, #tpu.memory_space<hbm>>
    tpu.enqueue_dma source(%dma_start3A_634 : memref<16x1024xf32, #tpu.memory_space<hbm>>) target(%arg11 : memref<16x1024xf32, #tpu.memory_space<vmem>>) target_semaphore(%arg18 : memref<!tpu.dma_semaphore, #tpu.memory_space<semaphore_mem>>)
    %dma_wait3A_635 = arith.constant 0 : i32
    %dma_wait3A_636 = tpu.memref_slice %arg3[%add3A_490, %dma_wait3A_635] : memref<8192x1024xf32, #tpu.memory_space<hbm>> -> memref<16x1024xf32, #tpu.memory_space<hbm>>
    %dma_wait3A_637 = arith.constant 0 : i32
    %dma_wait3A_638 = tpu.memref_slice %arg3[%add3A_490, %dma_wait3A_637] : memref<8192x1024xf32, #tpu.memory_space<hbm>> -> memref<16x1024xf32, #tpu.memory_space<hbm>>
    tpu.wait_dma2 semaphore(%arg12 : memref<!tpu.dma_semaphore, #tpu.memory_space<semaphore_mem>>) src(%dma_wait3A_638 : memref<16x1024xf32, #tpu.memory_space<hbm>>) dst(%arg5 : memref<16x1024xf32, #tpu.memory_space<vmem>>)
    %add3A_639 = arith.constant 80 : i32
    %add3A_640 = arith.addi %mul3A_2, %add3A_639 : i32
    %dma_start3A_641 = arith.constant 0 : i32
    %dma_start3A_642 = tpu.memref_slice %arg3[%add3A_640, %dma_start3A_641] : memref<8192x1024xf32, #tpu.memory_space<hbm>> -> memref<16x1024xf32, #tpu.memory_space<hbm>>
    %dma_start3A_643 = arith.constant 0 : i32
    %dma_start3A_644 = tpu.memref_slice %arg3[%add3A_640, %dma_start3A_643] : memref<8192x1024xf32, #tpu.memory_space<hbm>> -> memref<16x1024xf32, #tpu.memory_space<hbm>>
    tpu.enqueue_dma source(%dma_start3A_644 : memref<16x1024xf32, #tpu.memory_space<hbm>>) target(%arg6 : memref<16x1024xf32, #tpu.memory_space<vmem>>) target_semaphore(%arg13 : memref<!tpu.dma_semaphore, #tpu.memory_space<semaphore_mem>>)
    %dma_wait3A_645 = arith.constant 0 : i32
    %dma_wait3A_646 = arith.constant 0 : i32
    %dma_wait3A_647 = tpu.memref_slice %arg2[%dma_wait3A_645, %add3A_522, %dma_wait3A_646] : memref<4x4096x1024xf32, #tpu.memory_space<hbm>> -> memref<1x16x1024xf32, #tpu.memory_space<hbm>>
    %dma_wait3A_648 = tpu.memref_squeeze %dma_wait3A_647 : memref<1x16x1024xf32, #tpu.memory_space<hbm>> -> memref<16x1024xf32, #tpu.memory_space<hbm>>
    %dma_wait3A_649 = arith.constant 0 : i32
    %dma_wait3A_650 = tpu.memref_slice %arg2[%dma_wait3A_645, %add3A_522, %dma_wait3A_649] : memref<4x4096x1024xf32, #tpu.memory_space<hbm>> -> memref<1x16x1024xf32, #tpu.memory_space<hbm>>
    %dma_wait3A_651 = tpu.memref_squeeze %dma_wait3A_650 : memref<1x16x1024xf32, #tpu.memory_space<hbm>> -> memref<16x1024xf32, #tpu.memory_space<hbm>>
    tpu.wait_dma2 semaphore(%arg15 : memref<!tpu.dma_semaphore, #tpu.memory_space<semaphore_mem>>) src(%dma_wait3A_651 : memref<16x1024xf32, #tpu.memory_space<hbm>>) dst(%arg8 : memref<16x1024xf32, #tpu.memory_space<vmem>>)
    %parallel_loop3A_652 = arith.constant 0 : i32
    %parallel_loop3A_653 = arith.constant 16384 : i32
    %parallel_loop3A_654 = arith.constant 16 : i32
    scf.for %parallel_loop3A_1200 = %parallel_loop3A_652 to %parallel_loop3A_653 step %parallel_loop3A_654  : i32 {
      %parallel_loop3A_1201 = arith.constant 10 : i32
      %parallel_loop3A_1202 = arith.shrsi %parallel_loop3A_1200, %parallel_loop3A_1201 : i32
      %parallel_loop3A_1203 = arith.constant 1023 : i32
      %parallel_loop3A_1204 = arith.andi %parallel_loop3A_1200, %parallel_loop3A_1203 : i32
      %parallel_loop3A_1205 = tpu.assume_multiple %parallel_loop3A_1204, 16 : i32
      %parallel_loop3A_1206 = arith.index_cast %parallel_loop3A_1202 : i32 to index
      %parallel_loop3A_1207 = arith.index_cast %parallel_loop3A_1205 : i32 to index
      %parallel_loop3A_1208 = tpu.vector_load %arg5[%parallel_loop3A_1206, %parallel_loop3A_1207] {strides = array<i32>} : memref<16x1024xf32, #tpu.memory_space<vmem>>, vector<1x16xf32>,
      %parallel_loop3A_1209 = vector.shape_cast %parallel_loop3A_1208 : vector<1x16xf32> to vector<16xf32>
      %parallel_loop3A_1210 = arith.index_cast %parallel_loop3A_1202 : i32 to index
      %parallel_loop3A_1211 = arith.index_cast %parallel_loop3A_1205 : i32 to index
      %parallel_loop3A_1212 = tpu.vector_load %arg8[%parallel_loop3A_1210, %parallel_loop3A_1211] {strides = array<i32>} : memref<16x1024xf32, #tpu.memory_space<vmem>>, vector<1x16xf32>,
      %parallel_loop3A_1213 = vector.shape_cast %parallel_loop3A_1212 : vector<1x16xf32> to vector<16xf32>
      %parallel_loop3A_1214 = vector.shape_cast %parallel_loop3A_1209 : vector<16xf32> to vector<1x16xf32>
      tpu.vector_store %arg8[%parallel_loop3A_1210, %parallel_loop3A_1211], %parallel_loop3A_1214 {add = true, strides = array<i32>} : memref<16x1024xf32, #tpu.memory_space<vmem>>, vector<1x16xf32>,
    } {sc.loop_unroll_factor = 8 : i64, sc.parallel_access}
    %add3A_655 = arith.constant 64 : i32
    %add3A_656 = arith.addi %mul3A_2, %add3A_655 : i32
    %dma_start3A_657 = arith.constant 0 : i32
    %dma_start3A_658 = arith.constant 0 : i32
    %dma_start3A_659 = tpu.memref_slice %arg4[%dma_start3A_657, %add3A_656, %dma_start3A_658] : memref<4x4096x1024xf32, #tpu.memory_space<hbm>> -> memref<1x16x1024xf32, #tpu.memory_space<hbm>>
    %dma_start3A_660 = tpu.memref_squeeze %dma_start3A_659 : memref<1x16x1024xf32, #tpu.memory_space<hbm>> -> memref<16x1024xf32, #tpu.memory_space<hbm>>
    %dma_start3A_661 = arith.constant 0 : i32
    %dma_start3A_662 = tpu.memref_slice %arg4[%dma_start3A_657, %add3A_656, %dma_start3A_661] : memref<4x4096x1024xf32, #tpu.memory_space<hbm>> -> memref<1x16x1024xf32, #tpu.memory_space<hbm>>
    %dma_start3A_663 = tpu.memref_squeeze %dma_start3A_662 : memref<1x16x1024xf32, #tpu.memory_space<hbm>> -> memref<16x1024xf32, #tpu.memory_space<hbm>>
    tpu.enqueue_dma source(%arg8 : memref<16x1024xf32, #tpu.memory_space<vmem>>) target(%dma_start3A_663 : memref<16x1024xf32, #tpu.memory_space<hbm>>) target_semaphore(%arg20 : memref<!tpu.dma_semaphore, #tpu.memory_space<semaphore_mem>>)
    %dma_wait3A_664 = arith.constant 3 : i32
    %dma_wait3A_665 = arith.constant 0 : i32
    %dma_wait3A_666 = tpu.memref_slice %arg4[%dma_wait3A_664, %add3A_611, %dma_wait3A_665] : memref<4x4096x1024xf32, #tpu.memory_space<hbm>> -> memref<1x16x1024xf32, #tpu.memory_space<hbm>>
    %dma_wait3A_667 = tpu.memref_squeeze %dma_wait3A_666 : memref<1x16x1024xf32, #tpu.memory_space<hbm>> -> memref<16x1024xf32, #tpu.memory_space<hbm>>
    %dma_wait3A_668 = arith.constant 0 : i32
    %dma_wait3A_669 = tpu.memref_slice %arg4[%dma_wait3A_664, %add3A_611, %dma_wait3A_668] : memref<4x4096x1024xf32, #tpu.memory_space<hbm>> -> memref<1x16x1024xf32, #tpu.memory_space<hbm>>
    %dma_wait3A_670 = tpu.memref_squeeze %dma_wait3A_669 : memref<1x16x1024xf32, #tpu.memory_space<hbm>> -> memref<16x1024xf32, #tpu.memory_space<hbm>>
    tpu.wait_dma2 semaphore(%arg19 : memref<!tpu.dma_semaphore, #tpu.memory_space<semaphore_mem>>) src(%arg7 : memref<16x1024xf32, #tpu.memory_space<vmem>>) dst(%dma_wait3A_670 : memref<16x1024xf32, #tpu.memory_space<hbm>>)
    %add3A_671 = arith.constant 80 : i32
    %add3A_672 = arith.addi %mul3A_2, %add3A_671 : i32
    %dma_start3A_673 = arith.constant 0 : i32
    %dma_start3A_674 = arith.constant 0 : i32
    %dma_start3A_675 = tpu.memref_slice %arg2[%dma_start3A_673, %add3A_672, %dma_start3A_674] : memref<4x4096x1024xf32, #tpu.memory_space<hbm>> -> memref<1x16x1024xf32, #tpu.memory_space<hbm>>
    %dma_start3A_676 = tpu.memref_squeeze %dma_start3A_675 : memref<1x16x1024xf32, #tpu.memory_space<hbm>> -> memref<16x1024xf32, #tpu.memory_space<hbm>>
    %dma_start3A_677 = arith.constant 0 : i32
    %dma_start3A_678 = tpu.memref_slice %arg2[%dma_start3A_673, %add3A_672, %dma_start3A_677] : memref<4x4096x1024xf32, #tpu.memory_space<hbm>> -> memref<1x16x1024xf32, #tpu.memory_space<hbm>>
    %dma_start3A_679 = tpu.memref_squeeze %dma_start3A_678 : memref<1x16x1024xf32, #tpu.memory_space<hbm>> -> memref<16x1024xf32, #tpu.memory_space<hbm>>
    tpu.enqueue_dma source(%dma_start3A_679 : memref<16x1024xf32, #tpu.memory_space<hbm>>) target(%arg7 : memref<16x1024xf32, #tpu.memory_space<vmem>>) target_semaphore(%arg14 : memref<!tpu.dma_semaphore, #tpu.memory_space<semaphore_mem>>)
    %dma_wait3A_680 = arith.constant 1 : i32
    %dma_wait3A_681 = arith.constant 0 : i32
    %dma_wait3A_682 = tpu.memref_slice %arg2[%dma_wait3A_680, %add3A_557, %dma_wait3A_681] : memref<4x4096x1024xf32, #tpu.memory_space<hbm>> -> memref<1x16x1024xf32, #tpu.memory_space<hbm>>
    %dma_wait3A_683 = tpu.memref_squeeze %dma_wait3A_682 : memref<1x16x1024xf32, #tpu.memory_space<hbm>> -> memref<16x1024xf32, #tpu.memory_space<hbm>>
    %dma_wait3A_684 = arith.constant 0 : i32
    %dma_wait3A_685 = tpu.memref_slice %arg2[%dma_wait3A_680, %add3A_557, %dma_wait3A_684] : memref<4x4096x1024xf32, #tpu.memory_space<hbm>> -> memref<1x16x1024xf32, #tpu.memory_space<hbm>>
    %dma_wait3A_686 = tpu.memref_squeeze %dma_wait3A_685 : memref<1x16x1024xf32, #tpu.memory_space<hbm>> -> memref<16x1024xf32, #tpu.memory_space<hbm>>
    tpu.wait_dma2 semaphore(%arg16 : memref<!tpu.dma_semaphore, #tpu.memory_space<semaphore_mem>>) src(%dma_wait3A_686 : memref<16x1024xf32, #tpu.memory_space<hbm>>) dst(%arg9 : memref<16x1024xf32, #tpu.memory_space<vmem>>)
    %parallel_loop3A_687 = arith.constant 0 : i32
    %parallel_loop3A_688 = arith.constant 16384 : i32
    %parallel_loop3A_689 = arith.constant 16 : i32
    scf.for %parallel_loop3A_1200 = %parallel_loop3A_687 to %parallel_loop3A_688 step %parallel_loop3A_689  : i32 {
      %parallel_loop3A_1201 = arith.constant 10 : i32
      %parallel_loop3A_1202 = arith.shrsi %parallel_loop3A_1200, %parallel_loop3A_1201 : i32
      %parallel_loop3A_1203 = arith.constant 1023 : i32
      %parallel_loop3A_1204 = arith.andi %parallel_loop3A_1200, %parallel_loop3A_1203 : i32
      %parallel_loop3A_1205 = tpu.assume_multiple %parallel_loop3A_1204, 16 : i32
      %parallel_loop3A_1206 = arith.index_cast %parallel_loop3A_1202 : i32 to index
      %parallel_loop3A_1207 = arith.index_cast %parallel_loop3A_1205 : i32 to index
      %parallel_loop3A_1208 = tpu.vector_load %arg5[%parallel_loop3A_1206, %parallel_loop3A_1207] {strides = array<i32>} : memref<16x1024xf32, #tpu.memory_space<vmem>>, vector<1x16xf32>,
      %parallel_loop3A_1209 = vector.shape_cast %parallel_loop3A_1208 : vector<1x16xf32> to vector<16xf32>
      %parallel_loop3A_1210 = arith.index_cast %parallel_loop3A_1202 : i32 to index
      %parallel_loop3A_1211 = arith.index_cast %parallel_loop3A_1205 : i32 to index
      %parallel_loop3A_1212 = tpu.vector_load %arg9[%parallel_loop3A_1210, %parallel_loop3A_1211] {strides = array<i32>} : memref<16x1024xf32, #tpu.memory_space<vmem>>, vector<1x16xf32>,
      %parallel_loop3A_1213 = vector.shape_cast %parallel_loop3A_1212 : vector<1x16xf32> to vector<16xf32>
      %parallel_loop3A_1214 = vector.shape_cast %parallel_loop3A_1209 : vector<16xf32> to vector<1x16xf32>
      tpu.vector_store %arg9[%parallel_loop3A_1210, %parallel_loop3A_1211], %parallel_loop3A_1214 {add = true, strides = array<i32>} : memref<16x1024xf32, #tpu.memory_space<vmem>>, vector<1x16xf32>,
    } {sc.loop_unroll_factor = 8 : i64, sc.parallel_access}
    %add3A_690 = arith.constant 64 : i32
    %add3A_691 = arith.addi %mul3A_2, %add3A_690 : i32
    %dma_start3A_692 = arith.constant 1 : i32
    %dma_start3A_693 = arith.constant 0 : i32
    %dma_start3A_694 = tpu.memref_slice %arg4[%dma_start3A_692, %add3A_691, %dma_start3A_693] : memref<4x4096x1024xf32, #tpu.memory_space<hbm>> -> memref<1x16x1024xf32, #tpu.memory_space<hbm>>
    %dma_start3A_695 = tpu.memref_squeeze %dma_start3A_694 : memref<1x16x1024xf32, #tpu.memory_space<hbm>> -> memref<16x1024xf32, #tpu.memory_space<hbm>>
    %dma_start3A_696 = arith.constant 0 : i32
    %dma_start3A_697 = tpu.memref_slice %arg4[%dma_start3A_692, %add3A_691, %dma_start3A_696] : memref<4x4096x1024xf32, #tpu.memory_space<hbm>> -> memref<1x16x1024xf32, #tpu.memory_space<hbm>>
    %dma_start3A_698 = tpu.memref_squeeze %dma_start3A_697 : memref<1x16x1024xf32, #tpu.memory_space<hbm>> -> memref<16x1024xf32, #tpu.memory_space<hbm>>
    tpu.enqueue_dma source(%arg9 : memref<16x1024xf32, #tpu.memory_space<vmem>>) target(%dma_start3A_698 : memref<16x1024xf32, #tpu.memory_space<hbm>>) target_semaphore(%arg21 : memref<!tpu.dma_semaphore, #tpu.memory_space<semaphore_mem>>)
    %dma_wait3A_699 = arith.constant 0 : i32
    %dma_wait3A_700 = arith.constant 0 : i32
    %dma_wait3A_701 = tpu.memref_slice %arg4[%dma_wait3A_699, %add3A_656, %dma_wait3A_700] : memref<4x4096x1024xf32, #tpu.memory_space<hbm>> -> memref<1x16x1024xf32, #tpu.memory_space<hbm>>
    %dma_wait3A_702 = tpu.memref_squeeze %dma_wait3A_701 : memref<1x16x1024xf32, #tpu.memory_space<hbm>> -> memref<16x1024xf32, #tpu.memory_space<hbm>>
    %dma_wait3A_703 = arith.constant 0 : i32
    %dma_wait3A_704 = tpu.memref_slice %arg4[%dma_wait3A_699, %add3A_656, %dma_wait3A_703] : memref<4x4096x1024xf32, #tpu.memory_space<hbm>> -> memref<1x16x1024xf32, #tpu.memory_space<hbm>>
    %dma_wait3A_705 = tpu.memref_squeeze %dma_wait3A_704 : memref<1x16x1024xf32, #tpu.memory_space<hbm>> -> memref<16x1024xf32, #tpu.memory_space<hbm>>
    tpu.wait_dma2 semaphore(%arg20 : memref<!tpu.dma_semaphore, #tpu.memory_space<semaphore_mem>>) src(%arg8 : memref<16x1024xf32, #tpu.memory_space<vmem>>) dst(%dma_wait3A_705 : memref<16x1024xf32, #tpu.memory_space<hbm>>)
    %add3A_706 = arith.constant 80 : i32
    %add3A_707 = arith.addi %mul3A_2, %add3A_706 : i32
    %dma_start3A_708 = arith.constant 1 : i32
    %dma_start3A_709 = arith.constant 0 : i32
    %dma_start3A_710 = tpu.memref_slice %arg2[%dma_start3A_708, %add3A_707, %dma_start3A_709] : memref<4x4096x1024xf32, #tpu.memory_space<hbm>> -> memref<1x16x1024xf32, #tpu.memory_space<hbm>>
    %dma_start3A_711 = tpu.memref_squeeze %dma_start3A_710 : memref<1x16x1024xf32, #tpu.memory_space<hbm>> -> memref<16x1024xf32, #tpu.memory_space<hbm>>
    %dma_start3A_712 = arith.constant 0 : i32
    %dma_start3A_713 = tpu.memref_slice %arg2[%dma_start3A_708, %add3A_707, %dma_start3A_712] : memref<4x4096x1024xf32, #tpu.memory_space<hbm>> -> memref<1x16x1024xf32, #tpu.memory_space<hbm>>
    %dma_start3A_714 = tpu.memref_squeeze %dma_start3A_713 : memref<1x16x1024xf32, #tpu.memory_space<hbm>> -> memref<16x1024xf32, #tpu.memory_space<hbm>>
    tpu.enqueue_dma source(%dma_start3A_714 : memref<16x1024xf32, #tpu.memory_space<hbm>>) target(%arg8 : memref<16x1024xf32, #tpu.memory_space<vmem>>) target_semaphore(%arg15 : memref<!tpu.dma_semaphore, #tpu.memory_space<semaphore_mem>>)
    %dma_wait3A_715 = arith.constant 2 : i32
    %dma_wait3A_716 = arith.constant 0 : i32
    %dma_wait3A_717 = tpu.memref_slice %arg2[%dma_wait3A_715, %add3A_592, %dma_wait3A_716] : memref<4x4096x1024xf32, #tpu.memory_space<hbm>> -> memref<1x16x1024xf32, #tpu.memory_space<hbm>>
    %dma_wait3A_718 = tpu.memref_squeeze %dma_wait3A_717 : memref<1x16x1024xf32, #tpu.memory_space<hbm>> -> memref<16x1024xf32, #tpu.memory_space<hbm>>
    %dma_wait3A_719 = arith.constant 0 : i32
    %dma_wait3A_720 = tpu.memref_slice %arg2[%dma_wait3A_715, %add3A_592, %dma_wait3A_719] : memref<4x4096x1024xf32, #tpu.memory_space<hbm>> -> memref<1x16x1024xf32, #tpu.memory_space<hbm>>
    %dma_wait3A_721 = tpu.memref_squeeze %dma_wait3A_720 : memref<1x16x1024xf32, #tpu.memory_space<hbm>> -> memref<16x1024xf32, #tpu.memory_space<hbm>>
    tpu.wait_dma2 semaphore(%arg17 : memref<!tpu.dma_semaphore, #tpu.memory_space<semaphore_mem>>) src(%dma_wait3A_721 : memref<16x1024xf32, #tpu.memory_space<hbm>>) dst(%arg10 : memref<16x1024xf32, #tpu.memory_space<vmem>>)
    %parallel_loop3A_722 = arith.constant 0 : i32
    %parallel_loop3A_723 = arith.constant 16384 : i32
    %parallel_loop3A_724 = arith.constant 16 : i32
    scf.for %parallel_loop3A_1200 = %parallel_loop3A_722 to %parallel_loop3A_723 step %parallel_loop3A_724  : i32 {
      %parallel_loop3A_1201 = arith.constant 10 : i32
      %parallel_loop3A_1202 = arith.shrsi %parallel_loop3A_1200, %parallel_loop3A_1201 : i32
      %parallel_loop3A_1203 = arith.constant 1023 : i32
      %parallel_loop3A_1204 = arith.andi %parallel_loop3A_1200, %parallel_loop3A_1203 : i32
      %parallel_loop3A_1205 = tpu.assume_multiple %parallel_loop3A_1204, 16 : i32
      %parallel_loop3A_1206 = arith.index_cast %parallel_loop3A_1202 : i32 to index
      %parallel_loop3A_1207 = arith.index_cast %parallel_loop3A_1205 : i32 to index
      %parallel_loop3A_1208 = tpu.vector_load %arg5[%parallel_loop3A_1206, %parallel_loop3A_1207] {strides = array<i32>} : memref<16x1024xf32, #tpu.memory_space<vmem>>, vector<1x16xf32>,
      %parallel_loop3A_1209 = vector.shape_cast %parallel_loop3A_1208 : vector<1x16xf32> to vector<16xf32>
      %parallel_loop3A_1210 = arith.index_cast %parallel_loop3A_1202 : i32 to index
      %parallel_loop3A_1211 = arith.index_cast %parallel_loop3A_1205 : i32 to index
      %parallel_loop3A_1212 = tpu.vector_load %arg10[%parallel_loop3A_1210, %parallel_loop3A_1211] {strides = array<i32>} : memref<16x1024xf32, #tpu.memory_space<vmem>>, vector<1x16xf32>,
      %parallel_loop3A_1213 = vector.shape_cast %parallel_loop3A_1212 : vector<1x16xf32> to vector<16xf32>
      %parallel_loop3A_1214 = vector.shape_cast %parallel_loop3A_1209 : vector<16xf32> to vector<1x16xf32>
      tpu.vector_store %arg10[%parallel_loop3A_1210, %parallel_loop3A_1211], %parallel_loop3A_1214 {add = true, strides = array<i32>} : memref<16x1024xf32, #tpu.memory_space<vmem>>, vector<1x16xf32>,
    } {sc.loop_unroll_factor = 8 : i64, sc.parallel_access}
    %add3A_725 = arith.constant 64 : i32
    %add3A_726 = arith.addi %mul3A_2, %add3A_725 : i32
    %dma_start3A_727 = arith.constant 2 : i32
    %dma_start3A_728 = arith.constant 0 : i32
    %dma_start3A_729 = tpu.memref_slice %arg4[%dma_start3A_727, %add3A_726, %dma_start3A_728] : memref<4x4096x1024xf32, #tpu.memory_space<hbm>> -> memref<1x16x1024xf32, #tpu.memory_space<hbm>>
    %dma_start3A_730 = tpu.memref_squeeze %dma_start3A_729 : memref<1x16x1024xf32, #tpu.memory_space<hbm>> -> memref<16x1024xf32, #tpu.memory_space<hbm>>
    %dma_start3A_731 = arith.constant 0 : i32
    %dma_start3A_732 = tpu.memref_slice %arg4[%dma_start3A_727, %add3A_726, %dma_start3A_731] : memref<4x4096x1024xf32, #tpu.memory_space<hbm>> -> memref<1x16x1024xf32, #tpu.memory_space<hbm>>
    %dma_start3A_733 = tpu.memref_squeeze %dma_start3A_732 : memref<1x16x1024xf32, #tpu.memory_space<hbm>> -> memref<16x1024xf32, #tpu.memory_space<hbm>>
    tpu.enqueue_dma source(%arg10 : memref<16x1024xf32, #tpu.memory_space<vmem>>) target(%dma_start3A_733 : memref<16x1024xf32, #tpu.memory_space<hbm>>) target_semaphore(%arg22 : memref<!tpu.dma_semaphore, #tpu.memory_space<semaphore_mem>>)
    %dma_wait3A_734 = arith.constant 1 : i32
    %dma_wait3A_735 = arith.constant 0 : i32
    %dma_wait3A_736 = tpu.memref_slice %arg4[%dma_wait3A_734, %add3A_691, %dma_wait3A_735] : memref<4x4096x1024xf32, #tpu.memory_space<hbm>> -> memref<1x16x1024xf32, #tpu.memory_space<hbm>>
    %dma_wait3A_737 = tpu.memref_squeeze %dma_wait3A_736 : memref<1x16x1024xf32, #tpu.memory_space<hbm>> -> memref<16x1024xf32, #tpu.memory_space<hbm>>
    %dma_wait3A_738 = arith.constant 0 : i32
    %dma_wait3A_739 = tpu.memref_slice %arg4[%dma_wait3A_734, %add3A_691, %dma_wait3A_738] : memref<4x4096x1024xf32, #tpu.memory_space<hbm>> -> memref<1x16x1024xf32, #tpu.memory_space<hbm>>
    %dma_wait3A_740 = tpu.memref_squeeze %dma_wait3A_739 : memref<1x16x1024xf32, #tpu.memory_space<hbm>> -> memref<16x1024xf32, #tpu.memory_space<hbm>>
    tpu.wait_dma2 semaphore(%arg21 : memref<!tpu.dma_semaphore, #tpu.memory_space<semaphore_mem>>) src(%arg9 : memref<16x1024xf32, #tpu.memory_space<vmem>>) dst(%dma_wait3A_740 : memref<16x1024xf32, #tpu.memory_space<hbm>>)
    %add3A_741 = arith.constant 80 : i32
    %add3A_742 = arith.addi %mul3A_2, %add3A_741 : i32
    %dma_start3A_743 = arith.constant 2 : i32
    %dma_start3A_744 = arith.constant 0 : i32
    %dma_start3A_745 = tpu.memref_slice %arg2[%dma_start3A_743, %add3A_742, %dma_start3A_744] : memref<4x4096x1024xf32, #tpu.memory_space<hbm>> -> memref<1x16x1024xf32, #tpu.memory_space<hbm>>
    %dma_start3A_746 = tpu.memref_squeeze %dma_start3A_745 : memref<1x16x1024xf32, #tpu.memory_space<hbm>> -> memref<16x1024xf32, #tpu.memory_space<hbm>>
    %dma_start3A_747 = arith.constant 0 : i32
    %dma_start3A_748 = tpu.memref_slice %arg2[%dma_start3A_743, %add3A_742, %dma_start3A_747] : memref<4x4096x1024xf32, #tpu.memory_space<hbm>> -> memref<1x16x1024xf32, #tpu.memory_space<hbm>>
    %dma_start3A_749 = tpu.memref_squeeze %dma_start3A_748 : memref<1x16x1024xf32, #tpu.memory_space<hbm>> -> memref<16x1024xf32, #tpu.memory_space<hbm>>
    tpu.enqueue_dma source(%dma_start3A_749 : memref<16x1024xf32, #tpu.memory_space<hbm>>) target(%arg9 : memref<16x1024xf32, #tpu.memory_space<vmem>>) target_semaphore(%arg16 : memref<!tpu.dma_semaphore, #tpu.memory_space<semaphore_mem>>)
    %dma_wait3A_750 = arith.constant 3 : i32
    %dma_wait3A_751 = arith.constant 0 : i32
    %dma_wait3A_752 = tpu.memref_slice %arg2[%dma_wait3A_750, %add3A_627, %dma_wait3A_751] : memref<4x4096x1024xf32, #tpu.memory_space<hbm>> -> memref<1x16x1024xf32, #tpu.memory_space<hbm>>
    %dma_wait3A_753 = tpu.memref_squeeze %dma_wait3A_752 : memref<1x16x1024xf32, #tpu.memory_space<hbm>> -> memref<16x1024xf32, #tpu.memory_space<hbm>>
    %dma_wait3A_754 = arith.constant 0 : i32
    %dma_wait3A_755 = tpu.memref_slice %arg2[%dma_wait3A_750, %add3A_627, %dma_wait3A_754] : memref<4x4096x1024xf32, #tpu.memory_space<hbm>> -> memref<1x16x1024xf32, #tpu.memory_space<hbm>>
    %dma_wait3A_756 = tpu.memref_squeeze %dma_wait3A_755 : memref<1x16x1024xf32, #tpu.memory_space<hbm>> -> memref<16x1024xf32, #tpu.memory_space<hbm>>
    tpu.wait_dma2 semaphore(%arg18 : memref<!tpu.dma_semaphore, #tpu.memory_space<semaphore_mem>>) src(%dma_wait3A_756 : memref<16x1024xf32, #tpu.memory_space<hbm>>) dst(%arg11 : memref<16x1024xf32, #tpu.memory_space<vmem>>)
    %parallel_loop3A_757 = arith.constant 0 : i32
    %parallel_loop3A_758 = arith.constant 16384 : i32
    %parallel_loop3A_759 = arith.constant 16 : i32
    scf.for %parallel_loop3A_1200 = %parallel_loop3A_757 to %parallel_loop3A_758 step %parallel_loop3A_759  : i32 {
      %parallel_loop3A_1201 = arith.constant 10 : i32
      %parallel_loop3A_1202 = arith.shrsi %parallel_loop3A_1200, %parallel_loop3A_1201 : i32
      %parallel_loop3A_1203 = arith.constant 1023 : i32
      %parallel_loop3A_1204 = arith.andi %parallel_loop3A_1200, %parallel_loop3A_1203 : i32
      %parallel_loop3A_1205 = tpu.assume_multiple %parallel_loop3A_1204, 16 : i32
      %parallel_loop3A_1206 = arith.index_cast %parallel_loop3A_1202 : i32 to index
      %parallel_loop3A_1207 = arith.index_cast %parallel_loop3A_1205 : i32 to index
      %parallel_loop3A_1208 = tpu.vector_load %arg5[%parallel_loop3A_1206, %parallel_loop3A_1207] {strides = array<i32>} : memref<16x1024xf32, #tpu.memory_space<vmem>>, vector<1x16xf32>,
      %parallel_loop3A_1209 = vector.shape_cast %parallel_loop3A_1208 : vector<1x16xf32> to vector<16xf32>
      %parallel_loop3A_1210 = arith.index_cast %parallel_loop3A_1202 : i32 to index
      %parallel_loop3A_1211 = arith.index_cast %parallel_loop3A_1205 : i32 to index
      %parallel_loop3A_1212 = tpu.vector_load %arg11[%parallel_loop3A_1210, %parallel_loop3A_1211] {strides = array<i32>} : memref<16x1024xf32, #tpu.memory_space<vmem>>, vector<1x16xf32>,
      %parallel_loop3A_1213 = vector.shape_cast %parallel_loop3A_1212 : vector<1x16xf32> to vector<16xf32>
      %parallel_loop3A_1214 = vector.shape_cast %parallel_loop3A_1209 : vector<16xf32> to vector<1x16xf32>
      tpu.vector_store %arg11[%parallel_loop3A_1210, %parallel_loop3A_1211], %parallel_loop3A_1214 {add = true, strides = array<i32>} : memref<16x1024xf32, #tpu.memory_space<vmem>>, vector<1x16xf32>,
    } {sc.loop_unroll_factor = 8 : i64, sc.parallel_access}
    %add3A_760 = arith.constant 64 : i32
    %add3A_761 = arith.addi %mul3A_2, %add3A_760 : i32
    %dma_start3A_762 = arith.constant 3 : i32
    %dma_start3A_763 = arith.constant 0 : i32
    %dma_start3A_764 = tpu.memref_slice %arg4[%dma_start3A_762, %add3A_761, %dma_start3A_763] : memref<4x4096x1024xf32, #tpu.memory_space<hbm>> -> memref<1x16x1024xf32, #tpu.memory_space<hbm>>
    %dma_start3A_765 = tpu.memref_squeeze %dma_start3A_764 : memref<1x16x1024xf32, #tpu.memory_space<hbm>> -> memref<16x1024xf32, #tpu.memory_space<hbm>>
    %dma_start3A_766 = arith.constant 0 : i32
    %dma_start3A_767 = tpu.memref_slice %arg4[%dma_start3A_762, %add3A_761, %dma_start3A_766] : memref<4x4096x1024xf32, #tpu.memory_space<hbm>> -> memref<1x16x1024xf32, #tpu.memory_space<hbm>>
    %dma_start3A_768 = tpu.memref_squeeze %dma_start3A_767 : memref<1x16x1024xf32, #tpu.memory_space<hbm>> -> memref<16x1024xf32, #tpu.memory_space<hbm>>
    tpu.enqueue_dma source(%arg11 : memref<16x1024xf32, #tpu.memory_space<vmem>>) target(%dma_start3A_768 : memref<16x1024xf32, #tpu.memory_space<hbm>>) target_semaphore(%arg23 : memref<!tpu.dma_semaphore, #tpu.memory_space<semaphore_mem>>)
    %dma_wait3A_769 = arith.constant 2 : i32
    %dma_wait3A_770 = arith.constant 0 : i32
    %dma_wait3A_771 = tpu.memref_slice %arg4[%dma_wait3A_769, %add3A_726, %dma_wait3A_770] : memref<4x4096x1024xf32, #tpu.memory_space<hbm>> -> memref<1x16x1024xf32, #tpu.memory_space<hbm>>
    %dma_wait3A_772 = tpu.memref_squeeze %dma_wait3A_771 : memref<1x16x1024xf32, #tpu.memory_space<hbm>> -> memref<16x1024xf32, #tpu.memory_space<hbm>>
    %dma_wait3A_773 = arith.constant 0 : i32
    %dma_wait3A_774 = tpu.memref_slice %arg4[%dma_wait3A_769, %add3A_726, %dma_wait3A_773] : memref<4x4096x1024xf32, #tpu.memory_space<hbm>> -> memref<1x16x1024xf32, #tpu.memory_space<hbm>>
    %dma_wait3A_775 = tpu.memref_squeeze %dma_wait3A_774 : memref<1x16x1024xf32, #tpu.memory_space<hbm>> -> memref<16x1024xf32, #tpu.memory_space<hbm>>
    tpu.wait_dma2 semaphore(%arg22 : memref<!tpu.dma_semaphore, #tpu.memory_space<semaphore_mem>>) src(%arg10 : memref<16x1024xf32, #tpu.memory_space<vmem>>) dst(%dma_wait3A_775 : memref<16x1024xf32, #tpu.memory_space<hbm>>)
    %add3A_776 = arith.constant 80 : i32
    %add3A_777 = arith.addi %mul3A_2, %add3A_776 : i32
    %dma_start3A_778 = arith.constant 3 : i32
    %dma_start3A_779 = arith.constant 0 : i32
    %dma_start3A_780 = tpu.memref_slice %arg2[%dma_start3A_778, %add3A_777, %dma_start3A_779] : memref<4x4096x1024xf32, #tpu.memory_space<hbm>> -> memref<1x16x1024xf32, #tpu.memory_space<hbm>>
    %dma_start3A_781 = tpu.memref_squeeze %dma_start3A_780 : memref<1x16x1024xf32, #tpu.memory_space<hbm>> -> memref<16x1024xf32, #tpu.memory_space<hbm>>
    %dma_start3A_782 = arith.constant 0 : i32
    %dma_start3A_783 = tpu.memref_slice %arg2[%dma_start3A_778, %add3A_777, %dma_start3A_782] : memref<4x4096x1024xf32, #tpu.memory_space<hbm>> -> memref<1x16x1024xf32, #tpu.memory_space<hbm>>
    %dma_start3A_784 = tpu.memref_squeeze %dma_start3A_783 : memref<1x16x1024xf32, #tpu.memory_space<hbm>> -> memref<16x1024xf32, #tpu.memory_space<hbm>>
    tpu.enqueue_dma source(%dma_start3A_784 : memref<16x1024xf32, #tpu.memory_space<hbm>>) target(%arg10 : memref<16x1024xf32, #tpu.memory_space<vmem>>) target_semaphore(%arg17 : memref<!tpu.dma_semaphore, #tpu.memory_space<semaphore_mem>>)
    %dma_wait3A_785 = arith.constant 0 : i32
    %dma_wait3A_786 = tpu.memref_slice %arg3[%add3A_640, %dma_wait3A_785] : memref<8192x1024xf32, #tpu.memory_space<hbm>> -> memref<16x1024xf32, #tpu.memory_space<hbm>>
    %dma_wait3A_787 = arith.constant 0 : i32
    %dma_wait3A_788 = tpu.memref_slice %arg3[%add3A_640, %dma_wait3A_787] : memref<8192x1024xf32, #tpu.memory_space<hbm>> -> memref<16x1024xf32, #tpu.memory_space<hbm>>
    tpu.wait_dma2 semaphore(%arg13 : memref<!tpu.dma_semaphore, #tpu.memory_space<semaphore_mem>>) src(%dma_wait3A_788 : memref<16x1024xf32, #tpu.memory_space<hbm>>) dst(%arg6 : memref<16x1024xf32, #tpu.memory_space<vmem>>)
    %add3A_789 = arith.constant 96 : i32
    %add3A_790 = arith.addi %mul3A_2, %add3A_789 : i32
    %dma_start3A_791 = arith.constant 0 : i32
    %dma_start3A_792 = tpu.memref_slice %arg3[%add3A_790, %dma_start3A_791] : memref<8192x1024xf32, #tpu.memory_space<hbm>> -> memref<16x1024xf32, #tpu.memory_space<hbm>>
    %dma_start3A_793 = arith.constant 0 : i32
    %dma_start3A_794 = tpu.memref_slice %arg3[%add3A_790, %dma_start3A_793] : memref<8192x1024xf32, #tpu.memory_space<hbm>> -> memref<16x1024xf32, #tpu.memory_space<hbm>>
    tpu.enqueue_dma source(%dma_start3A_794 : memref<16x1024xf32, #tpu.memory_space<hbm>>) target(%arg5 : memref<16x1024xf32, #tpu.memory_space<vmem>>) target_semaphore(%arg12 : memref<!tpu.dma_semaphore, #tpu.memory_space<semaphore_mem>>)
    %dma_wait3A_795 = arith.constant 0 : i32
    %dma_wait3A_796 = arith.constant 0 : i32
    %dma_wait3A_797 = tpu.memref_slice %arg2[%dma_wait3A_795, %add3A_672, %dma_wait3A_796] : memref<4x4096x1024xf32, #tpu.memory_space<hbm>> -> memref<1x16x1024xf32, #tpu.memory_space<hbm>>
    %dma_wait3A_798 = tpu.memref_squeeze %dma_wait3A_797 : memref<1x16x1024xf32, #tpu.memory_space<hbm>> -> memref<16x1024xf32, #tpu.memory_space<hbm>>
    %dma_wait3A_799 = arith.constant 0 : i32
    %dma_wait3A_800 = tpu.memref_slice %arg2[%dma_wait3A_795, %add3A_672, %dma_wait3A_799] : memref<4x4096x1024xf32, #tpu.memory_space<hbm>> -> memref<1x16x1024xf32, #tpu.memory_space<hbm>>
    %dma_wait3A_801 = tpu.memref_squeeze %dma_wait3A_800 : memref<1x16x1024xf32, #tpu.memory_space<hbm>> -> memref<16x1024xf32, #tpu.memory_space<hbm>>
    tpu.wait_dma2 semaphore(%arg14 : memref<!tpu.dma_semaphore, #tpu.memory_space<semaphore_mem>>) src(%dma_wait3A_801 : memref<16x1024xf32, #tpu.memory_space<hbm>>) dst(%arg7 : memref<16x1024xf32, #tpu.memory_space<vmem>>)
    %parallel_loop3A_802 = arith.constant 0 : i32
    %parallel_loop3A_803 = arith.constant 16384 : i32
    %parallel_loop3A_804 = arith.constant 16 : i32
    scf.for %parallel_loop3A_1200 = %parallel_loop3A_802 to %parallel_loop3A_803 step %parallel_loop3A_804  : i32 {
      %parallel_loop3A_1201 = arith.constant 10 : i32
      %parallel_loop3A_1202 = arith.shrsi %parallel_loop3A_1200, %parallel_loop3A_1201 : i32
      %parallel_loop3A_1203 = arith.constant 1023 : i32
      %parallel_loop3A_1204 = arith.andi %parallel_loop3A_1200, %parallel_loop3A_1203 : i32
      %parallel_loop3A_1205 = tpu.assume_multiple %parallel_loop3A_1204, 16 : i32
      %parallel_loop3A_1206 = arith.index_cast %parallel_loop3A_1202 : i32 to index
      %parallel_loop3A_1207 = arith.index_cast %parallel_loop3A_1205 : i32 to index
      %parallel_loop3A_1208 = tpu.vector_load %arg6[%parallel_loop3A_1206, %parallel_loop3A_1207] {strides = array<i32>} : memref<16x1024xf32, #tpu.memory_space<vmem>>, vector<1x16xf32>,
      %parallel_loop3A_1209 = vector.shape_cast %parallel_loop3A_1208 : vector<1x16xf32> to vector<16xf32>
      %parallel_loop3A_1210 = arith.index_cast %parallel_loop3A_1202 : i32 to index
      %parallel_loop3A_1211 = arith.index_cast %parallel_loop3A_1205 : i32 to index
      %parallel_loop3A_1212 = tpu.vector_load %arg7[%parallel_loop3A_1210, %parallel_loop3A_1211] {strides = array<i32>} : memref<16x1024xf32, #tpu.memory_space<vmem>>, vector<1x16xf32>,
      %parallel_loop3A_1213 = vector.shape_cast %parallel_loop3A_1212 : vector<1x16xf32> to vector<16xf32>
      %parallel_loop3A_1214 = vector.shape_cast %parallel_loop3A_1209 : vector<16xf32> to vector<1x16xf32>
      tpu.vector_store %arg7[%parallel_loop3A_1210, %parallel_loop3A_1211], %parallel_loop3A_1214 {add = true, strides = array<i32>} : memref<16x1024xf32, #tpu.memory_space<vmem>>, vector<1x16xf32>,
    } {sc.loop_unroll_factor = 8 : i64, sc.parallel_access}
    %add3A_805 = arith.constant 80 : i32
    %add3A_806 = arith.addi %mul3A_2, %add3A_805 : i32
    %dma_start3A_807 = arith.constant 0 : i32
    %dma_start3A_808 = arith.constant 0 : i32
    %dma_start3A_809 = tpu.memref_slice %arg4[%dma_start3A_807, %add3A_806, %dma_start3A_808] : memref<4x4096x1024xf32, #tpu.memory_space<hbm>> -> memref<1x16x1024xf32, #tpu.memory_space<hbm>>
    %dma_start3A_810 = tpu.memref_squeeze %dma_start3A_809 : memref<1x16x1024xf32, #tpu.memory_space<hbm>> -> memref<16x1024xf32, #tpu.memory_space<hbm>>
    %dma_start3A_811 = arith.constant 0 : i32
    %dma_start3A_812 = tpu.memref_slice %arg4[%dma_start3A_807, %add3A_806, %dma_start3A_811] : memref<4x4096x1024xf32, #tpu.memory_space<hbm>> -> memref<1x16x1024xf32, #tpu.memory_space<hbm>>
    %dma_start3A_813 = tpu.memref_squeeze %dma_start3A_812 : memref<1x16x1024xf32, #tpu.memory_space<hbm>> -> memref<16x1024xf32, #tpu.memory_space<hbm>>
    tpu.enqueue_dma source(%arg7 : memref<16x1024xf32, #tpu.memory_space<vmem>>) target(%dma_start3A_813 : memref<16x1024xf32, #tpu.memory_space<hbm>>) target_semaphore(%arg19 : memref<!tpu.dma_semaphore, #tpu.memory_space<semaphore_mem>>)
    %dma_wait3A_814 = arith.constant 3 : i32
    %dma_wait3A_815 = arith.constant 0 : i32
    %dma_wait3A_816 = tpu.memref_slice %arg4[%dma_wait3A_814, %add3A_761, %dma_wait3A_815] : memref<4x4096x1024xf32, #tpu.memory_space<hbm>> -> memref<1x16x1024xf32, #tpu.memory_space<hbm>>
    %dma_wait3A_817 = tpu.memref_squeeze %dma_wait3A_816 : memref<1x16x1024xf32, #tpu.memory_space<hbm>> -> memref<16x1024xf32, #tpu.memory_space<hbm>>
    %dma_wait3A_818 = arith.constant 0 : i32
    %dma_wait3A_819 = tpu.memref_slice %arg4[%dma_wait3A_814, %add3A_761, %dma_wait3A_818] : memref<4x4096x1024xf32, #tpu.memory_space<hbm>> -> memref<1x16x1024xf32, #tpu.memory_space<hbm>>
    %dma_wait3A_820 = tpu.memref_squeeze %dma_wait3A_819 : memref<1x16x1024xf32, #tpu.memory_space<hbm>> -> memref<16x1024xf32, #tpu.memory_space<hbm>>
    tpu.wait_dma2 semaphore(%arg23 : memref<!tpu.dma_semaphore, #tpu.memory_space<semaphore_mem>>) src(%arg11 : memref<16x1024xf32, #tpu.memory_space<vmem>>) dst(%dma_wait3A_820 : memref<16x1024xf32, #tpu.memory_space<hbm>>)
    %add3A_821 = arith.constant 96 : i32
    %add3A_822 = arith.addi %mul3A_2, %add3A_821 : i32
    %dma_start3A_823 = arith.constant 0 : i32
    %dma_start3A_824 = arith.constant 0 : i32
    %dma_start3A_825 = tpu.memref_slice %arg2[%dma_start3A_823, %add3A_822, %dma_start3A_824] : memref<4x4096x1024xf32, #tpu.memory_space<hbm>> -> memref<1x16x1024xf32, #tpu.memory_space<hbm>>
    %dma_start3A_826 = tpu.memref_squeeze %dma_start3A_825 : memref<1x16x1024xf32, #tpu.memory_space<hbm>> -> memref<16x1024xf32, #tpu.memory_space<hbm>>
    %dma_start3A_827 = arith.constant 0 : i32
    %dma_start3A_828 = tpu.memref_slice %arg2[%dma_start3A_823, %add3A_822, %dma_start3A_827] : memref<4x4096x1024xf32, #tpu.memory_space<hbm>> -> memref<1x16x1024xf32, #tpu.memory_space<hbm>>
    %dma_start3A_829 = tpu.memref_squeeze %dma_start3A_828 : memref<1x16x1024xf32, #tpu.memory_space<hbm>> -> memref<16x1024xf32, #tpu.memory_space<hbm>>
    tpu.enqueue_dma source(%dma_start3A_829 : memref<16x1024xf32, #tpu.memory_space<hbm>>) target(%arg11 : memref<16x1024xf32, #tpu.memory_space<vmem>>) target_semaphore(%arg18 : memref<!tpu.dma_semaphore, #tpu.memory_space<semaphore_mem>>)
    %dma_wait3A_830 = arith.constant 1 : i32
    %dma_wait3A_831 = arith.constant 0 : i32
    %dma_wait3A_832 = tpu.memref_slice %arg2[%dma_wait3A_830, %add3A_707, %dma_wait3A_831] : memref<4x4096x1024xf32, #tpu.memory_space<hbm>> -> memref<1x16x1024xf32, #tpu.memory_space<hbm>>
    %dma_wait3A_833 = tpu.memref_squeeze %dma_wait3A_832 : memref<1x16x1024xf32, #tpu.memory_space<hbm>> -> memref<16x1024xf32, #tpu.memory_space<hbm>>
    %dma_wait3A_834 = arith.constant 0 : i32
    %dma_wait3A_835 = tpu.memref_slice %arg2[%dma_wait3A_830, %add3A_707, %dma_wait3A_834] : memref<4x4096x1024xf32, #tpu.memory_space<hbm>> -> memref<1x16x1024xf32, #tpu.memory_space<hbm>>
    %dma_wait3A_836 = tpu.memref_squeeze %dma_wait3A_835 : memref<1x16x1024xf32, #tpu.memory_space<hbm>> -> memref<16x1024xf32, #tpu.memory_space<hbm>>
    tpu.wait_dma2 semaphore(%arg15 : memref<!tpu.dma_semaphore, #tpu.memory_space<semaphore_mem>>) src(%dma_wait3A_836 : memref<16x1024xf32, #tpu.memory_space<hbm>>) dst(%arg8 : memref<16x1024xf32, #tpu.memory_space<vmem>>)
    %parallel_loop3A_837 = arith.constant 0 : i32
    %parallel_loop3A_838 = arith.constant 16384 : i32
    %parallel_loop3A_839 = arith.constant 16 : i32
    scf.for %parallel_loop3A_1200 = %parallel_loop3A_837 to %parallel_loop3A_838 step %parallel_loop3A_839  : i32 {
      %parallel_loop3A_1201 = arith.constant 10 : i32
      %parallel_loop3A_1202 = arith.shrsi %parallel_loop3A_1200, %parallel_loop3A_1201 : i32
      %parallel_loop3A_1203 = arith.constant 1023 : i32
      %parallel_loop3A_1204 = arith.andi %parallel_loop3A_1200, %parallel_loop3A_1203 : i32
      %parallel_loop3A_1205 = tpu.assume_multiple %parallel_loop3A_1204, 16 : i32
      %parallel_loop3A_1206 = arith.index_cast %parallel_loop3A_1202 : i32 to index
      %parallel_loop3A_1207 = arith.index_cast %parallel_loop3A_1205 : i32 to index
      %parallel_loop3A_1208 = tpu.vector_load %arg6[%parallel_loop3A_1206, %parallel_loop3A_1207] {strides = array<i32>} : memref<16x1024xf32, #tpu.memory_space<vmem>>, vector<1x16xf32>,
      %parallel_loop3A_1209 = vector.shape_cast %parallel_loop3A_1208 : vector<1x16xf32> to vector<16xf32>
      %parallel_loop3A_1210 = arith.index_cast %parallel_loop3A_1202 : i32 to index
      %parallel_loop3A_1211 = arith.index_cast %parallel_loop3A_1205 : i32 to index
      %parallel_loop3A_1212 = tpu.vector_load %arg8[%parallel_loop3A_1210, %parallel_loop3A_1211] {strides = array<i32>} : memref<16x1024xf32, #tpu.memory_space<vmem>>, vector<1x16xf32>,
      %parallel_loop3A_1213 = vector.shape_cast %parallel_loop3A_1212 : vector<1x16xf32> to vector<16xf32>
      %parallel_loop3A_1214 = vector.shape_cast %parallel_loop3A_1209 : vector<16xf32> to vector<1x16xf32>
      tpu.vector_store %arg8[%parallel_loop3A_1210, %parallel_loop3A_1211], %parallel_loop3A_1214 {add = true, strides = array<i32>} : memref<16x1024xf32, #tpu.memory_space<vmem>>, vector<1x16xf32>,
    } {sc.loop_unroll_factor = 8 : i64, sc.parallel_access}
    %add3A_840 = arith.constant 80 : i32
    %add3A_841 = arith.addi %mul3A_2, %add3A_840 : i32
    %dma_start3A_842 = arith.constant 1 : i32
    %dma_start3A_843 = arith.constant 0 : i32
    %dma_start3A_844 = tpu.memref_slice %arg4[%dma_start3A_842, %add3A_841, %dma_start3A_843] : memref<4x4096x1024xf32, #tpu.memory_space<hbm>> -> memref<1x16x1024xf32, #tpu.memory_space<hbm>>
    %dma_start3A_845 = tpu.memref_squeeze %dma_start3A_844 : memref<1x16x1024xf32, #tpu.memory_space<hbm>> -> memref<16x1024xf32, #tpu.memory_space<hbm>>
    %dma_start3A_846 = arith.constant 0 : i32
    %dma_start3A_847 = tpu.memref_slice %arg4[%dma_start3A_842, %add3A_841, %dma_start3A_846] : memref<4x4096x1024xf32, #tpu.memory_space<hbm>> -> memref<1x16x1024xf32, #tpu.memory_space<hbm>>
    %dma_start3A_848 = tpu.memref_squeeze %dma_start3A_847 : memref<1x16x1024xf32, #tpu.memory_space<hbm>> -> memref<16x1024xf32, #tpu.memory_space<hbm>>
    tpu.enqueue_dma source(%arg8 : memref<16x1024xf32, #tpu.memory_space<vmem>>) target(%dma_start3A_848 : memref<16x1024xf32, #tpu.memory_space<hbm>>) target_semaphore(%arg20 : memref<!tpu.dma_semaphore, #tpu.memory_space<semaphore_mem>>)
    %dma_wait3A_849 = arith.constant 0 : i32
    %dma_wait3A_850 = arith.constant 0 : i32
    %dma_wait3A_851 = tpu.memref_slice %arg4[%dma_wait3A_849, %add3A_806, %dma_wait3A_850] : memref<4x4096x1024xf32, #tpu.memory_space<hbm>> -> memref<1x16x1024xf32, #tpu.memory_space<hbm>>
    %dma_wait3A_852 = tpu.memref_squeeze %dma_wait3A_851 : memref<1x16x1024xf32, #tpu.memory_space<hbm>> -> memref<16x1024xf32, #tpu.memory_space<hbm>>
    %dma_wait3A_853 = arith.constant 0 : i32
    %dma_wait3A_854 = tpu.memref_slice %arg4[%dma_wait3A_849, %add3A_806, %dma_wait3A_853] : memref<4x4096x1024xf32, #tpu.memory_space<hbm>> -> memref<1x16x1024xf32, #tpu.memory_space<hbm>>
    %dma_wait3A_855 = tpu.memref_squeeze %dma_wait3A_854 : memref<1x16x1024xf32, #tpu.memory_space<hbm>> -> memref<16x1024xf32, #tpu.memory_space<hbm>>
    tpu.wait_dma2 semaphore(%arg19 : memref<!tpu.dma_semaphore, #tpu.memory_space<semaphore_mem>>) src(%arg7 : memref<16x1024xf32, #tpu.memory_space<vmem>>) dst(%dma_wait3A_855 : memref<16x1024xf32, #tpu.memory_space<hbm>>)
    %add3A_856 = arith.constant 96 : i32
    %add3A_857 = arith.addi %mul3A_2, %add3A_856 : i32
    %dma_start3A_858 = arith.constant 1 : i32
    %dma_start3A_859 = arith.constant 0 : i32
    %dma_start3A_860 = tpu.memref_slice %arg2[%dma_start3A_858, %add3A_857, %dma_start3A_859] : memref<4x4096x1024xf32, #tpu.memory_space<hbm>> -> memref<1x16x1024xf32, #tpu.memory_space<hbm>>
    %dma_start3A_861 = tpu.memref_squeeze %dma_start3A_860 : memref<1x16x1024xf32, #tpu.memory_space<hbm>> -> memref<16x1024xf32, #tpu.memory_space<hbm>>
    %dma_start3A_862 = arith.constant 0 : i32
    %dma_start3A_863 = tpu.memref_slice %arg2[%dma_start3A_858, %add3A_857, %dma_start3A_862] : memref<4x4096x1024xf32, #tpu.memory_space<hbm>> -> memref<1x16x1024xf32, #tpu.memory_space<hbm>>
    %dma_start3A_864 = tpu.memref_squeeze %dma_start3A_863 : memref<1x16x1024xf32, #tpu.memory_space<hbm>> -> memref<16x1024xf32, #tpu.memory_space<hbm>>
    tpu.enqueue_dma source(%dma_start3A_864 : memref<16x1024xf32, #tpu.memory_space<hbm>>) target(%arg7 : memref<16x1024xf32, #tpu.memory_space<vmem>>) target_semaphore(%arg14 : memref<!tpu.dma_semaphore, #tpu.memory_space<semaphore_mem>>)
    %dma_wait3A_865 = arith.constant 2 : i32
    %dma_wait3A_866 = arith.constant 0 : i32
    %dma_wait3A_867 = tpu.memref_slice %arg2[%dma_wait3A_865, %add3A_742, %dma_wait3A_866] : memref<4x4096x1024xf32, #tpu.memory_space<hbm>> -> memref<1x16x1024xf32, #tpu.memory_space<hbm>>
    %dma_wait3A_868 = tpu.memref_squeeze %dma_wait3A_867 : memref<1x16x1024xf32, #tpu.memory_space<hbm>> -> memref<16x1024xf32, #tpu.memory_space<hbm>>
    %dma_wait3A_869 = arith.constant 0 : i32
    %dma_wait3A_870 = tpu.memref_slice %arg2[%dma_wait3A_865, %add3A_742, %dma_wait3A_869] : memref<4x4096x1024xf32, #tpu.memory_space<hbm>> -> memref<1x16x1024xf32, #tpu.memory_space<hbm>>
    %dma_wait3A_871 = tpu.memref_squeeze %dma_wait3A_870 : memref<1x16x1024xf32, #tpu.memory_space<hbm>> -> memref<16x1024xf32, #tpu.memory_space<hbm>>
    tpu.wait_dma2 semaphore(%arg16 : memref<!tpu.dma_semaphore, #tpu.memory_space<semaphore_mem>>) src(%dma_wait3A_871 : memref<16x1024xf32, #tpu.memory_space<hbm>>) dst(%arg9 : memref<16x1024xf32, #tpu.memory_space<vmem>>)
    %parallel_loop3A_872 = arith.constant 0 : i32
    %parallel_loop3A_873 = arith.constant 16384 : i32
    %parallel_loop3A_874 = arith.constant 16 : i32
    scf.for %parallel_loop3A_1200 = %parallel_loop3A_872 to %parallel_loop3A_873 step %parallel_loop3A_874  : i32 {
      %parallel_loop3A_1201 = arith.constant 10 : i32
      %parallel_loop3A_1202 = arith.shrsi %parallel_loop3A_1200, %parallel_loop3A_1201 : i32
      %parallel_loop3A_1203 = arith.constant 1023 : i32
      %parallel_loop3A_1204 = arith.andi %parallel_loop3A_1200, %parallel_loop3A_1203 : i32
      %parallel_loop3A_1205 = tpu.assume_multiple %parallel_loop3A_1204, 16 : i32
      %parallel_loop3A_1206 = arith.index_cast %parallel_loop3A_1202 : i32 to index
      %parallel_loop3A_1207 = arith.index_cast %parallel_loop3A_1205 : i32 to index
      %parallel_loop3A_1208 = tpu.vector_load %arg6[%parallel_loop3A_1206, %parallel_loop3A_1207] {strides = array<i32>} : memref<16x1024xf32, #tpu.memory_space<vmem>>, vector<1x16xf32>,
      %parallel_loop3A_1209 = vector.shape_cast %parallel_loop3A_1208 : vector<1x16xf32> to vector<16xf32>
      %parallel_loop3A_1210 = arith.index_cast %parallel_loop3A_1202 : i32 to index
      %parallel_loop3A_1211 = arith.index_cast %parallel_loop3A_1205 : i32 to index
      %parallel_loop3A_1212 = tpu.vector_load %arg9[%parallel_loop3A_1210, %parallel_loop3A_1211] {strides = array<i32>} : memref<16x1024xf32, #tpu.memory_space<vmem>>, vector<1x16xf32>,
      %parallel_loop3A_1213 = vector.shape_cast %parallel_loop3A_1212 : vector<1x16xf32> to vector<16xf32>
      %parallel_loop3A_1214 = vector.shape_cast %parallel_loop3A_1209 : vector<16xf32> to vector<1x16xf32>
      tpu.vector_store %arg9[%parallel_loop3A_1210, %parallel_loop3A_1211], %parallel_loop3A_1214 {add = true, strides = array<i32>} : memref<16x1024xf32, #tpu.memory_space<vmem>>, vector<1x16xf32>,
    } {sc.loop_unroll_factor = 8 : i64, sc.parallel_access}
    %add3A_875 = arith.constant 80 : i32
    %add3A_876 = arith.addi %mul3A_2, %add3A_875 : i32
    %dma_start3A_877 = arith.constant 2 : i32
    %dma_start3A_878 = arith.constant 0 : i32
    %dma_start3A_879 = tpu.memref_slice %arg4[%dma_start3A_877, %add3A_876, %dma_start3A_878] : memref<4x4096x1024xf32, #tpu.memory_space<hbm>> -> memref<1x16x1024xf32, #tpu.memory_space<hbm>>
    %dma_start3A_880 = tpu.memref_squeeze %dma_start3A_879 : memref<1x16x1024xf32, #tpu.memory_space<hbm>> -> memref<16x1024xf32, #tpu.memory_space<hbm>>
    %dma_start3A_881 = arith.constant 0 : i32
    %dma_start3A_882 = tpu.memref_slice %arg4[%dma_start3A_877, %add3A_876, %dma_start3A_881] : memref<4x4096x1024xf32, #tpu.memory_space<hbm>> -> memref<1x16x1024xf32, #tpu.memory_space<hbm>>
    %dma_start3A_883 = tpu.memref_squeeze %dma_start3A_882 : memref<1x16x1024xf32, #tpu.memory_space<hbm>> -> memref<16x1024xf32, #tpu.memory_space<hbm>>
    tpu.enqueue_dma source(%arg9 : memref<16x1024xf32, #tpu.memory_space<vmem>>) target(%dma_start3A_883 : memref<16x1024xf32, #tpu.memory_space<hbm>>) target_semaphore(%arg21 : memref<!tpu.dma_semaphore, #tpu.memory_space<semaphore_mem>>)
    %dma_wait3A_884 = arith.constant 1 : i32
    %dma_wait3A_885 = arith.constant 0 : i32
    %dma_wait3A_886 = tpu.memref_slice %arg4[%dma_wait3A_884, %add3A_841, %dma_wait3A_885] : memref<4x4096x1024xf32, #tpu.memory_space<hbm>> -> memref<1x16x1024xf32, #tpu.memory_space<hbm>>
    %dma_wait3A_887 = tpu.memref_squeeze %dma_wait3A_886 : memref<1x16x1024xf32, #tpu.memory_space<hbm>> -> memref<16x1024xf32, #tpu.memory_space<hbm>>
    %dma_wait3A_888 = arith.constant 0 : i32
    %dma_wait3A_889 = tpu.memref_slice %arg4[%dma_wait3A_884, %add3A_841, %dma_wait3A_888] : memref<4x4096x1024xf32, #tpu.memory_space<hbm>> -> memref<1x16x1024xf32, #tpu.memory_space<hbm>>
    %dma_wait3A_890 = tpu.memref_squeeze %dma_wait3A_889 : memref<1x16x1024xf32, #tpu.memory_space<hbm>> -> memref<16x1024xf32, #tpu.memory_space<hbm>>
    tpu.wait_dma2 semaphore(%arg20 : memref<!tpu.dma_semaphore, #tpu.memory_space<semaphore_mem>>) src(%arg8 : memref<16x1024xf32, #tpu.memory_space<vmem>>) dst(%dma_wait3A_890 : memref<16x1024xf32, #tpu.memory_space<hbm>>)
    %add3A_891 = arith.constant 96 : i32
    %add3A_892 = arith.addi %mul3A_2, %add3A_891 : i32
    %dma_start3A_893 = arith.constant 2 : i32
    %dma_start3A_894 = arith.constant 0 : i32
    %dma_start3A_895 = tpu.memref_slice %arg2[%dma_start3A_893, %add3A_892, %dma_start3A_894] : memref<4x4096x1024xf32, #tpu.memory_space<hbm>> -> memref<1x16x1024xf32, #tpu.memory_space<hbm>>
    %dma_start3A_896 = tpu.memref_squeeze %dma_start3A_895 : memref<1x16x1024xf32, #tpu.memory_space<hbm>> -> memref<16x1024xf32, #tpu.memory_space<hbm>>
    %dma_start3A_897 = arith.constant 0 : i32
    %dma_start3A_898 = tpu.memref_slice %arg2[%dma_start3A_893, %add3A_892, %dma_start3A_897] : memref<4x4096x1024xf32, #tpu.memory_space<hbm>> -> memref<1x16x1024xf32, #tpu.memory_space<hbm>>
    %dma_start3A_899 = tpu.memref_squeeze %dma_start3A_898 : memref<1x16x1024xf32, #tpu.memory_space<hbm>> -> memref<16x1024xf32, #tpu.memory_space<hbm>>
    tpu.enqueue_dma source(%dma_start3A_899 : memref<16x1024xf32, #tpu.memory_space<hbm>>) target(%arg8 : memref<16x1024xf32, #tpu.memory_space<vmem>>) target_semaphore(%arg15 : memref<!tpu.dma_semaphore, #tpu.memory_space<semaphore_mem>>)
    %dma_wait3A_900 = arith.constant 3 : i32
    %dma_wait3A_901 = arith.constant 0 : i32
    %dma_wait3A_902 = tpu.memref_slice %arg2[%dma_wait3A_900, %add3A_777, %dma_wait3A_901] : memref<4x4096x1024xf32, #tpu.memory_space<hbm>> -> memref<1x16x1024xf32, #tpu.memory_space<hbm>>
    %dma_wait3A_903 = tpu.memref_squeeze %dma_wait3A_902 : memref<1x16x1024xf32, #tpu.memory_space<hbm>> -> memref<16x1024xf32, #tpu.memory_space<hbm>>
    %dma_wait3A_904 = arith.constant 0 : i32
    %dma_wait3A_905 = tpu.memref_slice %arg2[%dma_wait3A_900, %add3A_777, %dma_wait3A_904] : memref<4x4096x1024xf32, #tpu.memory_space<hbm>> -> memref<1x16x1024xf32, #tpu.memory_space<hbm>>
    %dma_wait3A_906 = tpu.memref_squeeze %dma_wait3A_905 : memref<1x16x1024xf32, #tpu.memory_space<hbm>> -> memref<16x1024xf32, #tpu.memory_space<hbm>>
    tpu.wait_dma2 semaphore(%arg17 : memref<!tpu.dma_semaphore, #tpu.memory_space<semaphore_mem>>) src(%dma_wait3A_906 : memref<16x1024xf32, #tpu.memory_space<hbm>>) dst(%arg10 : memref<16x1024xf32, #tpu.memory_space<vmem>>)
    %parallel_loop3A_907 = arith.constant 0 : i32
    %parallel_loop3A_908 = arith.constant 16384 : i32
    %parallel_loop3A_909 = arith.constant 16 : i32
    scf.for %parallel_loop3A_1200 = %parallel_loop3A_907 to %parallel_loop3A_908 step %parallel_loop3A_909  : i32 {
      %parallel_loop3A_1201 = arith.constant 10 : i32
      %parallel_loop3A_1202 = arith.shrsi %parallel_loop3A_1200, %parallel_loop3A_1201 : i32
      %parallel_loop3A_1203 = arith.constant 1023 : i32
      %parallel_loop3A_1204 = arith.andi %parallel_loop3A_1200, %parallel_loop3A_1203 : i32
      %parallel_loop3A_1205 = tpu.assume_multiple %parallel_loop3A_1204, 16 : i32
      %parallel_loop3A_1206 = arith.index_cast %parallel_loop3A_1202 : i32 to index
      %parallel_loop3A_1207 = arith.index_cast %parallel_loop3A_1205 : i32 to index
      %parallel_loop3A_1208 = tpu.vector_load %arg6[%parallel_loop3A_1206, %parallel_loop3A_1207] {strides = array<i32>} : memref<16x1024xf32, #tpu.memory_space<vmem>>, vector<1x16xf32>,
      %parallel_loop3A_1209 = vector.shape_cast %parallel_loop3A_1208 : vector<1x16xf32> to vector<16xf32>
      %parallel_loop3A_1210 = arith.index_cast %parallel_loop3A_1202 : i32 to index
      %parallel_loop3A_1211 = arith.index_cast %parallel_loop3A_1205 : i32 to index
      %parallel_loop3A_1212 = tpu.vector_load %arg10[%parallel_loop3A_1210, %parallel_loop3A_1211] {strides = array<i32>} : memref<16x1024xf32, #tpu.memory_space<vmem>>, vector<1x16xf32>,
      %parallel_loop3A_1213 = vector.shape_cast %parallel_loop3A_1212 : vector<1x16xf32> to vector<16xf32>
      %parallel_loop3A_1214 = vector.shape_cast %parallel_loop3A_1209 : vector<16xf32> to vector<1x16xf32>
      tpu.vector_store %arg10[%parallel_loop3A_1210, %parallel_loop3A_1211], %parallel_loop3A_1214 {add = true, strides = array<i32>} : memref<16x1024xf32, #tpu.memory_space<vmem>>, vector<1x16xf32>,
    } {sc.loop_unroll_factor = 8 : i64, sc.parallel_access}
    %add3A_910 = arith.constant 80 : i32
    %add3A_911 = arith.addi %mul3A_2, %add3A_910 : i32
    %dma_start3A_912 = arith.constant 3 : i32
    %dma_start3A_913 = arith.constant 0 : i32
    %dma_start3A_914 = tpu.memref_slice %arg4[%dma_start3A_912, %add3A_911, %dma_start3A_913] : memref<4x4096x1024xf32, #tpu.memory_space<hbm>> -> memref<1x16x1024xf32, #tpu.memory_space<hbm>>
    %dma_start3A_915 = tpu.memref_squeeze %dma_start3A_914 : memref<1x16x1024xf32, #tpu.memory_space<hbm>> -> memref<16x1024xf32, #tpu.memory_space<hbm>>
    %dma_start3A_916 = arith.constant 0 : i32
    %dma_start3A_917 = tpu.memref_slice %arg4[%dma_start3A_912, %add3A_911, %dma_start3A_916] : memref<4x4096x1024xf32, #tpu.memory_space<hbm>> -> memref<1x16x1024xf32, #tpu.memory_space<hbm>>
    %dma_start3A_918 = tpu.memref_squeeze %dma_start3A_917 : memref<1x16x1024xf32, #tpu.memory_space<hbm>> -> memref<16x1024xf32, #tpu.memory_space<hbm>>
    tpu.enqueue_dma source(%arg10 : memref<16x1024xf32, #tpu.memory_space<vmem>>) target(%dma_start3A_918 : memref<16x1024xf32, #tpu.memory_space<hbm>>) target_semaphore(%arg22 : memref<!tpu.dma_semaphore, #tpu.memory_space<semaphore_mem>>)
    %dma_wait3A_919 = arith.constant 2 : i32
    %dma_wait3A_920 = arith.constant 0 : i32
    %dma_wait3A_921 = tpu.memref_slice %arg4[%dma_wait3A_919, %add3A_876, %dma_wait3A_920] : memref<4x4096x1024xf32, #tpu.memory_space<hbm>> -> memref<1x16x1024xf32, #tpu.memory_space<hbm>>
    %dma_wait3A_922 = tpu.memref_squeeze %dma_wait3A_921 : memref<1x16x1024xf32, #tpu.memory_space<hbm>> -> memref<16x1024xf32, #tpu.memory_space<hbm>>
    %dma_wait3A_923 = arith.constant 0 : i32
    %dma_wait3A_924 = tpu.memref_slice %arg4[%dma_wait3A_919, %add3A_876, %dma_wait3A_923] : memref<4x4096x1024xf32, #tpu.memory_space<hbm>> -> memref<1x16x1024xf32, #tpu.memory_space<hbm>>
    %dma_wait3A_925 = tpu.memref_squeeze %dma_wait3A_924 : memref<1x16x1024xf32, #tpu.memory_space<hbm>> -> memref<16x1024xf32, #tpu.memory_space<hbm>>
    tpu.wait_dma2 semaphore(%arg21 : memref<!tpu.dma_semaphore, #tpu.memory_space<semaphore_mem>>) src(%arg9 : memref<16x1024xf32, #tpu.memory_space<vmem>>) dst(%dma_wait3A_925 : memref<16x1024xf32, #tpu.memory_space<hbm>>)
    %add3A_926 = arith.constant 96 : i32
    %add3A_927 = arith.addi %mul3A_2, %add3A_926 : i32
    %dma_start3A_928 = arith.constant 3 : i32
    %dma_start3A_929 = arith.constant 0 : i32
    %dma_start3A_930 = tpu.memref_slice %arg2[%dma_start3A_928, %add3A_927, %dma_start3A_929] : memref<4x4096x1024xf32, #tpu.memory_space<hbm>> -> memref<1x16x1024xf32, #tpu.memory_space<hbm>>
    %dma_start3A_931 = tpu.memref_squeeze %dma_start3A_930 : memref<1x16x1024xf32, #tpu.memory_space<hbm>> -> memref<16x1024xf32, #tpu.memory_space<hbm>>
    %dma_start3A_932 = arith.constant 0 : i32
    %dma_start3A_933 = tpu.memref_slice %arg2[%dma_start3A_928, %add3A_927, %dma_start3A_932] : memref<4x4096x1024xf32, #tpu.memory_space<hbm>> -> memref<1x16x1024xf32, #tpu.memory_space<hbm>>
    %dma_start3A_934 = tpu.memref_squeeze %dma_start3A_933 : memref<1x16x1024xf32, #tpu.memory_space<hbm>> -> memref<16x1024xf32, #tpu.memory_space<hbm>>
    tpu.enqueue_dma source(%dma_start3A_934 : memref<16x1024xf32, #tpu.memory_space<hbm>>) target(%arg9 : memref<16x1024xf32, #tpu.memory_space<vmem>>) target_semaphore(%arg16 : memref<!tpu.dma_semaphore, #tpu.memory_space<semaphore_mem>>)
    %dma_wait3A_935 = arith.constant 0 : i32
    %dma_wait3A_936 = tpu.memref_slice %arg3[%add3A_790, %dma_wait3A_935] : memref<8192x1024xf32, #tpu.memory_space<hbm>> -> memref<16x1024xf32, #tpu.memory_space<hbm>>
    %dma_wait3A_937 = arith.constant 0 : i32
    %dma_wait3A_938 = tpu.memref_slice %arg3[%add3A_790, %dma_wait3A_937] : memref<8192x1024xf32, #tpu.memory_space<hbm>> -> memref<16x1024xf32, #tpu.memory_space<hbm>>
    tpu.wait_dma2 semaphore(%arg12 : memref<!tpu.dma_semaphore, #tpu.memory_space<semaphore_mem>>) src(%dma_wait3A_938 : memref<16x1024xf32, #tpu.memory_space<hbm>>) dst(%arg5 : memref<16x1024xf32, #tpu.memory_space<vmem>>)
    %add3A_939 = arith.constant 112 : i32
    %add3A_940 = arith.addi %mul3A_2, %add3A_939 : i32
    %dma_start3A_941 = arith.constant 0 : i32
    %dma_start3A_942 = tpu.memref_slice %arg3[%add3A_940, %dma_start3A_941] : memref<8192x1024xf32, #tpu.memory_space<hbm>> -> memref<16x1024xf32, #tpu.memory_space<hbm>>
    %dma_start3A_943 = arith.constant 0 : i32
    %dma_start3A_944 = tpu.memref_slice %arg3[%add3A_940, %dma_start3A_943] : memref<8192x1024xf32, #tpu.memory_space<hbm>> -> memref<16x1024xf32, #tpu.memory_space<hbm>>
    tpu.enqueue_dma source(%dma_start3A_944 : memref<16x1024xf32, #tpu.memory_space<hbm>>) target(%arg6 : memref<16x1024xf32, #tpu.memory_space<vmem>>) target_semaphore(%arg13 : memref<!tpu.dma_semaphore, #tpu.memory_space<semaphore_mem>>)
    %dma_wait3A_945 = arith.constant 0 : i32
    %dma_wait3A_946 = arith.constant 0 : i32
    %dma_wait3A_947 = tpu.memref_slice %arg2[%dma_wait3A_945, %add3A_822, %dma_wait3A_946] : memref<4x4096x1024xf32, #tpu.memory_space<hbm>> -> memref<1x16x1024xf32, #tpu.memory_space<hbm>>
    %dma_wait3A_948 = tpu.memref_squeeze %dma_wait3A_947 : memref<1x16x1024xf32, #tpu.memory_space<hbm>> -> memref<16x1024xf32, #tpu.memory_space<hbm>>
    %dma_wait3A_949 = arith.constant 0 : i32
    %dma_wait3A_950 = tpu.memref_slice %arg2[%dma_wait3A_945, %add3A_822, %dma_wait3A_949] : memref<4x4096x1024xf32, #tpu.memory_space<hbm>> -> memref<1x16x1024xf32, #tpu.memory_space<hbm>>
    %dma_wait3A_951 = tpu.memref_squeeze %dma_wait3A_950 : memref<1x16x1024xf32, #tpu.memory_space<hbm>> -> memref<16x1024xf32, #tpu.memory_space<hbm>>
    tpu.wait_dma2 semaphore(%arg18 : memref<!tpu.dma_semaphore, #tpu.memory_space<semaphore_mem>>) src(%dma_wait3A_951 : memref<16x1024xf32, #tpu.memory_space<hbm>>) dst(%arg11 : memref<16x1024xf32, #tpu.memory_space<vmem>>)
    %parallel_loop3A_952 = arith.constant 0 : i32
    %parallel_loop3A_953 = arith.constant 16384 : i32
    %parallel_loop3A_954 = arith.constant 16 : i32
    scf.for %parallel_loop3A_1200 = %parallel_loop3A_952 to %parallel_loop3A_953 step %parallel_loop3A_954  : i32 {
      %parallel_loop3A_1201 = arith.constant 10 : i32
      %parallel_loop3A_1202 = arith.shrsi %parallel_loop3A_1200, %parallel_loop3A_1201 : i32
      %parallel_loop3A_1203 = arith.constant 1023 : i32
      %parallel_loop3A_1204 = arith.andi %parallel_loop3A_1200, %parallel_loop3A_1203 : i32
      %parallel_loop3A_1205 = tpu.assume_multiple %parallel_loop3A_1204, 16 : i32
      %parallel_loop3A_1206 = arith.index_cast %parallel_loop3A_1202 : i32 to index
      %parallel_loop3A_1207 = arith.index_cast %parallel_loop3A_1205 : i32 to index
      %parallel_loop3A_1208 = tpu.vector_load %arg5[%parallel_loop3A_1206, %parallel_loop3A_1207] {strides = array<i32>} : memref<16x1024xf32, #tpu.memory_space<vmem>>, vector<1x16xf32>,
      %parallel_loop3A_1209 = vector.shape_cast %parallel_loop3A_1208 : vector<1x16xf32> to vector<16xf32>
      %parallel_loop3A_1210 = arith.index_cast %parallel_loop3A_1202 : i32 to index
      %parallel_loop3A_1211 = arith.index_cast %parallel_loop3A_1205 : i32 to index
      %parallel_loop3A_1212 = tpu.vector_load %arg11[%parallel_loop3A_1210, %parallel_loop3A_1211] {strides = array<i32>} : memref<16x1024xf32, #tpu.memory_space<vmem>>, vector<1x16xf32>,
      %parallel_loop3A_1213 = vector.shape_cast %parallel_loop3A_1212 : vector<1x16xf32> to vector<16xf32>
      %parallel_loop3A_1214 = vector.shape_cast %parallel_loop3A_1209 : vector<16xf32> to vector<1x16xf32>
      tpu.vector_store %arg11[%parallel_loop3A_1210, %parallel_loop3A_1211], %parallel_loop3A_1214 {add = true, strides = array<i32>} : memref<16x1024xf32, #tpu.memory_space<vmem>>, vector<1x16xf32>,
    } {sc.loop_unroll_factor = 8 : i64, sc.parallel_access}
    %add3A_955 = arith.constant 96 : i32
    %add3A_956 = arith.addi %mul3A_2, %add3A_955 : i32
    %dma_start3A_957 = arith.constant 0 : i32
    %dma_start3A_958 = arith.constant 0 : i32
    %dma_start3A_959 = tpu.memref_slice %arg4[%dma_start3A_957, %add3A_956, %dma_start3A_958] : memref<4x4096x1024xf32, #tpu.memory_space<hbm>> -> memref<1x16x1024xf32, #tpu.memory_space<hbm>>
    %dma_start3A_960 = tpu.memref_squeeze %dma_start3A_959 : memref<1x16x1024xf32, #tpu.memory_space<hbm>> -> memref<16x1024xf32, #tpu.memory_space<hbm>>
    %dma_start3A_961 = arith.constant 0 : i32
    %dma_start3A_962 = tpu.memref_slice %arg4[%dma_start3A_957, %add3A_956, %dma_start3A_961] : memref<4x4096x1024xf32, #tpu.memory_space<hbm>> -> memref<1x16x1024xf32, #tpu.memory_space<hbm>>
    %dma_start3A_963 = tpu.memref_squeeze %dma_start3A_962 : memref<1x16x1024xf32, #tpu.memory_space<hbm>> -> memref<16x1024xf32, #tpu.memory_space<hbm>>
    tpu.enqueue_dma source(%arg11 : memref<16x1024xf32, #tpu.memory_space<vmem>>) target(%dma_start3A_963 : memref<16x1024xf32, #tpu.memory_space<hbm>>) target_semaphore(%arg23 : memref<!tpu.dma_semaphore, #tpu.memory_space<semaphore_mem>>)
    %dma_wait3A_964 = arith.constant 3 : i32
    %dma_wait3A_965 = arith.constant 0 : i32
    %dma_wait3A_966 = tpu.memref_slice %arg4[%dma_wait3A_964, %add3A_911, %dma_wait3A_965] : memref<4x4096x1024xf32, #tpu.memory_space<hbm>> -> memref<1x16x1024xf32, #tpu.memory_space<hbm>>
    %dma_wait3A_967 = tpu.memref_squeeze %dma_wait3A_966 : memref<1x16x1024xf32, #tpu.memory_space<hbm>> -> memref<16x1024xf32, #tpu.memory_space<hbm>>
    %dma_wait3A_968 = arith.constant 0 : i32
    %dma_wait3A_969 = tpu.memref_slice %arg4[%dma_wait3A_964, %add3A_911, %dma_wait3A_968] : memref<4x4096x1024xf32, #tpu.memory_space<hbm>> -> memref<1x16x1024xf32, #tpu.memory_space<hbm>>
    %dma_wait3A_970 = tpu.memref_squeeze %dma_wait3A_969 : memref<1x16x1024xf32, #tpu.memory_space<hbm>> -> memref<16x1024xf32, #tpu.memory_space<hbm>>
    tpu.wait_dma2 semaphore(%arg22 : memref<!tpu.dma_semaphore, #tpu.memory_space<semaphore_mem>>) src(%arg10 : memref<16x1024xf32, #tpu.memory_space<vmem>>) dst(%dma_wait3A_970 : memref<16x1024xf32, #tpu.memory_space<hbm>>)
    %add3A_971 = arith.constant 112 : i32
    %add3A_972 = arith.addi %mul3A_2, %add3A_971 : i32
    %dma_start3A_973 = arith.constant 0 : i32
    %dma_start3A_974 = arith.constant 0 : i32
    %dma_start3A_975 = tpu.memref_slice %arg2[%dma_start3A_973, %add3A_972, %dma_start3A_974] : memref<4x4096x1024xf32, #tpu.memory_space<hbm>> -> memref<1x16x1024xf32, #tpu.memory_space<hbm>>
    %dma_start3A_976 = tpu.memref_squeeze %dma_start3A_975 : memref<1x16x1024xf32, #tpu.memory_space<hbm>> -> memref<16x1024xf32, #tpu.memory_space<hbm>>
    %dma_start3A_977 = arith.constant 0 : i32
    %dma_start3A_978 = tpu.memref_slice %arg2[%dma_start3A_973, %add3A_972, %dma_start3A_977] : memref<4x4096x1024xf32, #tpu.memory_space<hbm>> -> memref<1x16x1024xf32, #tpu.memory_space<hbm>>
    %dma_start3A_979 = tpu.memref_squeeze %dma_start3A_978 : memref<1x16x1024xf32, #tpu.memory_space<hbm>> -> memref<16x1024xf32, #tpu.memory_space<hbm>>
    tpu.enqueue_dma source(%dma_start3A_979 : memref<16x1024xf32, #tpu.memory_space<hbm>>) target(%arg10 : memref<16x1024xf32, #tpu.memory_space<vmem>>) target_semaphore(%arg17 : memref<!tpu.dma_semaphore, #tpu.memory_space<semaphore_mem>>)
    %dma_wait3A_980 = arith.constant 1 : i32
    %dma_wait3A_981 = arith.constant 0 : i32
    %dma_wait3A_982 = tpu.memref_slice %arg2[%dma_wait3A_980, %add3A_857, %dma_wait3A_981] : memref<4x4096x1024xf32, #tpu.memory_space<hbm>> -> memref<1x16x1024xf32, #tpu.memory_space<hbm>>
    %dma_wait3A_983 = tpu.memref_squeeze %dma_wait3A_982 : memref<1x16x1024xf32, #tpu.memory_space<hbm>> -> memref<16x1024xf32, #tpu.memory_space<hbm>>
    %dma_wait3A_984 = arith.constant 0 : i32
    %dma_wait3A_985 = tpu.memref_slice %arg2[%dma_wait3A_980, %add3A_857, %dma_wait3A_984] : memref<4x4096x1024xf32, #tpu.memory_space<hbm>> -> memref<1x16x1024xf32, #tpu.memory_space<hbm>>
    %dma_wait3A_986 = tpu.memref_squeeze %dma_wait3A_985 : memref<1x16x1024xf32, #tpu.memory_space<hbm>> -> memref<16x1024xf32, #tpu.memory_space<hbm>>
    tpu.wait_dma2 semaphore(%arg14 : memref<!tpu.dma_semaphore, #tpu.memory_space<semaphore_mem>>) src(%dma_wait3A_986 : memref<16x1024xf32, #tpu.memory_space<hbm>>) dst(%arg7 : memref<16x1024xf32, #tpu.memory_space<vmem>>)
    %parallel_loop3A_987 = arith.constant 0 : i32
    %parallel_loop3A_988 = arith.constant 16384 : i32
    %parallel_loop3A_989 = arith.constant 16 : i32
    scf.for %parallel_loop3A_1200 = %parallel_loop3A_987 to %parallel_loop3A_988 step %parallel_loop3A_989  : i32 {
      %parallel_loop3A_1201 = arith.constant 10 : i32
      %parallel_loop3A_1202 = arith.shrsi %parallel_loop3A_1200, %parallel_loop3A_1201 : i32
      %parallel_loop3A_1203 = arith.constant 1023 : i32
      %parallel_loop3A_1204 = arith.andi %parallel_loop3A_1200, %parallel_loop3A_1203 : i32
      %parallel_loop3A_1205 = tpu.assume_multiple %parallel_loop3A_1204, 16 : i32
      %parallel_loop3A_1206 = arith.index_cast %parallel_loop3A_1202 : i32 to index
      %parallel_loop3A_1207 = arith.index_cast %parallel_loop3A_1205 : i32 to index
      %parallel_loop3A_1208 = tpu.vector_load %arg5[%parallel_loop3A_1206, %parallel_loop3A_1207] {strides = array<i32>} : memref<16x1024xf32, #tpu.memory_space<vmem>>, vector<1x16xf32>,
      %parallel_loop3A_1209 = vector.shape_cast %parallel_loop3A_1208 : vector<1x16xf32> to vector<16xf32>
      %parallel_loop3A_1210 = arith.index_cast %parallel_loop3A_1202 : i32 to index
      %parallel_loop3A_1211 = arith.index_cast %parallel_loop3A_1205 : i32 to index
      %parallel_loop3A_1212 = tpu.vector_load %arg7[%parallel_loop3A_1210, %parallel_loop3A_1211] {strides = array<i32>} : memref<16x1024xf32, #tpu.memory_space<vmem>>, vector<1x16xf32>,
      %parallel_loop3A_1213 = vector.shape_cast %parallel_loop3A_1212 : vector<1x16xf32> to vector<16xf32>
      %parallel_loop3A_1214 = vector.shape_cast %parallel_loop3A_1209 : vector<16xf32> to vector<1x16xf32>
      tpu.vector_store %arg7[%parallel_loop3A_1210, %parallel_loop3A_1211], %parallel_loop3A_1214 {add = true, strides = array<i32>} : memref<16x1024xf32, #tpu.memory_space<vmem>>, vector<1x16xf32>,
    } {sc.loop_unroll_factor = 8 : i64, sc.parallel_access}
    %add3A_990 = arith.constant 96 : i32
    %add3A_991 = arith.addi %mul3A_2, %add3A_990 : i32
    %dma_start3A_992 = arith.constant 1 : i32
    %dma_start3A_993 = arith.constant 0 : i32
    %dma_start3A_994 = tpu.memref_slice %arg4[%dma_start3A_992, %add3A_991, %dma_start3A_993] : memref<4x4096x1024xf32, #tpu.memory_space<hbm>> -> memref<1x16x1024xf32, #tpu.memory_space<hbm>>
    %dma_start3A_995 = tpu.memref_squeeze %dma_start3A_994 : memref<1x16x1024xf32, #tpu.memory_space<hbm>> -> memref<16x1024xf32, #tpu.memory_space<hbm>>
    %dma_start3A_996 = arith.constant 0 : i32
    %dma_start3A_997 = tpu.memref_slice %arg4[%dma_start3A_992, %add3A_991, %dma_start3A_996] : memref<4x4096x1024xf32, #tpu.memory_space<hbm>> -> memref<1x16x1024xf32, #tpu.memory_space<hbm>>
    %dma_start3A_998 = tpu.memref_squeeze %dma_start3A_997 : memref<1x16x1024xf32, #tpu.memory_space<hbm>> -> memref<16x1024xf32, #tpu.memory_space<hbm>>
    tpu.enqueue_dma source(%arg7 : memref<16x1024xf32, #tpu.memory_space<vmem>>) target(%dma_start3A_998 : memref<16x1024xf32, #tpu.memory_space<hbm>>) target_semaphore(%arg19 : memref<!tpu.dma_semaphore, #tpu.memory_space<semaphore_mem>>)
    %dma_wait3A_999 = arith.constant 0 : i32
    %dma_wait3A_1000 = arith.constant 0 : i32
    %dma_wait3A_1001 = tpu.memref_slice %arg4[%dma_wait3A_999, %add3A_956, %dma_wait3A_1000] : memref<4x4096x1024xf32, #tpu.memory_space<hbm>> -> memref<1x16x1024xf32, #tpu.memory_space<hbm>>
    %dma_wait3A_1002 = tpu.memref_squeeze %dma_wait3A_1001 : memref<1x16x1024xf32, #tpu.memory_space<hbm>> -> memref<16x1024xf32, #tpu.memory_space<hbm>>
    %dma_wait3A_1003 = arith.constant 0 : i32
    %dma_wait3A_1004 = tpu.memref_slice %arg4[%dma_wait3A_999, %add3A_956, %dma_wait3A_1003] : memref<4x4096x1024xf32, #tpu.memory_space<hbm>> -> memref<1x16x1024xf32, #tpu.memory_space<hbm>>
    %dma_wait3A_1005 = tpu.memref_squeeze %dma_wait3A_1004 : memref<1x16x1024xf32, #tpu.memory_space<hbm>> -> memref<16x1024xf32, #tpu.memory_space<hbm>>
    tpu.wait_dma2 semaphore(%arg23 : memref<!tpu.dma_semaphore, #tpu.memory_space<semaphore_mem>>) src(%arg11 : memref<16x1024xf32, #tpu.memory_space<vmem>>) dst(%dma_wait3A_1005 : memref<16x1024xf32, #tpu.memory_space<hbm>>)
    %add3A_1006 = arith.constant 112 : i32
    %add3A_1007 = arith.addi %mul3A_2, %add3A_1006 : i32
    %dma_start3A_1008 = arith.constant 1 : i32
    %dma_start3A_1009 = arith.constant 0 : i32
    %dma_start3A_1010 = tpu.memref_slice %arg2[%dma_start3A_1008, %add3A_1007, %dma_start3A_1009] : memref<4x4096x1024xf32, #tpu.memory_space<hbm>> -> memref<1x16x1024xf32, #tpu.memory_space<hbm>>
    %dma_start3A_1011 = tpu.memref_squeeze %dma_start3A_1010 : memref<1x16x1024xf32, #tpu.memory_space<hbm>> -> memref<16x1024xf32, #tpu.memory_space<hbm>>
    %dma_start3A_1012 = arith.constant 0 : i32
    %dma_start3A_1013 = tpu.memref_slice %arg2[%dma_start3A_1008, %add3A_1007, %dma_start3A_1012] : memref<4x4096x1024xf32, #tpu.memory_space<hbm>> -> memref<1x16x1024xf32, #tpu.memory_space<hbm>>
    %dma_start3A_1014 = tpu.memref_squeeze %dma_start3A_1013 : memref<1x16x1024xf32, #tpu.memory_space<hbm>> -> memref<16x1024xf32, #tpu.memory_space<hbm>>
    tpu.enqueue_dma source(%dma_start3A_1014 : memref<16x1024xf32, #tpu.memory_space<hbm>>) target(%arg11 : memref<16x1024xf32, #tpu.memory_space<vmem>>) target_semaphore(%arg18 : memref<!tpu.dma_semaphore, #tpu.memory_space<semaphore_mem>>)
    %dma_wait3A_1015 = arith.constant 2 : i32
    %dma_wait3A_1016 = arith.constant 0 : i32
    %dma_wait3A_1017 = tpu.memref_slice %arg2[%dma_wait3A_1015, %add3A_892, %dma_wait3A_1016] : memref<4x4096x1024xf32, #tpu.memory_space<hbm>> -> memref<1x16x1024xf32, #tpu.memory_space<hbm>>
    %dma_wait3A_1018 = tpu.memref_squeeze %dma_wait3A_1017 : memref<1x16x1024xf32, #tpu.memory_space<hbm>> -> memref<16x1024xf32, #tpu.memory_space<hbm>>
    %dma_wait3A_1019 = arith.constant 0 : i32
    %dma_wait3A_1020 = tpu.memref_slice %arg2[%dma_wait3A_1015, %add3A_892, %dma_wait3A_1019] : memref<4x4096x1024xf32, #tpu.memory_space<hbm>> -> memref<1x16x1024xf32, #tpu.memory_space<hbm>>
    %dma_wait3A_1021 = tpu.memref_squeeze %dma_wait3A_1020 : memref<1x16x1024xf32, #tpu.memory_space<hbm>> -> memref<16x1024xf32, #tpu.memory_space<hbm>>
    tpu.wait_dma2 semaphore(%arg15 : memref<!tpu.dma_semaphore, #tpu.memory_space<semaphore_mem>>) src(%dma_wait3A_1021 : memref<16x1024xf32, #tpu.memory_space<hbm>>) dst(%arg8 : memref<16x1024xf32, #tpu.memory_space<vmem>>)
    %parallel_loop3A_1022 = arith.constant 0 : i32
    %parallel_loop3A_1023 = arith.constant 16384 : i32
    %parallel_loop3A_1024 = arith.constant 16 : i32
    scf.for %parallel_loop3A_1200 = %parallel_loop3A_1022 to %parallel_loop3A_1023 step %parallel_loop3A_1024  : i32 {
      %parallel_loop3A_1201 = arith.constant 10 : i32
      %parallel_loop3A_1202 = arith.shrsi %parallel_loop3A_1200, %parallel_loop3A_1201 : i32
      %parallel_loop3A_1203 = arith.constant 1023 : i32
      %parallel_loop3A_1204 = arith.andi %parallel_loop3A_1200, %parallel_loop3A_1203 : i32
      %parallel_loop3A_1205 = tpu.assume_multiple %parallel_loop3A_1204, 16 : i32
      %parallel_loop3A_1206 = arith.index_cast %parallel_loop3A_1202 : i32 to index
      %parallel_loop3A_1207 = arith.index_cast %parallel_loop3A_1205 : i32 to index
      %parallel_loop3A_1208 = tpu.vector_load %arg5[%parallel_loop3A_1206, %parallel_loop3A_1207] {strides = array<i32>} : memref<16x1024xf32, #tpu.memory_space<vmem>>, vector<1x16xf32>,
      %parallel_loop3A_1209 = vector.shape_cast %parallel_loop3A_1208 : vector<1x16xf32> to vector<16xf32>
      %parallel_loop3A_1210 = arith.index_cast %parallel_loop3A_1202 : i32 to index
      %parallel_loop3A_1211 = arith.index_cast %parallel_loop3A_1205 : i32 to index
      %parallel_loop3A_1212 = tpu.vector_load %arg8[%parallel_loop3A_1210, %parallel_loop3A_1211] {strides = array<i32>} : memref<16x1024xf32, #tpu.memory_space<vmem>>, vector<1x16xf32>,
      %parallel_loop3A_1213 = vector.shape_cast %parallel_loop3A_1212 : vector<1x16xf32> to vector<16xf32>
      %parallel_loop3A_1214 = vector.shape_cast %parallel_loop3A_1209 : vector<16xf32> to vector<1x16xf32>
      tpu.vector_store %arg8[%parallel_loop3A_1210, %parallel_loop3A_1211], %parallel_loop3A_1214 {add = true, strides = array<i32>} : memref<16x1024xf32, #tpu.memory_space<vmem>>, vector<1x16xf32>,
    } {sc.loop_unroll_factor = 8 : i64, sc.parallel_access}
    %add3A_1025 = arith.constant 96 : i32
    %add3A_1026 = arith.addi %mul3A_2, %add3A_1025 : i32
    %dma_start3A_1027 = arith.constant 2 : i32
    %dma_start3A_1028 = arith.constant 0 : i32
    %dma_start3A_1029 = tpu.memref_slice %arg4[%dma_start3A_1027, %add3A_1026, %dma_start3A_1028] : memref<4x4096x1024xf32, #tpu.memory_space<hbm>> -> memref<1x16x1024xf32, #tpu.memory_space<hbm>>
    %dma_start3A_1030 = tpu.memref_squeeze %dma_start3A_1029 : memref<1x16x1024xf32, #tpu.memory_space<hbm>> -> memref<16x1024xf32, #tpu.memory_space<hbm>>
    %dma_start3A_1031 = arith.constant 0 : i32
    %dma_start3A_1032 = tpu.memref_slice %arg4[%dma_start3A_1027, %add3A_1026, %dma_start3A_1031] : memref<4x4096x1024xf32, #tpu.memory_space<hbm>> -> memref<1x16x1024xf32, #tpu.memory_space<hbm>>
    %dma_start3A_1033 = tpu.memref_squeeze %dma_start3A_1032 : memref<1x16x1024xf32, #tpu.memory_space<hbm>> -> memref<16x1024xf32, #tpu.memory_space<hbm>>
    tpu.enqueue_dma source(%arg8 : memref<16x1024xf32, #tpu.memory_space<vmem>>) target(%dma_start3A_1033 : memref<16x1024xf32, #tpu.memory_space<hbm>>) target_semaphore(%arg20 : memref<!tpu.dma_semaphore, #tpu.memory_space<semaphore_mem>>)
    %dma_wait3A_1034 = arith.constant 1 : i32
    %dma_wait3A_1035 = arith.constant 0 : i32
    %dma_wait3A_1036 = tpu.memref_slice %arg4[%dma_wait3A_1034, %add3A_991, %dma_wait3A_1035] : memref<4x4096x1024xf32, #tpu.memory_space<hbm>> -> memref<1x16x1024xf32, #tpu.memory_space<hbm>>
    %dma_wait3A_1037 = tpu.memref_squeeze %dma_wait3A_1036 : memref<1x16x1024xf32, #tpu.memory_space<hbm>> -> memref<16x1024xf32, #tpu.memory_space<hbm>>
    %dma_wait3A_1038 = arith.constant 0 : i32
    %dma_wait3A_1039 = tpu.memref_slice %arg4[%dma_wait3A_1034, %add3A_991, %dma_wait3A_1038] : memref<4x4096x1024xf32, #tpu.memory_space<hbm>> -> memref<1x16x1024xf32, #tpu.memory_space<hbm>>
    %dma_wait3A_1040 = tpu.memref_squeeze %dma_wait3A_1039 : memref<1x16x1024xf32, #tpu.memory_space<hbm>> -> memref<16x1024xf32, #tpu.memory_space<hbm>>
    tpu.wait_dma2 semaphore(%arg19 : memref<!tpu.dma_semaphore, #tpu.memory_space<semaphore_mem>>) src(%arg7 : memref<16x1024xf32, #tpu.memory_space<vmem>>) dst(%dma_wait3A_1040 : memref<16x1024xf32, #tpu.memory_space<hbm>>)
    %add3A_1041 = arith.constant 112 : i32
    %add3A_1042 = arith.addi %mul3A_2, %add3A_1041 : i32
    %dma_start3A_1043 = arith.constant 2 : i32
    %dma_start3A_1044 = arith.constant 0 : i32
    %dma_start3A_1045 = tpu.memref_slice %arg2[%dma_start3A_1043, %add3A_1042, %dma_start3A_1044] : memref<4x4096x1024xf32, #tpu.memory_space<hbm>> -> memref<1x16x1024xf32, #tpu.memory_space<hbm>>
    %dma_start3A_1046 = tpu.memref_squeeze %dma_start3A_1045 : memref<1x16x1024xf32, #tpu.memory_space<hbm>> -> memref<16x1024xf32, #tpu.memory_space<hbm>>
    %dma_start3A_1047 = arith.constant 0 : i32
    %dma_start3A_1048 = tpu.memref_slice %arg2[%dma_start3A_1043, %add3A_1042, %dma_start3A_1047] : memref<4x4096x1024xf32, #tpu.memory_space<hbm>> -> memref<1x16x1024xf32, #tpu.memory_space<hbm>>
    %dma_start3A_1049 = tpu.memref_squeeze %dma_start3A_1048 : memref<1x16x1024xf32, #tpu.memory_space<hbm>> -> memref<16x1024xf32, #tpu.memory_space<hbm>>
    tpu.enqueue_dma source(%dma_start3A_1049 : memref<16x1024xf32, #tpu.memory_space<hbm>>) target(%arg7 : memref<16x1024xf32, #tpu.memory_space<vmem>>) target_semaphore(%arg14 : memref<!tpu.dma_semaphore, #tpu.memory_space<semaphore_mem>>)
    %dma_wait3A_1050 = arith.constant 3 : i32
    %dma_wait3A_1051 = arith.constant 0 : i32
    %dma_wait3A_1052 = tpu.memref_slice %arg2[%dma_wait3A_1050, %add3A_927, %dma_wait3A_1051] : memref<4x4096x1024xf32, #tpu.memory_space<hbm>> -> memref<1x16x1024xf32, #tpu.memory_space<hbm>>
    %dma_wait3A_1053 = tpu.memref_squeeze %dma_wait3A_1052 : memref<1x16x1024xf32, #tpu.memory_space<hbm>> -> memref<16x1024xf32, #tpu.memory_space<hbm>>
    %dma_wait3A_1054 = arith.constant 0 : i32
    %dma_wait3A_1055 = tpu.memref_slice %arg2[%dma_wait3A_1050, %add3A_927, %dma_wait3A_1054] : memref<4x4096x1024xf32, #tpu.memory_space<hbm>> -> memref<1x16x1024xf32, #tpu.memory_space<hbm>>
    %dma_wait3A_1056 = tpu.memref_squeeze %dma_wait3A_1055 : memref<1x16x1024xf32, #tpu.memory_space<hbm>> -> memref<16x1024xf32, #tpu.memory_space<hbm>>
    tpu.wait_dma2 semaphore(%arg16 : memref<!tpu.dma_semaphore, #tpu.memory_space<semaphore_mem>>) src(%dma_wait3A_1056 : memref<16x1024xf32, #tpu.memory_space<hbm>>) dst(%arg9 : memref<16x1024xf32, #tpu.memory_space<vmem>>)
    %parallel_loop3A_1057 = arith.constant 0 : i32
    %parallel_loop3A_1058 = arith.constant 16384 : i32
    %parallel_loop3A_1059 = arith.constant 16 : i32
    scf.for %parallel_loop3A_1200 = %parallel_loop3A_1057 to %parallel_loop3A_1058 step %parallel_loop3A_1059  : i32 {
      %parallel_loop3A_1201 = arith.constant 10 : i32
      %parallel_loop3A_1202 = arith.shrsi %parallel_loop3A_1200, %parallel_loop3A_1201 : i32
      %parallel_loop3A_1203 = arith.constant 1023 : i32
      %parallel_loop3A_1204 = arith.andi %parallel_loop3A_1200, %parallel_loop3A_1203 : i32
      %parallel_loop3A_1205 = tpu.assume_multiple %parallel_loop3A_1204, 16 : i32
      %parallel_loop3A_1206 = arith.index_cast %parallel_loop3A_1202 : i32 to index
      %parallel_loop3A_1207 = arith.index_cast %parallel_loop3A_1205 : i32 to index
      %parallel_loop3A_1208 = tpu.vector_load %arg5[%parallel_loop3A_1206, %parallel_loop3A_1207] {strides = array<i32>} : memref<16x1024xf32, #tpu.memory_space<vmem>>, vector<1x16xf32>,
      %parallel_loop3A_1209 = vector.shape_cast %parallel_loop3A_1208 : vector<1x16xf32> to vector<16xf32>
      %parallel_loop3A_1210 = arith.index_cast %parallel_loop3A_1202 : i32 to index
      %parallel_loop3A_1211 = arith.index_cast %parallel_loop3A_1205 : i32 to index
      %parallel_loop3A_1212 = tpu.vector_load %arg9[%parallel_loop3A_1210, %parallel_loop3A_1211] {strides = array<i32>} : memref<16x1024xf32, #tpu.memory_space<vmem>>, vector<1x16xf32>,
      %parallel_loop3A_1213 = vector.shape_cast %parallel_loop3A_1212 : vector<1x16xf32> to vector<16xf32>
      %parallel_loop3A_1214 = vector.shape_cast %parallel_loop3A_1209 : vector<16xf32> to vector<1x16xf32>
      tpu.vector_store %arg9[%parallel_loop3A_1210, %parallel_loop3A_1211], %parallel_loop3A_1214 {add = true, strides = array<i32>} : memref<16x1024xf32, #tpu.memory_space<vmem>>, vector<1x16xf32>,
    } {sc.loop_unroll_factor = 8 : i64, sc.parallel_access}
    %add3A_1060 = arith.constant 96 : i32
    %add3A_1061 = arith.addi %mul3A_2, %add3A_1060 : i32
    %dma_start3A_1062 = arith.constant 3 : i32
    %dma_start3A_1063 = arith.constant 0 : i32
    %dma_start3A_1064 = tpu.memref_slice %arg4[%dma_start3A_1062, %add3A_1061, %dma_start3A_1063] : memref<4x4096x1024xf32, #tpu.memory_space<hbm>> -> memref<1x16x1024xf32, #tpu.memory_space<hbm>>
    %dma_start3A_1065 = tpu.memref_squeeze %dma_start3A_1064 : memref<1x16x1024xf32, #tpu.memory_space<hbm>> -> memref<16x1024xf32, #tpu.memory_space<hbm>>
    %dma_start3A_1066 = arith.constant 0 : i32
    %dma_start3A_1067 = tpu.memref_slice %arg4[%dma_start3A_1062, %add3A_1061, %dma_start3A_1066] : memref<4x4096x1024xf32, #tpu.memory_space<hbm>> -> memref<1x16x1024xf32, #tpu.memory_space<hbm>>
    %dma_start3A_1068 = tpu.memref_squeeze %dma_start3A_1067 : memref<1x16x1024xf32, #tpu.memory_space<hbm>> -> memref<16x1024xf32, #tpu.memory_space<hbm>>
    tpu.enqueue_dma source(%arg9 : memref<16x1024xf32, #tpu.memory_space<vmem>>) target(%dma_start3A_1068 : memref<16x1024xf32, #tpu.memory_space<hbm>>) target_semaphore(%arg21 : memref<!tpu.dma_semaphore, #tpu.memory_space<semaphore_mem>>)
    %dma_wait3A_1069 = arith.constant 2 : i32
    %dma_wait3A_1070 = arith.constant 0 : i32
    %dma_wait3A_1071 = tpu.memref_slice %arg4[%dma_wait3A_1069, %add3A_1026, %dma_wait3A_1070] : memref<4x4096x1024xf32, #tpu.memory_space<hbm>> -> memref<1x16x1024xf32, #tpu.memory_space<hbm>>
    %dma_wait3A_1072 = tpu.memref_squeeze %dma_wait3A_1071 : memref<1x16x1024xf32, #tpu.memory_space<hbm>> -> memref<16x1024xf32, #tpu.memory_space<hbm>>
    %dma_wait3A_1073 = arith.constant 0 : i32
    %dma_wait3A_1074 = tpu.memref_slice %arg4[%dma_wait3A_1069, %add3A_1026, %dma_wait3A_1073] : memref<4x4096x1024xf32, #tpu.memory_space<hbm>> -> memref<1x16x1024xf32, #tpu.memory_space<hbm>>
    %dma_wait3A_1075 = tpu.memref_squeeze %dma_wait3A_1074 : memref<1x16x1024xf32, #tpu.memory_space<hbm>> -> memref<16x1024xf32, #tpu.memory_space<hbm>>
    tpu.wait_dma2 semaphore(%arg20 : memref<!tpu.dma_semaphore, #tpu.memory_space<semaphore_mem>>) src(%arg8 : memref<16x1024xf32, #tpu.memory_space<vmem>>) dst(%dma_wait3A_1075 : memref<16x1024xf32, #tpu.memory_space<hbm>>)
    %add3A_1076 = arith.constant 112 : i32
    %add3A_1077 = arith.addi %mul3A_2, %add3A_1076 : i32
    %dma_start3A_1078 = arith.constant 3 : i32
    %dma_start3A_1079 = arith.constant 0 : i32
    %dma_start3A_1080 = tpu.memref_slice %arg2[%dma_start3A_1078, %add3A_1077, %dma_start3A_1079] : memref<4x4096x1024xf32, #tpu.memory_space<hbm>> -> memref<1x16x1024xf32, #tpu.memory_space<hbm>>
    %dma_start3A_1081 = tpu.memref_squeeze %dma_start3A_1080 : memref<1x16x1024xf32, #tpu.memory_space<hbm>> -> memref<16x1024xf32, #tpu.memory_space<hbm>>
    %dma_start3A_1082 = arith.constant 0 : i32
    %dma_start3A_1083 = tpu.memref_slice %arg2[%dma_start3A_1078, %add3A_1077, %dma_start3A_1082] : memref<4x4096x1024xf32, #tpu.memory_space<hbm>> -> memref<1x16x1024xf32, #tpu.memory_space<hbm>>
    %dma_start3A_1084 = tpu.memref_squeeze %dma_start3A_1083 : memref<1x16x1024xf32, #tpu.memory_space<hbm>> -> memref<16x1024xf32, #tpu.memory_space<hbm>>
    tpu.enqueue_dma source(%dma_start3A_1084 : memref<16x1024xf32, #tpu.memory_space<hbm>>) target(%arg8 : memref<16x1024xf32, #tpu.memory_space<vmem>>) target_semaphore(%arg15 : memref<!tpu.dma_semaphore, #tpu.memory_space<semaphore_mem>>)
    %dma_wait3A_1085 = arith.constant 0 : i32
    %dma_wait3A_1086 = tpu.memref_slice %arg3[%add3A_940, %dma_wait3A_1085] : memref<8192x1024xf32, #tpu.memory_space<hbm>> -> memref<16x1024xf32, #tpu.memory_space<hbm>>
    %dma_wait3A_1087 = arith.constant 0 : i32
    %dma_wait3A_1088 = tpu.memref_slice %arg3[%add3A_940, %dma_wait3A_1087] : memref<8192x1024xf32, #tpu.memory_space<hbm>> -> memref<16x1024xf32, #tpu.memory_space<hbm>>
    tpu.wait_dma2 semaphore(%arg13 : memref<!tpu.dma_semaphore, #tpu.memory_space<semaphore_mem>>) src(%dma_wait3A_1088 : memref<16x1024xf32, #tpu.memory_space<hbm>>) dst(%arg6 : memref<16x1024xf32, #tpu.memory_space<vmem>>)
    %dma_wait3A_1089 = arith.constant 0 : i32
    %dma_wait3A_1090 = arith.constant 0 : i32
    %dma_wait3A_1091 = tpu.memref_slice %arg2[%dma_wait3A_1089, %add3A_972, %dma_wait3A_1090] : memref<4x4096x1024xf32, #tpu.memory_space<hbm>> -> memref<1x16x1024xf32, #tpu.memory_space<hbm>>
    %dma_wait3A_1092 = tpu.memref_squeeze %dma_wait3A_1091 : memref<1x16x1024xf32, #tpu.memory_space<hbm>> -> memref<16x1024xf32, #tpu.memory_space<hbm>>
    %dma_wait3A_1093 = arith.constant 0 : i32
    %dma_wait3A_1094 = tpu.memref_slice %arg2[%dma_wait3A_1089, %add3A_972, %dma_wait3A_1093] : memref<4x4096x1024xf32, #tpu.memory_space<hbm>> -> memref<1x16x1024xf32, #tpu.memory_space<hbm>>
    %dma_wait3A_1095 = tpu.memref_squeeze %dma_wait3A_1094 : memref<1x16x1024xf32, #tpu.memory_space<hbm>> -> memref<16x1024xf32, #tpu.memory_space<hbm>>
    tpu.wait_dma2 semaphore(%arg17 : memref<!tpu.dma_semaphore, #tpu.memory_space<semaphore_mem>>) src(%dma_wait3A_1095 : memref<16x1024xf32, #tpu.memory_space<hbm>>) dst(%arg10 : memref<16x1024xf32, #tpu.memory_space<vmem>>)
    %parallel_loop3A_1096 = arith.constant 0 : i32
    %parallel_loop3A_1097 = arith.constant 16384 : i32
    %parallel_loop3A_1098 = arith.constant 16 : i32
    scf.for %parallel_loop3A_1200 = %parallel_loop3A_1096 to %parallel_loop3A_1097 step %parallel_loop3A_1098  : i32 {
      %parallel_loop3A_1201 = arith.constant 10 : i32
      %parallel_loop3A_1202 = arith.shrsi %parallel_loop3A_1200, %parallel_loop3A_1201 : i32
      %parallel_loop3A_1203 = arith.constant 1023 : i32
      %parallel_loop3A_1204 = arith.andi %parallel_loop3A_1200, %parallel_loop3A_1203 : i32
      %parallel_loop3A_1205 = tpu.assume_multiple %parallel_loop3A_1204, 16 : i32
      %parallel_loop3A_1206 = arith.index_cast %parallel_loop3A_1202 : i32 to index
      %parallel_loop3A_1207 = arith.index_cast %parallel_loop3A_1205 : i32 to index
      %parallel_loop3A_1208 = tpu.vector_load %arg6[%parallel_loop3A_1206, %parallel_loop3A_1207] {strides = array<i32>} : memref<16x1024xf32, #tpu.memory_space<vmem>>, vector<1x16xf32>,
      %parallel_loop3A_1209 = vector.shape_cast %parallel_loop3A_1208 : vector<1x16xf32> to vector<16xf32>
      %parallel_loop3A_1210 = arith.index_cast %parallel_loop3A_1202 : i32 to index
      %parallel_loop3A_1211 = arith.index_cast %parallel_loop3A_1205 : i32 to index
      %parallel_loop3A_1212 = tpu.vector_load %arg10[%parallel_loop3A_1210, %parallel_loop3A_1211] {strides = array<i32>} : memref<16x1024xf32, #tpu.memory_space<vmem>>, vector<1x16xf32>,
      %parallel_loop3A_1213 = vector.shape_cast %parallel_loop3A_1212 : vector<1x16xf32> to vector<16xf32>
      %parallel_loop3A_1214 = vector.shape_cast %parallel_loop3A_1209 : vector<16xf32> to vector<1x16xf32>
      tpu.vector_store %arg10[%parallel_loop3A_1210, %parallel_loop3A_1211], %parallel_loop3A_1214 {add = true, strides = array<i32>} : memref<16x1024xf32, #tpu.memory_space<vmem>>, vector<1x16xf32>,
    } {sc.loop_unroll_factor = 8 : i64, sc.parallel_access}
    %add3A_1099 = arith.constant 112 : i32
    %add3A_1100 = arith.addi %mul3A_2, %add3A_1099 : i32
    %dma_start3A_1101 = arith.constant 0 : i32
    %dma_start3A_1102 = arith.constant 0 : i32
    %dma_start3A_1103 = tpu.memref_slice %arg4[%dma_start3A_1101, %add3A_1100, %dma_start3A_1102] : memref<4x4096x1024xf32, #tpu.memory_space<hbm>> -> memref<1x16x1024xf32, #tpu.memory_space<hbm>>
    %dma_start3A_1104 = tpu.memref_squeeze %dma_start3A_1103 : memref<1x16x1024xf32, #tpu.memory_space<hbm>> -> memref<16x1024xf32, #tpu.memory_space<hbm>>
    %dma_start3A_1105 = arith.constant 0 : i32
    %dma_start3A_1106 = tpu.memref_slice %arg4[%dma_start3A_1101, %add3A_1100, %dma_start3A_1105] : memref<4x4096x1024xf32, #tpu.memory_space<hbm>> -> memref<1x16x1024xf32, #tpu.memory_space<hbm>>
    %dma_start3A_1107 = tpu.memref_squeeze %dma_start3A_1106 : memref<1x16x1024xf32, #tpu.memory_space<hbm>> -> memref<16x1024xf32, #tpu.memory_space<hbm>>
    tpu.enqueue_dma source(%arg10 : memref<16x1024xf32, #tpu.memory_space<vmem>>) target(%dma_start3A_1107 : memref<16x1024xf32, #tpu.memory_space<hbm>>) target_semaphore(%arg22 : memref<!tpu.dma_semaphore, #tpu.memory_space<semaphore_mem>>)
    %dma_wait3A_1108 = arith.constant 1 : i32
    %dma_wait3A_1109 = arith.constant 0 : i32
    %dma_wait3A_1110 = tpu.memref_slice %arg2[%dma_wait3A_1108, %add3A_1007, %dma_wait3A_1109] : memref<4x4096x1024xf32, #tpu.memory_space<hbm>> -> memref<1x16x1024xf32, #tpu.memory_space<hbm>>
    %dma_wait3A_1111 = tpu.memref_squeeze %dma_wait3A_1110 : memref<1x16x1024xf32, #tpu.memory_space<hbm>> -> memref<16x1024xf32, #tpu.memory_space<hbm>>
    %dma_wait3A_1112 = arith.constant 0 : i32
    %dma_wait3A_1113 = tpu.memref_slice %arg2[%dma_wait3A_1108, %add3A_1007, %dma_wait3A_1112] : memref<4x4096x1024xf32, #tpu.memory_space<hbm>> -> memref<1x16x1024xf32, #tpu.memory_space<hbm>>
    %dma_wait3A_1114 = tpu.memref_squeeze %dma_wait3A_1113 : memref<1x16x1024xf32, #tpu.memory_space<hbm>> -> memref<16x1024xf32, #tpu.memory_space<hbm>>
    tpu.wait_dma2 semaphore(%arg18 : memref<!tpu.dma_semaphore, #tpu.memory_space<semaphore_mem>>) src(%dma_wait3A_1114 : memref<16x1024xf32, #tpu.memory_space<hbm>>) dst(%arg11 : memref<16x1024xf32, #tpu.memory_space<vmem>>)
    %parallel_loop3A_1115 = arith.constant 0 : i32
    %parallel_loop3A_1116 = arith.constant 16384 : i32
    %parallel_loop3A_1117 = arith.constant 16 : i32
    scf.for %parallel_loop3A_1200 = %parallel_loop3A_1115 to %parallel_loop3A_1116 step %parallel_loop3A_1117  : i32 {
      %parallel_loop3A_1201 = arith.constant 10 : i32
      %parallel_loop3A_1202 = arith.shrsi %parallel_loop3A_1200, %parallel_loop3A_1201 : i32
      %parallel_loop3A_1203 = arith.constant 1023 : i32
      %parallel_loop3A_1204 = arith.andi %parallel_loop3A_1200, %parallel_loop3A_1203 : i32
      %parallel_loop3A_1205 = tpu.assume_multiple %parallel_loop3A_1204, 16 : i32
      %parallel_loop3A_1206 = arith.index_cast %parallel_loop3A_1202 : i32 to index
      %parallel_loop3A_1207 = arith.index_cast %parallel_loop3A_1205 : i32 to index
      %parallel_loop3A_1208 = tpu.vector_load %arg6[%parallel_loop3A_1206, %parallel_loop3A_1207] {strides = array<i32>} : memref<16x1024xf32, #tpu.memory_space<vmem>>, vector<1x16xf32>,
      %parallel_loop3A_1209 = vector.shape_cast %parallel_loop3A_1208 : vector<1x16xf32> to vector<16xf32>
      %parallel_loop3A_1210 = arith.index_cast %parallel_loop3A_1202 : i32 to index
      %parallel_loop3A_1211 = arith.index_cast %parallel_loop3A_1205 : i32 to index
      %parallel_loop3A_1212 = tpu.vector_load %arg11[%parallel_loop3A_1210, %parallel_loop3A_1211] {strides = array<i32>} : memref<16x1024xf32, #tpu.memory_space<vmem>>, vector<1x16xf32>,
      %parallel_loop3A_1213 = vector.shape_cast %parallel_loop3A_1212 : vector<1x16xf32> to vector<16xf32>
      %parallel_loop3A_1214 = vector.shape_cast %parallel_loop3A_1209 : vector<16xf32> to vector<1x16xf32>
      tpu.vector_store %arg11[%parallel_loop3A_1210, %parallel_loop3A_1211], %parallel_loop3A_1214 {add = true, strides = array<i32>} : memref<16x1024xf32, #tpu.memory_space<vmem>>, vector<1x16xf32>,
    } {sc.loop_unroll_factor = 8 : i64, sc.parallel_access}
    %add3A_1118 = arith.constant 112 : i32
    %add3A_1119 = arith.addi %mul3A_2, %add3A_1118 : i32
    %dma_start3A_1120 = arith.constant 1 : i32
    %dma_start3A_1121 = arith.constant 0 : i32
    %dma_start3A_1122 = tpu.memref_slice %arg4[%dma_start3A_1120, %add3A_1119, %dma_start3A_1121] : memref<4x4096x1024xf32, #tpu.memory_space<hbm>> -> memref<1x16x1024xf32, #tpu.memory_space<hbm>>
    %dma_start3A_1123 = tpu.memref_squeeze %dma_start3A_1122 : memref<1x16x1024xf32, #tpu.memory_space<hbm>> -> memref<16x1024xf32, #tpu.memory_space<hbm>>
    %dma_start3A_1124 = arith.constant 0 : i32
    %dma_start3A_1125 = tpu.memref_slice %arg4[%dma_start3A_1120, %add3A_1119, %dma_start3A_1124] : memref<4x4096x1024xf32, #tpu.memory_space<hbm>> -> memref<1x16x1024xf32, #tpu.memory_space<hbm>>
    %dma_start3A_1126 = tpu.memref_squeeze %dma_start3A_1125 : memref<1x16x1024xf32, #tpu.memory_space<hbm>> -> memref<16x1024xf32, #tpu.memory_space<hbm>>
    tpu.enqueue_dma source(%arg11 : memref<16x1024xf32, #tpu.memory_space<vmem>>) target(%dma_start3A_1126 : memref<16x1024xf32, #tpu.memory_space<hbm>>) target_semaphore(%arg23 : memref<!tpu.dma_semaphore, #tpu.memory_space<semaphore_mem>>)
    %dma_wait3A_1127 = arith.constant 2 : i32
    %dma_wait3A_1128 = arith.constant 0 : i32
    %dma_wait3A_1129 = tpu.memref_slice %arg2[%dma_wait3A_1127, %add3A_1042, %dma_wait3A_1128] : memref<4x4096x1024xf32, #tpu.memory_space<hbm>> -> memref<1x16x1024xf32, #tpu.memory_space<hbm>>
    %dma_wait3A_1130 = tpu.memref_squeeze %dma_wait3A_1129 : memref<1x16x1024xf32, #tpu.memory_space<hbm>> -> memref<16x1024xf32, #tpu.memory_space<hbm>>
    %dma_wait3A_1131 = arith.constant 0 : i32
    %dma_wait3A_1132 = tpu.memref_slice %arg2[%dma_wait3A_1127, %add3A_1042, %dma_wait3A_1131] : memref<4x4096x1024xf32, #tpu.memory_space<hbm>> -> memref<1x16x1024xf32, #tpu.memory_space<hbm>>
    %dma_wait3A_1133 = tpu.memref_squeeze %dma_wait3A_1132 : memref<1x16x1024xf32, #tpu.memory_space<hbm>> -> memref<16x1024xf32, #tpu.memory_space<hbm>>
    tpu.wait_dma2 semaphore(%arg14 : memref<!tpu.dma_semaphore, #tpu.memory_space<semaphore_mem>>) src(%dma_wait3A_1133 : memref<16x1024xf32, #tpu.memory_space<hbm>>) dst(%arg7 : memref<16x1024xf32, #tpu.memory_space<vmem>>)
    %parallel_loop3A_1134 = arith.constant 0 : i32
    %parallel_loop3A_1135 = arith.constant 16384 : i32
    %parallel_loop3A_1136 = arith.constant 16 : i32
    scf.for %parallel_loop3A_1200 = %parallel_loop3A_1134 to %parallel_loop3A_1135 step %parallel_loop3A_1136  : i32 {
      %parallel_loop3A_1201 = arith.constant 10 : i32
      %parallel_loop3A_1202 = arith.shrsi %parallel_loop3A_1200, %parallel_loop3A_1201 : i32
      %parallel_loop3A_1203 = arith.constant 1023 : i32
      %parallel_loop3A_1204 = arith.andi %parallel_loop3A_1200, %parallel_loop3A_1203 : i32
      %parallel_loop3A_1205 = tpu.assume_multiple %parallel_loop3A_1204, 16 : i32
      %parallel_loop3A_1206 = arith.index_cast %parallel_loop3A_1202 : i32 to index
      %parallel_loop3A_1207 = arith.index_cast %parallel_loop3A_1205 : i32 to index
      %parallel_loop3A_1208 = tpu.vector_load %arg6[%parallel_loop3A_1206, %parallel_loop3A_1207] {strides = array<i32>} : memref<16x1024xf32, #tpu.memory_space<vmem>>, vector<1x16xf32>,
      %parallel_loop3A_1209 = vector.shape_cast %parallel_loop3A_1208 : vector<1x16xf32> to vector<16xf32>
      %parallel_loop3A_1210 = arith.index_cast %parallel_loop3A_1202 : i32 to index
      %parallel_loop3A_1211 = arith.index_cast %parallel_loop3A_1205 : i32 to index
      %parallel_loop3A_1212 = tpu.vector_load %arg7[%parallel_loop3A_1210, %parallel_loop3A_1211] {strides = array<i32>} : memref<16x1024xf32, #tpu.memory_space<vmem>>, vector<1x16xf32>,
      %parallel_loop3A_1213 = vector.shape_cast %parallel_loop3A_1212 : vector<1x16xf32> to vector<16xf32>
      %parallel_loop3A_1214 = vector.shape_cast %parallel_loop3A_1209 : vector<16xf32> to vector<1x16xf32>
      tpu.vector_store %arg7[%parallel_loop3A_1210, %parallel_loop3A_1211], %parallel_loop3A_1214 {add = true, strides = array<i32>} : memref<16x1024xf32, #tpu.memory_space<vmem>>, vector<1x16xf32>,
    } {sc.loop_unroll_factor = 8 : i64, sc.parallel_access}
    %add3A_1137 = arith.constant 112 : i32
    %add3A_1138 = arith.addi %mul3A_2, %add3A_1137 : i32
    %dma_start3A_1139 = arith.constant 2 : i32
    %dma_start3A_1140 = arith.constant 0 : i32
    %dma_start3A_1141 = tpu.memref_slice %arg4[%dma_start3A_1139, %add3A_1138, %dma_start3A_1140] : memref<4x4096x1024xf32, #tpu.memory_space<hbm>> -> memref<1x16x1024xf32, #tpu.memory_space<hbm>>
    %dma_start3A_1142 = tpu.memref_squeeze %dma_start3A_1141 : memref<1x16x1024xf32, #tpu.memory_space<hbm>> -> memref<16x1024xf32, #tpu.memory_space<hbm>>
    %dma_start3A_1143 = arith.constant 0 : i32
    %dma_start3A_1144 = tpu.memref_slice %arg4[%dma_start3A_1139, %add3A_1138, %dma_start3A_1143] : memref<4x4096x1024xf32, #tpu.memory_space<hbm>> -> memref<1x16x1024xf32, #tpu.memory_space<hbm>>
    %dma_start3A_1145 = tpu.memref_squeeze %dma_start3A_1144 : memref<1x16x1024xf32, #tpu.memory_space<hbm>> -> memref<16x1024xf32, #tpu.memory_space<hbm>>
    tpu.enqueue_dma source(%arg7 : memref<16x1024xf32, #tpu.memory_space<vmem>>) target(%dma_start3A_1145 : memref<16x1024xf32, #tpu.memory_space<hbm>>) target_semaphore(%arg19 : memref<!tpu.dma_semaphore, #tpu.memory_space<semaphore_mem>>)
    %dma_wait3A_1146 = arith.constant 3 : i32
    %dma_wait3A_1147 = arith.constant 0 : i32
    %dma_wait3A_1148 = tpu.memref_slice %arg2[%dma_wait3A_1146, %add3A_1077, %dma_wait3A_1147] : memref<4x4096x1024xf32, #tpu.memory_space<hbm>> -> memref<1x16x1024xf32, #tpu.memory_space<hbm>>
    %dma_wait3A_1149 = tpu.memref_squeeze %dma_wait3A_1148 : memref<1x16x1024xf32, #tpu.memory_space<hbm>> -> memref<16x1024xf32, #tpu.memory_space<hbm>>
    %dma_wait3A_1150 = arith.constant 0 : i32
    %dma_wait3A_1151 = tpu.memref_slice %arg2[%dma_wait3A_1146, %add3A_1077, %dma_wait3A_1150] : memref<4x4096x1024xf32, #tpu.memory_space<hbm>> -> memref<1x16x1024xf32, #tpu.memory_space<hbm>>
    %dma_wait3A_1152 = tpu.memref_squeeze %dma_wait3A_1151 : memref<1x16x1024xf32, #tpu.memory_space<hbm>> -> memref<16x1024xf32, #tpu.memory_space<hbm>>
    tpu.wait_dma2 semaphore(%arg15 : memref<!tpu.dma_semaphore, #tpu.memory_space<semaphore_mem>>) src(%dma_wait3A_1152 : memref<16x1024xf32, #tpu.memory_space<hbm>>) dst(%arg8 : memref<16x1024xf32, #tpu.memory_space<vmem>>)
    %parallel_loop3A_1153 = arith.constant 0 : i32
    %parallel_loop3A_1154 = arith.constant 16384 : i32
    %parallel_loop3A_1155 = arith.constant 16 : i32
    scf.for %parallel_loop3A_1200 = %parallel_loop3A_1153 to %parallel_loop3A_1154 step %parallel_loop3A_1155  : i32 {
      %parallel_loop3A_1201 = arith.constant 10 : i32
      %parallel_loop3A_1202 = arith.shrsi %parallel_loop3A_1200, %parallel_loop3A_1201 : i32
      %parallel_loop3A_1203 = arith.constant 1023 : i32
      %parallel_loop3A_1204 = arith.andi %parallel_loop3A_1200, %parallel_loop3A_1203 : i32
      %parallel_loop3A_1205 = tpu.assume_multiple %parallel_loop3A_1204, 16 : i32
      %parallel_loop3A_1206 = arith.index_cast %parallel_loop3A_1202 : i32 to index
      %parallel_loop3A_1207 = arith.index_cast %parallel_loop3A_1205 : i32 to index
      %parallel_loop3A_1208 = tpu.vector_load %arg6[%parallel_loop3A_1206, %parallel_loop3A_1207] {strides = array<i32>} : memref<16x1024xf32, #tpu.memory_space<vmem>>, vector<1x16xf32>,
      %parallel_loop3A_1209 = vector.shape_cast %parallel_loop3A_1208 : vector<1x16xf32> to vector<16xf32>
      %parallel_loop3A_1210 = arith.index_cast %parallel_loop3A_1202 : i32 to index
      %parallel_loop3A_1211 = arith.index_cast %parallel_loop3A_1205 : i32 to index
      %parallel_loop3A_1212 = tpu.vector_load %arg8[%parallel_loop3A_1210, %parallel_loop3A_1211] {strides = array<i32>} : memref<16x1024xf32, #tpu.memory_space<vmem>>, vector<1x16xf32>,
      %parallel_loop3A_1213 = vector.shape_cast %parallel_loop3A_1212 : vector<1x16xf32> to vector<16xf32>
      %parallel_loop3A_1214 = vector.shape_cast %parallel_loop3A_1209 : vector<16xf32> to vector<1x16xf32>
      tpu.vector_store %arg8[%parallel_loop3A_1210, %parallel_loop3A_1211], %parallel_loop3A_1214 {add = true, strides = array<i32>} : memref<16x1024xf32, #tpu.memory_space<vmem>>, vector<1x16xf32>,
    } {sc.loop_unroll_factor = 8 : i64, sc.parallel_access}
    %add3A_1156 = arith.constant 112 : i32
    %add3A_1157 = arith.addi %mul3A_2, %add3A_1156 : i32
    %dma_start3A_1158 = arith.constant 3 : i32
    %dma_start3A_1159 = arith.constant 0 : i32
    %dma_start3A_1160 = tpu.memref_slice %arg4[%dma_start3A_1158, %add3A_1157, %dma_start3A_1159] : memref<4x4096x1024xf32, #tpu.memory_space<hbm>> -> memref<1x16x1024xf32, #tpu.memory_space<hbm>>
    %dma_start3A_1161 = tpu.memref_squeeze %dma_start3A_1160 : memref<1x16x1024xf32, #tpu.memory_space<hbm>> -> memref<16x1024xf32, #tpu.memory_space<hbm>>
    %dma_start3A_1162 = arith.constant 0 : i32
    %dma_start3A_1163 = tpu.memref_slice %arg4[%dma_start3A_1158, %add3A_1157, %dma_start3A_1162] : memref<4x4096x1024xf32, #tpu.memory_space<hbm>> -> memref<1x16x1024xf32, #tpu.memory_space<hbm>>
    %dma_start3A_1164 = tpu.memref_squeeze %dma_start3A_1163 : memref<1x16x1024xf32, #tpu.memory_space<hbm>> -> memref<16x1024xf32, #tpu.memory_space<hbm>>
    tpu.enqueue_dma source(%arg8 : memref<16x1024xf32, #tpu.memory_space<vmem>>) target(%dma_start3A_1164 : memref<16x1024xf32, #tpu.memory_space<hbm>>) target_semaphore(%arg20 : memref<!tpu.dma_semaphore, #tpu.memory_space<semaphore_mem>>)
    %dma_wait3A_1165 = arith.constant 2 : i32
    %dma_wait3A_1166 = arith.constant 0 : i32
    %dma_wait3A_1167 = tpu.memref_slice %arg4[%dma_wait3A_1165, %add3A_1138, %dma_wait3A_1166] : memref<4x4096x1024xf32, #tpu.memory_space<hbm>> -> memref<1x16x1024xf32, #tpu.memory_space<hbm>>
    %dma_wait3A_1168 = tpu.memref_squeeze %dma_wait3A_1167 : memref<1x16x1024xf32, #tpu.memory_space<hbm>> -> memref<16x1024xf32, #tpu.memory_space<hbm>>
    %dma_wait3A_1169 = arith.constant 0 : i32
    %dma_wait3A_1170 = tpu.memref_slice %arg4[%dma_wait3A_1165, %add3A_1138, %dma_wait3A_1169] : memref<4x4096x1024xf32, #tpu.memory_space<hbm>> -> memref<1x16x1024xf32, #tpu.memory_space<hbm>>
    %dma_wait3A_1171 = tpu.memref_squeeze %dma_wait3A_1170 : memref<1x16x1024xf32, #tpu.memory_space<hbm>> -> memref<16x1024xf32, #tpu.memory_space<hbm>>
    tpu.wait_dma2 semaphore(%arg19 : memref<!tpu.dma_semaphore, #tpu.memory_space<semaphore_mem>>) src(%arg7 : memref<16x1024xf32, #tpu.memory_space<vmem>>) dst(%dma_wait3A_1171 : memref<16x1024xf32, #tpu.memory_space<hbm>>)
    %dma_wait3A_1172 = arith.constant 3 : i32
    %dma_wait3A_1173 = arith.constant 0 : i32
    %dma_wait3A_1174 = tpu.memref_slice %arg4[%dma_wait3A_1172, %add3A_1157, %dma_wait3A_1173] : memref<4x4096x1024xf32, #tpu.memory_space<hbm>> -> memref<1x16x1024xf32, #tpu.memory_space<hbm>>
    %dma_wait3A_1175 = tpu.memref_squeeze %dma_wait3A_1174 : memref<1x16x1024xf32, #tpu.memory_space<hbm>> -> memref<16x1024xf32, #tpu.memory_space<hbm>>
    %dma_wait3A_1176 = arith.constant 0 : i32
    %dma_wait3A_1177 = tpu.memref_slice %arg4[%dma_wait3A_1172, %add3A_1157, %dma_wait3A_1176] : memref<4x4096x1024xf32, #tpu.memory_space<hbm>> -> memref<1x16x1024xf32, #tpu.memory_space<hbm>>
    %dma_wait3A_1178 = tpu.memref_squeeze %dma_wait3A_1177 : memref<1x16x1024xf32, #tpu.memory_space<hbm>> -> memref<16x1024xf32, #tpu.memory_space<hbm>>
    tpu.wait_dma2 semaphore(%arg20 : memref<!tpu.dma_semaphore, #tpu.memory_space<semaphore_mem>>) src(%arg8 : memref<16x1024xf32, #tpu.memory_space<vmem>>) dst(%dma_wait3A_1178 : memref<16x1024xf32, #tpu.memory_space<hbm>>)
    %dma_wait3A_1179 = arith.constant 3 : i32
    %dma_wait3A_1180 = arith.constant 0 : i32
    %dma_wait3A_1181 = tpu.memref_slice %arg4[%dma_wait3A_1179, %add3A_1061, %dma_wait3A_1180] : memref<4x4096x1024xf32, #tpu.memory_space<hbm>> -> memref<1x16x1024xf32, #tpu.memory_space<hbm>>
    %dma_wait3A_1182 = tpu.memref_squeeze %dma_wait3A_1181 : memref<1x16x1024xf32, #tpu.memory_space<hbm>> -> memref<16x1024xf32, #tpu.memory_space<hbm>>
    %dma_wait3A_1183 = arith.constant 0 : i32
    %dma_wait3A_1184 = tpu.memref_slice %arg4[%dma_wait3A_1179, %add3A_1061, %dma_wait3A_1183] : memref<4x4096x1024xf32, #tpu.memory_space<hbm>> -> memref<1x16x1024xf32, #tpu.memory_space<hbm>>
    %dma_wait3A_1185 = tpu.memref_squeeze %dma_wait3A_1184 : memref<1x16x1024xf32, #tpu.memory_space<hbm>> -> memref<16x1024xf32, #tpu.memory_space<hbm>>
    tpu.wait_dma2 semaphore(%arg21 : memref<!tpu.dma_semaphore, #tpu.memory_space<semaphore_mem>>) src(%arg9 : memref<16x1024xf32, #tpu.memory_space<vmem>>) dst(%dma_wait3A_1185 : memref<16x1024xf32, #tpu.memory_space<hbm>>)
    %dma_wait3A_1186 = arith.constant 0 : i32
    %dma_wait3A_1187 = arith.constant 0 : i32
    %dma_wait3A_1188 = tpu.memref_slice %arg4[%dma_wait3A_1186, %add3A_1100, %dma_wait3A_1187] : memref<4x4096x1024xf32, #tpu.memory_space<hbm>> -> memref<1x16x1024xf32, #tpu.memory_space<hbm>>
    %dma_wait3A_1189 = tpu.memref_squeeze %dma_wait3A_1188 : memref<1x16x1024xf32, #tpu.memory_space<hbm>> -> memref<16x1024xf32, #tpu.memory_space<hbm>>
    %dma_wait3A_1190 = arith.constant 0 : i32
    %dma_wait3A_1191 = tpu.memref_slice %arg4[%dma_wait3A_1186, %add3A_1100, %dma_wait3A_1190] : memref<4x4096x1024xf32, #tpu.memory_space<hbm>> -> memref<1x16x1024xf32, #tpu.memory_space<hbm>>
    %dma_wait3A_1192 = tpu.memref_squeeze %dma_wait3A_1191 : memref<1x16x1024xf32, #tpu.memory_space<hbm>> -> memref<16x1024xf32, #tpu.memory_space<hbm>>
    tpu.wait_dma2 semaphore(%arg22 : memref<!tpu.dma_semaphore, #tpu.memory_space<semaphore_mem>>) src(%arg10 : memref<16x1024xf32, #tpu.memory_space<vmem>>) dst(%dma_wait3A_1192 : memref<16x1024xf32, #tpu.memory_space<hbm>>)
    %dma_wait3A_1193 = arith.constant 1 : i32
    %dma_wait3A_1194 = arith.constant 0 : i32
    %dma_wait3A_1195 = tpu.memref_slice %arg4[%dma_wait3A_1193, %add3A_1119, %dma_wait3A_1194] : memref<4x4096x1024xf32, #tpu.memory_space<hbm>> -> memref<1x16x1024xf32, #tpu.memory_space<hbm>>
    %dma_wait3A_1196 = tpu.memref_squeeze %dma_wait3A_1195 : memref<1x16x1024xf32, #tpu.memory_space<hbm>> -> memref<16x1024xf32, #tpu.memory_space<hbm>>
    %dma_wait3A_1197 = arith.constant 0 : i32
    %dma_wait3A_1198 = tpu.memref_slice %arg4[%dma_wait3A_1193, %add3A_1119, %dma_wait3A_1197] : memref<4x4096x1024xf32, #tpu.memory_space<hbm>> -> memref<1x16x1024xf32, #tpu.memory_space<hbm>>
    %dma_wait3A_1199 = tpu.memref_squeeze %dma_wait3A_1198 : memref<1x16x1024xf32, #tpu.memory_space<hbm>> -> memref<16x1024xf32, #tpu.memory_space<hbm>>
    tpu.wait_dma2 semaphore(%arg23 : memref<!tpu.dma_semaphore, #tpu.memory_space<semaphore_mem>>) src(%arg11 : memref<16x1024xf32, #tpu.memory_space<vmem>>) dst(%dma_wait3A_1199 : memref<16x1024xf32, #tpu.memory_space<hbm>>)
    return
  }
}

</mosaic_0001>

<sc_bundles>
// kernel: kernel.3.cloned.1.call-start
scs
__scs_entry_jumppad:
0x0: {  	(pc) =	sbr.rel $0x88, $3  }
0x1: {  	(tag) =	ssettag $0x0;
	lr =	simm.s32 $0x1  }
0x2: {  	[smem:$0x3F9F] =	sst lr;
	_ =	strace $0xD0000000  }
0x3: {  	_ = 	snop  }
0x4: {  	_ = 	snop  }
0x5: {  	_ = 	snop  }
0x6: {  	_ = 	snop  }
0x7: {  	_ = 	snop  }
__scs_overlays_trampoline_lowered:
0x8: {  	[smem:$0x3FAE] =	sst s0  }
0x9: {  	[smem:$0x3FAF] =	sst s1  }
0xa: {  	[smem:$0x3FB0] =	sst s2  }
0xb: {  	[smem:$0x3FB1] =	sst s3  }
0xc: {  	[smem:$0x3FB2] =	sst s4  }
0xd: {  	[smem:$0x3FB3] =	sst s5  }
0xe: {  	[smem:$0x3FB4] =	sst s6  }
0xf: {  	[smem:$0x3FB5] =	sst s7  }
0x10: {  	[smem:$0x3FB6] =	sst s8  }
0x11: {  	[smem:$0x3FB7] =	sst s9;
	s0 =	simm.s32 @!p0 $0x0  }
0x12: {  	s1 =	sld [smem:$0x3F9D];
	s0 =	simm.s32 @p0 $0x1  }
0x13: {  	[smem:$0x3FB8] =	sst s0;
	s0 =	simm.s32 @!p1 $0x0  }
0x14: {  	s2 =	sld [smem:$0x3F9C];
	s0 =	simm.s32 @p1 $0x1  }
0x15: {  	[smem:$0x3FB9] =	sst s0;
	s0 =	simm.s32 @!p2 $0x0  }
0x16: {  	s3 =	sld [smem:$0x3FDB];
	s0 =	simm.s32 @p2 $0x1  }
0x17: {  	s4 =	simm.s32 $0x1BF5;
	[smem:$0x3FBB] =	sst s0  }
0x18: {  	s0 =	sld [smem:$0x3F9E];
	_ =	swait.ge [sflag:s4], $0x0  }
0x19: {  	s7 =	sld [smem:$0x3F9F]  }
0x1a: {  	s8 =	sadd.s32 $0xFFFFE003, lr  }
0x1b: {  	s9 =	sadd.s32 $0xFFFFFEF7, lr;
	s5 =	simm.s32 $0xFFFFFFFF;
	p2 =	slt.u32 s8, $0xFFFFF086  }
0x1c: {  	p1 =	slt.u32 s9, $0xF7A;
	s5 =	simm.s32 @!p2 $0x0  }
0x1d: {  	s5 =	simm.s32 @p1 $0x1;
	p0 =	seq.s32 s7, s2  }
0x1e: {  	s7 =	smul.u32 @!p0 $0xF7A, s2;
	p2 =	seq.s32 @!p0 s5, $0x0  }
0x1f: {  	s9 =	smul.u32 $0xF7A, s1;
	s8 =	simm.s32 @!p0 $0x1BF5;
	p2 =	por !p2, p0  }
0x20: {  	[sflag:s8] =	ssyncset.s32 @!p0 $0xFFFFF086;
	s6 =	sadd.s32 @!p0 s3, s7;
	s7 =	simm.s32 @!p0 $0x108  }
0x21: {  	s3 =	sadd.s32 s3, s9;
	s6 =	sadd.s32 @!p0 $0x88, s6;
	s7 =	simm.s32 @p2 $0x1082  }
0x22: {  	[simem:s7], [sflag:s8] =	dma.local @!p0 [hbm:s6], $0xF7A  }
0x23: {  	s9 =	sor.u32 $0xD0000000, s2;
	s6 =	simm.s32 $0x108;
	_ =	swait.ge @!p0 [sflag:s8], $0x0  }
0x24: {  	s3 =	sadd.s32 $0x88, s3;
	s6 =	simm.s32 @!p1 $0x1082;
	[sflag:s4] =	ssyncset.s32 $0xFFFFF086  }
0x25: {  	[simem:s6], [sflag:s4] =	dma.local [hbm:s3], $0xF7A  }
0x26: {  	[smem:$0x3F9F] =	sst s1;
	(tag) =	ssettag s2;
	_ =	strace s9  }
0x27: {  	s1 =	sld [smem:$0x3FAF]  }
0x28: {  	s2 =	sld [smem:$0x3FB0]  }
0x29: {  	s4 =	sld [smem:$0x3FB2]  }
0x2a: {  	p0 =	seq.s32 s5, $0x0;
	s5 =	sld [smem:$0x3FB3]  }
0x2b: {  	s6 =	sld [smem:$0x3FB4]  }
0x2c: {  	s7 =	sld [smem:$0x3FB5]  }
0x2d: {  	s3 =	simm.s32 $0x108;
	s8 =	sld [smem:$0x3FB6]  }
0x2e: {  	s3 =	simm.s32 @!p0 $0x1082;
	s9 =	sld [smem:$0x3FB7]  }
0x2f: {  	lr =	sadd.s32 s0, s3;
	s0 =	sld [smem:$0x3FAE]  }
0x30: {  	s3 =	sld [smem:$0x3FB1]  }
0x31: {  	[smem:$0x3FBA] =	sst s10  }
0x32: {  	s10 =	sld [smem:$0x3FB8];
	_ =	sdelay $0x3  }
0x33: {  	p0 =	seq.s32 s10, $0x1;
	s10 =	sld [smem:$0x3FBA];
	_ =	sdelay $0x3  }
0x34: {  	[smem:$0x3FBA] =	sst s10  }
0x35: {  	s10 =	sld [smem:$0x3FB9];
	_ =	sdelay $0x3  }
0x36: {  	p1 =	seq.s32 s10, $0x1;
	s10 =	sld [smem:$0x3FBA];
	_ =	sdelay $0x3  }
0x37: {  	[smem:$0x3FBA] =	sst s10  }
0x38: {  	s10 =	sld [smem:$0x3FBB]  }
0x39: {  	_ = 	snop;
	(pc) =	sbr.ind lr, $3  }
0x3a: {  	_ = 	snop  }
0x3b: {  	_ = 	snop  }
0x3c: {  	p2 =	seq.s32 s10, $0x1;
	s10 =	sld [smem:$0x3FBA]  }
0x3d: {  	_ =	shalt  }
0x3e: {  	_ =	shalt  }
0x3f: {  	_ =	shalt  }
0x40: {  	_ =	shalt  }
0x41: {  	_ =	shalt  }
0x42: {  	_ =	shalt  }
0x43: {  	_ =	shalt  }
0x44: {  	_ =	shalt  }
0x45: {  	_ =	shalt  }
0x46: {  	_ =	shalt  }
0x47: {  	_ =	shalt  }
0x48: {  	_ =	shalt  }
0x49: {  	_ =	shalt  }
0x4a: {  	_ =	shalt  }
0x4b: {  	_ =	shalt  }
0x4c: {  	_ =	shalt  }
0x4d: {  	_ =	shalt  }
0x4e: {  	_ =	shalt  }
0x4f: {  	_ =	shalt  }
0x50: {  	_ =	shalt  }
0x51: {  	_ =	shalt  }
0x52: {  	_ =	shalt  }
0x53: {  	_ =	shalt  }
0x54: {  	_ =	shalt  }
0x55: {  	_ =	shalt  }
0x56: {  	_ =	shalt  }
0x57: {  	_ =	shalt  }
0x58: {  	_ =	shalt  }
0x59: {  	_ =	shalt  }
0x5a: {  	_ =	shalt  }
0x5b: {  	_ =	shalt  }
0x5c: {  	_ =	shalt  }
0x5d: {  	_ =	shalt  }
0x5e: {  	_ =	shalt  }
0x5f: {  	_ =	shalt  }
0x60: {  	_ =	shalt  }
0x61: {  	_ =	shalt  }
0x62: {  	_ =	shalt  }
0x63: {  	_ =	shalt  }
0x64: {  	_ =	shalt  }
0x65: {  	_ =	shalt  }
0x66: {  	_ =	shalt  }
0x67: {  	_ =	shalt  }
0x68: {  	_ =	shalt  }
0x69: {  	_ =	shalt  }
0x6a: {  	_ =	shalt  }
0x6b: {  	_ =	shalt  }
0x6c: {  	_ =	shalt  }
0x6d: {  	_ =	shalt  }
0x6e: {  	_ =	shalt  }
0x6f: {  	_ =	shalt  }
0x70: {  	_ =	shalt  }
0x71: {  	_ =	shalt  }
0x72: {  	_ =	shalt  }
0x73: {  	_ =	shalt  }
0x74: {  	_ =	shalt  }
0x75: {  	_ =	shalt  }
0x76: {  	_ =	shalt  }
0x77: {  	_ =	shalt  }
0x78: {  	_ =	shalt  }
0x79: {  	_ =	shalt  }
0x7a: {  	_ =	shalt  }
0x7b: {  	_ =	shalt  }
0x7c: {  	_ =	shalt  }
0x7d: {  	_ =	shalt  }
0x7e: {  	_ =	shalt  }
0x7f: {  	_ =	shalt  }
0x80: {  	_ =	shalt  }
0x81: {  	_ =	shalt  }
0x82: {  	_ =	shalt  }
0x83: {  	_ =	shalt  }
0x84: {  	_ =	shalt  }
0x85: {  	_ =	shalt  }
0x86: {  	_ =	shalt  }
0x87: {  	_ =	shalt  }
.Lfunc_end0:
.L_simem_size_0:
called_computation_lowered:
.L_overlay_start_0:
0x88: {  	s2 =	sld [smem:$0x3FD9]  }
0x89: {  	s3 =	sld [smem:$0x3FFE];
	_ =	sdelay $0x1  }
0x8a: {  	s1 =	srdreg.scid  }
0x8b: {  	s0 =	sand.u32 $0x1, s1  }
0x8c: {  	s18 =	sshll.u32 s0, $0xA;
	s2 =	sadd.s32 s3, s2  }
0x8d: {  	s2 =	sadd.s32 s2, s18  }
0x8e: {  	[smem:$0x3FC6] =	sst s2  }
0x8f: {  	_ = 	snop  }
0x90: {  	s2 =	sld [smem:$0x3FC9]  }
0x91: {  	s19 =	sld [smem:$0x3FC8]  }
0x92: {  	s4 =	sld [smem:$0x3FD0];
	(tm) =	ssettm $0x1  }
0x93: {  	s5 =	sld [smem:$0x3FFB];
	_ =	sdelay $0x3  }
0x94: {  	_ =	strace s5  }
0x95: {  	s5 =	sld [smem:$0x3FFC];
	_ =	sdelay $0x3  }
0x96: {  	_ =	strace s5  }
0x97: {  	s5 =	sld [smem:$0x3FFD];
	_ =	sdelay $0x3  }
0x98: {  	_ =	strace s5  }
0x99: {  	_ =	strace $0x8FFFFFFF  }
0x9a: {  	s20 =	sld [smem:$0x3FDB];
	_ =	sdelay $0x1  }
0x9b: {  	s6 =	simm.s32 $_scs_section_size  }
0x9c: {  	s7 =	simm.s32 $_size__tile_overlayer_lowered;
	s8 =	simm.s32 $_tile_overlayer_lowered  }
0x9d: {  	s23 =	simm.s32 $0x1BFF;
	s22 =	sshll.u32 s8, $0x1;
	s5 =	sadd.s32 s6, s20  }
0x9e: {  	s9 =	simm.s32 $0x0;
	s21 =	sshll.u32 s7, $0x1;
	s7 =	sadd.s32 s22, s5  }
0x9f: {  	[timem:s9], [sflag:s23] =	dma.local [hbm:s7], s21  }
0xa0: {  	_ =	swait.ge [sflag:s23], s21  }
0xa1: {  	s6 =	ssub.s32 $0x0, s21;
	[sflag:s23] =	ssyncset.done $0x0  }
0xa2: {  	[sflag:s23] =	ssyncadd.s32 s6;
	_ =	sdelay $0x1  }
0xa3: {  	s24 =	simm.s32 $0x1B8B  }
0xa4: {  	_ =	swait.ge [sflag:s24], $0x1  }
0xa5: {  	[sflag:s24] =	ssyncset.done $0x0  }
0xa6: {  	s25 =	simm.s32 $0x1B8E;
	[sflag:s24] =	ssyncadd.s32 $0xFFFFFFFF  }
0xa7: {  	s26 =	simm.s32 $execute0_lowered;
	[smem:$0x3FD2] =	sst s25  }
0xa8: {  	s6 =	sshll.u32 s26, $0x1;
	_ =	strace $0x80000046;
	[dreg:$0x1] =	wrdreg $0xFFFFFFFF  }
0xa9: {  	s28 =	simm.s32 $_size_execute0_lowered;
	s5 =	sadd.s32 s5, s6;
	[dreg:$0x0] =	wrdreg $0x0  }
0xaa: {  	s6 =	sshll.u32 s28, $0x1;
	[dreg:$0x2] =	wrdreg s5  }
0xab: {  	[dreg:$0x3] =	wrdreg s6  }
0xac: {  	[dreg:$0x4] =	wrdreg $0xC0  }
0xad: {  	_ =	task [dreg:s9], $0x5FFFF  }
0xae: {  	[dreg:$0x1] =	wrdreg $0xFFFFFFFF  }
0xaf: {  	[dreg:$0x0] =	wrdreg $0x60  }
0xb0: {  	[dreg:$0x2] =	wrdreg s2  }
0xb1: {  	[dreg:$0x3] =	wrdreg s19  }
0xb2: {  	[dreg:$0x4] =	wrdreg s4  }
0xb3: {  	[dreg:$0x5] =	wrdreg $0x9  }
0xb4: {  	_ =	task.clear_ibuf [dreg:s9], $0x6FFFF;
	_ =	strace $0x90000046  }
0xb5: {  	s29 =	simm.s32 $0x9;
	_ =	strace $0x80000048  }
0xb6: {  	_ =	swait.ge [sflag:s29], $0x1  }
0xb7: {  	[sflag:s29] =	ssyncadd.s32 $0xFFFFFFFF  }
0xb8: {  	_ =	strace $0x90000048  }
0xb9: {  	_ =	sfence  }
0xba: {  	s30 =	sld [smem:$0x0];
	_ =	sdelay $0x2  }
0xbb: {  	s31 =	sshll.u32 s1, $0xD;
	s1 =	sshrl.u32 s1, $0x2  }
0xbc: {  	s3 =	sand.u32 $0x4000, s31;
	s1 =	sadd.s32 s1, s30  }
0xbd: {  	s0 =	sor.u32 s3, s0;
	s1 =	sshll.u32 s1, $0x11  }
0xbe: {  	s0 =	sor.u32 s1, s0  }
0xbf: {  	s0 =	sadd.s32 $0x8F2B, s0  }
0xc0: {  	[sflag:s0] =	ssyncadd.remote.s32 $0x1  }
0xc1: {  	_ =	sfence.sel $0xFFFF  }
0xc2: {  	[dreg:$0x0] =	wrdreg $0xFFFFFFFF;
	(pc) =	sbr.abs _section_cstart, $3  }
0xc3: {  	[dreg:$0x1] =	wrdreg $0xFFFFFFFF  }
0xc4: {  	_ =	task.clear_ibuf [dreg:s9], $0x2FFFF;
	_ =	strace $0x9FFFFFFF  }
0xc5: {  	(tm) =	ssettm $0x7FFFFFFF  }
tec
execute0_lowered:
.L_overlay_start_1:
0x0: {  	(tag) =	ssettag $0x1  }
0x1: {  	s1 =	srdreg.scid  }
0x2: {  	s0 =	rddreg [dreg:$0x0];
	s2 =	stileid.u32;
	s1 =	sand.u32 $0x1, s1  }
0x3: {  	s4 =	rddreg [dreg:$0x1];
	s3 =	sshll.u32 s2, $0xF;
	s5 =	sshll.u32 s1, $0xE  }
0x4: {  	s2 =	rddreg [dreg:$0x2];
	s6 =	sor.u32 s5, s3  }
0x5: {  	s7 =	ssub.s32 $0x2, s1;
	s1 =	simm.s32 $0x0;
	s5 =	sor.u32 $0x80000, s6  }
0x6: {  	[smem:$0x7FF] =	sst s1;
	s22 =	sor.u32 $0x100000, s6;
	s21 =	sadd.s32 s0, s5  }
0x7: {  	s8 =	sor.u32 $0x180000, s6;
	s10 =	sadd.s32 s0, s22;
	[dreg:$0x4] =	wrdreg s21  }
0x8: {  	s9 =	sor.u32 $0x800, s6;
	s23 =	sadd.s32 s0, s8;
	[dreg:$0x5] =	wrdreg s10  }
0x9: {  	s24 =	sadd.s32 s4, s9;
	[dreg:$0x6] =	wrdreg s23  }
0xa: {  	s20 =	sshrl.u32 s7, $0x1;
	s25 =	sadd.s32 s0, s9;
	[dreg:$0x7] =	wrdreg s24  }
0xb: {  	s26 =	sor.u32 $0x80800, s6;
	s5 =	sadd.s32 s2, s5;
	[dreg:$0x8] =	wrdreg s25  }
0xc: {  	s3 =	ssub.s32 s7, s20;
	s12 =	sadd.s32 s0, s26;
	[dreg:$0x9] =	wrdreg s5  }
0xd: {  	s13 =	sor.u32 $0x100800, s6;
	s7 =	sadd.s32 s2, s22;
	[dreg:$0xa] =	wrdreg s12  }
0xe: {  	s14 =	sadd.s32 s0, s13;
	[dreg:$0xb] =	wrdreg s7  }
0xf: {  	s15 =	sor.u32 $0x180800, s6;
	s8 =	sadd.s32 s2, s8;
	[dreg:$0xc] =	wrdreg s14  }
0x10: {  	s11 =	sor.u32 $0x1000, s6;
	s16 =	sadd.s32 s0, s15;
	[dreg:$0xd] =	wrdreg s8  }
0x11: {  	s17 =	sadd.s32 s4, s11;
	[dreg:$0xe] =	wrdreg s16  }
0x12: {  	s18 =	sadd.s32 s2, s9;
	[dreg:$0xf] =	wrdreg s17  }
0x13: {  	s19 =	sadd.s32 s0, s11;
	[dreg:$0x10] =	wrdreg s18  }
0x14: {  	s22 =	sadd.s32 s2, s11;
	[dreg:$0x11] =	wrdreg s19  }
0x15: {  	s5 =	sadd.s32 s2, s26;
	[dreg:$0x15] =	wrdreg s22  }
0x16: {  	s7 =	sadd.s32 s2, s13;
	[dreg:$0x12] =	wrdreg s5  }
0x17: {  	s20 =	sor.u32 $0x81000, s6;
	s21 =	sadd.s32 s2, s15;
	[dreg:$0x13] =	wrdreg s7  }
0x18: {  	s9 =	sor.u32 $0x1800, s6;
	s23 =	sadd.s32 s0, s20;
	[dreg:$0x14] =	wrdreg s21  }
0x19: {  	s10 =	sadd.s32 s4, s9;
	[dreg:$0x16] =	wrdreg s23  }
0x1a: {  	s11 =	sadd.s32 s0, s9;
	[dreg:$0x1c] =	wrdreg s10  }
0x1b: {  	s12 =	sadd.s32 s2, s9;
	[dreg:$0x1d] =	wrdreg s11  }
0x1c: {  	s24 =	sor.u32 $0x101000, s6;
	s5 =	sadd.s32 s2, s20;
	[dreg:$0x1e] =	wrdreg s12  }
0x1d: {  	s25 =	sadd.s32 s0, s24;
	[dreg:$0x17] =	wrdreg s5  }
0x1e: {  	s26 =	sor.u32 $0x181000, s6;
	s7 =	sadd.s32 s2, s24;
	[dreg:$0x18] =	wrdreg s25  }
0x1f: {  	s13 =	sor.u32 $0x81800, s6;
	s8 =	sadd.s32 s0, s26;
	[dreg:$0x19] =	wrdreg s7  }
0x20: {  	s14 =	sor.u32 $0x101800, s6;
	s15 =	sadd.s32 s0, s13;
	[dreg:$0x1a] =	wrdreg s8  }
0x21: {  	s16 =	sadd.s32 s0, s14;
	[dreg:$0x1f] =	wrdreg s15  }
0x22: {  	s18 =	sor.u32 $0x181800, s6;
	s17 =	sadd.s32 s2, s14;
	[smem:$0x7D2] =	sst s16  }
0x23: {  	s19 =	sor.u32 $0x2000, s6;
	s20 =	sadd.s32 s0, s18;
	[smem:$0x7D3] =	sst s17  }
0x24: {  	s21 =	sadd.s32 s4, s19;
	[smem:$0x7D4] =	sst s20  }
0x25: {  	s22 =	sadd.s32 s0, s19;
	[smem:$0x7D6] =	sst s21  }
0x26: {  	s9 =	sor.u32 $0x182000, s6;
	s23 =	sadd.s32 s2, s19;
	[smem:$0x7D7] =	sst s22  }
0x27: {  	s10 =	sadd.s32 s0, s9;
	[smem:$0x7D8] =	sst s23  }
0x28: {  	s24 =	sor.u32 $0x82000, s6;
	s5 =	sadd.s32 s2, s26;
	[smem:$0x7DD] =	sst s10  }
0x29: {  	s11 =	sor.u32 $0x2800, s6;
	s25 =	sadd.s32 s0, s24;
	[dreg:$0x1b] =	wrdreg s5  }
0x2a: {  	s14 =	sor.u32 $0x82800, s6;
	s12 =	sadd.s32 s4, s11;
	[smem:$0x7D9] =	sst s25  }
0x2b: {  	s15 =	sadd.s32 s0, s14;
	[smem:$0x7DF] =	sst s12  }
0x2c: {  	s7 =	sadd.s32 s2, s14;
	[smem:$0x7E2] =	sst s15  }
0x2d: {  	s21 =	sadd.s32 s4, s6;
	[smem:$0x7E3] =	sst s7  }
0x2e: {  	s26 =	sor.u32 $0x102000, s6;
	s5 =	sadd.s32 s2, s13;
	[smem:$0x7E8] =	sst s21  }
0x2f: {  	s8 =	sadd.s32 s0, s26;
	[smem:$0x7D1] =	sst s5  }
0x30: {  	s16 =	sor.u32 $0x102800, s6;
	s13 =	sadd.s32 s0, s11;
	[smem:$0x7DB] =	sst s8  }
0x31: {  	s10 =	sor.u32 $0x103000, s6;
	s17 =	sadd.s32 s0, s16;
	[smem:$0x7E0] =	sst s13  }
0x32: {  	s12 =	sadd.s32 s0, s10;
	[smem:$0x7E4] =	sst s17  }
0x33: {  	s15 =	sadd.s32 s0, s6;
	[smem:$0x7EF] =	sst s12  }
0x34: {  	s5 =	sadd.s32 s2, s18;
	[smem:$0x7F3] =	sst s15  }
0x35: {  	s17 =	sadd.s32 s2, s6;
	[smem:$0x7D5] =	sst s5  }
0x36: {  	s18 =	sor.u32 $0x182800, s6;
	s5 =	sadd.s32 s2, s24;
	[smem:$0x7F4] =	sst s17  }
0x37: {  	s19 =	sadd.s32 s0, s18;
	[smem:$0x7DA] =	sst s5  }
0x38: {  	s22 =	sor.u32 $0x3000, s6;
	s20 =	sadd.s32 s2, s18;
	[smem:$0x7E6] =	sst s19  }
0x39: {  	s23 =	sor.u32 $0x3800, s6;
	s24 =	sadd.s32 s4, s22;
	[smem:$0x7E7] =	sst s20  }
0x3a: {  	s4 =	sadd.s32 s4, s23;
	[smem:$0x7E9] =	sst s24  }
0x3b: {  	s5 =	sadd.s32 s2, s26;
	[smem:$0x7EA] =	sst s4  }
0x3c: {  	s25 =	sor.u32 $0x83000, s6;
	s26 =	sadd.s32 s0, s22;
	[smem:$0x7DC] =	sst s5  }
0x3d: {  	s28 =	simm.s32 $0x6;
	s4 =	sadd.s32 s2, s25;
	[smem:$0x7EB] =	sst s26  }
0x3e: {  	s18 =	sor.u32 $0x103800, s6;
	s19 =	sadd.s32 s0, s23;
	[smem:$0x7EE] =	sst s4  }
0x3f: {  	s29 =	simm.s32 $0xA;
	s21 =	sadd.s32 s0, s18;
	[smem:$0x7F5] =	sst s19  }
0x40: {  	s30 =	simm.s32 $0x2;
	s24 =	sadd.s32 s2, s18;
	[smem:$0x7F7] =	sst s21  }
0x41: {  	s31 =	simm.s32 $0x7;
	s5 =	sadd.s32 s2, s9;
	[smem:$0x7FB] =	sst s24  }
0x42: {  	s15 =	simm.s32 $0x8000;
	s9 =	sadd.s32 s0, s25;
	[smem:$0x7DE] =	sst s5  }
0x43: {  	s17 =	simm.s32 $0x10000;
	s4 =	sadd.s32 s2, s10;
	[smem:$0x7ED] =	sst s9  }
0x44: {  	s18 =	simm.s32 $0x14000;
	s5 =	sadd.s32 s2, s11;
	[smem:$0x7F0] =	sst s4  }
0x45: {  	s11 =	sor.u32 $0x183000, s6;
	[smem:$0x7E1] =	sst s5;
	s5 =	sadd.s32 s2, s16  }
0x46: {  	s26 =	smax.u32 s3, $0x1;
	s13 =	sadd.s32 s0, s11;
	[smem:$0x7E5] =	sst s5  }
0x47: {  	s19 =	simm.s32 $0x1;
	s14 =	sadd.s32 s2, s11;
	[smem:$0x7F1] =	sst s13  }
0x48: {  	s16 =	sor.u32 $0x83800, s6;
	s5 =	sadd.s32 s2, s22;
	[smem:$0x7F2] =	sst s14  }
0x49: {  	s6 =	sor.u32 $0x183800, s6;
	s20 =	sadd.s32 s0, s16;
	[smem:$0x7EC] =	sst s5  }
0x4a: {  	s21 =	simm.s32 $0x3;
	s0 =	sadd.s32 s0, s6;
	[smem:$0x7F6] =	sst s20  }
0x4b: {  	s24 =	simm.s32 $0x8;
	s22 =	sadd.s32 s2, s23;
	[smem:$0x7F8] =	sst s0  }
0x4c: {  	s3 =	simm.s32 $0x0;
	s23 =	sadd.s32 s2, s16;
	[smem:$0x7F9] =	sst s22  }
0x4d: {  	s25 =	sadd.s32 s2, s6;
	s16 =	simm.s32 $0xC000;
	[smem:$0x7FA] =	sst s23  }
0x4e: {  	s2 =	simm.s32 $0xC;
	[smem:$0x7FC] =	sst s25;
	s22 =	simm.s32 $0x18000  }
0x4f: {  	s23 =	simm.s32 $0x4;
	s25 =	simm.s32 $0x5;
	s0 =	simm.s32 $0xB  }
0x50: {  	_ =	strace $0x80000047;
	[smem:$0x7FD] =	sst s26;
	s26 =	simm.s32 $0x9  }
.LBB2_1:
0x51: {  	s4 =	sld [smem:$0x7E8];
	_ =	sdelay $0x1  }
0x52: {  	s8 =	sld [smem:$0x7F3]  }
0x53: {  	[tilespmem:s1], [sflag:$0x1] =	stream.linear.gather [hbm4b:s4+s1], $0x4000, $0x38;
	[tilespmem:$0x1C000] =	vst v63  }
0x54: {  	_ = 	snop  }
0x55: {  	[tilespmem:s15], [sflag:$0x3] =	stream.linear.gather [hbm4b:s8+s1], $0x4000, $0x38;
	[tilespmem:$0x1C000] =	vst v63  }
0x56: {  	s9 =	rddreg [dreg:$0x4]  }
0x57: {  	[tilespmem:s16], [sflag:$0x4] =	stream.linear.gather [hbm4b:s9+s1], $0x4000, $0x38;
	[tilespmem:$0x1C000] =	vst v63  }
0x58: {  	s10 =	rddreg [dreg:$0x5]  }
0x59: {  	[tilespmem:s17], [sflag:$0x5] =	stream.linear.gather [hbm4b:s10+s1], $0x4000, $0x38;
	[tilespmem:$0x1C000] =	vst v63  }
0x5a: {  	s11 =	rddreg [dreg:$0x6]  }
0x5b: {  	[tilespmem:s18], [sflag:$0x6] =	stream.linear.gather [hbm4b:s11+s1], $0x4000, $0x38;
	[tilespmem:$0x1C000] =	vst v63  }
0x5c: {  	_ =	swait.ge [sflag:s19], $0x4000  }
0x5d: {  	s5 =	simm.s32 $0x4000;
	[sflag:s19] =	ssyncset.done $0x0  }
0x5e: {  	s4 =	simm.s32 $0x0;
	s12 =	rddreg [dreg:$0x7];
	[sflag:s19] =	ssyncadd.s32 $0xFFFFC000  }
0x5f: {  	[tilespmem:s5], [sflag:$0x2] =	stream.linear.gather [hbm4b:s12+s1], $0x4000, $0x38;
	[tilespmem:$0x1C000] =	vst v63  }
0x60: {  	s6 =	sand.u32 $0x1C00, s1;
	s13 =	sand.u32 $0x2000, s4;
	_ =	swait.ge [sflag:s21], $0x4000  }
0x61: {  	s14 =	sand.u32 $0x380, s1;
	s5 =	sor.u32 s13, s6;
	[sflag:s21] =	ssyncset.done $0x0  }
0x62: {  	s5 =	sor.u32 s14, s5;
	[sflag:s21] =	ssyncadd.s32 $0xFFFFC000  }
0x63: {  	v0 =	vld [tilespmem:s5+$0x70]  }
0x64: {  	v4 =	vld [tilespmem:s5+$0x0]  }
0x65: {  	v5 =	vld [tilespmem:s5+$0x10]  }
0x66: {  	v6 =	vld [tilespmem:s5+$0x20]  }
0x67: {  	v2 =	vld [tilespmem:s5+$0x30]  }
0x68: {  	v3 =	vld [tilespmem:s5+$0x40]  }
0x69: {  	s6 =	sor.u32 $0x8070, s5;
	v1 =	vld [tilespmem:s5+$0x60]  }
0x6a: {  	[tilespmem:s6+$0x0] =	vst.add.f32.msk $0xffff, v0  }
0x6b: {  	s20 =	sor.u32 $0x8000, s5;
	v0 =	vld [tilespmem:s5+$0x50]  }
0x6c: {  	s8 =	sor.u32 $0x8010, s5;
	s11 =	sor.u32 $0x8020, s5;
	[tilespmem:s20+$0x0] =	vst.add.f32.msk $0xffff, v4  }
0x6d: {  	s10 =	sor.u32 $0x8030, s5;
	s9 =	sor.u32 $0x8040, s5;
	s7 =	sor.u32 $0x8050, s5;
	[tilespmem:s8+$0x0] =	vst.add.f32.msk $0xffff, v5  }
0x6e: {  	s8 =	sor.u32 $0x8060, s5;
	[tilespmem:s11+$0x0] =	vst.add.f32.msk $0xffff, v6;
	s5 =	simm.s32 $0x0;
	s6 =	simm.s32 $0x0  }
.LBB2_2:
0x6f: {  	s4 =	sadd.s32 $0x80, s4;
	[tilespmem:s10+$0x0] =	vst.add.f32.msk $0xffff, v2;
	s5 =	sadd.s32 $0x400, s5  }
0x70: {  	s6 =	sadd.s32 $0x10, s6;
	s10 =	sand.u32 $0x2000, s4;
	s11 =	sand.u32 $0x1C00, s5;
	[tilespmem:s9+$0x0] =	vst.add.f32.msk $0xffff, v3  }
0x71: {  	p0 =	slt.u32 s4, $0x3F80;
	s9 =	sor.u32 s10, s11;
	s10 =	sand.u32 $0x380, s6;
	[tilespmem:s7+$0x0] =	vst.add.f32.msk $0xffff, v0  }
0x72: {  	s11 =	sor.u32 s10, s9;
	[tilespmem:s8+$0x0] =	vst.add.f32.msk $0xffff, v1  }
0x73: {  	s12 =	sor.u32 $0x8000, s11;
	s13 =	sor.u32 $0x8010, s11;
	s14 =	sor.u32 $0x8020, s11;
	v0 =	vld [tilespmem:s11+$0x70]  }
0x74: {  	s10 =	sor.u32 $0x8030, s11;
	s9 =	sor.u32 $0x8040, s11;
	s7 =	sor.u32 $0x8050, s11;
	v4 =	vld [tilespmem:s11+$0x0]  }
0x75: {  	s8 =	sor.u32 $0x8060, s11;
	v5 =	vld [tilespmem:s11+$0x10]  }
0x76: {  	v6 =	vld [tilespmem:s11+$0x20]  }
0x77: {  	s20 =	sor.u32 $0x8070, s11;
	v2 =	vld [tilespmem:s11+$0x30]  }
0x78: {  	[tilespmem:s20+$0x0] =	vst.add.f32.msk $0xffff, v0  }
0x79: {  	v3 =	vld [tilespmem:s11+$0x40]  }
.Ltmp0:
0x7a: {  	v0 =	vld [tilespmem:s11+$0x50];
	(pc) =	sbr.rel @p0 .LBB2_2-.Ltmp0, $4  }
0x7b: {  	v1 =	vld [tilespmem:s11+$0x60]  }
0x7c: {  	[tilespmem:s12+$0x0] =	vst.add.f32.msk $0xffff, v4  }
0x7d: {  	[tilespmem:s13+$0x0] =	vst.add.f32.msk $0xffff, v5  }
0x7e: {  	[tilespmem:s14+$0x0] =	vst.add.f32.msk $0xffff, v6  }
0x7f: {  	[tilespmem:s10+$0x0] =	vst.add.f32.msk $0xffff, v2  }
0x80: {  	[tilespmem:s9+$0x0] =	vst.add.f32.msk $0xffff, v3  }
0x81: {  	[tilespmem:s7+$0x0] =	vst.add.f32.msk $0xffff, v0  }
0x82: {  	[tilespmem:s8+$0x0] =	vst.add.f32.msk $0xffff, v1  }
0x83: {  	s5 =	sld [smem:$0x7F4];
	_ =	sdelay $0x1  }
0x84: {  	s4 =	simm.s32 $0x0  }
0x85: {  	[hbm4b:s5+s4] =	stream.linear.scatter [tilespmem:s15], [sflag:$0x8], $0x4000, $0x38;
	[tilespmem:$0x1C000] =	vst v63  }
0x86: {  	s11 =	rddreg [dreg:$0x8];
	s5 =	simm.s32 $0x0  }
0x87: {  	[tilespmem:s22], [sflag:$0x7] =	stream.linear.gather [hbm4b:s11+s4], $0x4000, $0x38;
	[tilespmem:$0x1C000] =	vst v63  }
0x88: {  	s12 =	sand.u32 $0x1C00, s4;
	s6 =	sand.u32 $0x2000, s5;
	_ =	swait.ge [sflag:s23], $0x4000  }
0x89: {  	s13 =	sand.u32 $0x380, s4;
	s6 =	sor.u32 s6, s12;
	[sflag:s23] =	ssyncset.done $0x0  }
0x8a: {  	s6 =	sor.u32 s13, s6;
	[sflag:s23] =	ssyncadd.s32 $0xFFFFC000  }
0x8b: {  	v0 =	vld [tilespmem:s6+$0x70]  }
0x8c: {  	v4 =	vld [tilespmem:s6+$0x0]  }
0x8d: {  	v5 =	vld [tilespmem:s6+$0x10]  }
0x8e: {  	v6 =	vld [tilespmem:s6+$0x20]  }
0x8f: {  	v2 =	vld [tilespmem:s6+$0x30]  }
0x90: {  	v3 =	vld [tilespmem:s6+$0x40]  }
0x91: {  	s7 =	sor.u32 $0xC070, s6;
	v1 =	vld [tilespmem:s6+$0x60]  }
0x92: {  	[tilespmem:s7+$0x0] =	vst.add.f32.msk $0xffff, v0  }
0x93: {  	s14 =	sor.u32 $0xC000, s6;
	v0 =	vld [tilespmem:s6+$0x50]  }
0x94: {  	s20 =	sor.u32 $0xC010, s6;
	[tilespmem:s14+$0x0] =	vst.add.f32.msk $0xffff, v4  }
0x95: {  	s11 =	sor.u32 $0xC020, s6;
	s10 =	sor.u32 $0xC030, s6;
	s9 =	sor.u32 $0xC040, s6;
	[tilespmem:s20+$0x0] =	vst.add.f32.msk $0xffff, v5  }
0x96: {  	s8 =	sor.u32 $0xC060, s6;
	s7 =	sor.u32 $0xC050, s6;
	[tilespmem:s11+$0x0] =	vst.add.f32.msk $0xffff, v6;
	s6 =	simm.s32 $0x0  }
.LBB2_4:
0x97: {  	s5 =	sadd.s32 $0x80, s5;
	[tilespmem:s10+$0x0] =	vst.add.f32.msk $0xffff, v2;
	s4 =	sadd.s32 $0x400, s4  }
0x98: {  	s6 =	sadd.s32 $0x10, s6;
	s10 =	sand.u32 $0x2000, s5;
	s11 =	sand.u32 $0x1C00, s4;
	[tilespmem:s9+$0x0] =	vst.add.f32.msk $0xffff, v3  }
0x99: {  	p0 =	slt.u32 s5, $0x3F80;
	s9 =	sor.u32 s10, s11;
	s10 =	sand.u32 $0x380, s6;
	[tilespmem:s7+$0x0] =	vst.add.f32.msk $0xffff, v0  }
0x9a: {  	s11 =	sor.u32 s10, s9;
	[tilespmem:s8+$0x0] =	vst.add.f32.msk $0xffff, v1  }
0x9b: {  	s12 =	sor.u32 $0xC000, s11;
	s13 =	sor.u32 $0xC010, s11;
	s14 =	sor.u32 $0xC020, s11;
	v0 =	vld [tilespmem:s11+$0x70]  }
0x9c: {  	s10 =	sor.u32 $0xC030, s11;
	s9 =	sor.u32 $0xC040, s11;
	s7 =	sor.u32 $0xC050, s11;
	v4 =	vld [tilespmem:s11+$0x0]  }
0x9d: {  	s8 =	sor.u32 $0xC060, s11;
	v5 =	vld [tilespmem:s11+$0x10]  }
0x9e: {  	v6 =	vld [tilespmem:s11+$0x20]  }
0x9f: {  	s20 =	sor.u32 $0xC070, s11;
	v2 =	vld [tilespmem:s11+$0x30]  }
0xa0: {  	[tilespmem:s20+$0x0] =	vst.add.f32.msk $0xffff, v0  }
0xa1: {  	v3 =	vld [tilespmem:s11+$0x40]  }
.Ltmp1:
0xa2: {  	v0 =	vld [tilespmem:s11+$0x50];
	(pc) =	sbr.rel @p0 .LBB2_4-.Ltmp1, $4  }
0xa3: {  	v1 =	vld [tilespmem:s11+$0x60]  }
0xa4: {  	[tilespmem:s12+$0x0] =	vst.add.f32.msk $0xffff, v4  }
0xa5: {  	[tilespmem:s13+$0x0] =	vst.add.f32.msk $0xffff, v5  }
0xa6: {  	[tilespmem:s14+$0x0] =	vst.add.f32.msk $0xffff, v6  }
0xa7: {  	[tilespmem:s10+$0x0] =	vst.add.f32.msk $0xffff, v2  }
0xa8: {  	[tilespmem:s9+$0x0] =	vst.add.f32.msk $0xffff, v3  }
0xa9: {  	[tilespmem:s7+$0x0] =	vst.add.f32.msk $0xffff, v0  }
0xaa: {  	[tilespmem:s8+$0x0] =	vst.add.f32.msk $0xffff, v1  }
0xab: {  	s4 =	simm.s32 $0x0;
	s5 =	rddreg [dreg:$0x9]  }
0xac: {  	[hbm4b:s5+s4] =	stream.linear.scatter [tilespmem:s16], [sflag:$0x9], $0x4000, $0x38;
	[tilespmem:$0x1C000] =	vst v63  }
0xad: {  	_ =	swait.ge [sflag:s24], $0x4000  }
0xae: {  	[sflag:s24] =	ssyncset.done $0x0  }
0xaf: {  	s5 =	simm.s32 $0x0;
	s11 =	rddreg [dreg:$0xa];
	[sflag:s24] =	ssyncadd.s32 $0xFFFFC000  }
0xb0: {  	[tilespmem:s15], [sflag:$0x3] =	stream.linear.gather [hbm4b:s11+s4], $0x4000, $0x38;
	[tilespmem:$0x1C000] =	vst v63  }
0xb1: {  	s12 =	sand.u32 $0x1C00, s4;
	s6 =	sand.u32 $0x2000, s5;
	_ =	swait.ge [sflag:s25], $0x4000  }
0xb2: {  	s13 =	sand.u32 $0x380, s4;
	s6 =	sor.u32 s6, s12;
	[sflag:s25] =	ssyncset.done $0x0  }
0xb3: {  	s6 =	sor.u32 s13, s6;
	[sflag:s25] =	ssyncadd.s32 $0xFFFFC000  }
0xb4: {  	v0 =	vld [tilespmem:s6+$0x70]  }
0xb5: {  	v4 =	vld [tilespmem:s6+$0x0]  }
0xb6: {  	v5 =	vld [tilespmem:s6+$0x10]  }
0xb7: {  	v6 =	vld [tilespmem:s6+$0x20]  }
0xb8: {  	v2 =	vld [tilespmem:s6+$0x30]  }
0xb9: {  	v3 =	vld [tilespmem:s6+$0x40]  }
0xba: {  	s7 =	sor.u32 $0x10070, s6;
	v1 =	vld [tilespmem:s6+$0x60]  }
0xbb: {  	[tilespmem:s7+$0x0] =	vst.add.f32.msk $0xffff, v0  }
0xbc: {  	s14 =	sor.u32 $0x10000, s6;
	v0 =	vld [tilespmem:s6+$0x50]  }
0xbd: {  	s20 =	sor.u32 $0x10010, s6;
	[tilespmem:s14+$0x0] =	vst.add.f32.msk $0xffff, v4  }
0xbe: {  	s11 =	sor.u32 $0x10020, s6;
	s10 =	sor.u32 $0x10030, s6;
	s9 =	sor.u32 $0x10040, s6;
	[tilespmem:s20+$0x0] =	vst.add.f32.msk $0xffff, v5  }
0xbf: {  	s8 =	sor.u32 $0x10060, s6;
	s7 =	sor.u32 $0x10050, s6;
	[tilespmem:s11+$0x0] =	vst.add.f32.msk $0xffff, v6;
	s6 =	simm.s32 $0x0  }
.LBB2_6:
0xc0: {  	s5 =	sadd.s32 $0x80, s5;
	[tilespmem:s10+$0x0] =	vst.add.f32.msk $0xffff, v2;
	s4 =	sadd.s32 $0x400, s4  }
0xc1: {  	s6 =	sadd.s32 $0x10, s6;
	s10 =	sand.u32 $0x2000, s5;
	s11 =	sand.u32 $0x1C00, s4;
	[tilespmem:s9+$0x0] =	vst.add.f32.msk $0xffff, v3  }
0xc2: {  	p0 =	slt.u32 s5, $0x3F80;
	s9 =	sor.u32 s10, s11;
	s10 =	sand.u32 $0x380, s6;
	[tilespmem:s7+$0x0] =	vst.add.f32.msk $0xffff, v0  }
0xc3: {  	s11 =	sor.u32 s10, s9;
	[tilespmem:s8+$0x0] =	vst.add.f32.msk $0xffff, v1  }
0xc4: {  	s12 =	sor.u32 $0x10000, s11;
	s13 =	sor.u32 $0x10010, s11;
	s14 =	sor.u32 $0x10020, s11;
	v0 =	vld [tilespmem:s11+$0x70]  }
0xc5: {  	s10 =	sor.u32 $0x10030, s11;
	s9 =	sor.u32 $0x10040, s11;
	s7 =	sor.u32 $0x10050, s11;
	v4 =	vld [tilespmem:s11+$0x0]  }
0xc6: {  	s8 =	sor.u32 $0x10060, s11;
	v5 =	vld [tilespmem:s11+$0x10]  }
0xc7: {  	v6 =	vld [tilespmem:s11+$0x20]  }
0xc8: {  	s20 =	sor.u32 $0x10070, s11;
	v2 =	vld [tilespmem:s11+$0x30]  }
0xc9: {  	[tilespmem:s20+$0x0] =	vst.add.f32.msk $0xffff, v0  }
0xca: {  	v3 =	vld [tilespmem:s11+$0x40]  }
.Ltmp2:
0xcb: {  	v0 =	vld [tilespmem:s11+$0x50];
	(pc) =	sbr.rel @p0 .LBB2_6-.Ltmp2, $4  }
0xcc: {  	v1 =	vld [tilespmem:s11+$0x60]  }
0xcd: {  	[tilespmem:s12+$0x0] =	vst.add.f32.msk $0xffff, v4  }
0xce: {  	[tilespmem:s13+$0x0] =	vst.add.f32.msk $0xffff, v5  }
0xcf: {  	[tilespmem:s14+$0x0] =	vst.add.f32.msk $0xffff, v6  }
0xd0: {  	[tilespmem:s10+$0x0] =	vst.add.f32.msk $0xffff, v2  }
0xd1: {  	[tilespmem:s9+$0x0] =	vst.add.f32.msk $0xffff, v3  }
0xd2: {  	[tilespmem:s7+$0x0] =	vst.add.f32.msk $0xffff, v0  }
0xd3: {  	[tilespmem:s8+$0x0] =	vst.add.f32.msk $0xffff, v1  }
0xd4: {  	s4 =	simm.s32 $0x0;
	s5 =	rddreg [dreg:$0xb]  }
0xd5: {  	[hbm4b:s5+s4] =	stream.linear.scatter [tilespmem:s17], [sflag:$0xA], $0x4000, $0x38;
	[tilespmem:$0x1C000] =	vst v63  }
0xd6: {  	_ =	swait.ge [sflag:s26], $0x4000  }
0xd7: {  	[sflag:s26] =	ssyncset.done $0x0  }
0xd8: {  	s5 =	simm.s32 $0x0;
	s11 =	rddreg [dreg:$0xc];
	[sflag:s26] =	ssyncadd.s32 $0xFFFFC000  }
0xd9: {  	[tilespmem:s16], [sflag:$0x4] =	stream.linear.gather [hbm4b:s11+s4], $0x4000, $0x38;
	[tilespmem:$0x1C000] =	vst v63  }
0xda: {  	s12 =	sand.u32 $0x1C00, s4;
	s6 =	sand.u32 $0x2000, s5;
	_ =	swait.ge [sflag:s28], $0x4000  }
0xdb: {  	s13 =	sand.u32 $0x380, s4;
	s6 =	sor.u32 s6, s12;
	[sflag:s28] =	ssyncset.done $0x0  }
0xdc: {  	s6 =	sor.u32 s13, s6;
	[sflag:s28] =	ssyncadd.s32 $0xFFFFC000  }
0xdd: {  	v0 =	vld [tilespmem:s6+$0x70]  }
0xde: {  	v4 =	vld [tilespmem:s6+$0x0]  }
0xdf: {  	v5 =	vld [tilespmem:s6+$0x10]  }
0xe0: {  	v6 =	vld [tilespmem:s6+$0x20]  }
0xe1: {  	v2 =	vld [tilespmem:s6+$0x30]  }
0xe2: {  	v3 =	vld [tilespmem:s6+$0x40]  }
0xe3: {  	s7 =	sor.u32 $0x14070, s6;
	v1 =	vld [tilespmem:s6+$0x60]  }
0xe4: {  	[tilespmem:s7+$0x0] =	vst.add.f32.msk $0xffff, v0  }
0xe5: {  	s14 =	sor.u32 $0x14000, s6;
	v0 =	vld [tilespmem:s6+$0x50]  }
0xe6: {  	s20 =	sor.u32 $0x14010, s6;
	[tilespmem:s14+$0x0] =	vst.add.f32.msk $0xffff, v4  }
0xe7: {  	s11 =	sor.u32 $0x14020, s6;
	s10 =	sor.u32 $0x14030, s6;
	s9 =	sor.u32 $0x14040, s6;
	[tilespmem:s20+$0x0] =	vst.add.f32.msk $0xffff, v5  }
0xe8: {  	s8 =	sor.u32 $0x14060, s6;
	s7 =	sor.u32 $0x14050, s6;
	[tilespmem:s11+$0x0] =	vst.add.f32.msk $0xffff, v6;
	s6 =	simm.s32 $0x0  }
.LBB2_8:
0xe9: {  	s5 =	sadd.s32 $0x80, s5;
	[tilespmem:s10+$0x0] =	vst.add.f32.msk $0xffff, v2;
	s4 =	sadd.s32 $0x400, s4  }
0xea: {  	s6 =	sadd.s32 $0x10, s6;
	s10 =	sand.u32 $0x2000, s5;
	s11 =	sand.u32 $0x1C00, s4;
	[tilespmem:s9+$0x0] =	vst.add.f32.msk $0xffff, v3  }
0xeb: {  	p0 =	slt.u32 s5, $0x3F80;
	s9 =	sor.u32 s10, s11;
	s10 =	sand.u32 $0x380, s6;
	[tilespmem:s7+$0x0] =	vst.add.f32.msk $0xffff, v0  }
0xec: {  	s11 =	sor.u32 s10, s9;
	[tilespmem:s8+$0x0] =	vst.add.f32.msk $0xffff, v1  }
0xed: {  	s12 =	sor.u32 $0x14000, s11;
	s13 =	sor.u32 $0x14010, s11;
	s14 =	sor.u32 $0x14020, s11;
	v0 =	vld [tilespmem:s11+$0x70]  }
0xee: {  	s10 =	sor.u32 $0x14030, s11;
	s9 =	sor.u32 $0x14040, s11;
	s7 =	sor.u32 $0x14050, s11;
	v4 =	vld [tilespmem:s11+$0x0]  }
0xef: {  	s8 =	sor.u32 $0x14060, s11;
	v5 =	vld [tilespmem:s11+$0x10]  }
0xf0: {  	v6 =	vld [tilespmem:s11+$0x20]  }
0xf1: {  	s20 =	sor.u32 $0x14070, s11;
	v2 =	vld [tilespmem:s11+$0x30]  }
0xf2: {  	[tilespmem:s20+$0x0] =	vst.add.f32.msk $0xffff, v0  }
0xf3: {  	v3 =	vld [tilespmem:s11+$0x40]  }
.Ltmp3:
0xf4: {  	v0 =	vld [tilespmem:s11+$0x50];
	(pc) =	sbr.rel @p0 .LBB2_8-.Ltmp3, $4  }
0xf5: {  	v1 =	vld [tilespmem:s11+$0x60]  }
0xf6: {  	[tilespmem:s12+$0x0] =	vst.add.f32.msk $0xffff, v4  }
0xf7: {  	[tilespmem:s13+$0x0] =	vst.add.f32.msk $0xffff, v5  }
0xf8: {  	[tilespmem:s14+$0x0] =	vst.add.f32.msk $0xffff, v6  }
0xf9: {  	[tilespmem:s10+$0x0] =	vst.add.f32.msk $0xffff, v2  }
0xfa: {  	[tilespmem:s9+$0x0] =	vst.add.f32.msk $0xffff, v3  }
0xfb: {  	[tilespmem:s7+$0x0] =	vst.add.f32.msk $0xffff, v0  }
0xfc: {  	[tilespmem:s8+$0x0] =	vst.add.f32.msk $0xffff, v1  }
0xfd: {  	s4 =	simm.s32 $0x0;
	s5 =	rddreg [dreg:$0xd]  }
0xfe: {  	[hbm4b:s5+s4] =	stream.linear.scatter [tilespmem:s18], [sflag:$0xB], $0x4000, $0x38;
	[tilespmem:$0x1C000] =	vst v63  }
0xff: {  	_ =	swait.ge [sflag:s29], $0x4000  }
0x100: {  	[sflag:s29] =	ssyncset.done $0x0  }
0x101: {  	s10 =	rddreg [dreg:$0xe];
	[sflag:s29] =	ssyncadd.s32 $0xFFFFC000  }
0x102: {  	[tilespmem:s17], [sflag:$0x5] =	stream.linear.gather [hbm4b:s10+s4], $0x4000, $0x38;
	[tilespmem:$0x1C000] =	vst v63  }
0x103: {  	_ =	swait.ge [sflag:s30], $0x4000  }
0x104: {  	[sflag:s30] =	ssyncset.done $0x0  }
0x105: {  	s5 =	simm.s32 $0x0;
	s11 =	rddreg [dreg:$0xf];
	[sflag:s30] =	ssyncadd.s32 $0xFFFFC000  }
0x106: {  	[tilespmem:s4], [sflag:$0x1] =	stream.linear.gather [hbm4b:s11+s4], $0x4000, $0x38;
	[tilespmem:$0x1C000] =	vst v63  }
0x107: {  	s12 =	sand.u32 $0x1C00, s4;
	s6 =	sand.u32 $0x2000, s5;
	_ =	swait.ge [sflag:s31], $0x4000  }
0x108: {  	s13 =	sand.u32 $0x380, s4;
	s6 =	sor.u32 s6, s12;
	[sflag:s31] =	ssyncset.done $0x0  }
0x109: {  	s6 =	sor.u32 s13, s6;
	[sflag:s31] =	ssyncadd.s32 $0xFFFFC000  }
0x10a: {  	v0 =	vld [tilespmem:s6+$0x4070]  }
0x10b: {  	v4 =	vld [tilespmem:s6+$0x4000]  }
0x10c: {  	v5 =	vld [tilespmem:s6+$0x4010]  }
0x10d: {  	v6 =	vld [tilespmem:s6+$0x4020]  }
0x10e: {  	v2 =	vld [tilespmem:s6+$0x4030]  }
0x10f: {  	v3 =	vld [tilespmem:s6+$0x4040]  }
0x110: {  	s7 =	sor.u32 $0x18070, s6;
	v1 =	vld [tilespmem:s6+$0x4060]  }
0x111: {  	[tilespmem:s7+$0x0] =	vst.add.f32.msk $0xffff, v0  }
0x112: {  	s14 =	sor.u32 $0x18000, s6;
	v0 =	vld [tilespmem:s6+$0x4050]  }
0x113: {  	s20 =	sor.u32 $0x18010, s6;
	[tilespmem:s14+$0x0] =	vst.add.f32.msk $0xffff, v4  }
0x114: {  	s10 =	sor.u32 $0x18030, s6;
	s9 =	sor.u32 $0x18040, s6;
	s11 =	sor.u32 $0x18020, s6;
	[tilespmem:s20+$0x0] =	vst.add.f32.msk $0xffff, v5  }
0x115: {  	s8 =	sor.u32 $0x18060, s6;
	s7 =	sor.u32 $0x18050, s6;
	[tilespmem:s11+$0x0] =	vst.add.f32.msk $0xffff, v6;
	s6 =	simm.s32 $0x0  }
.LBB2_10:
0x116: {  	s5 =	sadd.s32 $0x80, s5;
	[tilespmem:s10+$0x0] =	vst.add.f32.msk $0xffff, v2;
	s4 =	sadd.s32 $0x400, s4  }
0x117: {  	s6 =	sadd.s32 $0x10, s6;
	s10 =	sand.u32 $0x2000, s5;
	s11 =	sand.u32 $0x1C00, s4;
	[tilespmem:s9+$0x0] =	vst.add.f32.msk $0xffff, v3  }
0x118: {  	p0 =	slt.u32 s5, $0x3F80;
	s9 =	sor.u32 s10, s11;
	s10 =	sand.u32 $0x380, s6;
	[tilespmem:s7+$0x0] =	vst.add.f32.msk $0xffff, v0  }
0x119: {  	s11 =	sor.u32 s10, s9;
	[tilespmem:s8+$0x0] =	vst.add.f32.msk $0xffff, v1  }
0x11a: {  	s12 =	sor.u32 $0x18000, s11;
	s13 =	sor.u32 $0x18010, s11;
	s14 =	sor.u32 $0x18020, s11;
	v0 =	vld [tilespmem:s11+$0x4070]  }
0x11b: {  	s10 =	sor.u32 $0x18030, s11;
	s9 =	sor.u32 $0x18040, s11;
	s7 =	sor.u32 $0x18050, s11;
	v4 =	vld [tilespmem:s11+$0x4000]  }
0x11c: {  	s8 =	sor.u32 $0x18060, s11;
	v5 =	vld [tilespmem:s11+$0x4010]  }
0x11d: {  	v6 =	vld [tilespmem:s11+$0x4020]  }
0x11e: {  	s20 =	sor.u32 $0x18070, s11;
	v2 =	vld [tilespmem:s11+$0x4030]  }
0x11f: {  	[tilespmem:s20+$0x0] =	vst.add.f32.msk $0xffff, v0  }
0x120: {  	v3 =	vld [tilespmem:s11+$0x4040]  }
.Ltmp4:
0x121: {  	v0 =	vld [tilespmem:s11+$0x4050];
	(pc) =	sbr.rel @p0 .LBB2_10-.Ltmp4, $4  }
0x122: {  	v1 =	vld [tilespmem:s11+$0x4060]  }
0x123: {  	[tilespmem:s12+$0x0] =	vst.add.f32.msk $0xffff, v4  }
0x124: {  	[tilespmem:s13+$0x0] =	vst.add.f32.msk $0xffff, v5  }
0x125: {  	[tilespmem:s14+$0x0] =	vst.add.f32.msk $0xffff, v6  }
0x126: {  	[tilespmem:s10+$0x0] =	vst.add.f32.msk $0xffff, v2  }
0x127: {  	[tilespmem:s9+$0x0] =	vst.add.f32.msk $0xffff, v3  }
0x128: {  	[tilespmem:s7+$0x0] =	vst.add.f32.msk $0xffff, v0  }
0x129: {  	[tilespmem:s8+$0x0] =	vst.add.f32.msk $0xffff, v1  }
0x12a: {  	s4 =	simm.s32 $0x0;
	s5 =	rddreg [dreg:$0x10]  }
0x12b: {  	[hbm4b:s5+s4] =	stream.linear.scatter [tilespmem:s22], [sflag:$0xC], $0x4000, $0x38;
	[tilespmem:$0x1C000] =	vst v63  }
0x12c: {  	_ =	swait.ge [sflag:s0], $0x4000  }
0x12d: {  	[sflag:s0] =	ssyncset.done $0x0  }
0x12e: {  	s5 =	simm.s32 $0x0;
	s11 =	rddreg [dreg:$0x11];
	[sflag:s0] =	ssyncadd.s32 $0xFFFFC000  }
0x12f: {  	[tilespmem:s18], [sflag:$0x6] =	stream.linear.gather [hbm4b:s11+s4], $0x4000, $0x38;
	[tilespmem:$0x1C000] =	vst v63  }
0x130: {  	s12 =	sand.u32 $0x1C00, s4;
	s6 =	sand.u32 $0x2000, s5;
	_ =	swait.ge [sflag:s21], $0x4000  }
0x131: {  	s13 =	sand.u32 $0x380, s4;
	s6 =	sor.u32 s6, s12;
	[sflag:s21] =	ssyncset.done $0x0  }
0x132: {  	s6 =	sor.u32 s13, s6;
	[sflag:s21] =	ssyncadd.s32 $0xFFFFC000  }
0x133: {  	v0 =	vld [tilespmem:s6+$0x4070]  }
0x134: {  	v4 =	vld [tilespmem:s6+$0x4000]  }
0x135: {  	v5 =	vld [tilespmem:s6+$0x4010]  }
0x136: {  	v6 =	vld [tilespmem:s6+$0x4020]  }
0x137: {  	v2 =	vld [tilespmem:s6+$0x4030]  }
0x138: {  	v3 =	vld [tilespmem:s6+$0x4040]  }
0x139: {  	s7 =	sor.u32 $0x8070, s6;
	v1 =	vld [tilespmem:s6+$0x4060]  }
0x13a: {  	[tilespmem:s7+$0x0] =	vst.add.f32.msk $0xffff, v0  }
0x13b: {  	s14 =	sor.u32 $0x8000, s6;
	v0 =	vld [tilespmem:s6+$0x4050]  }
0x13c: {  	s20 =	sor.u32 $0x8010, s6;
	[tilespmem:s14+$0x0] =	vst.add.f32.msk $0xffff, v4  }
0x13d: {  	s11 =	sor.u32 $0x8020, s6;
	s10 =	sor.u32 $0x8030, s6;
	s9 =	sor.u32 $0x8040, s6;
	[tilespmem:s20+$0x0] =	vst.add.f32.msk $0xffff, v5  }
0x13e: {  	s8 =	sor.u32 $0x8060, s6;
	s7 =	sor.u32 $0x8050, s6;
	[tilespmem:s11+$0x0] =	vst.add.f32.msk $0xffff, v6;
	s6 =	simm.s32 $0x0  }
.LBB2_12:
0x13f: {  	s5 =	sadd.s32 $0x80, s5;
	[tilespmem:s10+$0x0] =	vst.add.f32.msk $0xffff, v2;
	s4 =	sadd.s32 $0x400, s4  }
0x140: {  	s6 =	sadd.s32 $0x10, s6;
	s10 =	sand.u32 $0x2000, s5;
	s11 =	sand.u32 $0x1C00, s4;
	[tilespmem:s9+$0x0] =	vst.add.f32.msk $0xffff, v3  }
0x141: {  	p0 =	slt.u32 s5, $0x3F80;
	s9 =	sor.u32 s10, s11;
	s10 =	sand.u32 $0x380, s6;
	[tilespmem:s7+$0x0] =	vst.add.f32.msk $0xffff, v0  }
0x142: {  	s11 =	sor.u32 s10, s9;
	[tilespmem:s8+$0x0] =	vst.add.f32.msk $0xffff, v1  }
0x143: {  	s12 =	sor.u32 $0x8000, s11;
	s13 =	sor.u32 $0x8010, s11;
	s14 =	sor.u32 $0x8020, s11;
	v0 =	vld [tilespmem:s11+$0x4070]  }
0x144: {  	s10 =	sor.u32 $0x8030, s11;
	s9 =	sor.u32 $0x8040, s11;
	s7 =	sor.u32 $0x8050, s11;
	v4 =	vld [tilespmem:s11+$0x4000]  }
0x145: {  	s8 =	sor.u32 $0x8060, s11;
	v5 =	vld [tilespmem:s11+$0x4010]  }
0x146: {  	v6 =	vld [tilespmem:s11+$0x4020]  }
0x147: {  	s20 =	sor.u32 $0x8070, s11;
	v2 =	vld [tilespmem:s11+$0x4030]  }
0x148: {  	[tilespmem:s20+$0x0] =	vst.add.f32.msk $0xffff, v0  }
0x149: {  	v3 =	vld [tilespmem:s11+$0x4040]  }
.Ltmp5:
0x14a: {  	v0 =	vld [tilespmem:s11+$0x4050];
	(pc) =	sbr.rel @p0 .LBB2_12-.Ltmp5, $4  }
0x14b: {  	v1 =	vld [tilespmem:s11+$0x4060]  }
0x14c: {  	[tilespmem:s12+$0x0] =	vst.add.f32.msk $0xffff, v4  }
0x14d: {  	[tilespmem:s13+$0x0] =	vst.add.f32.msk $0xffff, v5  }
0x14e: {  	[tilespmem:s14+$0x0] =	vst.add.f32.msk $0xffff, v6  }
0x14f: {  	[tilespmem:s10+$0x0] =	vst.add.f32.msk $0xffff, v2  }
0x150: {  	[tilespmem:s9+$0x0] =	vst.add.f32.msk $0xffff, v3  }
0x151: {  	[tilespmem:s7+$0x0] =	vst.add.f32.msk $0xffff, v0  }
0x152: {  	[tilespmem:s8+$0x0] =	vst.add.f32.msk $0xffff, v1  }
0x153: {  	s4 =	simm.s32 $0x0;
	s5 =	rddreg [dreg:$0x12]  }
0x154: {  	[hbm4b:s5+s4] =	stream.linear.scatter [tilespmem:s15], [sflag:$0x8], $0x4000, $0x38;
	[tilespmem:$0x1C000] =	vst v63  }
0x155: {  	_ =	swait.ge [sflag:s2], $0x4000  }
0x156: {  	[sflag:s2] =	ssyncset.done $0x0  }
0x157: {  	s5 =	simm.s32 $0x0;
	s11 =	rddreg [dreg:$0x16];
	[sflag:s2] =	ssyncadd.s32 $0xFFFFC000  }
0x158: {  	[tilespmem:s22], [sflag:$0x7] =	stream.linear.gather [hbm4b:s11+s4], $0x4000, $0x38;
	[tilespmem:$0x1C000] =	vst v63  }
0x159: {  	s12 =	sand.u32 $0x1C00, s4;
	s6 =	sand.u32 $0x2000, s5;
	_ =	swait.ge [sflag:s23], $0x4000  }
0x15a: {  	s13 =	sand.u32 $0x380, s4;
	s6 =	sor.u32 s6, s12;
	[sflag:s23] =	ssyncset.done $0x0  }
0x15b: {  	s6 =	sor.u32 s13, s6;
	[sflag:s23] =	ssyncadd.s32 $0xFFFFC000  }
0x15c: {  	v0 =	vld [tilespmem:s6+$0x4070]  }
0x15d: {  	v4 =	vld [tilespmem:s6+$0x4000]  }
0x15e: {  	v5 =	vld [tilespmem:s6+$0x4010]  }
0x15f: {  	v6 =	vld [tilespmem:s6+$0x4020]  }
0x160: {  	v2 =	vld [tilespmem:s6+$0x4030]  }
0x161: {  	v3 =	vld [tilespmem:s6+$0x4040]  }
0x162: {  	s7 =	sor.u32 $0xC070, s6;
	v1 =	vld [tilespmem:s6+$0x4060]  }
0x163: {  	[tilespmem:s7+$0x0] =	vst.add.f32.msk $0xffff, v0  }
0x164: {  	s14 =	sor.u32 $0xC000, s6;
	v0 =	vld [tilespmem:s6+$0x4050]  }
0x165: {  	s20 =	sor.u32 $0xC010, s6;
	[tilespmem:s14+$0x0] =	vst.add.f32.msk $0xffff, v4  }
0x166: {  	s11 =	sor.u32 $0xC020, s6;
	s10 =	sor.u32 $0xC030, s6;
	s9 =	sor.u32 $0xC040, s6;
	[tilespmem:s20+$0x0] =	vst.add.f32.msk $0xffff, v5  }
0x167: {  	s8 =	sor.u32 $0xC060, s6;
	s7 =	sor.u32 $0xC050, s6;
	[tilespmem:s11+$0x0] =	vst.add.f32.msk $0xffff, v6;
	s6 =	simm.s32 $0x0  }
.LBB2_14:
0x168: {  	s5 =	sadd.s32 $0x80, s5;
	[tilespmem:s10+$0x0] =	vst.add.f32.msk $0xffff, v2;
	s4 =	sadd.s32 $0x400, s4  }
0x169: {  	s6 =	sadd.s32 $0x10, s6;
	s10 =	sand.u32 $0x2000, s5;
	s11 =	sand.u32 $0x1C00, s4;
	[tilespmem:s9+$0x0] =	vst.add.f32.msk $0xffff, v3  }
0x16a: {  	p0 =	slt.u32 s5, $0x3F80;
	s9 =	sor.u32 s10, s11;
	s10 =	sand.u32 $0x380, s6;
	[tilespmem:s7+$0x0] =	vst.add.f32.msk $0xffff, v0  }
0x16b: {  	s11 =	sor.u32 s10, s9;
	[tilespmem:s8+$0x0] =	vst.add.f32.msk $0xffff, v1  }
0x16c: {  	s12 =	sor.u32 $0xC000, s11;
	s13 =	sor.u32 $0xC010, s11;
	s14 =	sor.u32 $0xC020, s11;
	v0 =	vld [tilespmem:s11+$0x4070]  }
0x16d: {  	s10 =	sor.u32 $0xC030, s11;
	s9 =	sor.u32 $0xC040, s11;
	s7 =	sor.u32 $0xC050, s11;
	v4 =	vld [tilespmem:s11+$0x4000]  }
0x16e: {  	s8 =	sor.u32 $0xC060, s11;
	v5 =	vld [tilespmem:s11+$0x4010]  }
0x16f: {  	v6 =	vld [tilespmem:s11+$0x4020]  }
0x170: {  	s20 =	sor.u32 $0xC070, s11;
	v2 =	vld [tilespmem:s11+$0x4030]  }
0x171: {  	[tilespmem:s20+$0x0] =	vst.add.f32.msk $0xffff, v0  }
0x172: {  	v3 =	vld [tilespmem:s11+$0x4040]  }
.Ltmp6:
0x173: {  	v0 =	vld [tilespmem:s11+$0x4050];
	(pc) =	sbr.rel @p0 .LBB2_14-.Ltmp6, $4  }
0x174: {  	v1 =	vld [tilespmem:s11+$0x4060]  }
0x175: {  	[tilespmem:s12+$0x0] =	vst.add.f32.msk $0xffff, v4  }
0x176: {  	[tilespmem:s13+$0x0] =	vst.add.f32.msk $0xffff, v5  }
0x177: {  	[tilespmem:s14+$0x0] =	vst.add.f32.msk $0xffff, v6  }
0x178: {  	[tilespmem:s10+$0x0] =	vst.add.f32.msk $0xffff, v2  }
0x179: {  	[tilespmem:s9+$0x0] =	vst.add.f32.msk $0xffff, v3  }
0x17a: {  	[tilespmem:s7+$0x0] =	vst.add.f32.msk $0xffff, v0  }
0x17b: {  	[tilespmem:s8+$0x0] =	vst.add.f32.msk $0xffff, v1  }
0x17c: {  	s4 =	simm.s32 $0x0;
	s5 =	rddreg [dreg:$0x13]  }
0x17d: {  	[hbm4b:s5+s4] =	stream.linear.scatter [tilespmem:s16], [sflag:$0x9], $0x4000, $0x38;
	[tilespmem:$0x1C000] =	vst v63  }
0x17e: {  	_ =	swait.ge [sflag:s24], $0x4000  }
0x17f: {  	[sflag:s24] =	ssyncset.done $0x0  }
0x180: {  	s5 =	simm.s32 $0x0;
	s11 =	rddreg [dreg:$0x18];
	[sflag:s24] =	ssyncadd.s32 $0xFFFFC000  }
0x181: {  	[tilespmem:s15], [sflag:$0x3] =	stream.linear.gather [hbm4b:s11+s4], $0x4000, $0x38;
	[tilespmem:$0x1C000] =	vst v63  }
0x182: {  	s12 =	sand.u32 $0x1C00, s4;
	s6 =	sand.u32 $0x2000, s5;
	_ =	swait.ge [sflag:s25], $0x4000  }
0x183: {  	s13 =	sand.u32 $0x380, s4;
	s6 =	sor.u32 s6, s12;
	[sflag:s25] =	ssyncset.done $0x0  }
0x184: {  	s6 =	sor.u32 s13, s6;
	[sflag:s25] =	ssyncadd.s32 $0xFFFFC000  }
0x185: {  	v0 =	vld [tilespmem:s6+$0x4070]  }
0x186: {  	v4 =	vld [tilespmem:s6+$0x4000]  }
0x187: {  	v5 =	vld [tilespmem:s6+$0x4010]  }
0x188: {  	v6 =	vld [tilespmem:s6+$0x4020]  }
0x189: {  	v2 =	vld [tilespmem:s6+$0x4030]  }
0x18a: {  	v3 =	vld [tilespmem:s6+$0x4040]  }
0x18b: {  	s7 =	sor.u32 $0x10070, s6;
	v1 =	vld [tilespmem:s6+$0x4060]  }
0x18c: {  	[tilespmem:s7+$0x0] =	vst.add.f32.msk $0xffff, v0  }
0x18d: {  	s14 =	sor.u32 $0x10000, s6;
	v0 =	vld [tilespmem:s6+$0x4050]  }
0x18e: {  	s20 =	sor.u32 $0x10010, s6;
	[tilespmem:s14+$0x0] =	vst.add.f32.msk $0xffff, v4  }
0x18f: {  	s11 =	sor.u32 $0x10020, s6;
	s10 =	sor.u32 $0x10030, s6;
	s9 =	sor.u32 $0x10040, s6;
	[tilespmem:s20+$0x0] =	vst.add.f32.msk $0xffff, v5  }
0x190: {  	s8 =	sor.u32 $0x10060, s6;
	s7 =	sor.u32 $0x10050, s6;
	[tilespmem:s11+$0x0] =	vst.add.f32.msk $0xffff, v6;
	s6 =	simm.s32 $0x0  }
.LBB2_16:
0x191: {  	s5 =	sadd.s32 $0x80, s5;
	[tilespmem:s10+$0x0] =	vst.add.f32.msk $0xffff, v2;
	s4 =	sadd.s32 $0x400, s4  }
0x192: {  	s6 =	sadd.s32 $0x10, s6;
	s10 =	sand.u32 $0x2000, s5;
	s11 =	sand.u32 $0x1C00, s4;
	[tilespmem:s9+$0x0] =	vst.add.f32.msk $0xffff, v3  }
0x193: {  	p0 =	slt.u32 s5, $0x3F80;
	s9 =	sor.u32 s10, s11;
	s10 =	sand.u32 $0x380, s6;
	[tilespmem:s7+$0x0] =	vst.add.f32.msk $0xffff, v0  }
0x194: {  	s11 =	sor.u32 s10, s9;
	[tilespmem:s8+$0x0] =	vst.add.f32.msk $0xffff, v1  }
0x195: {  	s12 =	sor.u32 $0x10000, s11;
	s13 =	sor.u32 $0x10010, s11;
	s14 =	sor.u32 $0x10020, s11;
	v0 =	vld [tilespmem:s11+$0x4070]  }
0x196: {  	s10 =	sor.u32 $0x10030, s11;
	s9 =	sor.u32 $0x10040, s11;
	s7 =	sor.u32 $0x10050, s11;
	v4 =	vld [tilespmem:s11+$0x4000]  }
0x197: {  	s8 =	sor.u32 $0x10060, s11;
	v5 =	vld [tilespmem:s11+$0x4010]  }
0x198: {  	v6 =	vld [tilespmem:s11+$0x4020]  }
0x199: {  	s20 =	sor.u32 $0x10070, s11;
	v2 =	vld [tilespmem:s11+$0x4030]  }
0x19a: {  	[tilespmem:s20+$0x0] =	vst.add.f32.msk $0xffff, v0  }
0x19b: {  	v3 =	vld [tilespmem:s11+$0x4040]  }
.Ltmp7:
0x19c: {  	v0 =	vld [tilespmem:s11+$0x4050];
	(pc) =	sbr.rel @p0 .LBB2_16-.Ltmp7, $4  }
0x19d: {  	v1 =	vld [tilespmem:s11+$0x4060]  }
0x19e: {  	[tilespmem:s12+$0x0] =	vst.add.f32.msk $0xffff, v4  }
0x19f: {  	[tilespmem:s13+$0x0] =	vst.add.f32.msk $0xffff, v5  }
0x1a0: {  	[tilespmem:s14+$0x0] =	vst.add.f32.msk $0xffff, v6  }
0x1a1: {  	[tilespmem:s10+$0x0] =	vst.add.f32.msk $0xffff, v2  }
0x1a2: {  	[tilespmem:s9+$0x0] =	vst.add.f32.msk $0xffff, v3  }
0x1a3: {  	[tilespmem:s7+$0x0] =	vst.add.f32.msk $0xffff, v0  }
0x1a4: {  	[tilespmem:s8+$0x0] =	vst.add.f32.msk $0xffff, v1  }
0x1a5: {  	s4 =	simm.s32 $0x0;
	s5 =	rddreg [dreg:$0x14]  }
0x1a6: {  	[hbm4b:s5+s4] =	stream.linear.scatter [tilespmem:s17], [sflag:$0xA], $0x4000, $0x38;
	[tilespmem:$0x1C000] =	vst v63  }
0x1a7: {  	_ =	swait.ge [sflag:s26], $0x4000  }
0x1a8: {  	[sflag:s26] =	ssyncset.done $0x0  }
0x1a9: {  	s9 =	rddreg [dreg:$0x1a];
	[sflag:s26] =	ssyncadd.s32 $0xFFFFC000  }
0x1aa: {  	[tilespmem:s16], [sflag:$0x4] =	stream.linear.gather [hbm4b:s9+s4], $0x4000, $0x38;
	[tilespmem:$0x1C000] =	vst v63  }
0x1ab: {  	_ =	swait.ge [sflag:s19], $0x4000  }
0x1ac: {  	s6 =	simm.s32 $0x4000;
	[sflag:s19] =	ssyncset.done $0x0  }
0x1ad: {  	s5 =	simm.s32 $0x0;
	s10 =	rddreg [dreg:$0x1c];
	[sflag:s19] =	ssyncadd.s32 $0xFFFFC000  }
0x1ae: {  	[tilespmem:s6], [sflag:$0x2] =	stream.linear.gather [hbm4b:s10+s4], $0x4000, $0x38;
	[tilespmem:$0x1C000] =	vst v63  }
0x1af: {  	s12 =	sand.u32 $0x1C00, s4;
	s11 =	sand.u32 $0x2000, s5;
	_ =	swait.ge [sflag:s28], $0x4000  }
0x1b0: {  	s13 =	sand.u32 $0x380, s4;
	s6 =	sor.u32 s11, s12;
	[sflag:s28] =	ssyncset.done $0x0  }
0x1b1: {  	s6 =	sor.u32 s13, s6;
	[sflag:s28] =	ssyncadd.s32 $0xFFFFC000  }
0x1b2: {  	v0 =	vld [tilespmem:s6+$0x70]  }
0x1b3: {  	v4 =	vld [tilespmem:s6+$0x0]  }
0x1b4: {  	v5 =	vld [tilespmem:s6+$0x10]  }
0x1b5: {  	v6 =	vld [tilespmem:s6+$0x20]  }
0x1b6: {  	v2 =	vld [tilespmem:s6+$0x30]  }
0x1b7: {  	v3 =	vld [tilespmem:s6+$0x40]  }
0x1b8: {  	s7 =	sor.u32 $0x14070, s6;
	v1 =	vld [tilespmem:s6+$0x60]  }
0x1b9: {  	[tilespmem:s7+$0x0] =	vst.add.f32.msk $0xffff, v0  }
0x1ba: {  	s14 =	sor.u32 $0x14000, s6;
	v0 =	vld [tilespmem:s6+$0x50]  }
0x1bb: {  	s20 =	sor.u32 $0x14010, s6;
	[tilespmem:s14+$0x0] =	vst.add.f32.msk $0xffff, v4  }
0x1bc: {  	s11 =	sor.u32 $0x14020, s6;
	s10 =	sor.u32 $0x14030, s6;
	s9 =	sor.u32 $0x14040, s6;
	[tilespmem:s20+$0x0] =	vst.add.f32.msk $0xffff, v5  }
0x1bd: {  	s8 =	sor.u32 $0x14060, s6;
	s7 =	sor.u32 $0x14050, s6;
	[tilespmem:s11+$0x0] =	vst.add.f32.msk $0xffff, v6;
	s6 =	simm.s32 $0x0  }
.LBB2_18:
0x1be: {  	s5 =	sadd.s32 $0x80, s5;
	[tilespmem:s10+$0x0] =	vst.add.f32.msk $0xffff, v2;
	s4 =	sadd.s32 $0x400, s4  }
0x1bf: {  	s6 =	sadd.s32 $0x10, s6;
	s10 =	sand.u32 $0x2000, s5;
	s11 =	sand.u32 $0x1C00, s4;
	[tilespmem:s9+$0x0] =	vst.add.f32.msk $0xffff, v3  }
0x1c0: {  	p0 =	slt.u32 s5, $0x3F80;
	s9 =	sor.u32 s10, s11;
	s10 =	sand.u32 $0x380, s6;
	[tilespmem:s7+$0x0] =	vst.add.f32.msk $0xffff, v0  }
0x1c1: {  	s11 =	sor.u32 s10, s9;
	[tilespmem:s8+$0x0] =	vst.add.f32.msk $0xffff, v1  }
0x1c2: {  	s12 =	sor.u32 $0x14000, s11;
	s13 =	sor.u32 $0x14010, s11;
	s14 =	sor.u32 $0x14020, s11;
	v0 =	vld [tilespmem:s11+$0x70]  }
0x1c3: {  	s10 =	sor.u32 $0x14030, s11;
	s9 =	sor.u32 $0x14040, s11;
	s7 =	sor.u32 $0x14050, s11;
	v4 =	vld [tilespmem:s11+$0x0]  }
0x1c4: {  	s8 =	sor.u32 $0x14060, s11;
	v5 =	vld [tilespmem:s11+$0x10]  }
0x1c5: {  	v6 =	vld [tilespmem:s11+$0x20]  }
0x1c6: {  	s20 =	sor.u32 $0x14070, s11;
	v2 =	vld [tilespmem:s11+$0x30]  }
0x1c7: {  	[tilespmem:s20+$0x0] =	vst.add.f32.msk $0xffff, v0  }
0x1c8: {  	v3 =	vld [tilespmem:s11+$0x40]  }
.Ltmp8:
0x1c9: {  	v0 =	vld [tilespmem:s11+$0x50];
	(pc) =	sbr.rel @p0 .LBB2_18-.Ltmp8, $4  }
0x1ca: {  	v1 =	vld [tilespmem:s11+$0x60]  }
0x1cb: {  	[tilespmem:s12+$0x0] =	vst.add.f32.msk $0xffff, v4  }
0x1cc: {  	[tilespmem:s13+$0x0] =	vst.add.f32.msk $0xffff, v5  }
0x1cd: {  	[tilespmem:s14+$0x0] =	vst.add.f32.msk $0xffff, v6  }
0x1ce: {  	[tilespmem:s10+$0x0] =	vst.add.f32.msk $0xffff, v2  }
0x1cf: {  	[tilespmem:s9+$0x0] =	vst.add.f32.msk $0xffff, v3  }
0x1d0: {  	[tilespmem:s7+$0x0] =	vst.add.f32.msk $0xffff, v0  }
0x1d1: {  	[tilespmem:s8+$0x0] =	vst.add.f32.msk $0xffff, v1  }
0x1d2: {  	s4 =	simm.s32 $0x0;
	s5 =	rddreg [dreg:$0x15]  }
0x1d3: {  	[hbm4b:s5+s4] =	stream.linear.scatter [tilespmem:s18], [sflag:$0xB], $0x4000, $0x38;
	[tilespmem:$0x1C000] =	vst v63  }
0x1d4: {  	_ =	swait.ge [sflag:s29], $0x4000  }
0x1d5: {  	[sflag:s29] =	ssyncset.done $0x0  }
0x1d6: {  	s5 =	simm.s32 $0x0;
	s11 =	rddreg [dreg:$0x1d];
	[sflag:s29] =	ssyncadd.s32 $0xFFFFC000  }
0x1d7: {  	[tilespmem:s17], [sflag:$0x5] =	stream.linear.gather [hbm4b:s11+s4], $0x4000, $0x38;
	[tilespmem:$0x1C000] =	vst v63  }
0x1d8: {  	s12 =	sand.u32 $0x1C00, s4;
	s6 =	sand.u32 $0x2000, s5;
	_ =	swait.ge [sflag:s31], $0x4000  }
0x1d9: {  	s13 =	sand.u32 $0x380, s4;
	s6 =	sor.u32 s6, s12;
	[sflag:s31] =	ssyncset.done $0x0  }
0x1da: {  	s6 =	sor.u32 s13, s6;
	[sflag:s31] =	ssyncadd.s32 $0xFFFFC000  }
0x1db: {  	v0 =	vld [tilespmem:s6+$0x70]  }
0x1dc: {  	v4 =	vld [tilespmem:s6+$0x0]  }
0x1dd: {  	v5 =	vld [tilespmem:s6+$0x10]  }
0x1de: {  	v6 =	vld [tilespmem:s6+$0x20]  }
0x1df: {  	v2 =	vld [tilespmem:s6+$0x30]  }
0x1e0: {  	v3 =	vld [tilespmem:s6+$0x40]  }
0x1e1: {  	s7 =	sor.u32 $0x18070, s6;
	v1 =	vld [tilespmem:s6+$0x60]  }
0x1e2: {  	[tilespmem:s7+$0x0] =	vst.add.f32.msk $0xffff, v0  }
0x1e3: {  	s14 =	sor.u32 $0x18000, s6;
	v0 =	vld [tilespmem:s6+$0x50]  }
0x1e4: {  	s20 =	sor.u32 $0x18010, s6;
	[tilespmem:s14+$0x0] =	vst.add.f32.msk $0xffff, v4  }
0x1e5: {  	s11 =	sor.u32 $0x18020, s6;
	s10 =	sor.u32 $0x18030, s6;
	s9 =	sor.u32 $0x18040, s6;
	[tilespmem:s20+$0x0] =	vst.add.f32.msk $0xffff, v5  }
0x1e6: {  	s8 =	sor.u32 $0x18060, s6;
	s7 =	sor.u32 $0x18050, s6;
	[tilespmem:s11+$0x0] =	vst.add.f32.msk $0xffff, v6;
	s6 =	simm.s32 $0x0  }
.LBB2_20:
0x1e7: {  	s5 =	sadd.s32 $0x80, s5;
	[tilespmem:s10+$0x0] =	vst.add.f32.msk $0xffff, v2;
	s4 =	sadd.s32 $0x400, s4  }
0x1e8: {  	s6 =	sadd.s32 $0x10, s6;
	s10 =	sand.u32 $0x2000, s5;
	s11 =	sand.u32 $0x1C00, s4;
	[tilespmem:s9+$0x0] =	vst.add.f32.msk $0xffff, v3  }
0x1e9: {  	p0 =	slt.u32 s5, $0x3F80;
	s9 =	sor.u32 s10, s11;
	s10 =	sand.u32 $0x380, s6;
	[tilespmem:s7+$0x0] =	vst.add.f32.msk $0xffff, v0  }
0x1ea: {  	s11 =	sor.u32 s10, s9;
	[tilespmem:s8+$0x0] =	vst.add.f32.msk $0xffff, v1  }
0x1eb: {  	s12 =	sor.u32 $0x18000, s11;
	s13 =	sor.u32 $0x18010, s11;
	s14 =	sor.u32 $0x18020, s11;
	v0 =	vld [tilespmem:s11+$0x70]  }
0x1ec: {  	s10 =	sor.u32 $0x18030, s11;
	s9 =	sor.u32 $0x18040, s11;
	s7 =	sor.u32 $0x18050, s11;
	v4 =	vld [tilespmem:s11+$0x0]  }
0x1ed: {  	s8 =	sor.u32 $0x18060, s11;
	v5 =	vld [tilespmem:s11+$0x10]  }
0x1ee: {  	v6 =	vld [tilespmem:s11+$0x20]  }
0x1ef: {  	s20 =	sor.u32 $0x18070, s11;
	v2 =	vld [tilespmem:s11+$0x30]  }
0x1f0: {  	[tilespmem:s20+$0x0] =	vst.add.f32.msk $0xffff, v0  }
0x1f1: {  	v3 =	vld [tilespmem:s11+$0x40]  }
.Ltmp9:
0x1f2: {  	v0 =	vld [tilespmem:s11+$0x50];
	(pc) =	sbr.rel @p0 .LBB2_20-.Ltmp9, $4  }
0x1f3: {  	v1 =	vld [tilespmem:s11+$0x60]  }
0x1f4: {  	[tilespmem:s12+$0x0] =	vst.add.f32.msk $0xffff, v4  }
0x1f5: {  	[tilespmem:s13+$0x0] =	vst.add.f32.msk $0xffff, v5  }
0x1f6: {  	[tilespmem:s14+$0x0] =	vst.add.f32.msk $0xffff, v6  }
0x1f7: {  	[tilespmem:s10+$0x0] =	vst.add.f32.msk $0xffff, v2  }
0x1f8: {  	[tilespmem:s9+$0x0] =	vst.add.f32.msk $0xffff, v3  }
0x1f9: {  	[tilespmem:s7+$0x0] =	vst.add.f32.msk $0xffff, v0  }
0x1fa: {  	[tilespmem:s8+$0x0] =	vst.add.f32.msk $0xffff, v1  }
0x1fb: {  	s4 =	simm.s32 $0x0;
	s5 =	rddreg [dreg:$0x17]  }
0x1fc: {  	[hbm4b:s5+s4] =	stream.linear.scatter [tilespmem:s22], [sflag:$0xC], $0x4000, $0x38;
	[tilespmem:$0x1C000] =	vst v63  }
0x1fd: {  	_ =	swait.ge [sflag:s0], $0x4000  }
0x1fe: {  	[sflag:s0] =	ssyncset.done $0x0  }
0x1ff: {  	s5 =	simm.s32 $0x0;
	s11 =	rddreg [dreg:$0x1f];
	[sflag:s0] =	ssyncadd.s32 $0xFFFFC000  }
0x200: {  	[tilespmem:s18], [sflag:$0x6] =	stream.linear.gather [hbm4b:s11+s4], $0x4000, $0x38;
	[tilespmem:$0x1C000] =	vst v63  }
0x201: {  	s12 =	sand.u32 $0x1C00, s4;
	s6 =	sand.u32 $0x2000, s5;
	_ =	swait.ge [sflag:s21], $0x4000  }
0x202: {  	s13 =	sand.u32 $0x380, s4;
	s6 =	sor.u32 s6, s12;
	[sflag:s21] =	ssyncset.done $0x0  }
0x203: {  	s6 =	sor.u32 s13, s6;
	[sflag:s21] =	ssyncadd.s32 $0xFFFFC000  }
0x204: {  	v0 =	vld [tilespmem:s6+$0x70]  }
0x205: {  	v4 =	vld [tilespmem:s6+$0x0]  }
0x206: {  	v5 =	vld [tilespmem:s6+$0x10]  }
0x207: {  	v6 =	vld [tilespmem:s6+$0x20]  }
0x208: {  	v2 =	vld [tilespmem:s6+$0x30]  }
0x209: {  	v3 =	vld [tilespmem:s6+$0x40]  }
0x20a: {  	s7 =	sor.u32 $0x8070, s6;
	v1 =	vld [tilespmem:s6+$0x60]  }
0x20b: {  	[tilespmem:s7+$0x0] =	vst.add.f32.msk $0xffff, v0  }
0x20c: {  	s14 =	sor.u32 $0x8000, s6;
	v0 =	vld [tilespmem:s6+$0x50]  }
0x20d: {  	s20 =	sor.u32 $0x8010, s6;
	[tilespmem:s14+$0x0] =	vst.add.f32.msk $0xffff, v4  }
0x20e: {  	s11 =	sor.u32 $0x8020, s6;
	s10 =	sor.u32 $0x8030, s6;
	s9 =	sor.u32 $0x8040, s6;
	[tilespmem:s20+$0x0] =	vst.add.f32.msk $0xffff, v5  }
0x20f: {  	s8 =	sor.u32 $0x8060, s6;
	s7 =	sor.u32 $0x8050, s6;
	[tilespmem:s11+$0x0] =	vst.add.f32.msk $0xffff, v6;
	s6 =	simm.s32 $0x0  }
.LBB2_22:
0x210: {  	s5 =	sadd.s32 $0x80, s5;
	[tilespmem:s10+$0x0] =	vst.add.f32.msk $0xffff, v2;
	s4 =	sadd.s32 $0x400, s4  }
0x211: {  	s6 =	sadd.s32 $0x10, s6;
	s10 =	sand.u32 $0x2000, s5;
	s11 =	sand.u32 $0x1C00, s4;
	[tilespmem:s9+$0x0] =	vst.add.f32.msk $0xffff, v3  }
0x212: {  	p0 =	slt.u32 s5, $0x3F80;
	s9 =	sor.u32 s10, s11;
	s10 =	sand.u32 $0x380, s6;
	[tilespmem:s7+$0x0] =	vst.add.f32.msk $0xffff, v0  }
0x213: {  	s11 =	sor.u32 s10, s9;
	[tilespmem:s8+$0x0] =	vst.add.f32.msk $0xffff, v1  }
0x214: {  	s12 =	sor.u32 $0x8000, s11;
	s13 =	sor.u32 $0x8010, s11;
	s14 =	sor.u32 $0x8020, s11;
	v0 =	vld [tilespmem:s11+$0x70]  }
0x215: {  	s10 =	sor.u32 $0x8030, s11;
	s9 =	sor.u32 $0x8040, s11;
	s7 =	sor.u32 $0x8050, s11;
	v4 =	vld [tilespmem:s11+$0x0]  }
0x216: {  	s8 =	sor.u32 $0x8060, s11;
	v5 =	vld [tilespmem:s11+$0x10]  }
0x217: {  	v6 =	vld [tilespmem:s11+$0x20]  }
0x218: {  	s20 =	sor.u32 $0x8070, s11;
	v2 =	vld [tilespmem:s11+$0x30]  }
0x219: {  	[tilespmem:s20+$0x0] =	vst.add.f32.msk $0xffff, v0  }
0x21a: {  	v3 =	vld [tilespmem:s11+$0x40]  }
.Ltmp10:
0x21b: {  	v0 =	vld [tilespmem:s11+$0x50];
	(pc) =	sbr.rel @p0 .LBB2_22-.Ltmp10, $4  }
0x21c: {  	v1 =	vld [tilespmem:s11+$0x60]  }
0x21d: {  	[tilespmem:s12+$0x0] =	vst.add.f32.msk $0xffff, v4  }
0x21e: {  	[tilespmem:s13+$0x0] =	vst.add.f32.msk $0xffff, v5  }
0x21f: {  	[tilespmem:s14+$0x0] =	vst.add.f32.msk $0xffff, v6  }
0x220: {  	[tilespmem:s10+$0x0] =	vst.add.f32.msk $0xffff, v2  }
0x221: {  	[tilespmem:s9+$0x0] =	vst.add.f32.msk $0xffff, v3  }
0x222: {  	[tilespmem:s7+$0x0] =	vst.add.f32.msk $0xffff, v0  }
0x223: {  	[tilespmem:s8+$0x0] =	vst.add.f32.msk $0xffff, v1  }
0x224: {  	s4 =	simm.s32 $0x0;
	s5 =	rddreg [dreg:$0x19]  }
0x225: {  	[hbm4b:s5+s4] =	stream.linear.scatter [tilespmem:s15], [sflag:$0x8], $0x4000, $0x38;
	[tilespmem:$0x1C000] =	vst v63  }
0x226: {  	_ =	swait.ge [sflag:s2], $0x4000  }
0x227: {  	s11 =	sld [smem:$0x7D2]  }
0x228: {  	[sflag:s2] =	ssyncset.done $0x0  }
0x229: {  	s5 =	simm.s32 $0x0;
	[sflag:s2] =	ssyncadd.s32 $0xFFFFC000  }
0x22a: {  	[tilespmem:s22], [sflag:$0x7] =	stream.linear.gather [hbm4b:s11+s4], $0x4000, $0x38;
	[tilespmem:$0x1C000] =	vst v63  }
0x22b: {  	s12 =	sand.u32 $0x1C00, s4;
	s6 =	sand.u32 $0x2000, s5;
	_ =	swait.ge [sflag:s23], $0x4000  }
0x22c: {  	s13 =	sand.u32 $0x380, s4;
	s6 =	sor.u32 s6, s12;
	[sflag:s23] =	ssyncset.done $0x0  }
0x22d: {  	s6 =	sor.u32 s13, s6;
	[sflag:s23] =	ssyncadd.s32 $0xFFFFC000  }
0x22e: {  	v0 =	vld [tilespmem:s6+$0x70]  }
0x22f: {  	v4 =	vld [tilespmem:s6+$0x0]  }
0x230: {  	v5 =	vld [tilespmem:s6+$0x10]  }
0x231: {  	v6 =	vld [tilespmem:s6+$0x20]  }
0x232: {  	v2 =	vld [tilespmem:s6+$0x30]  }
0x233: {  	v3 =	vld [tilespmem:s6+$0x40]  }
0x234: {  	s7 =	sor.u32 $0xC070, s6;
	v1 =	vld [tilespmem:s6+$0x60]  }
0x235: {  	[tilespmem:s7+$0x0] =	vst.add.f32.msk $0xffff, v0  }
0x236: {  	s14 =	sor.u32 $0xC000, s6;
	v0 =	vld [tilespmem:s6+$0x50]  }
0x237: {  	s20 =	sor.u32 $0xC010, s6;
	[tilespmem:s14+$0x0] =	vst.add.f32.msk $0xffff, v4  }
0x238: {  	s10 =	sor.u32 $0xC030, s6;
	s9 =	sor.u32 $0xC040, s6;
	s11 =	sor.u32 $0xC020, s6;
	[tilespmem:s20+$0x0] =	vst.add.f32.msk $0xffff, v5  }
0x239: {  	s8 =	sor.u32 $0xC060, s6;
	s7 =	sor.u32 $0xC050, s6;
	[tilespmem:s11+$0x0] =	vst.add.f32.msk $0xffff, v6;
	s6 =	simm.s32 $0x0  }
.LBB2_24:
0x23a: {  	s5 =	sadd.s32 $0x80, s5;
	[tilespmem:s10+$0x0] =	vst.add.f32.msk $0xffff, v2;
	s4 =	sadd.s32 $0x400, s4  }
0x23b: {  	s6 =	sadd.s32 $0x10, s6;
	s10 =	sand.u32 $0x2000, s5;
	s11 =	sand.u32 $0x1C00, s4;
	[tilespmem:s9+$0x0] =	vst.add.f32.msk $0xffff, v3  }
0x23c: {  	p0 =	slt.u32 s5, $0x3F80;
	s9 =	sor.u32 s10, s11;
	s10 =	sand.u32 $0x380, s6;
	[tilespmem:s7+$0x0] =	vst.add.f32.msk $0xffff, v0  }
0x23d: {  	s11 =	sor.u32 s10, s9;
	[tilespmem:s8+$0x0] =	vst.add.f32.msk $0xffff, v1  }
0x23e: {  	s12 =	sor.u32 $0xC000, s11;
	s13 =	sor.u32 $0xC010, s11;
	s14 =	sor.u32 $0xC020, s11;
	v0 =	vld [tilespmem:s11+$0x70]  }
0x23f: {  	s10 =	sor.u32 $0xC030, s11;
	s9 =	sor.u32 $0xC040, s11;
	s7 =	sor.u32 $0xC050, s11;
	v4 =	vld [tilespmem:s11+$0x0]  }
0x240: {  	s8 =	sor.u32 $0xC060, s11;
	v5 =	vld [tilespmem:s11+$0x10]  }
0x241: {  	v6 =	vld [tilespmem:s11+$0x20]  }
0x242: {  	s20 =	sor.u32 $0xC070, s11;
	v2 =	vld [tilespmem:s11+$0x30]  }
0x243: {  	[tilespmem:s20+$0x0] =	vst.add.f32.msk $0xffff, v0  }
0x244: {  	v3 =	vld [tilespmem:s11+$0x40]  }
.Ltmp11:
0x245: {  	v0 =	vld [tilespmem:s11+$0x50];
	(pc) =	sbr.rel @p0 .LBB2_24-.Ltmp11, $4  }
0x246: {  	v1 =	vld [tilespmem:s11+$0x60]  }
0x247: {  	[tilespmem:s12+$0x0] =	vst.add.f32.msk $0xffff, v4  }
0x248: {  	[tilespmem:s13+$0x0] =	vst.add.f32.msk $0xffff, v5  }
0x249: {  	[tilespmem:s14+$0x0] =	vst.add.f32.msk $0xffff, v6  }
0x24a: {  	[tilespmem:s10+$0x0] =	vst.add.f32.msk $0xffff, v2  }
0x24b: {  	[tilespmem:s9+$0x0] =	vst.add.f32.msk $0xffff, v3  }
0x24c: {  	[tilespmem:s7+$0x0] =	vst.add.f32.msk $0xffff, v0  }
0x24d: {  	[tilespmem:s8+$0x0] =	vst.add.f32.msk $0xffff, v1  }
0x24e: {  	s4 =	simm.s32 $0x0;
	s5 =	rddreg [dreg:$0x1b]  }
0x24f: {  	[hbm4b:s5+s4] =	stream.linear.scatter [tilespmem:s16], [sflag:$0x9], $0x4000, $0x38;
	[tilespmem:$0x1C000] =	vst v63  }
0x250: {  	_ =	swait.ge [sflag:s24], $0x4000  }
0x251: {  	s10 =	sld [smem:$0x7D4]  }
0x252: {  	[sflag:s24] =	ssyncset.done $0x0  }
0x253: {  	[sflag:s24] =	ssyncadd.s32 $0xFFFFC000  }
0x254: {  	[tilespmem:s15], [sflag:$0x3] =	stream.linear.gather [hbm4b:s10+s4], $0x4000, $0x38;
	[tilespmem:$0x1C000] =	vst v63  }
0x255: {  	_ =	swait.ge [sflag:s30], $0x4000  }
0x256: {  	s11 =	sld [smem:$0x7D6]  }
0x257: {  	[sflag:s30] =	ssyncset.done $0x0  }
0x258: {  	s5 =	simm.s32 $0x0;
	[sflag:s30] =	ssyncadd.s32 $0xFFFFC000  }
0x259: {  	[tilespmem:s4], [sflag:$0x1] =	stream.linear.gather [hbm4b:s11+s4], $0x4000, $0x38;
	[tilespmem:$0x1C000] =	vst v63  }
0x25a: {  	s12 =	sand.u32 $0x1C00, s4;
	s6 =	sand.u32 $0x2000, s5;
	_ =	swait.ge [sflag:s25], $0x4000  }
0x25b: {  	s13 =	sand.u32 $0x380, s4;
	s6 =	sor.u32 s6, s12;
	[sflag:s25] =	ssyncset.done $0x0  }
0x25c: {  	s6 =	sor.u32 s13, s6;
	[sflag:s25] =	ssyncadd.s32 $0xFFFFC000  }
0x25d: {  	v0 =	vld [tilespmem:s6+$0x4070]  }
0x25e: {  	v4 =	vld [tilespmem:s6+$0x4000]  }
0x25f: {  	v5 =	vld [tilespmem:s6+$0x4010]  }
0x260: {  	v6 =	vld [tilespmem:s6+$0x4020]  }
0x261: {  	v2 =	vld [tilespmem:s6+$0x4030]  }
0x262: {  	v3 =	vld [tilespmem:s6+$0x4040]  }
0x263: {  	s7 =	sor.u32 $0x10070, s6;
	v1 =	vld [tilespmem:s6+$0x4060]  }
0x264: {  	[tilespmem:s7+$0x0] =	vst.add.f32.msk $0xffff, v0  }
0x265: {  	s14 =	sor.u32 $0x10000, s6;
	v0 =	vld [tilespmem:s6+$0x4050]  }
0x266: {  	s20 =	sor.u32 $0x10010, s6;
	[tilespmem:s14+$0x0] =	vst.add.f32.msk $0xffff, v4  }
0x267: {  	s9 =	sor.u32 $0x10040, s6;
	s8 =	sor.u32 $0x10060, s6;
	s11 =	sor.u32 $0x10020, s6;
	[tilespmem:s20+$0x0] =	vst.add.f32.msk $0xffff, v5  }
0x268: {  	s10 =	sor.u32 $0x10030, s6;
	s7 =	sor.u32 $0x10050, s6;
	[tilespmem:s11+$0x0] =	vst.add.f32.msk $0xffff, v6;
	s6 =	simm.s32 $0x0  }
.LBB2_26:
0x269: {  	s5 =	sadd.s32 $0x80, s5;
	[tilespmem:s10+$0x0] =	vst.add.f32.msk $0xffff, v2;
	s4 =	sadd.s32 $0x400, s4  }
0x26a: {  	s6 =	sadd.s32 $0x10, s6;
	s10 =	sand.u32 $0x2000, s5;
	s11 =	sand.u32 $0x1C00, s4;
	[tilespmem:s9+$0x0] =	vst.add.f32.msk $0xffff, v3  }
0x26b: {  	p0 =	slt.u32 s5, $0x3F80;
	s9 =	sor.u32 s10, s11;
	s10 =	sand.u32 $0x380, s6;
	[tilespmem:s7+$0x0] =	vst.add.f32.msk $0xffff, v0  }
0x26c: {  	s11 =	sor.u32 s10, s9;
	[tilespmem:s8+$0x0] =	vst.add.f32.msk $0xffff, v1  }
0x26d: {  	s12 =	sor.u32 $0x10000, s11;
	s13 =	sor.u32 $0x10010, s11;
	s14 =	sor.u32 $0x10020, s11;
	v0 =	vld [tilespmem:s11+$0x4070]  }
0x26e: {  	s10 =	sor.u32 $0x10030, s11;
	s9 =	sor.u32 $0x10040, s11;
	s7 =	sor.u32 $0x10050, s11;
	v4 =	vld [tilespmem:s11+$0x4000]  }
0x26f: {  	s8 =	sor.u32 $0x10060, s11;
	v5 =	vld [tilespmem:s11+$0x4010]  }
0x270: {  	v6 =	vld [tilespmem:s11+$0x4020]  }
0x271: {  	s20 =	sor.u32 $0x10070, s11;
	v2 =	vld [tilespmem:s11+$0x4030]  }
0x272: {  	[tilespmem:s20+$0x0] =	vst.add.f32.msk $0xffff, v0  }
0x273: {  	v3 =	vld [tilespmem:s11+$0x4040]  }
.Ltmp12:
0x274: {  	v0 =	vld [tilespmem:s11+$0x4050];
	(pc) =	sbr.rel @p0 .LBB2_26-.Ltmp12, $4  }
0x275: {  	v1 =	vld [tilespmem:s11+$0x4060]  }
0x276: {  	[tilespmem:s12+$0x0] =	vst.add.f32.msk $0xffff, v4  }
0x277: {  	[tilespmem:s13+$0x0] =	vst.add.f32.msk $0xffff, v5  }
0x278: {  	[tilespmem:s14+$0x0] =	vst.add.f32.msk $0xffff, v6  }
0x279: {  	[tilespmem:s10+$0x0] =	vst.add.f32.msk $0xffff, v2  }
0x27a: {  	[tilespmem:s9+$0x0] =	vst.add.f32.msk $0xffff, v3  }
0x27b: {  	[tilespmem:s7+$0x0] =	vst.add.f32.msk $0xffff, v0  }
0x27c: {  	[tilespmem:s8+$0x0] =	vst.add.f32.msk $0xffff, v1  }
0x27d: {  	s4 =	simm.s32 $0x0;
	s5 =	rddreg [dreg:$0x1e]  }
0x27e: {  	[hbm4b:s5+s4] =	stream.linear.scatter [tilespmem:s17], [sflag:$0xA], $0x4000, $0x38;
	[tilespmem:$0x1C000] =	vst v63  }
0x27f: {  	_ =	swait.ge [sflag:s26], $0x4000  }
0x280: {  	s11 =	sld [smem:$0x7D7]  }
0x281: {  	[sflag:s26] =	ssyncset.done $0x0  }
0x282: {  	s5 =	simm.s32 $0x0;
	[sflag:s26] =	ssyncadd.s32 $0xFFFFC000  }
0x283: {  	[tilespmem:s16], [sflag:$0x4] =	stream.linear.gather [hbm4b:s11+s4], $0x4000, $0x38;
	[tilespmem:$0x1C000] =	vst v63  }
0x284: {  	s12 =	sand.u32 $0x1C00, s4;
	s6 =	sand.u32 $0x2000, s5;
	_ =	swait.ge [sflag:s28], $0x4000  }
0x285: {  	s13 =	sand.u32 $0x380, s4;
	s6 =	sor.u32 s6, s12;
	[sflag:s28] =	ssyncset.done $0x0  }
0x286: {  	s6 =	sor.u32 s13, s6;
	[sflag:s28] =	ssyncadd.s32 $0xFFFFC000  }
0x287: {  	v0 =	vld [tilespmem:s6+$0x4070]  }
0x288: {  	v4 =	vld [tilespmem:s6+$0x4000]  }
0x289: {  	v5 =	vld [tilespmem:s6+$0x4010]  }
0x28a: {  	v6 =	vld [tilespmem:s6+$0x4020]  }
0x28b: {  	v2 =	vld [tilespmem:s6+$0x4030]  }
0x28c: {  	v3 =	vld [tilespmem:s6+$0x4040]  }
0x28d: {  	s7 =	sor.u32 $0x14070, s6;
	v1 =	vld [tilespmem:s6+$0x4060]  }
0x28e: {  	[tilespmem:s7+$0x0] =	vst.add.f32.msk $0xffff, v0  }
0x28f: {  	s14 =	sor.u32 $0x14000, s6;
	v0 =	vld [tilespmem:s6+$0x4050]  }
0x290: {  	s20 =	sor.u32 $0x14010, s6;
	[tilespmem:s14+$0x0] =	vst.add.f32.msk $0xffff, v4  }
0x291: {  	s10 =	sor.u32 $0x14030, s6;
	s9 =	sor.u32 $0x14040, s6;
	s11 =	sor.u32 $0x14020, s6;
	[tilespmem:s20+$0x0] =	vst.add.f32.msk $0xffff, v5  }
0x292: {  	s8 =	sor.u32 $0x14060, s6;
	s7 =	sor.u32 $0x14050, s6;
	[tilespmem:s11+$0x0] =	vst.add.f32.msk $0xffff, v6;
	s6 =	simm.s32 $0x0  }
.LBB2_28:
0x293: {  	s5 =	sadd.s32 $0x80, s5;
	[tilespmem:s10+$0x0] =	vst.add.f32.msk $0xffff, v2;
	s4 =	sadd.s32 $0x400, s4  }
0x294: {  	s6 =	sadd.s32 $0x10, s6;
	s10 =	sand.u32 $0x2000, s5;
	s11 =	sand.u32 $0x1C00, s4;
	[tilespmem:s9+$0x0] =	vst.add.f32.msk $0xffff, v3  }
0x295: {  	p0 =	slt.u32 s5, $0x3F80;
	s9 =	sor.u32 s10, s11;
	s10 =	sand.u32 $0x380, s6;
	[tilespmem:s7+$0x0] =	vst.add.f32.msk $0xffff, v0  }
0x296: {  	s11 =	sor.u32 s10, s9;
	[tilespmem:s8+$0x0] =	vst.add.f32.msk $0xffff, v1  }
0x297: {  	s12 =	sor.u32 $0x14000, s11;
	s13 =	sor.u32 $0x14010, s11;
	s14 =	sor.u32 $0x14020, s11;
	v0 =	vld [tilespmem:s11+$0x4070]  }
0x298: {  	s10 =	sor.u32 $0x14030, s11;
	s9 =	sor.u32 $0x14040, s11;
	s7 =	sor.u32 $0x14050, s11;
	v4 =	vld [tilespmem:s11+$0x4000]  }
0x299: {  	s8 =	sor.u32 $0x14060, s11;
	v5 =	vld [tilespmem:s11+$0x4010]  }
0x29a: {  	v6 =	vld [tilespmem:s11+$0x4020]  }
0x29b: {  	s20 =	sor.u32 $0x14070, s11;
	v2 =	vld [tilespmem:s11+$0x4030]  }
0x29c: {  	[tilespmem:s20+$0x0] =	vst.add.f32.msk $0xffff, v0  }
0x29d: {  	v3 =	vld [tilespmem:s11+$0x4040]  }
.Ltmp13:
0x29e: {  	v0 =	vld [tilespmem:s11+$0x4050];
	(pc) =	sbr.rel @p0 .LBB2_28-.Ltmp13, $4  }
0x29f: {  	v1 =	vld [tilespmem:s11+$0x4060]  }
0x2a0: {  	[tilespmem:s12+$0x0] =	vst.add.f32.msk $0xffff, v4  }
0x2a1: {  	[tilespmem:s13+$0x0] =	vst.add.f32.msk $0xffff, v5  }
0x2a2: {  	[tilespmem:s14+$0x0] =	vst.add.f32.msk $0xffff, v6  }
0x2a3: {  	[tilespmem:s10+$0x0] =	vst.add.f32.msk $0xffff, v2  }
0x2a4: {  	[tilespmem:s9+$0x0] =	vst.add.f32.msk $0xffff, v3  }
0x2a5: {  	[tilespmem:s7+$0x0] =	vst.add.f32.msk $0xffff, v0  }
0x2a6: {  	[tilespmem:s8+$0x0] =	vst.add.f32.msk $0xffff, v1  }
0x2a7: {  	s5 =	sld [smem:$0x7D1];
	_ =	sdelay $0x1  }
0x2a8: {  	s4 =	simm.s32 $0x0  }
0x2a9: {  	[hbm4b:s5+s4] =	stream.linear.scatter [tilespmem:s18], [sflag:$0xB], $0x4000, $0x38;
	[tilespmem:$0x1C000] =	vst v63  }
0x2aa: {  	_ =	swait.ge [sflag:s29], $0x4000  }
0x2ab: {  	s11 =	sld [smem:$0x7D9]  }
0x2ac: {  	[sflag:s29] =	ssyncset.done $0x0  }
0x2ad: {  	s5 =	simm.s32 $0x0;
	[sflag:s29] =	ssyncadd.s32 $0xFFFFC000  }
0x2ae: {  	[tilespmem:s17], [sflag:$0x5] =	stream.linear.gather [hbm4b:s11+s4], $0x4000, $0x38;
	[tilespmem:$0x1C000] =	vst v63  }
0x2af: {  	s12 =	sand.u32 $0x1C00, s4;
	s6 =	sand.u32 $0x2000, s5;
	_ =	swait.ge [sflag:s31], $0x4000  }
0x2b0: {  	s13 =	sand.u32 $0x380, s4;
	s6 =	sor.u32 s6, s12;
	[sflag:s31] =	ssyncset.done $0x0  }
0x2b1: {  	s6 =	sor.u32 s13, s6;
	[sflag:s31] =	ssyncadd.s32 $0xFFFFC000  }
0x2b2: {  	v0 =	vld [tilespmem:s6+$0x4070]  }
0x2b3: {  	v4 =	vld [tilespmem:s6+$0x4000]  }
0x2b4: {  	v5 =	vld [tilespmem:s6+$0x4010]  }
0x2b5: {  	v6 =	vld [tilespmem:s6+$0x4020]  }
0x2b6: {  	v2 =	vld [tilespmem:s6+$0x4030]  }
0x2b7: {  	v3 =	vld [tilespmem:s6+$0x4040]  }
0x2b8: {  	s7 =	sor.u32 $0x18070, s6;
	v1 =	vld [tilespmem:s6+$0x4060]  }
0x2b9: {  	[tilespmem:s7+$0x0] =	vst.add.f32.msk $0xffff, v0  }
0x2ba: {  	s14 =	sor.u32 $0x18000, s6;
	v0 =	vld [tilespmem:s6+$0x4050]  }
0x2bb: {  	s20 =	sor.u32 $0x18010, s6;
	[tilespmem:s14+$0x0] =	vst.add.f32.msk $0xffff, v4  }
0x2bc: {  	s10 =	sor.u32 $0x18030, s6;
	s9 =	sor.u32 $0x18040, s6;
	s11 =	sor.u32 $0x18020, s6;
	[tilespmem:s20+$0x0] =	vst.add.f32.msk $0xffff, v5  }
0x2bd: {  	s8 =	sor.u32 $0x18060, s6;
	s7 =	sor.u32 $0x18050, s6;
	[tilespmem:s11+$0x0] =	vst.add.f32.msk $0xffff, v6;
	s6 =	simm.s32 $0x0  }
.LBB2_30:
0x2be: {  	s5 =	sadd.s32 $0x80, s5;
	[tilespmem:s10+$0x0] =	vst.add.f32.msk $0xffff, v2;
	s4 =	sadd.s32 $0x400, s4  }
0x2bf: {  	s6 =	sadd.s32 $0x10, s6;
	s10 =	sand.u32 $0x2000, s5;
	s11 =	sand.u32 $0x1C00, s4;
	[tilespmem:s9+$0x0] =	vst.add.f32.msk $0xffff, v3  }
0x2c0: {  	p0 =	slt.u32 s5, $0x3F80;
	s9 =	sor.u32 s10, s11;
	s10 =	sand.u32 $0x380, s6;
	[tilespmem:s7+$0x0] =	vst.add.f32.msk $0xffff, v0  }
0x2c1: {  	s11 =	sor.u32 s10, s9;
	[tilespmem:s8+$0x0] =	vst.add.f32.msk $0xffff, v1  }
0x2c2: {  	s12 =	sor.u32 $0x18000, s11;
	s13 =	sor.u32 $0x18010, s11;
	s14 =	sor.u32 $0x18020, s11;
	v0 =	vld [tilespmem:s11+$0x4070]  }
0x2c3: {  	s10 =	sor.u32 $0x18030, s11;
	s9 =	sor.u32 $0x18040, s11;
	s7 =	sor.u32 $0x18050, s11;
	v4 =	vld [tilespmem:s11+$0x4000]  }
0x2c4: {  	s8 =	sor.u32 $0x18060, s11;
	v5 =	vld [tilespmem:s11+$0x4010]  }
0x2c5: {  	v6 =	vld [tilespmem:s11+$0x4020]  }
0x2c6: {  	s20 =	sor.u32 $0x18070, s11;
	v2 =	vld [tilespmem:s11+$0x4030]  }
0x2c7: {  	[tilespmem:s20+$0x0] =	vst.add.f32.msk $0xffff, v0  }
0x2c8: {  	v3 =	vld [tilespmem:s11+$0x4040]  }
.Ltmp14:
0x2c9: {  	v0 =	vld [tilespmem:s11+$0x4050];
	(pc) =	sbr.rel @p0 .LBB2_30-.Ltmp14, $4  }
0x2ca: {  	v1 =	vld [tilespmem:s11+$0x4060]  }
0x2cb: {  	[tilespmem:s12+$0x0] =	vst.add.f32.msk $0xffff, v4  }
0x2cc: {  	[tilespmem:s13+$0x0] =	vst.add.f32.msk $0xffff, v5  }
0x2cd: {  	[tilespmem:s14+$0x0] =	vst.add.f32.msk $0xffff, v6  }
0x2ce: {  	[tilespmem:s10+$0x0] =	vst.add.f32.msk $0xffff, v2  }
0x2cf: {  	[tilespmem:s9+$0x0] =	vst.add.f32.msk $0xffff, v3  }
0x2d0: {  	[tilespmem:s7+$0x0] =	vst.add.f32.msk $0xffff, v0  }
0x2d1: {  	[tilespmem:s8+$0x0] =	vst.add.f32.msk $0xffff, v1  }
0x2d2: {  	s5 =	sld [smem:$0x7D3];
	_ =	sdelay $0x1  }
0x2d3: {  	s4 =	simm.s32 $0x0  }
0x2d4: {  	[hbm4b:s5+s4] =	stream.linear.scatter [tilespmem:s22], [sflag:$0xC], $0x4000, $0x38;
	[tilespmem:$0x1C000] =	vst v63  }
0x2d5: {  	_ =	swait.ge [sflag:s0], $0x4000  }
0x2d6: {  	s11 =	sld [smem:$0x7DB]  }
0x2d7: {  	[sflag:s0] =	ssyncset.done $0x0  }
0x2d8: {  	s5 =	simm.s32 $0x0;
	[sflag:s0] =	ssyncadd.s32 $0xFFFFC000  }
0x2d9: {  	[tilespmem:s18], [sflag:$0x6] =	stream.linear.gather [hbm4b:s11+s4], $0x4000, $0x38;
	[tilespmem:$0x1C000] =	vst v63  }
0x2da: {  	s12 =	sand.u32 $0x1C00, s4;
	s6 =	sand.u32 $0x2000, s5;
	_ =	swait.ge [sflag:s21], $0x4000  }
0x2db: {  	s13 =	sand.u32 $0x380, s4;
	s6 =	sor.u32 s6, s12;
	[sflag:s21] =	ssyncset.done $0x0  }
0x2dc: {  	s6 =	sor.u32 s13, s6;
	[sflag:s21] =	ssyncadd.s32 $0xFFFFC000  }
0x2dd: {  	v0 =	vld [tilespmem:s6+$0x4070]  }
0x2de: {  	v4 =	vld [tilespmem:s6+$0x4000]  }
0x2df: {  	v5 =	vld [tilespmem:s6+$0x4010]  }
0x2e0: {  	v6 =	vld [tilespmem:s6+$0x4020]  }
0x2e1: {  	v2 =	vld [tilespmem:s6+$0x4030]  }
0x2e2: {  	v3 =	vld [tilespmem:s6+$0x4040]  }
0x2e3: {  	s7 =	sor.u32 $0x8070, s6;
	v1 =	vld [tilespmem:s6+$0x4060]  }
0x2e4: {  	[tilespmem:s7+$0x0] =	vst.add.f32.msk $0xffff, v0  }
0x2e5: {  	s14 =	sor.u32 $0x8000, s6;
	v0 =	vld [tilespmem:s6+$0x4050]  }
0x2e6: {  	s20 =	sor.u32 $0x8010, s6;
	[tilespmem:s14+$0x0] =	vst.add.f32.msk $0xffff, v4  }
0x2e7: {  	s10 =	sor.u32 $0x8030, s6;
	s9 =	sor.u32 $0x8040, s6;
	s11 =	sor.u32 $0x8020, s6;
	[tilespmem:s20+$0x0] =	vst.add.f32.msk $0xffff, v5  }
0x2e8: {  	s8 =	sor.u32 $0x8060, s6;
	s7 =	sor.u32 $0x8050, s6;
	[tilespmem:s11+$0x0] =	vst.add.f32.msk $0xffff, v6;
	s6 =	simm.s32 $0x0  }
.LBB2_32:
0x2e9: {  	s5 =	sadd.s32 $0x80, s5;
	[tilespmem:s10+$0x0] =	vst.add.f32.msk $0xffff, v2;
	s4 =	sadd.s32 $0x400, s4  }
0x2ea: {  	s6 =	sadd.s32 $0x10, s6;
	s10 =	sand.u32 $0x2000, s5;
	s11 =	sand.u32 $0x1C00, s4;
	[tilespmem:s9+$0x0] =	vst.add.f32.msk $0xffff, v3  }
0x2eb: {  	p0 =	slt.u32 s5, $0x3F80;
	s9 =	sor.u32 s10, s11;
	s10 =	sand.u32 $0x380, s6;
	[tilespmem:s7+$0x0] =	vst.add.f32.msk $0xffff, v0  }
0x2ec: {  	s11 =	sor.u32 s10, s9;
	[tilespmem:s8+$0x0] =	vst.add.f32.msk $0xffff, v1  }
0x2ed: {  	s12 =	sor.u32 $0x8000, s11;
	s13 =	sor.u32 $0x8010, s11;
	s14 =	sor.u32 $0x8020, s11;
	v0 =	vld [tilespmem:s11+$0x4070]  }
0x2ee: {  	s10 =	sor.u32 $0x8030, s11;
	s9 =	sor.u32 $0x8040, s11;
	s7 =	sor.u32 $0x8050, s11;
	v4 =	vld [tilespmem:s11+$0x4000]  }
0x2ef: {  	s8 =	sor.u32 $0x8060, s11;
	v5 =	vld [tilespmem:s11+$0x4010]  }
0x2f0: {  	v6 =	vld [tilespmem:s11+$0x4020]  }
0x2f1: {  	s20 =	sor.u32 $0x8070, s11;
	v2 =	vld [tilespmem:s11+$0x4030]  }
0x2f2: {  	[tilespmem:s20+$0x0] =	vst.add.f32.msk $0xffff, v0  }
0x2f3: {  	v3 =	vld [tilespmem:s11+$0x4040]  }
.Ltmp15:
0x2f4: {  	v0 =	vld [tilespmem:s11+$0x4050];
	(pc) =	sbr.rel @p0 .LBB2_32-.Ltmp15, $4  }
0x2f5: {  	v1 =	vld [tilespmem:s11+$0x4060]  }
0x2f6: {  	[tilespmem:s12+$0x0] =	vst.add.f32.msk $0xffff, v4  }
0x2f7: {  	[tilespmem:s13+$0x0] =	vst.add.f32.msk $0xffff, v5  }
0x2f8: {  	[tilespmem:s14+$0x0] =	vst.add.f32.msk $0xffff, v6  }
0x2f9: {  	[tilespmem:s10+$0x0] =	vst.add.f32.msk $0xffff, v2  }
0x2fa: {  	[tilespmem:s9+$0x0] =	vst.add.f32.msk $0xffff, v3  }
0x2fb: {  	[tilespmem:s7+$0x0] =	vst.add.f32.msk $0xffff, v0  }
0x2fc: {  	[tilespmem:s8+$0x0] =	vst.add.f32.msk $0xffff, v1  }
0x2fd: {  	s5 =	sld [smem:$0x7D5];
	_ =	sdelay $0x1  }
0x2fe: {  	s4 =	simm.s32 $0x0  }
0x2ff: {  	[hbm4b:s5+s4] =	stream.linear.scatter [tilespmem:s15], [sflag:$0x8], $0x4000, $0x38;
	[tilespmem:$0x1C000] =	vst v63  }
0x300: {  	_ =	swait.ge [sflag:s2], $0x4000  }
0x301: {  	s9 =	sld [smem:$0x7DD]  }
0x302: {  	[sflag:s2] =	ssyncset.done $0x0  }
0x303: {  	[sflag:s2] =	ssyncadd.s32 $0xFFFFC000  }
0x304: {  	[tilespmem:s22], [sflag:$0x7] =	stream.linear.gather [hbm4b:s9+s4], $0x4000, $0x38;
	[tilespmem:$0x1C000] =	vst v63  }
0x305: {  	_ =	swait.ge [sflag:s19], $0x4000  }
0x306: {  	s10 =	sld [smem:$0x7DF]  }
0x307: {  	[sflag:s19] =	ssyncset.done $0x0  }
0x308: {  	s6 =	simm.s32 $0x4000;
	s5 =	simm.s32 $0x0;
	[sflag:s19] =	ssyncadd.s32 $0xFFFFC000  }
0x309: {  	[tilespmem:s6], [sflag:$0x2] =	stream.linear.gather [hbm4b:s10+s4], $0x4000, $0x38;
	[tilespmem:$0x1C000] =	vst v63  }
0x30a: {  	s12 =	sand.u32 $0x1C00, s4;
	s11 =	sand.u32 $0x2000, s5;
	_ =	swait.ge [sflag:s23], $0x4000  }
0x30b: {  	s13 =	sand.u32 $0x380, s4;
	s6 =	sor.u32 s11, s12;
	[sflag:s23] =	ssyncset.done $0x0  }
0x30c: {  	s6 =	sor.u32 s13, s6;
	[sflag:s23] =	ssyncadd.s32 $0xFFFFC000  }
0x30d: {  	v0 =	vld [tilespmem:s6+$0x70]  }
0x30e: {  	v4 =	vld [tilespmem:s6+$0x0]  }
0x30f: {  	v5 =	vld [tilespmem:s6+$0x10]  }
0x310: {  	v6 =	vld [tilespmem:s6+$0x20]  }
0x311: {  	v2 =	vld [tilespmem:s6+$0x30]  }
0x312: {  	v3 =	vld [tilespmem:s6+$0x40]  }
0x313: {  	s7 =	sor.u32 $0xC070, s6;
	v1 =	vld [tilespmem:s6+$0x60]  }
0x314: {  	[tilespmem:s7+$0x0] =	vst.add.f32.msk $0xffff, v0  }
0x315: {  	s14 =	sor.u32 $0xC000, s6;
	v0 =	vld [tilespmem:s6+$0x50]  }
0x316: {  	s20 =	sor.u32 $0xC010, s6;
	[tilespmem:s14+$0x0] =	vst.add.f32.msk $0xffff, v4  }
0x317: {  	s11 =	sor.u32 $0xC020, s6;
	s10 =	sor.u32 $0xC030, s6;
	s9 =	sor.u32 $0xC040, s6;
	[tilespmem:s20+$0x0] =	vst.add.f32.msk $0xffff, v5  }
0x318: {  	s8 =	sor.u32 $0xC060, s6;
	s7 =	sor.u32 $0xC050, s6;
	[tilespmem:s11+$0x0] =	vst.add.f32.msk $0xffff, v6;
	s6 =	simm.s32 $0x0  }
.LBB2_34:
0x319: {  	s5 =	sadd.s32 $0x80, s5;
	[tilespmem:s10+$0x0] =	vst.add.f32.msk $0xffff, v2;
	s4 =	sadd.s32 $0x400, s4  }
0x31a: {  	s6 =	sadd.s32 $0x10, s6;
	s10 =	sand.u32 $0x2000, s5;
	s11 =	sand.u32 $0x1C00, s4;
	[tilespmem:s9+$0x0] =	vst.add.f32.msk $0xffff, v3  }
0x31b: {  	p0 =	slt.u32 s5, $0x3F80;
	s9 =	sor.u32 s10, s11;
	s10 =	sand.u32 $0x380, s6;
	[tilespmem:s7+$0x0] =	vst.add.f32.msk $0xffff, v0  }
0x31c: {  	s11 =	sor.u32 s10, s9;
	[tilespmem:s8+$0x0] =	vst.add.f32.msk $0xffff, v1  }
0x31d: {  	s12 =	sor.u32 $0xC000, s11;
	s13 =	sor.u32 $0xC010, s11;
	s14 =	sor.u32 $0xC020, s11;
	v0 =	vld [tilespmem:s11+$0x70]  }
0x31e: {  	s10 =	sor.u32 $0xC030, s11;
	s9 =	sor.u32 $0xC040, s11;
	s7 =	sor.u32 $0xC050, s11;
	v4 =	vld [tilespmem:s11+$0x0]  }
0x31f: {  	s8 =	sor.u32 $0xC060, s11;
	v5 =	vld [tilespmem:s11+$0x10]  }
0x320: {  	v6 =	vld [tilespmem:s11+$0x20]  }
0x321: {  	s20 =	sor.u32 $0xC070, s11;
	v2 =	vld [tilespmem:s11+$0x30]  }
0x322: {  	[tilespmem:s20+$0x0] =	vst.add.f32.msk $0xffff, v0  }
0x323: {  	v3 =	vld [tilespmem:s11+$0x40]  }
.Ltmp16:
0x324: {  	v0 =	vld [tilespmem:s11+$0x50];
	(pc) =	sbr.rel @p0 .LBB2_34-.Ltmp16, $4  }
0x325: {  	v1 =	vld [tilespmem:s11+$0x60]  }
0x326: {  	[tilespmem:s12+$0x0] =	vst.add.f32.msk $0xffff, v4  }
0x327: {  	[tilespmem:s13+$0x0] =	vst.add.f32.msk $0xffff, v5  }
0x328: {  	[tilespmem:s14+$0x0] =	vst.add.f32.msk $0xffff, v6  }
0x329: {  	[tilespmem:s10+$0x0] =	vst.add.f32.msk $0xffff, v2  }
0x32a: {  	[tilespmem:s9+$0x0] =	vst.add.f32.msk $0xffff, v3  }
0x32b: {  	[tilespmem:s7+$0x0] =	vst.add.f32.msk $0xffff, v0  }
0x32c: {  	[tilespmem:s8+$0x0] =	vst.add.f32.msk $0xffff, v1  }
0x32d: {  	s5 =	sld [smem:$0x7D8];
	_ =	sdelay $0x1  }
0x32e: {  	s4 =	simm.s32 $0x0  }
0x32f: {  	[hbm4b:s5+s4] =	stream.linear.scatter [tilespmem:s16], [sflag:$0x9], $0x4000, $0x38;
	[tilespmem:$0x1C000] =	vst v63  }
0x330: {  	_ =	swait.ge [sflag:s24], $0x4000  }
0x331: {  	s11 =	sld [smem:$0x7E0]  }
0x332: {  	[sflag:s24] =	ssyncset.done $0x0  }
0x333: {  	s5 =	simm.s32 $0x0;
	[sflag:s24] =	ssyncadd.s32 $0xFFFFC000  }
0x334: {  	[tilespmem:s15], [sflag:$0x3] =	stream.linear.gather [hbm4b:s11+s4], $0x4000, $0x38;
	[tilespmem:$0x1C000] =	vst v63  }
0x335: {  	s12 =	sand.u32 $0x1C00, s4;
	s6 =	sand.u32 $0x2000, s5;
	_ =	swait.ge [sflag:s25], $0x4000  }
0x336: {  	s13 =	sand.u32 $0x380, s4;
	s6 =	sor.u32 s6, s12;
	[sflag:s25] =	ssyncset.done $0x0  }
0x337: {  	s6 =	sor.u32 s13, s6;
	[sflag:s25] =	ssyncadd.s32 $0xFFFFC000  }
0x338: {  	v0 =	vld [tilespmem:s6+$0x70]  }
0x339: {  	v4 =	vld [tilespmem:s6+$0x0]  }
0x33a: {  	v5 =	vld [tilespmem:s6+$0x10]  }
0x33b: {  	v6 =	vld [tilespmem:s6+$0x20]  }
0x33c: {  	v2 =	vld [tilespmem:s6+$0x30]  }
0x33d: {  	v3 =	vld [tilespmem:s6+$0x40]  }
0x33e: {  	s7 =	sor.u32 $0x10070, s6;
	v1 =	vld [tilespmem:s6+$0x60]  }
0x33f: {  	[tilespmem:s7+$0x0] =	vst.add.f32.msk $0xffff, v0  }
0x340: {  	s14 =	sor.u32 $0x10000, s6;
	v0 =	vld [tilespmem:s6+$0x50]  }
0x341: {  	s20 =	sor.u32 $0x10010, s6;
	[tilespmem:s14+$0x0] =	vst.add.f32.msk $0xffff, v4  }
0x342: {  	s10 =	sor.u32 $0x10030, s6;
	s9 =	sor.u32 $0x10040, s6;
	s11 =	sor.u32 $0x10020, s6;
	[tilespmem:s20+$0x0] =	vst.add.f32.msk $0xffff, v5  }
0x343: {  	s8 =	sor.u32 $0x10060, s6;
	s7 =	sor.u32 $0x10050, s6;
	[tilespmem:s11+$0x0] =	vst.add.f32.msk $0xffff, v6;
	s6 =	simm.s32 $0x0  }
.LBB2_36:
0x344: {  	s5 =	sadd.s32 $0x80, s5;
	[tilespmem:s10+$0x0] =	vst.add.f32.msk $0xffff, v2;
	s4 =	sadd.s32 $0x400, s4  }
0x345: {  	s6 =	sadd.s32 $0x10, s6;
	s10 =	sand.u32 $0x2000, s5;
	s11 =	sand.u32 $0x1C00, s4;
	[tilespmem:s9+$0x0] =	vst.add.f32.msk $0xffff, v3  }
0x346: {  	p0 =	slt.u32 s5, $0x3F80;
	s9 =	sor.u32 s10, s11;
	s10 =	sand.u32 $0x380, s6;
	[tilespmem:s7+$0x0] =	vst.add.f32.msk $0xffff, v0  }
0x347: {  	s11 =	sor.u32 s10, s9;
	[tilespmem:s8+$0x0] =	vst.add.f32.msk $0xffff, v1  }
0x348: {  	s12 =	sor.u32 $0x10000, s11;
	s13 =	sor.u32 $0x10010, s11;
	s14 =	sor.u32 $0x10020, s11;
	v0 =	vld [tilespmem:s11+$0x70]  }
0x349: {  	s10 =	sor.u32 $0x10030, s11;
	s9 =	sor.u32 $0x10040, s11;
	s7 =	sor.u32 $0x10050, s11;
	v4 =	vld [tilespmem:s11+$0x0]  }
0x34a: {  	s8 =	sor.u32 $0x10060, s11;
	v5 =	vld [tilespmem:s11+$0x10]  }
0x34b: {  	v6 =	vld [tilespmem:s11+$0x20]  }
0x34c: {  	s20 =	sor.u32 $0x10070, s11;
	v2 =	vld [tilespmem:s11+$0x30]  }
0x34d: {  	[tilespmem:s20+$0x0] =	vst.add.f32.msk $0xffff, v0  }
0x34e: {  	v3 =	vld [tilespmem:s11+$0x40]  }
.Ltmp17:
0x34f: {  	v0 =	vld [tilespmem:s11+$0x50];
	(pc) =	sbr.rel @p0 .LBB2_36-.Ltmp17, $4  }
0x350: {  	v1 =	vld [tilespmem:s11+$0x60]  }
0x351: {  	[tilespmem:s12+$0x0] =	vst.add.f32.msk $0xffff, v4  }
0x352: {  	[tilespmem:s13+$0x0] =	vst.add.f32.msk $0xffff, v5  }
0x353: {  	[tilespmem:s14+$0x0] =	vst.add.f32.msk $0xffff, v6  }
0x354: {  	[tilespmem:s10+$0x0] =	vst.add.f32.msk $0xffff, v2  }
0x355: {  	[tilespmem:s9+$0x0] =	vst.add.f32.msk $0xffff, v3  }
0x356: {  	[tilespmem:s7+$0x0] =	vst.add.f32.msk $0xffff, v0  }
0x357: {  	[tilespmem:s8+$0x0] =	vst.add.f32.msk $0xffff, v1  }
0x358: {  	s5 =	sld [smem:$0x7DA];
	_ =	sdelay $0x1  }
0x359: {  	s4 =	simm.s32 $0x0  }
0x35a: {  	[hbm4b:s5+s4] =	stream.linear.scatter [tilespmem:s17], [sflag:$0xA], $0x4000, $0x38;
	[tilespmem:$0x1C000] =	vst v63  }
0x35b: {  	_ =	swait.ge [sflag:s26], $0x4000  }
0x35c: {  	s11 =	sld [smem:$0x7E2]  }
0x35d: {  	[sflag:s26] =	ssyncset.done $0x0  }
0x35e: {  	s5 =	simm.s32 $0x0;
	[sflag:s26] =	ssyncadd.s32 $0xFFFFC000  }
0x35f: {  	[tilespmem:s16], [sflag:$0x4] =	stream.linear.gather [hbm4b:s11+s4], $0x4000, $0x38;
	[tilespmem:$0x1C000] =	vst v63  }
0x360: {  	s12 =	sand.u32 $0x1C00, s4;
	s6 =	sand.u32 $0x2000, s5;
	_ =	swait.ge [sflag:s28], $0x4000  }
0x361: {  	s13 =	sand.u32 $0x380, s4;
	s6 =	sor.u32 s6, s12;
	[sflag:s28] =	ssyncset.done $0x0  }
0x362: {  	s6 =	sor.u32 s13, s6;
	[sflag:s28] =	ssyncadd.s32 $0xFFFFC000  }
0x363: {  	v0 =	vld [tilespmem:s6+$0x70]  }
0x364: {  	v4 =	vld [tilespmem:s6+$0x0]  }
0x365: {  	v5 =	vld [tilespmem:s6+$0x10]  }
0x366: {  	v6 =	vld [tilespmem:s6+$0x20]  }
0x367: {  	v2 =	vld [tilespmem:s6+$0x30]  }
0x368: {  	v3 =	vld [tilespmem:s6+$0x40]  }
0x369: {  	s7 =	sor.u32 $0x14070, s6;
	v1 =	vld [tilespmem:s6+$0x60]  }
0x36a: {  	[tilespmem:s7+$0x0] =	vst.add.f32.msk $0xffff, v0  }
0x36b: {  	s14 =	sor.u32 $0x14000, s6;
	v0 =	vld [tilespmem:s6+$0x50]  }
0x36c: {  	s20 =	sor.u32 $0x14010, s6;
	[tilespmem:s14+$0x0] =	vst.add.f32.msk $0xffff, v4  }
0x36d: {  	s10 =	sor.u32 $0x14030, s6;
	s9 =	sor.u32 $0x14040, s6;
	s11 =	sor.u32 $0x14020, s6;
	[tilespmem:s20+$0x0] =	vst.add.f32.msk $0xffff, v5  }
0x36e: {  	s8 =	sor.u32 $0x14060, s6;
	s7 =	sor.u32 $0x14050, s6;
	[tilespmem:s11+$0x0] =	vst.add.f32.msk $0xffff, v6;
	s6 =	simm.s32 $0x0  }
.LBB2_38:
0x36f: {  	s5 =	sadd.s32 $0x80, s5;
	[tilespmem:s10+$0x0] =	vst.add.f32.msk $0xffff, v2;
	s4 =	sadd.s32 $0x400, s4  }
0x370: {  	s6 =	sadd.s32 $0x10, s6;
	s10 =	sand.u32 $0x2000, s5;
	s11 =	sand.u32 $0x1C00, s4;
	[tilespmem:s9+$0x0] =	vst.add.f32.msk $0xffff, v3  }
0x371: {  	p0 =	slt.u32 s5, $0x3F80;
	s9 =	sor.u32 s10, s11;
	s10 =	sand.u32 $0x380, s6;
	[tilespmem:s7+$0x0] =	vst.add.f32.msk $0xffff, v0  }
0x372: {  	s11 =	sor.u32 s10, s9;
	[tilespmem:s8+$0x0] =	vst.add.f32.msk $0xffff, v1  }
0x373: {  	s12 =	sor.u32 $0x14000, s11;
	s13 =	sor.u32 $0x14010, s11;
	s14 =	sor.u32 $0x14020, s11;
	v0 =	vld [tilespmem:s11+$0x70]  }
0x374: {  	s10 =	sor.u32 $0x14030, s11;
	s9 =	sor.u32 $0x14040, s11;
	s7 =	sor.u32 $0x14050, s11;
	v4 =	vld [tilespmem:s11+$0x0]  }
0x375: {  	s8 =	sor.u32 $0x14060, s11;
	v5 =	vld [tilespmem:s11+$0x10]  }
0x376: {  	v6 =	vld [tilespmem:s11+$0x20]  }
0x377: {  	s20 =	sor.u32 $0x14070, s11;
	v2 =	vld [tilespmem:s11+$0x30]  }
0x378: {  	[tilespmem:s20+$0x0] =	vst.add.f32.msk $0xffff, v0  }
0x379: {  	v3 =	vld [tilespmem:s11+$0x40]  }
.Ltmp18:
0x37a: {  	v0 =	vld [tilespmem:s11+$0x50];
	(pc) =	sbr.rel @p0 .LBB2_38-.Ltmp18, $4  }
0x37b: {  	v1 =	vld [tilespmem:s11+$0x60]  }
0x37c: {  	[tilespmem:s12+$0x0] =	vst.add.f32.msk $0xffff, v4  }
0x37d: {  	[tilespmem:s13+$0x0] =	vst.add.f32.msk $0xffff, v5  }
0x37e: {  	[tilespmem:s14+$0x0] =	vst.add.f32.msk $0xffff, v6  }
0x37f: {  	[tilespmem:s10+$0x0] =	vst.add.f32.msk $0xffff, v2  }
0x380: {  	[tilespmem:s9+$0x0] =	vst.add.f32.msk $0xffff, v3  }
0x381: {  	[tilespmem:s7+$0x0] =	vst.add.f32.msk $0xffff, v0  }
0x382: {  	[tilespmem:s8+$0x0] =	vst.add.f32.msk $0xffff, v1  }
0x383: {  	s5 =	sld [smem:$0x7DC];
	_ =	sdelay $0x1  }
0x384: {  	s4 =	simm.s32 $0x0  }
0x385: {  	[hbm4b:s5+s4] =	stream.linear.scatter [tilespmem:s18], [sflag:$0xB], $0x4000, $0x38;
	[tilespmem:$0x1C000] =	vst v63  }
0x386: {  	_ =	swait.ge [sflag:s29], $0x4000  }
0x387: {  	s11 =	sld [smem:$0x7E4]  }
0x388: {  	[sflag:s29] =	ssyncset.done $0x0  }
0x389: {  	s5 =	simm.s32 $0x0;
	[sflag:s29] =	ssyncadd.s32 $0xFFFFC000  }
0x38a: {  	[tilespmem:s17], [sflag:$0x5] =	stream.linear.gather [hbm4b:s11+s4], $0x4000, $0x38;
	[tilespmem:$0x1C000] =	vst v63  }
0x38b: {  	s12 =	sand.u32 $0x1C00, s4;
	s6 =	sand.u32 $0x2000, s5;
	_ =	swait.ge [sflag:s31], $0x4000  }
0x38c: {  	s13 =	sand.u32 $0x380, s4;
	s6 =	sor.u32 s6, s12;
	[sflag:s31] =	ssyncset.done $0x0  }
0x38d: {  	s6 =	sor.u32 s13, s6;
	[sflag:s31] =	ssyncadd.s32 $0xFFFFC000  }
0x38e: {  	v0 =	vld [tilespmem:s6+$0x70]  }
0x38f: {  	v4 =	vld [tilespmem:s6+$0x0]  }
0x390: {  	v5 =	vld [tilespmem:s6+$0x10]  }
0x391: {  	v6 =	vld [tilespmem:s6+$0x20]  }
0x392: {  	v2 =	vld [tilespmem:s6+$0x30]  }
0x393: {  	v3 =	vld [tilespmem:s6+$0x40]  }
0x394: {  	s7 =	sor.u32 $0x18070, s6;
	v1 =	vld [tilespmem:s6+$0x60]  }
0x395: {  	[tilespmem:s7+$0x0] =	vst.add.f32.msk $0xffff, v0  }
0x396: {  	s14 =	sor.u32 $0x18000, s6;
	v0 =	vld [tilespmem:s6+$0x50]  }
0x397: {  	s20 =	sor.u32 $0x18010, s6;
	[tilespmem:s14+$0x0] =	vst.add.f32.msk $0xffff, v4  }
0x398: {  	s10 =	sor.u32 $0x18030, s6;
	s9 =	sor.u32 $0x18040, s6;
	s11 =	sor.u32 $0x18020, s6;
	[tilespmem:s20+$0x0] =	vst.add.f32.msk $0xffff, v5  }
0x399: {  	s8 =	sor.u32 $0x18060, s6;
	s7 =	sor.u32 $0x18050, s6;
	[tilespmem:s11+$0x0] =	vst.add.f32.msk $0xffff, v6;
	s6 =	simm.s32 $0x0  }
.LBB2_40:
0x39a: {  	s5 =	sadd.s32 $0x80, s5;
	[tilespmem:s10+$0x0] =	vst.add.f32.msk $0xffff, v2;
	s4 =	sadd.s32 $0x400, s4  }
0x39b: {  	s6 =	sadd.s32 $0x10, s6;
	s10 =	sand.u32 $0x2000, s5;
	s11 =	sand.u32 $0x1C00, s4;
	[tilespmem:s9+$0x0] =	vst.add.f32.msk $0xffff, v3  }
0x39c: {  	p0 =	slt.u32 s5, $0x3F80;
	s9 =	sor.u32 s10, s11;
	s10 =	sand.u32 $0x380, s6;
	[tilespmem:s7+$0x0] =	vst.add.f32.msk $0xffff, v0  }
0x39d: {  	s11 =	sor.u32 s10, s9;
	[tilespmem:s8+$0x0] =	vst.add.f32.msk $0xffff, v1  }
0x39e: {  	s12 =	sor.u32 $0x18000, s11;
	s13 =	sor.u32 $0x18010, s11;
	s14 =	sor.u32 $0x18020, s11;
	v0 =	vld [tilespmem:s11+$0x70]  }
0x39f: {  	s10 =	sor.u32 $0x18030, s11;
	s9 =	sor.u32 $0x18040, s11;
	s7 =	sor.u32 $0x18050, s11;
	v4 =	vld [tilespmem:s11+$0x0]  }
0x3a0: {  	s8 =	sor.u32 $0x18060, s11;
	v5 =	vld [tilespmem:s11+$0x10]  }
0x3a1: {  	v6 =	vld [tilespmem:s11+$0x20]  }
0x3a2: {  	s20 =	sor.u32 $0x18070, s11;
	v2 =	vld [tilespmem:s11+$0x30]  }
0x3a3: {  	[tilespmem:s20+$0x0] =	vst.add.f32.msk $0xffff, v0  }
0x3a4: {  	v3 =	vld [tilespmem:s11+$0x40]  }
.Ltmp19:
0x3a5: {  	v0 =	vld [tilespmem:s11+$0x50];
	(pc) =	sbr.rel @p0 .LBB2_40-.Ltmp19, $4  }
0x3a6: {  	v1 =	vld [tilespmem:s11+$0x60]  }
0x3a7: {  	[tilespmem:s12+$0x0] =	vst.add.f32.msk $0xffff, v4  }
0x3a8: {  	[tilespmem:s13+$0x0] =	vst.add.f32.msk $0xffff, v5  }
0x3a9: {  	[tilespmem:s14+$0x0] =	vst.add.f32.msk $0xffff, v6  }
0x3aa: {  	[tilespmem:s10+$0x0] =	vst.add.f32.msk $0xffff, v2  }
0x3ab: {  	[tilespmem:s9+$0x0] =	vst.add.f32.msk $0xffff, v3  }
0x3ac: {  	[tilespmem:s7+$0x0] =	vst.add.f32.msk $0xffff, v0  }
0x3ad: {  	[tilespmem:s8+$0x0] =	vst.add.f32.msk $0xffff, v1  }
0x3ae: {  	s5 =	sld [smem:$0x7DE];
	_ =	sdelay $0x1  }
0x3af: {  	s4 =	simm.s32 $0x0  }
0x3b0: {  	[hbm4b:s5+s4] =	stream.linear.scatter [tilespmem:s22], [sflag:$0xC], $0x4000, $0x38;
	[tilespmem:$0x1C000] =	vst v63  }
0x3b1: {  	_ =	swait.ge [sflag:s0], $0x4000  }
0x3b2: {  	s10 =	sld [smem:$0x7E6]  }
0x3b3: {  	[sflag:s0] =	ssyncset.done $0x0  }
0x3b4: {  	[sflag:s0] =	ssyncadd.s32 $0xFFFFC000  }
0x3b5: {  	[tilespmem:s18], [sflag:$0x6] =	stream.linear.gather [hbm4b:s10+s4], $0x4000, $0x38;
	[tilespmem:$0x1C000] =	vst v63  }
0x3b6: {  	_ =	swait.ge [sflag:s30], $0x4000  }
0x3b7: {  	s11 =	sld [smem:$0x7E9]  }
0x3b8: {  	[sflag:s30] =	ssyncset.done $0x0  }
0x3b9: {  	s5 =	simm.s32 $0x0;
	[sflag:s30] =	ssyncadd.s32 $0xFFFFC000  }
0x3ba: {  	[tilespmem:s4], [sflag:$0x1] =	stream.linear.gather [hbm4b:s11+s4], $0x4000, $0x38;
	[tilespmem:$0x1C000] =	vst v63  }
0x3bb: {  	s12 =	sand.u32 $0x1C00, s4;
	s6 =	sand.u32 $0x2000, s5;
	_ =	swait.ge [sflag:s21], $0x4000  }
0x3bc: {  	s13 =	sand.u32 $0x380, s4;
	s6 =	sor.u32 s6, s12;
	[sflag:s21] =	ssyncset.done $0x0  }
0x3bd: {  	s6 =	sor.u32 s13, s6;
	[sflag:s21] =	ssyncadd.s32 $0xFFFFC000  }
0x3be: {  	v0 =	vld [tilespmem:s6+$0x4070]  }
0x3bf: {  	v4 =	vld [tilespmem:s6+$0x4000]  }
0x3c0: {  	v5 =	vld [tilespmem:s6+$0x4010]  }
0x3c1: {  	v6 =	vld [tilespmem:s6+$0x4020]  }
0x3c2: {  	v2 =	vld [tilespmem:s6+$0x4030]  }
0x3c3: {  	v3 =	vld [tilespmem:s6+$0x4040]  }
0x3c4: {  	s7 =	sor.u32 $0x8070, s6;
	v1 =	vld [tilespmem:s6+$0x4060]  }
0x3c5: {  	[tilespmem:s7+$0x0] =	vst.add.f32.msk $0xffff, v0  }
0x3c6: {  	s14 =	sor.u32 $0x8000, s6;
	v0 =	vld [tilespmem:s6+$0x4050]  }
0x3c7: {  	s20 =	sor.u32 $0x8010, s6;
	[tilespmem:s14+$0x0] =	vst.add.f32.msk $0xffff, v4  }
0x3c8: {  	s9 =	sor.u32 $0x8040, s6;
	s8 =	sor.u32 $0x8060, s6;
	s11 =	sor.u32 $0x8020, s6;
	[tilespmem:s20+$0x0] =	vst.add.f32.msk $0xffff, v5  }
0x3c9: {  	s10 =	sor.u32 $0x8030, s6;
	s7 =	sor.u32 $0x8050, s6;
	[tilespmem:s11+$0x0] =	vst.add.f32.msk $0xffff, v6;
	s6 =	simm.s32 $0x0  }
.LBB2_42:
0x3ca: {  	s5 =	sadd.s32 $0x80, s5;
	[tilespmem:s10+$0x0] =	vst.add.f32.msk $0xffff, v2;
	s4 =	sadd.s32 $0x400, s4  }
0x3cb: {  	s6 =	sadd.s32 $0x10, s6;
	s10 =	sand.u32 $0x2000, s5;
	s11 =	sand.u32 $0x1C00, s4;
	[tilespmem:s9+$0x0] =	vst.add.f32.msk $0xffff, v3  }
0x3cc: {  	p0 =	slt.u32 s5, $0x3F80;
	s9 =	sor.u32 s10, s11;
	s10 =	sand.u32 $0x380, s6;
	[tilespmem:s7+$0x0] =	vst.add.f32.msk $0xffff, v0  }
0x3cd: {  	s11 =	sor.u32 s10, s9;
	[tilespmem:s8+$0x0] =	vst.add.f32.msk $0xffff, v1  }
0x3ce: {  	s12 =	sor.u32 $0x8000, s11;
	s13 =	sor.u32 $0x8010, s11;
	s14 =	sor.u32 $0x8020, s11;
	v0 =	vld [tilespmem:s11+$0x4070]  }
0x3cf: {  	s10 =	sor.u32 $0x8030, s11;
	s9 =	sor.u32 $0x8040, s11;
	s7 =	sor.u32 $0x8050, s11;
	v4 =	vld [tilespmem:s11+$0x4000]  }
0x3d0: {  	s8 =	sor.u32 $0x8060, s11;
	v5 =	vld [tilespmem:s11+$0x4010]  }
0x3d1: {  	v6 =	vld [tilespmem:s11+$0x4020]  }
0x3d2: {  	s20 =	sor.u32 $0x8070, s11;
	v2 =	vld [tilespmem:s11+$0x4030]  }
0x3d3: {  	[tilespmem:s20+$0x0] =	vst.add.f32.msk $0xffff, v0  }
0x3d4: {  	v3 =	vld [tilespmem:s11+$0x4040]  }
.Ltmp20:
0x3d5: {  	v0 =	vld [tilespmem:s11+$0x4050];
	(pc) =	sbr.rel @p0 .LBB2_42-.Ltmp20, $4  }
0x3d6: {  	v1 =	vld [tilespmem:s11+$0x4060]  }
0x3d7: {  	[tilespmem:s12+$0x0] =	vst.add.f32.msk $0xffff, v4  }
0x3d8: {  	[tilespmem:s13+$0x0] =	vst.add.f32.msk $0xffff, v5  }
0x3d9: {  	[tilespmem:s14+$0x0] =	vst.add.f32.msk $0xffff, v6  }
0x3da: {  	[tilespmem:s10+$0x0] =	vst.add.f32.msk $0xffff, v2  }
0x3db: {  	[tilespmem:s9+$0x0] =	vst.add.f32.msk $0xffff, v3  }
0x3dc: {  	[tilespmem:s7+$0x0] =	vst.add.f32.msk $0xffff, v0  }
0x3dd: {  	[tilespmem:s8+$0x0] =	vst.add.f32.msk $0xffff, v1  }
0x3de: {  	s5 =	sld [smem:$0x7E1];
	_ =	sdelay $0x1  }
0x3df: {  	s4 =	simm.s32 $0x0  }
0x3e0: {  	[hbm4b:s5+s4] =	stream.linear.scatter [tilespmem:s15], [sflag:$0x8], $0x4000, $0x38;
	[tilespmem:$0x1C000] =	vst v63  }
0x3e1: {  	_ =	swait.ge [sflag:s2], $0x4000  }
0x3e2: {  	s11 =	sld [smem:$0x7EB]  }
0x3e3: {  	[sflag:s2] =	ssyncset.done $0x0  }
0x3e4: {  	s5 =	simm.s32 $0x0;
	[sflag:s2] =	ssyncadd.s32 $0xFFFFC000  }
0x3e5: {  	[tilespmem:s22], [sflag:$0x7] =	stream.linear.gather [hbm4b:s11+s4], $0x4000, $0x38;
	[tilespmem:$0x1C000] =	vst v63  }
0x3e6: {  	s12 =	sand.u32 $0x1C00, s4;
	s6 =	sand.u32 $0x2000, s5;
	_ =	swait.ge [sflag:s23], $0x4000  }
0x3e7: {  	s13 =	sand.u32 $0x380, s4;
	s6 =	sor.u32 s6, s12;
	[sflag:s23] =	ssyncset.done $0x0  }
0x3e8: {  	s6 =	sor.u32 s13, s6;
	[sflag:s23] =	ssyncadd.s32 $0xFFFFC000  }
0x3e9: {  	v0 =	vld [tilespmem:s6+$0x4070]  }
0x3ea: {  	v4 =	vld [tilespmem:s6+$0x4000]  }
0x3eb: {  	v5 =	vld [tilespmem:s6+$0x4010]  }
0x3ec: {  	v6 =	vld [tilespmem:s6+$0x4020]  }
0x3ed: {  	v2 =	vld [tilespmem:s6+$0x4030]  }
0x3ee: {  	v3 =	vld [tilespmem:s6+$0x4040]  }
0x3ef: {  	s7 =	sor.u32 $0xC070, s6;
	v1 =	vld [tilespmem:s6+$0x4060]  }
0x3f0: {  	[tilespmem:s7+$0x0] =	vst.add.f32.msk $0xffff, v0  }
0x3f1: {  	s14 =	sor.u32 $0xC000, s6;
	v0 =	vld [tilespmem:s6+$0x4050]  }
0x3f2: {  	s20 =	sor.u32 $0xC010, s6;
	[tilespmem:s14+$0x0] =	vst.add.f32.msk $0xffff, v4  }
0x3f3: {  	s10 =	sor.u32 $0xC030, s6;
	s9 =	sor.u32 $0xC040, s6;
	s11 =	sor.u32 $0xC020, s6;
	[tilespmem:s20+$0x0] =	vst.add.f32.msk $0xffff, v5  }
0x3f4: {  	s8 =	sor.u32 $0xC060, s6;
	s7 =	sor.u32 $0xC050, s6;
	[tilespmem:s11+$0x0] =	vst.add.f32.msk $0xffff, v6;
	s6 =	simm.s32 $0x0  }
.LBB2_44:
0x3f5: {  	s5 =	sadd.s32 $0x80, s5;
	[tilespmem:s10+$0x0] =	vst.add.f32.msk $0xffff, v2;
	s4 =	sadd.s32 $0x400, s4  }
0x3f6: {  	s6 =	sadd.s32 $0x10, s6;
	s10 =	sand.u32 $0x2000, s5;
	s11 =	sand.u32 $0x1C00, s4;
	[tilespmem:s9+$0x0] =	vst.add.f32.msk $0xffff, v3  }
0x3f7: {  	p0 =	slt.u32 s5, $0x3F80;
	s9 =	sor.u32 s10, s11;
	s10 =	sand.u32 $0x380, s6;
	[tilespmem:s7+$0x0] =	vst.add.f32.msk $0xffff, v0  }
0x3f8: {  	s11 =	sor.u32 s10, s9;
	[tilespmem:s8+$0x0] =	vst.add.f32.msk $0xffff, v1  }
0x3f9: {  	s12 =	sor.u32 $0xC000, s11;
	s13 =	sor.u32 $0xC010, s11;
	s14 =	sor.u32 $0xC020, s11;
	v0 =	vld [tilespmem:s11+$0x4070]  }
0x3fa: {  	s10 =	sor.u32 $0xC030, s11;
	s9 =	sor.u32 $0xC040, s11;
	s7 =	sor.u32 $0xC050, s11;
	v4 =	vld [tilespmem:s11+$0x4000]  }
0x3fb: {  	s8 =	sor.u32 $0xC060, s11;
	v5 =	vld [tilespmem:s11+$0x4010]  }
0x3fc: {  	v6 =	vld [tilespmem:s11+$0x4020]  }
0x3fd: {  	s20 =	sor.u32 $0xC070, s11;
	v2 =	vld [tilespmem:s11+$0x4030]  }
0x3fe: {  	[tilespmem:s20+$0x0] =	vst.add.f32.msk $0xffff, v0  }
0x3ff: {  	v3 =	vld [tilespmem:s11+$0x4040]  }
.Ltmp21:
0x400: {  	v0 =	vld [tilespmem:s11+$0x4050];
	(pc) =	sbr.rel @p0 .LBB2_44-.Ltmp21, $4  }
0x401: {  	v1 =	vld [tilespmem:s11+$0x4060]  }
0x402: {  	[tilespmem:s12+$0x0] =	vst.add.f32.msk $0xffff, v4  }
0x403: {  	[tilespmem:s13+$0x0] =	vst.add.f32.msk $0xffff, v5  }
0x404: {  	[tilespmem:s14+$0x0] =	vst.add.f32.msk $0xffff, v6  }
0x405: {  	[tilespmem:s10+$0x0] =	vst.add.f32.msk $0xffff, v2  }
0x406: {  	[tilespmem:s9+$0x0] =	vst.add.f32.msk $0xffff, v3  }
0x407: {  	[tilespmem:s7+$0x0] =	vst.add.f32.msk $0xffff, v0  }
0x408: {  	[tilespmem:s8+$0x0] =	vst.add.f32.msk $0xffff, v1  }
0x409: {  	s5 =	sld [smem:$0x7E3];
	_ =	sdelay $0x1  }
0x40a: {  	s4 =	simm.s32 $0x0  }
0x40b: {  	[hbm4b:s5+s4] =	stream.linear.scatter [tilespmem:s16], [sflag:$0x9], $0x4000, $0x38;
	[tilespmem:$0x1C000] =	vst v63  }
0x40c: {  	_ =	swait.ge [sflag:s24], $0x4000  }
0x40d: {  	s11 =	sld [smem:$0x7ED]  }
0x40e: {  	[sflag:s24] =	ssyncset.done $0x0  }
0x40f: {  	s5 =	simm.s32 $0x0;
	[sflag:s24] =	ssyncadd.s32 $0xFFFFC000  }
0x410: {  	[tilespmem:s15], [sflag:$0x3] =	stream.linear.gather [hbm4b:s11+s4], $0x4000, $0x38;
	[tilespmem:$0x1C000] =	vst v63  }
0x411: {  	s12 =	sand.u32 $0x1C00, s4;
	s6 =	sand.u32 $0x2000, s5;
	_ =	swait.ge [sflag:s25], $0x4000  }
0x412: {  	s13 =	sand.u32 $0x380, s4;
	s6 =	sor.u32 s6, s12;
	[sflag:s25] =	ssyncset.done $0x0  }
0x413: {  	s6 =	sor.u32 s13, s6;
	[sflag:s25] =	ssyncadd.s32 $0xFFFFC000  }
0x414: {  	v0 =	vld [tilespmem:s6+$0x4070]  }
0x415: {  	v4 =	vld [tilespmem:s6+$0x4000]  }
0x416: {  	v5 =	vld [tilespmem:s6+$0x4010]  }
0x417: {  	v6 =	vld [tilespmem:s6+$0x4020]  }
0x418: {  	v2 =	vld [tilespmem:s6+$0x4030]  }
0x419: {  	v3 =	vld [tilespmem:s6+$0x4040]  }
0x41a: {  	s7 =	sor.u32 $0x10070, s6;
	v1 =	vld [tilespmem:s6+$0x4060]  }
0x41b: {  	[tilespmem:s7+$0x0] =	vst.add.f32.msk $0xffff, v0  }
0x41c: {  	s14 =	sor.u32 $0x10000, s6;
	v0 =	vld [tilespmem:s6+$0x4050]  }
0x41d: {  	s20 =	sor.u32 $0x10010, s6;
	[tilespmem:s14+$0x0] =	vst.add.f32.msk $0xffff, v4  }
0x41e: {  	s10 =	sor.u32 $0x10030, s6;
	s9 =	sor.u32 $0x10040, s6;
	s11 =	sor.u32 $0x10020, s6;
	[tilespmem:s20+$0x0] =	vst.add.f32.msk $0xffff, v5  }
0x41f: {  	s8 =	sor.u32 $0x10060, s6;
	s7 =	sor.u32 $0x10050, s6;
	[tilespmem:s11+$0x0] =	vst.add.f32.msk $0xffff, v6;
	s6 =	simm.s32 $0x0  }
.LBB2_46:
0x420: {  	s5 =	sadd.s32 $0x80, s5;
	[tilespmem:s10+$0x0] =	vst.add.f32.msk $0xffff, v2;
	s4 =	sadd.s32 $0x400, s4  }
0x421: {  	s6 =	sadd.s32 $0x10, s6;
	s10 =	sand.u32 $0x2000, s5;
	s11 =	sand.u32 $0x1C00, s4;
	[tilespmem:s9+$0x0] =	vst.add.f32.msk $0xffff, v3  }
0x422: {  	p0 =	slt.u32 s5, $0x3F80;
	s9 =	sor.u32 s10, s11;
	s10 =	sand.u32 $0x380, s6;
	[tilespmem:s7+$0x0] =	vst.add.f32.msk $0xffff, v0  }
0x423: {  	s11 =	sor.u32 s10, s9;
	[tilespmem:s8+$0x0] =	vst.add.f32.msk $0xffff, v1  }
0x424: {  	s12 =	sor.u32 $0x10000, s11;
	s13 =	sor.u32 $0x10010, s11;
	s14 =	sor.u32 $0x10020, s11;
	v0 =	vld [tilespmem:s11+$0x4070]  }
0x425: {  	s10 =	sor.u32 $0x10030, s11;
	s9 =	sor.u32 $0x10040, s11;
	s7 =	sor.u32 $0x10050, s11;
	v4 =	vld [tilespmem:s11+$0x4000]  }
0x426: {  	s8 =	sor.u32 $0x10060, s11;
	v5 =	vld [tilespmem:s11+$0x4010]  }
0x427: {  	v6 =	vld [tilespmem:s11+$0x4020]  }
0x428: {  	s20 =	sor.u32 $0x10070, s11;
	v2 =	vld [tilespmem:s11+$0x4030]  }
0x429: {  	[tilespmem:s20+$0x0] =	vst.add.f32.msk $0xffff, v0  }
0x42a: {  	v3 =	vld [tilespmem:s11+$0x4040]  }
.Ltmp22:
0x42b: {  	v0 =	vld [tilespmem:s11+$0x4050];
	(pc) =	sbr.rel @p0 .LBB2_46-.Ltmp22, $4  }
0x42c: {  	v1 =	vld [tilespmem:s11+$0x4060]  }
0x42d: {  	[tilespmem:s12+$0x0] =	vst.add.f32.msk $0xffff, v4  }
0x42e: {  	[tilespmem:s13+$0x0] =	vst.add.f32.msk $0xffff, v5  }
0x42f: {  	[tilespmem:s14+$0x0] =	vst.add.f32.msk $0xffff, v6  }
0x430: {  	[tilespmem:s10+$0x0] =	vst.add.f32.msk $0xffff, v2  }
0x431: {  	[tilespmem:s9+$0x0] =	vst.add.f32.msk $0xffff, v3  }
0x432: {  	[tilespmem:s7+$0x0] =	vst.add.f32.msk $0xffff, v0  }
0x433: {  	[tilespmem:s8+$0x0] =	vst.add.f32.msk $0xffff, v1  }
0x434: {  	s5 =	sld [smem:$0x7E5];
	_ =	sdelay $0x1  }
0x435: {  	s4 =	simm.s32 $0x0  }
0x436: {  	[hbm4b:s5+s4] =	stream.linear.scatter [tilespmem:s17], [sflag:$0xA], $0x4000, $0x38;
	[tilespmem:$0x1C000] =	vst v63  }
0x437: {  	_ =	swait.ge [sflag:s26], $0x4000  }
0x438: {  	s11 =	sld [smem:$0x7EF]  }
0x439: {  	[sflag:s26] =	ssyncset.done $0x0  }
0x43a: {  	s5 =	simm.s32 $0x0;
	[sflag:s26] =	ssyncadd.s32 $0xFFFFC000  }
0x43b: {  	[tilespmem:s16], [sflag:$0x4] =	stream.linear.gather [hbm4b:s11+s4], $0x4000, $0x38;
	[tilespmem:$0x1C000] =	vst v63  }
0x43c: {  	s12 =	sand.u32 $0x1C00, s4;
	s6 =	sand.u32 $0x2000, s5;
	_ =	swait.ge [sflag:s28], $0x4000  }
0x43d: {  	s13 =	sand.u32 $0x380, s4;
	s6 =	sor.u32 s6, s12;
	[sflag:s28] =	ssyncset.done $0x0  }
0x43e: {  	s6 =	sor.u32 s13, s6;
	[sflag:s28] =	ssyncadd.s32 $0xFFFFC000  }
0x43f: {  	v0 =	vld [tilespmem:s6+$0x4070]  }
0x440: {  	v4 =	vld [tilespmem:s6+$0x4000]  }
0x441: {  	v5 =	vld [tilespmem:s6+$0x4010]  }
0x442: {  	v6 =	vld [tilespmem:s6+$0x4020]  }
0x443: {  	v2 =	vld [tilespmem:s6+$0x4030]  }
0x444: {  	v3 =	vld [tilespmem:s6+$0x4040]  }
0x445: {  	s7 =	sor.u32 $0x14070, s6;
	v1 =	vld [tilespmem:s6+$0x4060]  }
0x446: {  	[tilespmem:s7+$0x0] =	vst.add.f32.msk $0xffff, v0  }
0x447: {  	s14 =	sor.u32 $0x14000, s6;
	v0 =	vld [tilespmem:s6+$0x4050]  }
0x448: {  	s20 =	sor.u32 $0x14010, s6;
	[tilespmem:s14+$0x0] =	vst.add.f32.msk $0xffff, v4  }
0x449: {  	s10 =	sor.u32 $0x14030, s6;
	s9 =	sor.u32 $0x14040, s6;
	s11 =	sor.u32 $0x14020, s6;
	[tilespmem:s20+$0x0] =	vst.add.f32.msk $0xffff, v5  }
0x44a: {  	s8 =	sor.u32 $0x14060, s6;
	s7 =	sor.u32 $0x14050, s6;
	[tilespmem:s11+$0x0] =	vst.add.f32.msk $0xffff, v6;
	s6 =	simm.s32 $0x0  }
.LBB2_48:
0x44b: {  	s5 =	sadd.s32 $0x80, s5;
	[tilespmem:s10+$0x0] =	vst.add.f32.msk $0xffff, v2;
	s4 =	sadd.s32 $0x400, s4  }
0x44c: {  	s6 =	sadd.s32 $0x10, s6;
	s10 =	sand.u32 $0x2000, s5;
	s11 =	sand.u32 $0x1C00, s4;
	[tilespmem:s9+$0x0] =	vst.add.f32.msk $0xffff, v3  }
0x44d: {  	p0 =	slt.u32 s5, $0x3F80;
	s9 =	sor.u32 s10, s11;
	s10 =	sand.u32 $0x380, s6;
	[tilespmem:s7+$0x0] =	vst.add.f32.msk $0xffff, v0  }
0x44e: {  	s11 =	sor.u32 s10, s9;
	[tilespmem:s8+$0x0] =	vst.add.f32.msk $0xffff, v1  }
0x44f: {  	s12 =	sor.u32 $0x14000, s11;
	s13 =	sor.u32 $0x14010, s11;
	s14 =	sor.u32 $0x14020, s11;
	v0 =	vld [tilespmem:s11+$0x4070]  }
0x450: {  	s10 =	sor.u32 $0x14030, s11;
	s9 =	sor.u32 $0x14040, s11;
	s7 =	sor.u32 $0x14050, s11;
	v4 =	vld [tilespmem:s11+$0x4000]  }
0x451: {  	s8 =	sor.u32 $0x14060, s11;
	v5 =	vld [tilespmem:s11+$0x4010]  }
0x452: {  	v6 =	vld [tilespmem:s11+$0x4020]  }
0x453: {  	s20 =	sor.u32 $0x14070, s11;
	v2 =	vld [tilespmem:s11+$0x4030]  }
0x454: {  	[tilespmem:s20+$0x0] =	vst.add.f32.msk $0xffff, v0  }
0x455: {  	v3 =	vld [tilespmem:s11+$0x4040]  }
.Ltmp23:
0x456: {  	v0 =	vld [tilespmem:s11+$0x4050];
	(pc) =	sbr.rel @p0 .LBB2_48-.Ltmp23, $4  }
0x457: {  	v1 =	vld [tilespmem:s11+$0x4060]  }
0x458: {  	[tilespmem:s12+$0x0] =	vst.add.f32.msk $0xffff, v4  }
0x459: {  	[tilespmem:s13+$0x0] =	vst.add.f32.msk $0xffff, v5  }
0x45a: {  	[tilespmem:s14+$0x0] =	vst.add.f32.msk $0xffff, v6  }
0x45b: {  	[tilespmem:s10+$0x0] =	vst.add.f32.msk $0xffff, v2  }
0x45c: {  	[tilespmem:s9+$0x0] =	vst.add.f32.msk $0xffff, v3  }
0x45d: {  	[tilespmem:s7+$0x0] =	vst.add.f32.msk $0xffff, v0  }
0x45e: {  	[tilespmem:s8+$0x0] =	vst.add.f32.msk $0xffff, v1  }
0x45f: {  	s5 =	sld [smem:$0x7E7];
	_ =	sdelay $0x1  }
0x460: {  	s4 =	simm.s32 $0x0  }
0x461: {  	[hbm4b:s5+s4] =	stream.linear.scatter [tilespmem:s18], [sflag:$0xB], $0x4000, $0x38;
	[tilespmem:$0x1C000] =	vst v63  }
0x462: {  	_ =	swait.ge [sflag:s29], $0x4000  }
0x463: {  	s9 =	sld [smem:$0x7F1]  }
0x464: {  	[sflag:s29] =	ssyncset.done $0x0  }
0x465: {  	[sflag:s29] =	ssyncadd.s32 $0xFFFFC000  }
0x466: {  	[tilespmem:s17], [sflag:$0x5] =	stream.linear.gather [hbm4b:s9+s4], $0x4000, $0x38;
	[tilespmem:$0x1C000] =	vst v63  }
0x467: {  	_ =	swait.ge [sflag:s19], $0x4000  }
0x468: {  	s10 =	sld [smem:$0x7EA]  }
0x469: {  	[sflag:s19] =	ssyncset.done $0x0  }
0x46a: {  	s6 =	simm.s32 $0x4000;
	s5 =	simm.s32 $0x0;
	[sflag:s19] =	ssyncadd.s32 $0xFFFFC000  }
0x46b: {  	[tilespmem:s6], [sflag:$0x2] =	stream.linear.gather [hbm4b:s10+s4], $0x4000, $0x38;
	[tilespmem:$0x1C000] =	vst v63  }
0x46c: {  	s12 =	sand.u32 $0x1C00, s4;
	s11 =	sand.u32 $0x2000, s5;
	_ =	swait.ge [sflag:s31], $0x4000  }
0x46d: {  	s13 =	sand.u32 $0x380, s4;
	s6 =	sor.u32 s11, s12;
	[sflag:s31] =	ssyncset.done $0x0  }
0x46e: {  	s6 =	sor.u32 s13, s6;
	[sflag:s31] =	ssyncadd.s32 $0xFFFFC000  }
0x46f: {  	v0 =	vld [tilespmem:s6+$0x70]  }
0x470: {  	v4 =	vld [tilespmem:s6+$0x0]  }
0x471: {  	v5 =	vld [tilespmem:s6+$0x10]  }
0x472: {  	v6 =	vld [tilespmem:s6+$0x20]  }
0x473: {  	v2 =	vld [tilespmem:s6+$0x30]  }
0x474: {  	v3 =	vld [tilespmem:s6+$0x40]  }
0x475: {  	s7 =	sor.u32 $0x18070, s6;
	v1 =	vld [tilespmem:s6+$0x60]  }
0x476: {  	[tilespmem:s7+$0x0] =	vst.add.f32.msk $0xffff, v0  }
0x477: {  	s14 =	sor.u32 $0x18000, s6;
	v0 =	vld [tilespmem:s6+$0x50]  }
0x478: {  	s20 =	sor.u32 $0x18010, s6;
	[tilespmem:s14+$0x0] =	vst.add.f32.msk $0xffff, v4  }
0x479: {  	s11 =	sor.u32 $0x18020, s6;
	s10 =	sor.u32 $0x18030, s6;
	s9 =	sor.u32 $0x18040, s6;
	[tilespmem:s20+$0x0] =	vst.add.f32.msk $0xffff, v5  }
0x47a: {  	s8 =	sor.u32 $0x18060, s6;
	s7 =	sor.u32 $0x18050, s6;
	[tilespmem:s11+$0x0] =	vst.add.f32.msk $0xffff, v6;
	s6 =	simm.s32 $0x0  }
.LBB2_50:
0x47b: {  	s5 =	sadd.s32 $0x80, s5;
	[tilespmem:s10+$0x0] =	vst.add.f32.msk $0xffff, v2;
	s4 =	sadd.s32 $0x400, s4  }
0x47c: {  	s6 =	sadd.s32 $0x10, s6;
	s10 =	sand.u32 $0x2000, s5;
	s11 =	sand.u32 $0x1C00, s4;
	[tilespmem:s9+$0x0] =	vst.add.f32.msk $0xffff, v3  }
0x47d: {  	p0 =	slt.u32 s5, $0x3F80;
	s9 =	sor.u32 s10, s11;
	s10 =	sand.u32 $0x380, s6;
	[tilespmem:s7+$0x0] =	vst.add.f32.msk $0xffff, v0  }
0x47e: {  	s11 =	sor.u32 s10, s9;
	[tilespmem:s8+$0x0] =	vst.add.f32.msk $0xffff, v1  }
0x47f: {  	s12 =	sor.u32 $0x18000, s11;
	s13 =	sor.u32 $0x18010, s11;
	s14 =	sor.u32 $0x18020, s11;
	v0 =	vld [tilespmem:s11+$0x70]  }
0x480: {  	s10 =	sor.u32 $0x18030, s11;
	s9 =	sor.u32 $0x18040, s11;
	s7 =	sor.u32 $0x18050, s11;
	v4 =	vld [tilespmem:s11+$0x0]  }
0x481: {  	s8 =	sor.u32 $0x18060, s11;
	v5 =	vld [tilespmem:s11+$0x10]  }
0x482: {  	v6 =	vld [tilespmem:s11+$0x20]  }
0x483: {  	s20 =	sor.u32 $0x18070, s11;
	v2 =	vld [tilespmem:s11+$0x30]  }
0x484: {  	[tilespmem:s20+$0x0] =	vst.add.f32.msk $0xffff, v0  }
0x485: {  	v3 =	vld [tilespmem:s11+$0x40]  }
.Ltmp24:
0x486: {  	v0 =	vld [tilespmem:s11+$0x50];
	(pc) =	sbr.rel @p0 .LBB2_50-.Ltmp24, $4  }
0x487: {  	v1 =	vld [tilespmem:s11+$0x60]  }
0x488: {  	[tilespmem:s12+$0x0] =	vst.add.f32.msk $0xffff, v4  }
0x489: {  	[tilespmem:s13+$0x0] =	vst.add.f32.msk $0xffff, v5  }
0x48a: {  	[tilespmem:s14+$0x0] =	vst.add.f32.msk $0xffff, v6  }
0x48b: {  	[tilespmem:s10+$0x0] =	vst.add.f32.msk $0xffff, v2  }
0x48c: {  	[tilespmem:s9+$0x0] =	vst.add.f32.msk $0xffff, v3  }
0x48d: {  	[tilespmem:s7+$0x0] =	vst.add.f32.msk $0xffff, v0  }
0x48e: {  	[tilespmem:s8+$0x0] =	vst.add.f32.msk $0xffff, v1  }
0x48f: {  	s5 =	sld [smem:$0x7EC];
	_ =	sdelay $0x1  }
0x490: {  	s4 =	simm.s32 $0x0  }
0x491: {  	[hbm4b:s5+s4] =	stream.linear.scatter [tilespmem:s22], [sflag:$0xC], $0x4000, $0x38;
	[tilespmem:$0x1C000] =	vst v63  }
0x492: {  	_ =	swait.ge [sflag:s0], $0x4000  }
0x493: {  	s11 =	sld [smem:$0x7F5]  }
0x494: {  	[sflag:s0] =	ssyncset.done $0x0  }
0x495: {  	s5 =	simm.s32 $0x0;
	[sflag:s0] =	ssyncadd.s32 $0xFFFFC000  }
0x496: {  	[tilespmem:s18], [sflag:$0x6] =	stream.linear.gather [hbm4b:s11+s4], $0x4000, $0x38;
	[tilespmem:$0x1C000] =	vst v63  }
0x497: {  	s12 =	sand.u32 $0x1C00, s4;
	s6 =	sand.u32 $0x2000, s5;
	_ =	swait.ge [sflag:s21], $0x4000  }
0x498: {  	s13 =	sand.u32 $0x380, s4;
	s6 =	sor.u32 s6, s12;
	[sflag:s21] =	ssyncset.done $0x0  }
0x499: {  	s6 =	sor.u32 s13, s6;
	[sflag:s21] =	ssyncadd.s32 $0xFFFFC000  }
0x49a: {  	v0 =	vld [tilespmem:s6+$0x70]  }
0x49b: {  	v4 =	vld [tilespmem:s6+$0x0]  }
0x49c: {  	v5 =	vld [tilespmem:s6+$0x10]  }
0x49d: {  	v6 =	vld [tilespmem:s6+$0x20]  }
0x49e: {  	v2 =	vld [tilespmem:s6+$0x30]  }
0x49f: {  	v3 =	vld [tilespmem:s6+$0x40]  }
0x4a0: {  	s7 =	sor.u32 $0x8070, s6;
	v1 =	vld [tilespmem:s6+$0x60]  }
0x4a1: {  	[tilespmem:s7+$0x0] =	vst.add.f32.msk $0xffff, v0  }
0x4a2: {  	s14 =	sor.u32 $0x8000, s6;
	v0 =	vld [tilespmem:s6+$0x50]  }
0x4a3: {  	s20 =	sor.u32 $0x8010, s6;
	[tilespmem:s14+$0x0] =	vst.add.f32.msk $0xffff, v4  }
0x4a4: {  	s10 =	sor.u32 $0x8030, s6;
	s9 =	sor.u32 $0x8040, s6;
	s11 =	sor.u32 $0x8020, s6;
	[tilespmem:s20+$0x0] =	vst.add.f32.msk $0xffff, v5  }
0x4a5: {  	s8 =	sor.u32 $0x8060, s6;
	s7 =	sor.u32 $0x8050, s6;
	[tilespmem:s11+$0x0] =	vst.add.f32.msk $0xffff, v6;
	s6 =	simm.s32 $0x0  }
.LBB2_52:
0x4a6: {  	s5 =	sadd.s32 $0x80, s5;
	[tilespmem:s10+$0x0] =	vst.add.f32.msk $0xffff, v2;
	s4 =	sadd.s32 $0x400, s4  }
0x4a7: {  	s6 =	sadd.s32 $0x10, s6;
	s10 =	sand.u32 $0x2000, s5;
	s11 =	sand.u32 $0x1C00, s4;
	[tilespmem:s9+$0x0] =	vst.add.f32.msk $0xffff, v3  }
0x4a8: {  	p0 =	slt.u32 s5, $0x3F80;
	s9 =	sor.u32 s10, s11;
	s10 =	sand.u32 $0x380, s6;
	[tilespmem:s7+$0x0] =	vst.add.f32.msk $0xffff, v0  }
0x4a9: {  	s11 =	sor.u32 s10, s9;
	[tilespmem:s8+$0x0] =	vst.add.f32.msk $0xffff, v1  }
0x4aa: {  	s12 =	sor.u32 $0x8000, s11;
	s13 =	sor.u32 $0x8010, s11;
	s14 =	sor.u32 $0x8020, s11;
	v0 =	vld [tilespmem:s11+$0x70]  }
0x4ab: {  	s10 =	sor.u32 $0x8030, s11;
	s9 =	sor.u32 $0x8040, s11;
	s7 =	sor.u32 $0x8050, s11;
	v4 =	vld [tilespmem:s11+$0x0]  }
0x4ac: {  	s8 =	sor.u32 $0x8060, s11;
	v5 =	vld [tilespmem:s11+$0x10]  }
0x4ad: {  	v6 =	vld [tilespmem:s11+$0x20]  }
0x4ae: {  	s20 =	sor.u32 $0x8070, s11;
	v2 =	vld [tilespmem:s11+$0x30]  }
0x4af: {  	[tilespmem:s20+$0x0] =	vst.add.f32.msk $0xffff, v0  }
0x4b0: {  	v3 =	vld [tilespmem:s11+$0x40]  }
.Ltmp25:
0x4b1: {  	v0 =	vld [tilespmem:s11+$0x50];
	(pc) =	sbr.rel @p0 .LBB2_52-.Ltmp25, $4  }
0x4b2: {  	v1 =	vld [tilespmem:s11+$0x60]  }
0x4b3: {  	[tilespmem:s12+$0x0] =	vst.add.f32.msk $0xffff, v4  }
0x4b4: {  	[tilespmem:s13+$0x0] =	vst.add.f32.msk $0xffff, v5  }
0x4b5: {  	[tilespmem:s14+$0x0] =	vst.add.f32.msk $0xffff, v6  }
0x4b6: {  	[tilespmem:s10+$0x0] =	vst.add.f32.msk $0xffff, v2  }
0x4b7: {  	[tilespmem:s9+$0x0] =	vst.add.f32.msk $0xffff, v3  }
0x4b8: {  	[tilespmem:s7+$0x0] =	vst.add.f32.msk $0xffff, v0  }
0x4b9: {  	[tilespmem:s8+$0x0] =	vst.add.f32.msk $0xffff, v1  }
0x4ba: {  	s5 =	sld [smem:$0x7EE];
	_ =	sdelay $0x1  }
0x4bb: {  	s4 =	simm.s32 $0x0  }
0x4bc: {  	[hbm4b:s5+s4] =	stream.linear.scatter [tilespmem:s15], [sflag:$0x8], $0x4000, $0x38;
	[tilespmem:$0x1C000] =	vst v63  }
0x4bd: {  	_ =	swait.ge [sflag:s2], $0x4000  }
0x4be: {  	s11 =	sld [smem:$0x7F6]  }
0x4bf: {  	[sflag:s2] =	ssyncset.done $0x0  }
0x4c0: {  	s5 =	simm.s32 $0x0;
	[sflag:s2] =	ssyncadd.s32 $0xFFFFC000  }
0x4c1: {  	[tilespmem:s22], [sflag:$0x7] =	stream.linear.gather [hbm4b:s11+s4], $0x4000, $0x38;
	[tilespmem:$0x1C000] =	vst v63  }
0x4c2: {  	s12 =	sand.u32 $0x1C00, s4;
	s6 =	sand.u32 $0x2000, s5;
	_ =	swait.ge [sflag:s23], $0x4000  }
0x4c3: {  	s13 =	sand.u32 $0x380, s4;
	s6 =	sor.u32 s6, s12;
	[sflag:s23] =	ssyncset.done $0x0  }
0x4c4: {  	s6 =	sor.u32 s13, s6;
	[sflag:s23] =	ssyncadd.s32 $0xFFFFC000  }
0x4c5: {  	v0 =	vld [tilespmem:s6+$0x70]  }
0x4c6: {  	v4 =	vld [tilespmem:s6+$0x0]  }
0x4c7: {  	v5 =	vld [tilespmem:s6+$0x10]  }
0x4c8: {  	v6 =	vld [tilespmem:s6+$0x20]  }
0x4c9: {  	v2 =	vld [tilespmem:s6+$0x30]  }
0x4ca: {  	v3 =	vld [tilespmem:s6+$0x40]  }
0x4cb: {  	s7 =	sor.u32 $0xC070, s6;
	v1 =	vld [tilespmem:s6+$0x60]  }
0x4cc: {  	[tilespmem:s7+$0x0] =	vst.add.f32.msk $0xffff, v0  }
0x4cd: {  	s14 =	sor.u32 $0xC000, s6;
	v0 =	vld [tilespmem:s6+$0x50]  }
0x4ce: {  	s20 =	sor.u32 $0xC010, s6;
	[tilespmem:s14+$0x0] =	vst.add.f32.msk $0xffff, v4  }
0x4cf: {  	s10 =	sor.u32 $0xC030, s6;
	s9 =	sor.u32 $0xC040, s6;
	s11 =	sor.u32 $0xC020, s6;
	[tilespmem:s20+$0x0] =	vst.add.f32.msk $0xffff, v5  }
0x4d0: {  	s8 =	sor.u32 $0xC060, s6;
	s7 =	sor.u32 $0xC050, s6;
	[tilespmem:s11+$0x0] =	vst.add.f32.msk $0xffff, v6;
	s6 =	simm.s32 $0x0  }
.LBB2_54:
0x4d1: {  	s5 =	sadd.s32 $0x80, s5;
	[tilespmem:s10+$0x0] =	vst.add.f32.msk $0xffff, v2;
	s4 =	sadd.s32 $0x400, s4  }
0x4d2: {  	s6 =	sadd.s32 $0x10, s6;
	s10 =	sand.u32 $0x2000, s5;
	s11 =	sand.u32 $0x1C00, s4;
	[tilespmem:s9+$0x0] =	vst.add.f32.msk $0xffff, v3  }
0x4d3: {  	p0 =	slt.u32 s5, $0x3F80;
	s9 =	sor.u32 s10, s11;
	s10 =	sand.u32 $0x380, s6;
	[tilespmem:s7+$0x0] =	vst.add.f32.msk $0xffff, v0  }
0x4d4: {  	s11 =	sor.u32 s10, s9;
	[tilespmem:s8+$0x0] =	vst.add.f32.msk $0xffff, v1  }
0x4d5: {  	s12 =	sor.u32 $0xC000, s11;
	s13 =	sor.u32 $0xC010, s11;
	s14 =	sor.u32 $0xC020, s11;
	v0 =	vld [tilespmem:s11+$0x70]  }
0x4d6: {  	s10 =	sor.u32 $0xC030, s11;
	s9 =	sor.u32 $0xC040, s11;
	s7 =	sor.u32 $0xC050, s11;
	v4 =	vld [tilespmem:s11+$0x0]  }
0x4d7: {  	s8 =	sor.u32 $0xC060, s11;
	v5 =	vld [tilespmem:s11+$0x10]  }
0x4d8: {  	v6 =	vld [tilespmem:s11+$0x20]  }
0x4d9: {  	s20 =	sor.u32 $0xC070, s11;
	v2 =	vld [tilespmem:s11+$0x30]  }
0x4da: {  	[tilespmem:s20+$0x0] =	vst.add.f32.msk $0xffff, v0  }
0x4db: {  	v3 =	vld [tilespmem:s11+$0x40]  }
.Ltmp26:
0x4dc: {  	v0 =	vld [tilespmem:s11+$0x50];
	(pc) =	sbr.rel @p0 .LBB2_54-.Ltmp26, $4  }
0x4dd: {  	v1 =	vld [tilespmem:s11+$0x60]  }
0x4de: {  	[tilespmem:s12+$0x0] =	vst.add.f32.msk $0xffff, v4  }
0x4df: {  	[tilespmem:s13+$0x0] =	vst.add.f32.msk $0xffff, v5  }
0x4e0: {  	[tilespmem:s14+$0x0] =	vst.add.f32.msk $0xffff, v6  }
0x4e1: {  	[tilespmem:s10+$0x0] =	vst.add.f32.msk $0xffff, v2  }
0x4e2: {  	[tilespmem:s9+$0x0] =	vst.add.f32.msk $0xffff, v3  }
0x4e3: {  	[tilespmem:s7+$0x0] =	vst.add.f32.msk $0xffff, v0  }
0x4e4: {  	[tilespmem:s8+$0x0] =	vst.add.f32.msk $0xffff, v1  }
0x4e5: {  	s5 =	sld [smem:$0x7F0];
	_ =	sdelay $0x1  }
0x4e6: {  	s4 =	simm.s32 $0x0  }
0x4e7: {  	[hbm4b:s5+s4] =	stream.linear.scatter [tilespmem:s16], [sflag:$0x9], $0x4000, $0x38;
	[tilespmem:$0x1C000] =	vst v63  }
0x4e8: {  	_ =	swait.ge [sflag:s24], $0x4000  }
0x4e9: {  	s11 =	sld [smem:$0x7F7]  }
0x4ea: {  	[sflag:s24] =	ssyncset.done $0x0  }
0x4eb: {  	s5 =	simm.s32 $0x0;
	[sflag:s24] =	ssyncadd.s32 $0xFFFFC000  }
0x4ec: {  	[tilespmem:s15], [sflag:$0x3] =	stream.linear.gather [hbm4b:s11+s4], $0x4000, $0x38;
	[tilespmem:$0x1C000] =	vst v63  }
0x4ed: {  	s12 =	sand.u32 $0x1C00, s4;
	s6 =	sand.u32 $0x2000, s5;
	_ =	swait.ge [sflag:s25], $0x4000  }
0x4ee: {  	s13 =	sand.u32 $0x380, s4;
	s6 =	sor.u32 s6, s12;
	[sflag:s25] =	ssyncset.done $0x0  }
0x4ef: {  	s6 =	sor.u32 s13, s6;
	[sflag:s25] =	ssyncadd.s32 $0xFFFFC000  }
0x4f0: {  	v0 =	vld [tilespmem:s6+$0x70]  }
0x4f1: {  	v4 =	vld [tilespmem:s6+$0x0]  }
0x4f2: {  	v5 =	vld [tilespmem:s6+$0x10]  }
0x4f3: {  	v6 =	vld [tilespmem:s6+$0x20]  }
0x4f4: {  	v2 =	vld [tilespmem:s6+$0x30]  }
0x4f5: {  	v3 =	vld [tilespmem:s6+$0x40]  }
0x4f6: {  	s7 =	sor.u32 $0x10070, s6;
	v1 =	vld [tilespmem:s6+$0x60]  }
0x4f7: {  	[tilespmem:s7+$0x0] =	vst.add.f32.msk $0xffff, v0  }
0x4f8: {  	s14 =	sor.u32 $0x10000, s6;
	v0 =	vld [tilespmem:s6+$0x50]  }
0x4f9: {  	s20 =	sor.u32 $0x10010, s6;
	[tilespmem:s14+$0x0] =	vst.add.f32.msk $0xffff, v4  }
0x4fa: {  	s10 =	sor.u32 $0x10030, s6;
	s9 =	sor.u32 $0x10040, s6;
	s11 =	sor.u32 $0x10020, s6;
	[tilespmem:s20+$0x0] =	vst.add.f32.msk $0xffff, v5  }
0x4fb: {  	s8 =	sor.u32 $0x10060, s6;
	s7 =	sor.u32 $0x10050, s6;
	[tilespmem:s11+$0x0] =	vst.add.f32.msk $0xffff, v6;
	s6 =	simm.s32 $0x0  }
.LBB2_56:
0x4fc: {  	s5 =	sadd.s32 $0x80, s5;
	[tilespmem:s10+$0x0] =	vst.add.f32.msk $0xffff, v2;
	s4 =	sadd.s32 $0x400, s4  }
0x4fd: {  	s6 =	sadd.s32 $0x10, s6;
	s10 =	sand.u32 $0x2000, s5;
	s11 =	sand.u32 $0x1C00, s4;
	[tilespmem:s9+$0x0] =	vst.add.f32.msk $0xffff, v3  }
0x4fe: {  	p0 =	slt.u32 s5, $0x3F80;
	s9 =	sor.u32 s10, s11;
	s10 =	sand.u32 $0x380, s6;
	[tilespmem:s7+$0x0] =	vst.add.f32.msk $0xffff, v0  }
0x4ff: {  	s11 =	sor.u32 s10, s9;
	[tilespmem:s8+$0x0] =	vst.add.f32.msk $0xffff, v1  }
0x500: {  	s12 =	sor.u32 $0x10000, s11;
	s13 =	sor.u32 $0x10010, s11;
	s14 =	sor.u32 $0x10020, s11;
	v0 =	vld [tilespmem:s11+$0x70]  }
0x501: {  	s10 =	sor.u32 $0x10030, s11;
	s9 =	sor.u32 $0x10040, s11;
	s7 =	sor.u32 $0x10050, s11;
	v4 =	vld [tilespmem:s11+$0x0]  }
0x502: {  	s8 =	sor.u32 $0x10060, s11;
	v5 =	vld [tilespmem:s11+$0x10]  }
0x503: {  	v6 =	vld [tilespmem:s11+$0x20]  }
0x504: {  	s20 =	sor.u32 $0x10070, s11;
	v2 =	vld [tilespmem:s11+$0x30]  }
0x505: {  	[tilespmem:s20+$0x0] =	vst.add.f32.msk $0xffff, v0  }
0x506: {  	v3 =	vld [tilespmem:s11+$0x40]  }
.Ltmp27:
0x507: {  	v0 =	vld [tilespmem:s11+$0x50];
	(pc) =	sbr.rel @p0 .LBB2_56-.Ltmp27, $4  }
0x508: {  	v1 =	vld [tilespmem:s11+$0x60]  }
0x509: {  	[tilespmem:s12+$0x0] =	vst.add.f32.msk $0xffff, v4  }
0x50a: {  	[tilespmem:s13+$0x0] =	vst.add.f32.msk $0xffff, v5  }
0x50b: {  	[tilespmem:s14+$0x0] =	vst.add.f32.msk $0xffff, v6  }
0x50c: {  	[tilespmem:s10+$0x0] =	vst.add.f32.msk $0xffff, v2  }
0x50d: {  	[tilespmem:s9+$0x0] =	vst.add.f32.msk $0xffff, v3  }
0x50e: {  	[tilespmem:s7+$0x0] =	vst.add.f32.msk $0xffff, v0  }
0x50f: {  	[tilespmem:s8+$0x0] =	vst.add.f32.msk $0xffff, v1  }
0x510: {  	s5 =	sld [smem:$0x7F2];
	_ =	sdelay $0x1  }
0x511: {  	s4 =	simm.s32 $0x0  }
0x512: {  	[hbm4b:s5+s4] =	stream.linear.scatter [tilespmem:s17], [sflag:$0xA], $0x4000, $0x38;
	[tilespmem:$0x1C000] =	vst v63  }
0x513: {  	_ =	swait.ge [sflag:s26], $0x4000  }
0x514: {  	s11 =	sld [smem:$0x7F8]  }
0x515: {  	[sflag:s26] =	ssyncset.done $0x0  }
0x516: {  	[sflag:s26] =	ssyncadd.s32 $0xFFFFC000  }
0x517: {  	[tilespmem:s16], [sflag:$0x4] =	stream.linear.gather [hbm4b:s11+s4], $0x4000, $0x38;
	[tilespmem:$0x1C000] =	vst v63  }
0x518: {  	_ =	swait.ge [sflag:s30], $0x4000  }
0x519: {  	[sflag:s30] =	ssyncset.done $0x0  }
0x51a: {  	s5 =	simm.s32 $0x0;
	[sflag:s30] =	ssyncadd.s32 $0xFFFFC000  }
0x51b: {  	s12 =	sand.u32 $0x1C00, s4;
	s6 =	sand.u32 $0x2000, s5;
	_ =	swait.ge [sflag:s28], $0x4000  }
0x51c: {  	s13 =	sand.u32 $0x380, s4;
	s6 =	sor.u32 s6, s12;
	[sflag:s28] =	ssyncset.done $0x0  }
0x51d: {  	s6 =	sor.u32 s13, s6;
	[sflag:s28] =	ssyncadd.s32 $0xFFFFC000  }
0x51e: {  	v0 =	vld [tilespmem:s6+$0x4070]  }
0x51f: {  	v4 =	vld [tilespmem:s6+$0x4000]  }
0x520: {  	v5 =	vld [tilespmem:s6+$0x4010]  }
0x521: {  	v6 =	vld [tilespmem:s6+$0x4020]  }
0x522: {  	v2 =	vld [tilespmem:s6+$0x4030]  }
0x523: {  	v3 =	vld [tilespmem:s6+$0x4040]  }
0x524: {  	s7 =	sor.u32 $0x14070, s6;
	v1 =	vld [tilespmem:s6+$0x4060]  }
0x525: {  	[tilespmem:s7+$0x0] =	vst.add.f32.msk $0xffff, v0  }
0x526: {  	s14 =	sor.u32 $0x14000, s6;
	v0 =	vld [tilespmem:s6+$0x4050]  }
0x527: {  	s20 =	sor.u32 $0x14010, s6;
	[tilespmem:s14+$0x0] =	vst.add.f32.msk $0xffff, v4  }
0x528: {  	s10 =	sor.u32 $0x14030, s6;
	s9 =	sor.u32 $0x14040, s6;
	s11 =	sor.u32 $0x14020, s6;
	[tilespmem:s20+$0x0] =	vst.add.f32.msk $0xffff, v5  }
0x529: {  	s8 =	sor.u32 $0x14060, s6;
	s7 =	sor.u32 $0x14050, s6;
	[tilespmem:s11+$0x0] =	vst.add.f32.msk $0xffff, v6;
	s6 =	simm.s32 $0x0  }
.LBB2_58:
0x52a: {  	s5 =	sadd.s32 $0x80, s5;
	[tilespmem:s10+$0x0] =	vst.add.f32.msk $0xffff, v2;
	s4 =	sadd.s32 $0x400, s4  }
0x52b: {  	s6 =	sadd.s32 $0x10, s6;
	s10 =	sand.u32 $0x2000, s5;
	s11 =	sand.u32 $0x1C00, s4;
	[tilespmem:s9+$0x0] =	vst.add.f32.msk $0xffff, v3  }
0x52c: {  	p0 =	slt.u32 s5, $0x3F80;
	s9 =	sor.u32 s10, s11;
	s10 =	sand.u32 $0x380, s6;
	[tilespmem:s7+$0x0] =	vst.add.f32.msk $0xffff, v0  }
0x52d: {  	s11 =	sor.u32 s10, s9;
	[tilespmem:s8+$0x0] =	vst.add.f32.msk $0xffff, v1  }
0x52e: {  	s12 =	sor.u32 $0x14000, s11;
	s13 =	sor.u32 $0x14010, s11;
	s14 =	sor.u32 $0x14020, s11;
	v0 =	vld [tilespmem:s11+$0x4070]  }
0x52f: {  	s10 =	sor.u32 $0x14030, s11;
	s9 =	sor.u32 $0x14040, s11;
	s7 =	sor.u32 $0x14050, s11;
	v4 =	vld [tilespmem:s11+$0x4000]  }
0x530: {  	s8 =	sor.u32 $0x14060, s11;
	v5 =	vld [tilespmem:s11+$0x4010]  }
0x531: {  	v6 =	vld [tilespmem:s11+$0x4020]  }
0x532: {  	s20 =	sor.u32 $0x14070, s11;
	v2 =	vld [tilespmem:s11+$0x4030]  }
0x533: {  	[tilespmem:s20+$0x0] =	vst.add.f32.msk $0xffff, v0  }
0x534: {  	v3 =	vld [tilespmem:s11+$0x4040]  }
.Ltmp28:
0x535: {  	v0 =	vld [tilespmem:s11+$0x4050];
	(pc) =	sbr.rel @p0 .LBB2_58-.Ltmp28, $4  }
0x536: {  	v1 =	vld [tilespmem:s11+$0x4060]  }
0x537: {  	[tilespmem:s12+$0x0] =	vst.add.f32.msk $0xffff, v4  }
0x538: {  	[tilespmem:s13+$0x0] =	vst.add.f32.msk $0xffff, v5  }
0x539: {  	[tilespmem:s14+$0x0] =	vst.add.f32.msk $0xffff, v6  }
0x53a: {  	[tilespmem:s10+$0x0] =	vst.add.f32.msk $0xffff, v2  }
0x53b: {  	[tilespmem:s9+$0x0] =	vst.add.f32.msk $0xffff, v3  }
0x53c: {  	[tilespmem:s7+$0x0] =	vst.add.f32.msk $0xffff, v0  }
0x53d: {  	[tilespmem:s8+$0x0] =	vst.add.f32.msk $0xffff, v1  }
0x53e: {  	s5 =	sld [smem:$0x7F9];
	_ =	sdelay $0x1  }
0x53f: {  	s4 =	simm.s32 $0x0  }
0x540: {  	[hbm4b:s5+s4] =	stream.linear.scatter [tilespmem:s18], [sflag:$0xB], $0x4000, $0x38;
	[tilespmem:$0x1C000] =	vst v63  }
0x541: {  	s5 =	simm.s32 $0x0  }
0x542: {  	s12 =	sand.u32 $0x1C00, s4;
	_ =	swait.ge [sflag:s31], $0x4000;
	s6 =	sand.u32 $0x2000, s5  }
0x543: {  	s13 =	sand.u32 $0x380, s4;
	[sflag:s31] =	ssyncset.done $0x0;
	s6 =	sor.u32 s6, s12  }
0x544: {  	[sflag:s31] =	ssyncadd.s32 $0xFFFFC000;
	s6 =	sor.u32 s13, s6  }
0x545: {  	v0 =	vld [tilespmem:s6+$0x4070]  }
0x546: {  	v4 =	vld [tilespmem:s6+$0x4000]  }
0x547: {  	v5 =	vld [tilespmem:s6+$0x4010]  }
0x548: {  	v6 =	vld [tilespmem:s6+$0x4020]  }
0x549: {  	v2 =	vld [tilespmem:s6+$0x4030]  }
0x54a: {  	v3 =	vld [tilespmem:s6+$0x4040]  }
0x54b: {  	s7 =	sor.u32 $0x18070, s6;
	v1 =	vld [tilespmem:s6+$0x4060]  }
0x54c: {  	[tilespmem:s7+$0x0] =	vst.add.f32.msk $0xffff, v0  }
0x54d: {  	s14 =	sor.u32 $0x18000, s6;
	v0 =	vld [tilespmem:s6+$0x4050]  }
0x54e: {  	s20 =	sor.u32 $0x18010, s6;
	[tilespmem:s14+$0x0] =	vst.add.f32.msk $0xffff, v4  }
0x54f: {  	s11 =	sor.u32 $0x18020, s6;
	s10 =	sor.u32 $0x18030, s6;
	s9 =	sor.u32 $0x18040, s6;
	[tilespmem:s20+$0x0] =	vst.add.f32.msk $0xffff, v5  }
0x550: {  	s8 =	sor.u32 $0x18060, s6;
	s7 =	sor.u32 $0x18050, s6;
	[tilespmem:s11+$0x0] =	vst.add.f32.msk $0xffff, v6;
	s6 =	simm.s32 $0x0  }
.LBB2_60:
0x551: {  	s5 =	sadd.s32 $0x80, s5;
	[tilespmem:s10+$0x0] =	vst.add.f32.msk $0xffff, v2;
	s4 =	sadd.s32 $0x400, s4  }
0x552: {  	s6 =	sadd.s32 $0x10, s6;
	s10 =	sand.u32 $0x2000, s5;
	s11 =	sand.u32 $0x1C00, s4;
	[tilespmem:s9+$0x0] =	vst.add.f32.msk $0xffff, v3  }
0x553: {  	p0 =	slt.u32 s5, $0x3F80;
	s9 =	sor.u32 s10, s11;
	s10 =	sand.u32 $0x380, s6;
	[tilespmem:s7+$0x0] =	vst.add.f32.msk $0xffff, v0  }
0x554: {  	s11 =	sor.u32 s10, s9;
	[tilespmem:s8+$0x0] =	vst.add.f32.msk $0xffff, v1  }
0x555: {  	s12 =	sor.u32 $0x18000, s11;
	s13 =	sor.u32 $0x18010, s11;
	s14 =	sor.u32 $0x18020, s11;
	v0 =	vld [tilespmem:s11+$0x4070]  }
0x556: {  	s10 =	sor.u32 $0x18030, s11;
	s9 =	sor.u32 $0x18040, s11;
	s7 =	sor.u32 $0x18050, s11;
	v4 =	vld [tilespmem:s11+$0x4000]  }
0x557: {  	s8 =	sor.u32 $0x18060, s11;
	v5 =	vld [tilespmem:s11+$0x4010]  }
0x558: {  	v6 =	vld [tilespmem:s11+$0x4020]  }
0x559: {  	s20 =	sor.u32 $0x18070, s11;
	v2 =	vld [tilespmem:s11+$0x4030]  }
0x55a: {  	[tilespmem:s20+$0x0] =	vst.add.f32.msk $0xffff, v0  }
0x55b: {  	v3 =	vld [tilespmem:s11+$0x4040]  }
.Ltmp29:
0x55c: {  	v0 =	vld [tilespmem:s11+$0x4050];
	(pc) =	sbr.rel @p0 .LBB2_60-.Ltmp29, $4  }
0x55d: {  	v1 =	vld [tilespmem:s11+$0x4060]  }
0x55e: {  	[tilespmem:s12+$0x0] =	vst.add.f32.msk $0xffff, v4  }
0x55f: {  	[tilespmem:s13+$0x0] =	vst.add.f32.msk $0xffff, v5  }
0x560: {  	[tilespmem:s14+$0x0] =	vst.add.f32.msk $0xffff, v6  }
0x561: {  	[tilespmem:s10+$0x0] =	vst.add.f32.msk $0xffff, v2  }
0x562: {  	[tilespmem:s9+$0x0] =	vst.add.f32.msk $0xffff, v3  }
0x563: {  	[tilespmem:s7+$0x0] =	vst.add.f32.msk $0xffff, v0  }
0x564: {  	[tilespmem:s8+$0x0] =	vst.add.f32.msk $0xffff, v1  }
0x565: {  	s5 =	sld [smem:$0x7FA];
	_ =	sdelay $0x1  }
0x566: {  	s4 =	simm.s32 $0x0  }
0x567: {  	[hbm4b:s5+s4] =	stream.linear.scatter [tilespmem:s22], [sflag:$0xC], $0x4000, $0x38;
	[tilespmem:$0x1C000] =	vst v63  }
0x568: {  	s5 =	simm.s32 $0x0  }
0x569: {  	s12 =	sand.u32 $0x1C00, s4;
	_ =	swait.ge [sflag:s21], $0x4000;
	s6 =	sand.u32 $0x2000, s5  }
0x56a: {  	s13 =	sand.u32 $0x380, s4;
	[sflag:s21] =	ssyncset.done $0x0;
	s6 =	sor.u32 s6, s12  }
0x56b: {  	[sflag:s21] =	ssyncadd.s32 $0xFFFFC000;
	s6 =	sor.u32 s13, s6  }
0x56c: {  	v0 =	vld [tilespmem:s6+$0x4070]  }
0x56d: {  	v4 =	vld [tilespmem:s6+$0x4000]  }
0x56e: {  	v5 =	vld [tilespmem:s6+$0x4010]  }
0x56f: {  	v6 =	vld [tilespmem:s6+$0x4020]  }
0x570: {  	v2 =	vld [tilespmem:s6+$0x4030]  }
0x571: {  	v3 =	vld [tilespmem:s6+$0x4040]  }
0x572: {  	s7 =	sor.u32 $0x8070, s6;
	v1 =	vld [tilespmem:s6+$0x4060]  }
0x573: {  	[tilespmem:s7+$0x0] =	vst.add.f32.msk $0xffff, v0  }
0x574: {  	s14 =	sor.u32 $0x8000, s6;
	v0 =	vld [tilespmem:s6+$0x4050]  }
0x575: {  	s20 =	sor.u32 $0x8010, s6;
	[tilespmem:s14+$0x0] =	vst.add.f32.msk $0xffff, v4  }
0x576: {  	s11 =	sor.u32 $0x8020, s6;
	s10 =	sor.u32 $0x8030, s6;
	s9 =	sor.u32 $0x8040, s6;
	[tilespmem:s20+$0x0] =	vst.add.f32.msk $0xffff, v5  }
0x577: {  	s8 =	sor.u32 $0x8060, s6;
	s7 =	sor.u32 $0x8050, s6;
	[tilespmem:s11+$0x0] =	vst.add.f32.msk $0xffff, v6;
	s6 =	simm.s32 $0x0  }
.LBB2_62:
0x578: {  	s5 =	sadd.s32 $0x80, s5;
	[tilespmem:s10+$0x0] =	vst.add.f32.msk $0xffff, v2;
	s4 =	sadd.s32 $0x400, s4  }
0x579: {  	s6 =	sadd.s32 $0x10, s6;
	s10 =	sand.u32 $0x2000, s5;
	s11 =	sand.u32 $0x1C00, s4;
	[tilespmem:s9+$0x0] =	vst.add.f32.msk $0xffff, v3  }
0x57a: {  	p0 =	slt.u32 s5, $0x3F80;
	s9 =	sor.u32 s10, s11;
	s10 =	sand.u32 $0x380, s6;
	[tilespmem:s7+$0x0] =	vst.add.f32.msk $0xffff, v0  }
0x57b: {  	s11 =	sor.u32 s10, s9;
	[tilespmem:s8+$0x0] =	vst.add.f32.msk $0xffff, v1  }
0x57c: {  	s12 =	sor.u32 $0x8000, s11;
	s13 =	sor.u32 $0x8010, s11;
	s14 =	sor.u32 $0x8020, s11;
	v0 =	vld [tilespmem:s11+$0x4070]  }
0x57d: {  	s10 =	sor.u32 $0x8030, s11;
	s9 =	sor.u32 $0x8040, s11;
	s7 =	sor.u32 $0x8050, s11;
	v4 =	vld [tilespmem:s11+$0x4000]  }
0x57e: {  	s8 =	sor.u32 $0x8060, s11;
	v5 =	vld [tilespmem:s11+$0x4010]  }
0x57f: {  	v6 =	vld [tilespmem:s11+$0x4020]  }
0x580: {  	s20 =	sor.u32 $0x8070, s11;
	v2 =	vld [tilespmem:s11+$0x4030]  }
0x581: {  	[tilespmem:s20+$0x0] =	vst.add.f32.msk $0xffff, v0  }
0x582: {  	v3 =	vld [tilespmem:s11+$0x4040]  }
.Ltmp30:
0x583: {  	v0 =	vld [tilespmem:s11+$0x4050];
	(pc) =	sbr.rel @p0 .LBB2_62-.Ltmp30, $4  }
0x584: {  	v1 =	vld [tilespmem:s11+$0x4060]  }
0x585: {  	[tilespmem:s12+$0x0] =	vst.add.f32.msk $0xffff, v4  }
0x586: {  	[tilespmem:s13+$0x0] =	vst.add.f32.msk $0xffff, v5  }
0x587: {  	[tilespmem:s14+$0x0] =	vst.add.f32.msk $0xffff, v6  }
0x588: {  	[tilespmem:s10+$0x0] =	vst.add.f32.msk $0xffff, v2  }
0x589: {  	[tilespmem:s9+$0x0] =	vst.add.f32.msk $0xffff, v3  }
0x58a: {  	[tilespmem:s7+$0x0] =	vst.add.f32.msk $0xffff, v0  }
0x58b: {  	[tilespmem:s8+$0x0] =	vst.add.f32.msk $0xffff, v1  }
0x58c: {  	s5 =	sld [smem:$0x7FB];
	_ =	sdelay $0x1  }
0x58d: {  	s4 =	simm.s32 $0x0  }
0x58e: {  	[hbm4b:s5+s4] =	stream.linear.scatter [tilespmem:s15], [sflag:$0x8], $0x4000, $0x38;
	[tilespmem:$0x1C000] =	vst v63  }
0x58f: {  	s5 =	simm.s32 $0x0  }
0x590: {  	s12 =	sand.u32 $0x1C00, s4;
	_ =	swait.ge [sflag:s23], $0x4000;
	s6 =	sand.u32 $0x2000, s5  }
0x591: {  	s13 =	sand.u32 $0x380, s4;
	[sflag:s23] =	ssyncset.done $0x0;
	s6 =	sor.u32 s6, s12  }
0x592: {  	[sflag:s23] =	ssyncadd.s32 $0xFFFFC000;
	s6 =	sor.u32 s13, s6  }
0x593: {  	v0 =	vld [tilespmem:s6+$0x4070]  }
0x594: {  	v4 =	vld [tilespmem:s6+$0x4000]  }
0x595: {  	v5 =	vld [tilespmem:s6+$0x4010]  }
0x596: {  	v6 =	vld [tilespmem:s6+$0x4020]  }
0x597: {  	v2 =	vld [tilespmem:s6+$0x4030]  }
0x598: {  	v3 =	vld [tilespmem:s6+$0x4040]  }
0x599: {  	s7 =	sor.u32 $0xC070, s6;
	v1 =	vld [tilespmem:s6+$0x4060]  }
0x59a: {  	[tilespmem:s7+$0x0] =	vst.add.f32.msk $0xffff, v0  }
0x59b: {  	s14 =	sor.u32 $0xC000, s6;
	v0 =	vld [tilespmem:s6+$0x4050]  }
0x59c: {  	s20 =	sor.u32 $0xC010, s6;
	[tilespmem:s14+$0x0] =	vst.add.f32.msk $0xffff, v4  }
0x59d: {  	s11 =	sor.u32 $0xC020, s6;
	s10 =	sor.u32 $0xC030, s6;
	s9 =	sor.u32 $0xC040, s6;
	[tilespmem:s20+$0x0] =	vst.add.f32.msk $0xffff, v5  }
0x59e: {  	s8 =	sor.u32 $0xC060, s6;
	s7 =	sor.u32 $0xC050, s6;
	[tilespmem:s11+$0x0] =	vst.add.f32.msk $0xffff, v6;
	s6 =	simm.s32 $0x0  }
.LBB2_64:
0x59f: {  	s5 =	sadd.s32 $0x80, s5;
	[tilespmem:s10+$0x0] =	vst.add.f32.msk $0xffff, v2;
	s4 =	sadd.s32 $0x400, s4  }
0x5a0: {  	s6 =	sadd.s32 $0x10, s6;
	s10 =	sand.u32 $0x2000, s5;
	s11 =	sand.u32 $0x1C00, s4;
	[tilespmem:s9+$0x0] =	vst.add.f32.msk $0xffff, v3  }
0x5a1: {  	p0 =	slt.u32 s5, $0x3F80;
	s9 =	sor.u32 s10, s11;
	s10 =	sand.u32 $0x380, s6;
	[tilespmem:s7+$0x0] =	vst.add.f32.msk $0xffff, v0  }
0x5a2: {  	s11 =	sor.u32 s10, s9;
	[tilespmem:s8+$0x0] =	vst.add.f32.msk $0xffff, v1  }
0x5a3: {  	s12 =	sor.u32 $0xC000, s11;
	s13 =	sor.u32 $0xC010, s11;
	s14 =	sor.u32 $0xC020, s11;
	v0 =	vld [tilespmem:s11+$0x4070]  }
0x5a4: {  	s10 =	sor.u32 $0xC030, s11;
	s9 =	sor.u32 $0xC040, s11;
	s7 =	sor.u32 $0xC050, s11;
	v4 =	vld [tilespmem:s11+$0x4000]  }
0x5a5: {  	s8 =	sor.u32 $0xC060, s11;
	v5 =	vld [tilespmem:s11+$0x4010]  }
0x5a6: {  	v6 =	vld [tilespmem:s11+$0x4020]  }
0x5a7: {  	s20 =	sor.u32 $0xC070, s11;
	v2 =	vld [tilespmem:s11+$0x4030]  }
0x5a8: {  	[tilespmem:s20+$0x0] =	vst.add.f32.msk $0xffff, v0  }
0x5a9: {  	v3 =	vld [tilespmem:s11+$0x4040]  }
.Ltmp31:
0x5aa: {  	v0 =	vld [tilespmem:s11+$0x4050];
	(pc) =	sbr.rel @p0 .LBB2_64-.Ltmp31, $4  }
0x5ab: {  	v1 =	vld [tilespmem:s11+$0x4060]  }
0x5ac: {  	[tilespmem:s12+$0x0] =	vst.add.f32.msk $0xffff, v4  }
0x5ad: {  	[tilespmem:s13+$0x0] =	vst.add.f32.msk $0xffff, v5  }
0x5ae: {  	[tilespmem:s14+$0x0] =	vst.add.f32.msk $0xffff, v6  }
0x5af: {  	[tilespmem:s10+$0x0] =	vst.add.f32.msk $0xffff, v2  }
0x5b0: {  	[tilespmem:s9+$0x0] =	vst.add.f32.msk $0xffff, v3  }
0x5b1: {  	[tilespmem:s7+$0x0] =	vst.add.f32.msk $0xffff, v0  }
0x5b2: {  	[tilespmem:s8+$0x0] =	vst.add.f32.msk $0xffff, v1  }
0x5b3: {  	s4 =	sld [smem:$0x7FC];
	_ =	sdelay $0x2  }
0x5b4: {  	[hbm4b:s4+s1] =	stream.linear.scatter [tilespmem:s16], [sflag:$0x9], $0x4000, $0x38;
	[tilespmem:$0x1C000] =	vst v63  }
0x5b5: {  	_ =	swait.ge [sflag:s24], $0x4000  }
0x5b6: {  	[sflag:s24] =	ssyncset.done $0x0  }
0x5b7: {  	[sflag:s24] =	ssyncadd.s32 $0xFFFFC000  }
0x5b8: {  	_ =	swait.ge [sflag:s26], $0x4000  }
0x5b9: {  	[sflag:s26] =	ssyncset.done $0x0  }
0x5ba: {  	[sflag:s26] =	ssyncadd.s32 $0xFFFFC000  }
0x5bb: {  	_ =	swait.ge [sflag:s29], $0x4000  }
0x5bc: {  	[sflag:s29] =	ssyncset.done $0x0  }
0x5bd: {  	[sflag:s29] =	ssyncadd.s32 $0xFFFFC000  }
0x5be: {  	_ =	swait.ge [sflag:s0], $0x4000  }
0x5bf: {  	[sflag:s0] =	ssyncset.done $0x0  }
0x5c0: {  	[sflag:s0] =	ssyncadd.s32 $0xFFFFC000  }
0x5c1: {  	_ =	swait.ge [sflag:s2], $0x4000  }
0x5c2: {  	s20 =	sld [smem:$0x7FD];
	_ =	sdelay $0x1  }
0x5c3: {  	s3 =	sadd.s32 $0x1, s3  }
0x5c4: {  	p0 =	sne.s32 s3, s20  }
.Ltmp32:
0x5c5: {  	_ = 	snop;
	(pc) =	sbr.rel @p0 .LBB2_1-.Ltmp32, $3  }
0x5c6: {  	_ =	sdelay $0x1  }
0x5c7: {  	[sflag:s2] =	ssyncset.done $0x0  }
0x5c8: {  	[sflag:s2] =	ssyncadd.s32 $0xFFFFC000  }
0x5c9: {  	_ =	sfence.sel $0x180000  }
0x5ca: {  	[bflag:$0x0] =	sbarrier.arrive $0xFFFF  }
0x5cb: {  	_ =	strace $0x90000047  }
0x5cc: {  	s0 =	stileid.u32;
	[bflag:$0x2] =	sbarrier.arrive $0xFFFF  }
0x5cd: {  	p0 =	sne.s32 s0, $0x0;
	s0 =	rddreg [dreg:$0x3]  }
0x5ce: {  	s0 =	sadd.s32 @!p0 $0x100000, s0  }
0x5cf: {  	[sflag:s0] =	ssyncadd.tile.s32 @!p0 $0x1;
	_ =	shalt  }
.Lfunc_end2:
_tile_overlayer_lowered:
.L_overlay_start_2:
0x5d0: {  	(tag) =	ssettag $0x2  }
0x5d1: {  	s0 =	rddreg [dreg:$0x0];
	s2 =	stileid.u32  }
0x5d2: {  	s1 =	rddreg [dreg:$0x1];
	p0 =	sne.s32 s2, $0x0  }
0x5d3: {  	s3 =	rddreg [dreg:$0x2];
	[bflag:$0x3] =	sbarrier.arrive $0xFFFF;
	s2 =	simm.s32 @!p0 $0x1C0D  }
0x5d4: {  	[timem:s3], [sflag:s2] =	dma.local @!p0 [hbm:s0], s1  }
0x5d5: {  	s0 =	simm.s32 @!p0 $0xD  }
0x5d6: {  	_ =	swait.ge @!p0 [sflag:s0], s1  }
0x5d7: {  	s1 =	ssub.s32 @!p0 $0x0, s1;
	[sflag:s0] =	ssyncset.done @!p0 $0x0  }
0x5d8: {  	[sflag:s0] =	ssyncadd.s32 @!p0 s1  }
0x5d9: {  	[bflag:$0x3] =	sbarrier.arrive $0xFFFF  }
0x5da: {  	_ =	shalt  }

</sc_bundles>
